<compile_context>
chip_gen: v7x
topology: tpu7x:2x2x1
jax: 0.10.2.dev20260603
libtpu: 0.0.44.dev20260713+nightly
codegen_flags: <defaults>
</compile_context>

<pallas_src>
import functools

import jax
import jax.numpy as jnp
from jax import lax
from jax.experimental import pallas as pl
from jax.experimental.pallas import tpu as pltpu
from jax.experimental.pallas import tpu_sc as plsc

_B, _H, _W = 64, 48, 48
_MAX_GROUP = 1000
_PADG = 1024
_NROW = _H * _W
_NC, _NS = 2, 16
_RPT = _NROW // _NS
_HALF = 32
_ACC = _HALF * _PADG
_PD = 2
_PH = _H + 2 * _PD


def _leaky(x):
    return jnp.where(x >= 0, x, 0.01 * x)


def _mask_body(fact_r, move_r, transfer_r, pickup_r, dig_r, sd_r, rech_r,
               dn_r, um_ref, fm_ref):
    def orall(ref):
        acc = ref[0]
        for k in range(1, ref.shape[0]):
            acc = jnp.bitwise_or(acc, ref[k])
        return acc

    fm_ref[...] = orall(fact_r)
    um = orall(move_r)
    for r in (transfer_r, pickup_r, dig_r, sd_r, rech_r):
        um = jnp.bitwise_or(um, orall(r))
    um_ref[...] = jnp.bitwise_or(um, dn_r[0])


def _tc_masks(fact, move, transfer, pickup, dig, sd, rech, dn):
    def spec(nch):
        return pl.BlockSpec((nch, 8, _W, _B), lambda h: (0, h, 0, 0))

    out_spec = pl.BlockSpec((8, _W, _B), lambda h: (h, 0, 0))
    return pl.pallas_call(
        _mask_body,
        grid=(_H // 8,),
        in_specs=[spec(4), spec(10), spec(50), spec(10), spec(2), spec(2),
                  spec(2), spec(1)],
        out_specs=[out_spec] * 2,
        out_shape=[jax.ShapeDtypeStruct((_H, _W, _B), jnp.uint8)] * 2,
    )(fact, move, transfer, pickup, dig, sd, rech, dn)


def _dense_body(gf, map_r, fac_r, unit_r, loc_r, um_r, fm_r,
                g_W, g_b, f_W, f_b, u_W, u_b, m_W, m_b, ld_W, ld_b, c_W, c_b,
                cvu_o, cvf_o, idsu_o, idsf_o, scr_me, scr_pq, scr_t):
    zrow = jnp.zeros((2, 1, 50, _B), jnp.float32)
    zcol = jnp.zeros((2, 50, 1, _B), jnp.float32)
    for r in (1, 50):
        scr_me[:, pl.ds(r, 1), pl.ds(1, 50), :] = zrow
        scr_t[pl.ds(r, 1), pl.ds(1, 50), :] = zrow[0]
    for cix in (1, 50):
        scr_me[:, pl.ds(1, 50), pl.ds(cix, 1), :] = zcol
        scr_t[pl.ds(1, 50), pl.ds(cix, 1), :] = zcol[0]
    scr_pq[...] = jnp.zeros((2, _PH, _PH, 128), jnp.float32)

    inner = (pl.ds(_PD, _H), pl.ds(_PD, _W))

    for o in range(2):
        acc = None
        for cix in range(6):
            v = map_r[cix] * m_W[o, cix]
            acc = v if acc is None else acc + v
        scr_me[o, inner[0], inner[1], :] = _leaky(acc + m_b[o])

    for o in range(2):
        acc = None
        for dy in (-1, 0, 1):
            for dx in (-1, 0, 1):
                v = scr_me[o, pl.ds(_PD + dy, _H), pl.ds(_PD + dx, _W), :]
                acc = v if acc is None else acc + v
        q = acc * (1.0 / 9.0)
        scr_pq[o, pl.ds(_PD, _H), pl.ds(_PD, _W), pl.ds(0, _B)] = q
        scr_pq[o, pl.ds(_PD - 1, _H), pl.ds(_PD, _W), pl.ds(_B, _B)] = q

    def conv_pair(hp, _):
        h = hp * 2
        z = [None] * 8
        for i in range(2):
            for dy in range(-2, 3):
                for dx in range(-2, 3):
                    s = scr_pq[i, pl.ds(h + _PD + dy, 1),
                               pl.ds(_PD + dx, _W), :]
                    for o in range(8):
                        w = ld_W[o, i * 25 + (dy + 2) * 5 + (dx + 2)]
                        z[o] = s * w if z[o] is None else z[o] + s * w
        t = None
        for o in range(8):
            u = _leaky(z[o] + ld_b[o])
            v = c_W[0, 8 + o] * u
            t = v if t is None else t + v
        scr_t[pl.ds(h + _PD, 1), pl.ds(_PD, _W), :] = t[:, :, :_B]
        scr_t[pl.ds(h + _PD + 1, 1), pl.ds(_PD, _W), :] = t[:, :, _B:]
        return 0

    lax.fori_loop(0, _H // 2, conv_pair, 0)

    acc = None
    for dy in (-1, 0, 1):
        for dx in (-1, 0, 1):
            v = scr_t[pl.ds(_PD + dy, _H), pl.ds(_PD + dx, _W), :]
            acc = v if acc is None else acc + v
    crit = acc * (1.0 / 9.0)

    g0 = gf[0:1, :]
    g1 = gf[1:2, :]
    sg = c_b[0]
    for o in range(2):
        ge = _leaky(g_W[o, 0] * g0 + g_W[o, 1] * g1 + g_b[o])
        sg = sg + c_W[0, o] * ge
    crit = crit + sg.reshape(1, 1, _B)

    for (ref, wm, bm, nch, base) in ((fac_r, f_W, f_b, 6, 2),
                                     (unit_r, u_W, u_b, 4, 4)):
        for o in range(2):
            acc = None
            for cix in range(nch):
                v = ref[cix] * wm[o, cix]
                acc = v if acc is None else acc + v
            crit = crit + c_W[0, base + o] * _leaky(acc + bm[o])
    for o in range(2):
        crit = crit + c_W[0, 6 + o] * scr_me[o, inner[0], inner[1], :]

    cvu = jnp.where(um_r[...] != 0, crit, 0.0)
    cvf = jnp.where(fm_r[...] != 0, crit, 0.0)
    bl = lax.broadcasted_iota(jnp.int32, (_H, _W, _B), 2)
    boff = (bl % _HALF) * _PADG
    binu = boff + loc_r[1].astype(jnp.int32)
    binf = boff + loc_r[0].astype(jnp.int32)
    zf = jnp.zeros((_H, _W, 128 - _B), jnp.float32)
    zi = jnp.zeros((_H, _W, 128 - _B), jnp.int32)
    cvu_o[...] = jnp.concatenate([cvu, zf], axis=2)
    cvf_o[...] = jnp.concatenate([cvf, zf], axis=2)
    idsu_o[...] = jnp.concatenate([binu, zi], axis=2)
    idsf_o[...] = jnp.concatenate([binf, zi], axis=2)


def _tc_dense(gf, map_f, fac_f, unit_f, loc_f, um, fm,
              g_W, g_b, f_W, f_b, u_W, u_b, m_W, m_b, ld_Wr, ld_b, c_W, c_b):
    vmem = pl.BlockSpec(memory_space=pltpu.VMEM)
    smem = pl.BlockSpec(memory_space=pltpu.SMEM)
    return pl.pallas_call(
        _dense_body,
        in_specs=[vmem] * 7 + [smem] * 12,
        out_specs=[vmem] * 4,
        out_shape=[jax.ShapeDtypeStruct((_H, _W, 128), jnp.float32)] * 2
        + [jax.ShapeDtypeStruct((_H, _W, 128), jnp.int32)] * 2,
        scratch_shapes=[pltpu.VMEM((2, _PH, _PH, _B), jnp.float32),
                        pltpu.VMEM((2, _PH, _PH, 128), jnp.float32),
                        pltpu.VMEM((_PH, _PH, _B), jnp.float32)],
    )(gf, map_f, fac_f, unit_f, loc_f, um, fm,
      g_W, g_b, f_W, f_b, u_W, u_b, m_W, m_b, ld_Wr, ld_b, c_W, c_b)


def _sc_scatter(ids_u, ids_f, cv_u, cv_f):
    mesh = plsc.VectorSubcoreMesh(core_axis_name="c", subcore_axis_name="s")

    @functools.partial(
        pl.kernel,
        out_type=jax.ShapeDtypeStruct((_B * _PADG,), jnp.float32),
        mesh=mesh,
        scratch_types=[
            pltpu.VMEM((_RPT, 128), jnp.int32),
            pltpu.VMEM((_RPT, 128), jnp.float32),
            pltpu.VMEM((_RPT, 128), jnp.int32),
            pltpu.VMEM((_RPT, 128), jnp.float32),
            pltpu.VMEM((2048,), jnp.float32),
            pltpu.VMEM_SHARED((_ACC,), jnp.float32),
            pltpu.SemaphoreType.DMA,
            pltpu.SemaphoreType.DMA,
        ],
        compiler_params=pltpu.CompilerParams(needs_layout_passes=False),
    )
    def run(idsu_hbm, idsf_hbm, cvu_hbm, cvf_hbm, out_hbm,
            fidsu, fcvu, fidsf, fcvf, zbuf, acc_sh, sem, sem2):
        c = lax.axis_index("c")
        s = lax.axis_index("s")

        rows = pl.ds(s * _RPT, _RPT)
        st = [pltpu.async_copy(idsu_hbm.at[rows], fidsu, sem2),
              pltpu.async_copy(cvu_hbm.at[rows], fcvu, sem2),
              pltpu.async_copy(idsf_hbm.at[rows], fidsf, sem2),
              pltpu.async_copy(cvf_hbm.at[rows], fcvf, sem2)]

        zeros16 = jnp.zeros((16,), jnp.float32)

        def zb(i, _):
            zbuf[pl.ds(pl.multiple_of(i * 16, 16), 16)] = zeros16
            return 0

        lax.fori_loop(0, 2048 // 16, zb, 0)
        pltpu.sync_copy(zbuf, acc_sh.at[pl.ds(s * 2048, 2048)])
        for d in st:
            d.wait()

        plsc.subcore_barrier()

        lane0 = pl.multiple_of(c * _HALF, _HALF)
        lanes = pl.ds(lane0, _HALF)

        def scatter_rows(fids, fcv):
            def chunk(i, _):
                base = pl.multiple_of(i * 8, 8)
                ds_ = [pltpu.async_copy(fcv.at[base + jj, lanes],
                                        acc_sh.at[fids.at[base + jj, lanes]],
                                        sem, add=True)
                       for jj in range(8)]
                for d in ds_:
                    d.wait()
                return 0

            lax.fori_loop(0, _RPT // 8, chunk, 0)

        scatter_rows(fidsu, fcvu)
        scatter_rows(fidsf, fcvf)

        plsc.subcore_barrier()

        pltpu.sync_copy(acc_sh.at[pl.ds(s * 2048, 2048)],
                        out_hbm.at[pl.ds(c * _ACC + s * 2048, 2048)])

    return run(ids_u, ids_f, cv_u, cv_f)


def _bm(x):
    perm = tuple(range(1, x.ndim)) + (0,)
    return x.transpose(perm)


def kernel(global_feature, map_feature, factory_feature, unit_feature,
           location_feature, va_factory_act, va_move, va_transfer, va_pickup,
           va_dig, va_self_destruct, va_recharge, va_do_nothing,
           g_W, g_b, f_W, f_b, u_W, u_b, m_W, m_b, ld_W, ld_b, c_W, c_b):
    Bn = global_feature.shape[0]

    def u8(x):
        return _bm(x.astype(jnp.uint8)).reshape(-1, _H, _W, Bn)

    um, fm = _tc_masks(u8(va_factory_act), u8(va_move), u8(va_transfer),
                       u8(va_pickup), u8(va_dig), u8(va_self_destruct),
                       u8(va_recharge), u8(va_do_nothing[:, None]))
    cv_u, cv_f, ids_u, ids_f = _tc_dense(
        global_feature.transpose(1, 0), _bm(map_feature),
        _bm(factory_feature), _bm(unit_feature), _bm(location_feature),
        um, fm,
        g_W, g_b, f_W, f_b, u_W, u_b, m_W, m_b,
        ld_W.reshape(8, 50), ld_b, c_W, c_b)
    out = _sc_scatter(ids_u.reshape(_NROW, 128), ids_f.reshape(_NROW, 128),
                      cv_u.reshape(_NROW, 128), cv_f.reshape(_NROW, 128))
    return out.reshape(Bn, _PADG)[:, :_MAX_GROUP]

# --- scband reference (transcript-rebuilt; emitter-appended) ---
"""Pipeline reference for scband-simple-net-77240691851596 (READ-ONLY COPY).

The authoritative reference and input builder live on the scoring server;
editing this copy changes nothing except your own understanding.
"""

import jax, jax.numpy as jnp
import numpy as np

B, H, W = 64, 48, 48
MAX_GROUP = 1000


def _leaky(x):
    return jnp.where(x >= 0, x, 0.01 * x)


def _conv1x1(x, Wm, b):
    return jnp.einsum('bchw,oc->bohw', x, Wm) + b[None, :, None, None]


def _avg_pool3(x):
    s = jax.lax.reduce_window(x, 0.0, jax.lax.add, (1, 1, 3, 3), (1, 1, 1, 1), [(0, 0), (0, 0), (1, 1), (1, 1)])
    return s / 9.0


def _conv5_same(x, Wm, b):
    y = jax.lax.conv_general_dilated(x, Wm, (1, 1), 'SAME', dimension_numbers=('NCHW', 'OIHW', 'NCHW'))
    return y + b[None, :, None, None]


def setup_inputs(seed: int = 0):
    key = jax.random.key(seed)
    ks = jax.random.split(key, 30)
    inp = {}
    inp['global_feature'] = jax.random.normal(ks[0], (B, 2), dtype=jnp.float32)
    inp['map_feature'] = jax.random.normal(ks[1], (B, 6, H, W), dtype=jnp.float32)
    inp['factory_feature'] = jax.random.normal(ks[2], (B, 6, H, W), dtype=jnp.float32)
    inp['unit_feature'] = jax.random.normal(ks[3], (B, 4, H, W), dtype=jnp.float32)
    inp['location_feature'] = jax.random.randint(ks[4], (B, 2, H, W), 0, MAX_GROUP).astype(jnp.float32)
    inp['va_factory_act'] = jax.random.bernoulli(ks[5], 0.02, (B, 4, H, W))
    inp['va_move'] = jax.random.bernoulli(ks[6], 0.05, (B, 5, 2, H, W))
    inp['va_transfer'] = jax.random.bernoulli(ks[7], 0.02, (B, 5, 5, 2, H, W))
    inp['va_pickup'] = jax.random.bernoulli(ks[8], 0.02, (B, 5, 2, H, W))
    inp['va_dig'] = jax.random.bernoulli(ks[9], 0.05, (B, 2, H, W))
    inp['va_self_destruct'] = jax.random.bernoulli(ks[10], 0.02, (B, 2, H, W))
    inp['va_recharge'] = jax.random.bernoulli(ks[11], 0.02, (B, 2, H, W))
    inp['va_do_nothing'] = jax.random.bernoulli(ks[12], 0.1, (B, H, W))
    s = 0.1
    inp['g_W'] = jax.random.normal(ks[13], (2, 2), dtype=jnp.float32) * s
    inp['g_b'] = jnp.zeros((2,), dtype=jnp.float32)
    inp['f_W'] = jax.random.normal(ks[14], (2, 6), dtype=jnp.float32) * s
    inp['f_b'] = jnp.zeros((2,), dtype=jnp.float32)
    inp['u_W'] = jax.random.normal(ks[15], (2, 4), dtype=jnp.float32) * s
    inp['u_b'] = jnp.zeros((2,), dtype=jnp.float32)
    inp['m_W'] = jax.random.normal(ks[16], (2, 6), dtype=jnp.float32) * s
    inp['m_b'] = jnp.zeros((2,), dtype=jnp.float32)
    inp['ld_W'] = jax.random.normal(ks[17], (8, 2, 5, 5), dtype=jnp.float32) * s
    inp['ld_b'] = jnp.zeros((8,), dtype=jnp.float32)
    inp['c_W'] = jax.random.normal(ks[18], (1, 16), dtype=jnp.float32) * s
    inp['c_b'] = jnp.zeros((1,), dtype=jnp.float32)
    return inp


def reference(global_feature, map_feature, factory_feature, unit_feature, location_feature, va_factory_act, va_move, va_transfer, va_pickup, va_dig, va_self_destruct, va_recharge, va_do_nothing, g_W, g_b, f_W, f_b, u_W, u_b, m_W, m_b, ld_W, ld_b, c_W, c_b):
    Bn = global_feature.shape[0]
    gf = jnp.broadcast_to(global_feature[:, :, None, None], (Bn, global_feature.shape[1], H, W))
    ge = _leaky(_conv1x1(gf, g_W, g_b))
    fe = _leaky(_conv1x1(factory_feature, f_W, f_b))
    ue = _leaky(_conv1x1(unit_feature, u_W, u_b))
    me = _leaky(_conv1x1(map_feature, m_W, m_b))
    ld = _avg_pool3(_leaky(_conv5_same(_avg_pool3(me), ld_W, ld_b)))
    combined = jnp.concatenate([ge, fe, ue, me, ld], axis=1)
    uatv = jnp.stack([
        va_move.reshape(Bn, -1, H, W).any(axis=1),
        va_transfer.reshape(Bn, -1, H, W).any(axis=1),
        va_pickup.reshape(Bn, -1, H, W).any(axis=1),
        va_dig.any(axis=1),
        va_self_destruct.any(axis=1),
        va_recharge.any(axis=1),
        va_do_nothing], axis=1)
    factory_mask = va_factory_act.any(axis=1)
    unit_mask = uatv.any(axis=1)
    factory_ids = location_feature[:, 0].astype(jnp.int32)
    unit_ids = location_feature[:, 1].astype(jnp.int32)
    b_idx = jnp.broadcast_to(jnp.arange(Bn, dtype=jnp.int32)[:, None, None], (Bn, H, W))
    unit_indices = b_idx * MAX_GROUP + unit_ids
    factory_indices = b_idx * MAX_GROUP + factory_ids
    crit_map = _conv1x1(combined, c_W, c_b)[:, 0]
    cv_unit = jnp.where(unit_mask, crit_map, 0.0)
    cv_fac = jnp.where(factory_mask, crit_map, 0.0)
    critic = jnp.zeros((Bn * MAX_GROUP,), dtype=jnp.float32)
    critic = critic.at[unit_indices.reshape(-1)].add(cv_unit.reshape(-1))
    critic = critic.at[factory_indices.reshape(-1)].add(cv_fac.reshape(-1))
    return critic.reshape(Bn, MAX_GROUP)

if __name__ == "__main__":
    import jax
    _d = setup_inputs()
    print(jax.jit(kernel)(*tuple(_d.values())))

</pallas_src>

<mosaic_0001>
#map = affine_map<(d0, d1) -> (0, 0)>
#map1 = affine_map<(d0, d1) -> (0)>
module attributes {stable_mosaic.version = 14 : i64} {
  func.func @run(%arg0: i32, %arg1: i32, %arg2: memref<2304x128xi32, #tpu.memory_space<hbm>>, %arg3: memref<2304x128xi32, #tpu.memory_space<hbm>>, %arg4: memref<2304x128xf32, #tpu.memory_space<hbm>>, %arg5: memref<2304x128xf32, #tpu.memory_space<hbm>>, %arg6: memref<65536xf32, #tpu.memory_space<hbm>>, %arg7: memref<144x128xi32, #tpu.memory_space<vmem>>, %arg8: memref<144x128xf32, #tpu.memory_space<vmem>>, %arg9: memref<144x128xi32, #tpu.memory_space<vmem>>, %arg10: memref<144x128xf32, #tpu.memory_space<vmem>>, %arg11: memref<2048xf32, #tpu.memory_space<vmem>>, %arg12: memref<32768xf32, #tpu.memory_space<vmem_shared>>, %arg13: memref<!tpu.dma_semaphore, #tpu.memory_space<semaphore_mem>>, %arg14: memref<!tpu.dma_semaphore, #tpu.memory_space<semaphore_mem>>) attributes {dimension_semantics = [#tpu.dimension_semantics<core_parallel>, #tpu.dimension_semantics<subcore_parallel>], iteration_bounds = array<i64: 2, 16>, scalar_prefetch = 0 : i64, scratch_operands = 8 : i64, tpu.core_type = #tpu.core_type<sc_vector_subcore>, window_params = [{transform_indices = #map}, {transform_indices = #map}, {transform_indices = #map}, {transform_indices = #map}, {transform_indices = #map1}]} {
    %mul3A = arith.constant 144 : i32
    %mul3A_0 = arith.muli %arg1, %mul3A : i32
    %dma_start3A = arith.constant 0 : i32
    %dma_start3A_1 = tpu.memref_slice %arg2[%mul3A_0, %dma_start3A] : memref<2304x128xi32, #tpu.memory_space<hbm>> -> memref<144x128xi32, #tpu.memory_space<hbm>>
    %dma_start3A_2 = arith.constant 0 : i32
    %dma_start3A_3 = tpu.memref_slice %arg2[%mul3A_0, %dma_start3A_2] : memref<2304x128xi32, #tpu.memory_space<hbm>> -> memref<144x128xi32, #tpu.memory_space<hbm>>
    tpu.enqueue_dma source(%dma_start3A_3 : memref<144x128xi32, #tpu.memory_space<hbm>>) target(%arg7 : memref<144x128xi32, #tpu.memory_space<vmem>>) target_semaphore(%arg14 : memref<!tpu.dma_semaphore, #tpu.memory_space<semaphore_mem>>)
    %dma_start3A_4 = arith.constant 0 : i32
    %dma_start3A_5 = tpu.memref_slice %arg4[%mul3A_0, %dma_start3A_4] : memref<2304x128xf32, #tpu.memory_space<hbm>> -> memref<144x128xf32, #tpu.memory_space<hbm>>
    %dma_start3A_6 = arith.constant 0 : i32
    %dma_start3A_7 = tpu.memref_slice %arg4[%mul3A_0, %dma_start3A_6] : memref<2304x128xf32, #tpu.memory_space<hbm>> -> memref<144x128xf32, #tpu.memory_space<hbm>>
    tpu.enqueue_dma source(%dma_start3A_7 : memref<144x128xf32, #tpu.memory_space<hbm>>) target(%arg8 : memref<144x128xf32, #tpu.memory_space<vmem>>) target_semaphore(%arg14 : memref<!tpu.dma_semaphore, #tpu.memory_space<semaphore_mem>>)
    %dma_start3A_8 = arith.constant 0 : i32
    %dma_start3A_9 = tpu.memref_slice %arg3[%mul3A_0, %dma_start3A_8] : memref<2304x128xi32, #tpu.memory_space<hbm>> -> memref<144x128xi32, #tpu.memory_space<hbm>>
    %dma_start3A_10 = arith.constant 0 : i32
    %dma_start3A_11 = tpu.memref_slice %arg3[%mul3A_0, %dma_start3A_10] : memref<2304x128xi32, #tpu.memory_space<hbm>> -> memref<144x128xi32, #tpu.memory_space<hbm>>
    tpu.enqueue_dma source(%dma_start3A_11 : memref<144x128xi32, #tpu.memory_space<hbm>>) target(%arg9 : memref<144x128xi32, #tpu.memory_space<vmem>>) target_semaphore(%arg14 : memref<!tpu.dma_semaphore, #tpu.memory_space<semaphore_mem>>)
    %dma_start3A_12 = arith.constant 0 : i32
    %dma_start3A_13 = tpu.memref_slice %arg5[%mul3A_0, %dma_start3A_12] : memref<2304x128xf32, #tpu.memory_space<hbm>> -> memref<144x128xf32, #tpu.memory_space<hbm>>
    %dma_start3A_14 = arith.constant 0 : i32
    %dma_start3A_15 = tpu.memref_slice %arg5[%mul3A_0, %dma_start3A_14] : memref<2304x128xf32, #tpu.memory_space<hbm>> -> memref<144x128xf32, #tpu.memory_space<hbm>>
    tpu.enqueue_dma source(%dma_start3A_15 : memref<144x128xf32, #tpu.memory_space<hbm>>) target(%arg10 : memref<144x128xf32, #tpu.memory_space<vmem>>) target_semaphore(%arg14 : memref<!tpu.dma_semaphore, #tpu.memory_space<semaphore_mem>>)
    %broadcast_in_dim3A = arith.constant 0.000000e+00 : f32
    %broadcast_in_dim3A_16 = vector.broadcast %broadcast_in_dim3A : f32 to vector<16xf32>
    %scan3A = arith.constant 0 : i32
    %scan3A_17 = arith.constant 0 : i32
    %scan3A_18 = arith.constant 128 : i32
    %scan3A_19 = arith.addi %scan3A_17, %scan3A_18 : i32
    %scan3A_20 = arith.constant 1 : i32
    %scan3A_21 = scf.for %scan3A_63 = %scan3A_17 to %scan3A_19 step %scan3A_20 iter_args(%scan3A_64 = %scan3A) -> (i32)  : i32 {
      %mul3A_65 = arith.constant 16 : i32
      %mul3A_66 = arith.muli %scan3A_63, %mul3A_65 : i32
      %multiple_of3A_67 = tpu.assume_multiple %mul3A_66, 16 : i32
      %swap3A = arith.index_cast %multiple_of3A_67 : i32 to index
      %swap3A_68 = tpu.vector_load %arg11[%swap3A] {strides = array<i32>} : memref<2048xf32, #tpu.memory_space<vmem>>, vector<16xf32>,
      tpu.vector_store %arg11[%swap3A], %broadcast_in_dim3A_16 {strides = array<i32>} : memref<2048xf32, #tpu.memory_space<vmem>>, vector<16xf32>,
      %scan3A_69 = arith.constant 0 : i32
      scf.yield %scan3A_69 : i32
    }
    %scan3A_22 = arith.constant 128 : i32
    %mul3A_23 = arith.constant 2048 : i32
    %mul3A_24 = arith.muli %arg1, %mul3A_23 : i32
    "tpu.region"() ({
      %run_scoped3A = tpu.sem_alloc : memref<!tpu.dma_semaphore, #tpu.memory_space<semaphore_mem>>
      %dma_start3A_63 = tpu.memref_slice %arg12[%mul3A_24] : memref<32768xf32, #tpu.memory_space<vmem_shared>> -> memref<2048xf32, #tpu.memory_space<vmem_shared>>
      %dma_start3A_64 = tpu.memref_slice %arg12[%mul3A_24] : memref<32768xf32, #tpu.memory_space<vmem_shared>> -> memref<2048xf32, #tpu.memory_space<vmem_shared>>
      tpu.enqueue_dma source(%arg11 : memref<2048xf32, #tpu.memory_space<vmem>>) target(%dma_start3A_64 : memref<2048xf32, #tpu.memory_space<vmem_shared>>) target_semaphore(%run_scoped3A : memref<!tpu.dma_semaphore, #tpu.memory_space<semaphore_mem>>)
      %dma_wait3A_65 = tpu.memref_slice %arg12[%mul3A_24] : memref<32768xf32, #tpu.memory_space<vmem_shared>> -> memref<2048xf32, #tpu.memory_space<vmem_shared>>
      %dma_wait3A_66 = tpu.memref_slice %arg12[%mul3A_24] : memref<32768xf32, #tpu.memory_space<vmem_shared>> -> memref<2048xf32, #tpu.memory_space<vmem_shared>>
      tpu.wait_dma2 semaphore(%run_scoped3A : memref<!tpu.dma_semaphore, #tpu.memory_space<semaphore_mem>>) src(%arg11 : memref<2048xf32, #tpu.memory_space<vmem>>) dst(%dma_wait3A_66 : memref<2048xf32, #tpu.memory_space<vmem_shared>>)
      tpu.yield
    }) : () -> ()
    %dma_wait3A = arith.constant 0 : i32
    %dma_wait3A_25 = tpu.memref_slice %arg2[%mul3A_0, %dma_wait3A] : memref<2304x128xi32, #tpu.memory_space<hbm>> -> memref<144x128xi32, #tpu.memory_space<hbm>>
    %dma_wait3A_26 = arith.constant 0 : i32
    %dma_wait3A_27 = tpu.memref_slice %arg2[%mul3A_0, %dma_wait3A_26] : memref<2304x128xi32, #tpu.memory_space<hbm>> -> memref<144x128xi32, #tpu.memory_space<hbm>>
    tpu.wait_dma2 semaphore(%arg14 : memref<!tpu.dma_semaphore, #tpu.memory_space<semaphore_mem>>) src(%dma_wait3A_27 : memref<144x128xi32, #tpu.memory_space<hbm>>) dst(%arg7 : memref<144x128xi32, #tpu.memory_space<vmem>>)
    %dma_wait3A_28 = arith.constant 0 : i32
    %dma_wait3A_29 = tpu.memref_slice %arg4[%mul3A_0, %dma_wait3A_28] : memref<2304x128xf32, #tpu.memory_space<hbm>> -> memref<144x128xf32, #tpu.memory_space<hbm>>
    %dma_wait3A_30 = arith.constant 0 : i32
    %dma_wait3A_31 = tpu.memref_slice %arg4[%mul3A_0, %dma_wait3A_30] : memref<2304x128xf32, #tpu.memory_space<hbm>> -> memref<144x128xf32, #tpu.memory_space<hbm>>
    tpu.wait_dma2 semaphore(%arg14 : memref<!tpu.dma_semaphore, #tpu.memory_space<semaphore_mem>>) src(%dma_wait3A_31 : memref<144x128xf32, #tpu.memory_space<hbm>>) dst(%arg8 : memref<144x128xf32, #tpu.memory_space<vmem>>)
    %dma_wait3A_32 = arith.constant 0 : i32
    %dma_wait3A_33 = tpu.memref_slice %arg3[%mul3A_0, %dma_wait3A_32] : memref<2304x128xi32, #tpu.memory_space<hbm>> -> memref<144x128xi32, #tpu.memory_space<hbm>>
    %dma_wait3A_34 = arith.constant 0 : i32
    %dma_wait3A_35 = tpu.memref_slice %arg3[%mul3A_0, %dma_wait3A_34] : memref<2304x128xi32, #tpu.memory_space<hbm>> -> memref<144x128xi32, #tpu.memory_space<hbm>>
    tpu.wait_dma2 semaphore(%arg14 : memref<!tpu.dma_semaphore, #tpu.memory_space<semaphore_mem>>) src(%dma_wait3A_35 : memref<144x128xi32, #tpu.memory_space<hbm>>) dst(%arg9 : memref<144x128xi32, #tpu.memory_space<vmem>>)
    %dma_wait3A_36 = arith.constant 0 : i32
    %dma_wait3A_37 = tpu.memref_slice %arg5[%mul3A_0, %dma_wait3A_36] : memref<2304x128xf32, #tpu.memory_space<hbm>> -> memref<144x128xf32, #tpu.memory_space<hbm>>
    %dma_wait3A_38 = arith.constant 0 : i32
    %dma_wait3A_39 = tpu.memref_slice %arg5[%mul3A_0, %dma_wait3A_38] : memref<2304x128xf32, #tpu.memory_space<hbm>> -> memref<144x128xf32, #tpu.memory_space<hbm>>
    tpu.wait_dma2 semaphore(%arg14 : memref<!tpu.dma_semaphore, #tpu.memory_space<semaphore_mem>>) src(%dma_wait3A_39 : memref<144x128xf32, #tpu.memory_space<hbm>>) dst(%arg10 : memref<144x128xf32, #tpu.memory_space<vmem>>)
    %barrier3A = arith.constant 0 : index
    tpu.barrier barrier_id(%barrier3A)
    %mul3A_40 = arith.constant 32 : i32
    %mul3A_41 = arith.muli %arg0, %mul3A_40 : i32
    %multiple_of3A = tpu.assume_multiple %mul3A_41, 32 : i32
    %scan3A_42 = arith.constant 0 : i32
    %scan3A_43 = arith.constant 0 : i32
    %scan3A_44 = arith.constant 18 : i32
    %scan3A_45 = arith.addi %scan3A_43, %scan3A_44 : i32
    %scan3A_46 = arith.constant 1 : i32
    %scan3A_47 = scf.for %scan3A_63 = %scan3A_43 to %scan3A_45 step %scan3A_46 iter_args(%scan3A_64 = %scan3A_42) -> (i32)  : i32 {
      %mul3A_65 = arith.constant 8 : i32
      %mul3A_66 = arith.muli %scan3A_63, %mul3A_65 : i32
      %multiple_of3A_67 = tpu.assume_multiple %mul3A_66, 8 : i32
      %add3A_68 = arith.constant 0 : i32
      %add3A_69 = arith.addi %multiple_of3A_67, %add3A_68 : i32
      %add3A_70 = arith.constant 0 : i32
      %add3A_71 = arith.addi %multiple_of3A_67, %add3A_70 : i32
      %dma_start3A_72 = tpu.memref_slice %arg8[%add3A_69, %multiple_of3A] : memref<144x128xf32, #tpu.memory_space<vmem>> -> memref<1x32xf32, #tpu.memory_space<vmem>>
      %dma_start3A_73 = tpu.memref_squeeze %dma_start3A_72 : memref<1x32xf32, #tpu.memory_space<vmem>> -> memref<32xf32, #tpu.memory_space<vmem>>
      %dma_start3A_74 = tpu.memref_slice %arg7[%add3A_71, %multiple_of3A] : memref<144x128xi32, #tpu.memory_space<vmem>> -> memref<1x32xi32, #tpu.memory_space<vmem>>
      %dma_start3A_75 = tpu.memref_squeeze %dma_start3A_74 : memref<1x32xi32, #tpu.memory_space<vmem>> -> memref<32xi32, #tpu.memory_space<vmem>>
      %dma_start3A_76 = arith.constant 0 : i32
      %dma_start3A_77 = tpu.memref_slice %arg12[%dma_start3A_76] : memref<32768xf32, #tpu.memory_space<vmem_shared>> -> memref<32768xf32, #tpu.memory_space<vmem_shared>>
      tpu.enqueue_indirect_dma source(%dma_start3A_73 : memref<32xf32, #tpu.memory_space<vmem>>) target(%dma_start3A_77 : memref<32768xf32, #tpu.memory_space<vmem_shared>>) offsets(%dma_start3A_75 : memref<32xi32, #tpu.memory_space<vmem>>) semaphore(%arg13 : memref<!tpu.dma_semaphore, #tpu.memory_space<semaphore_mem>>) {add = true}
      %add3A_78 = arith.constant 1 : i32
      %add3A_79 = arith.addi %multiple_of3A_67, %add3A_78 : i32
      %add3A_80 = arith.constant 1 : i32
      %add3A_81 = arith.addi %multiple_of3A_67, %add3A_80 : i32
      %dma_start3A_82 = tpu.memref_slice %arg8[%add3A_79, %multiple_of3A] : memref<144x128xf32, #tpu.memory_space<vmem>> -> memref<1x32xf32, #tpu.memory_space<vmem>>
      %dma_start3A_83 = tpu.memref_squeeze %dma_start3A_82 : memref<1x32xf32, #tpu.memory_space<vmem>> -> memref<32xf32, #tpu.memory_space<vmem>>
      %dma_start3A_84 = tpu.memref_slice %arg7[%add3A_81, %multiple_of3A] : memref<144x128xi32, #tpu.memory_space<vmem>> -> memref<1x32xi32, #tpu.memory_space<vmem>>
      %dma_start3A_85 = tpu.memref_squeeze %dma_start3A_84 : memref<1x32xi32, #tpu.memory_space<vmem>> -> memref<32xi32, #tpu.memory_space<vmem>>
      %dma_start3A_86 = arith.constant 0 : i32
      %dma_start3A_87 = tpu.memref_slice %arg12[%dma_start3A_86] : memref<32768xf32, #tpu.memory_space<vmem_shared>> -> memref<32768xf32, #tpu.memory_space<vmem_shared>>
      tpu.enqueue_indirect_dma source(%dma_start3A_83 : memref<32xf32, #tpu.memory_space<vmem>>) target(%dma_start3A_87 : memref<32768xf32, #tpu.memory_space<vmem_shared>>) offsets(%dma_start3A_85 : memref<32xi32, #tpu.memory_space<vmem>>) semaphore(%arg13 : memref<!tpu.dma_semaphore, #tpu.memory_space<semaphore_mem>>) {add = true}
      %add3A_88 = arith.constant 2 : i32
      %add3A_89 = arith.addi %multiple_of3A_67, %add3A_88 : i32
      %add3A_90 = arith.constant 2 : i32
      %add3A_91 = arith.addi %multiple_of3A_67, %add3A_90 : i32
      %dma_start3A_92 = tpu.memref_slice %arg8[%add3A_89, %multiple_of3A] : memref<144x128xf32, #tpu.memory_space<vmem>> -> memref<1x32xf32, #tpu.memory_space<vmem>>
      %dma_start3A_93 = tpu.memref_squeeze %dma_start3A_92 : memref<1x32xf32, #tpu.memory_space<vmem>> -> memref<32xf32, #tpu.memory_space<vmem>>
      %dma_start3A_94 = tpu.memref_slice %arg7[%add3A_91, %multiple_of3A] : memref<144x128xi32, #tpu.memory_space<vmem>> -> memref<1x32xi32, #tpu.memory_space<vmem>>
      %dma_start3A_95 = tpu.memref_squeeze %dma_start3A_94 : memref<1x32xi32, #tpu.memory_space<vmem>> -> memref<32xi32, #tpu.memory_space<vmem>>
      %dma_start3A_96 = arith.constant 0 : i32
      %dma_start3A_97 = tpu.memref_slice %arg12[%dma_start3A_96] : memref<32768xf32, #tpu.memory_space<vmem_shared>> -> memref<32768xf32, #tpu.memory_space<vmem_shared>>
      tpu.enqueue_indirect_dma source(%dma_start3A_93 : memref<32xf32, #tpu.memory_space<vmem>>) target(%dma_start3A_97 : memref<32768xf32, #tpu.memory_space<vmem_shared>>) offsets(%dma_start3A_95 : memref<32xi32, #tpu.memory_space<vmem>>) semaphore(%arg13 : memref<!tpu.dma_semaphore, #tpu.memory_space<semaphore_mem>>) {add = true}
      %add3A_98 = arith.constant 3 : i32
      %add3A_99 = arith.addi %multiple_of3A_67, %add3A_98 : i32
      %add3A_100 = arith.constant 3 : i32
      %add3A_101 = arith.addi %multiple_of3A_67, %add3A_100 : i32
      %dma_start3A_102 = tpu.memref_slice %arg8[%add3A_99, %multiple_of3A] : memref<144x128xf32, #tpu.memory_space<vmem>> -> memref<1x32xf32, #tpu.memory_space<vmem>>
      %dma_start3A_103 = tpu.memref_squeeze %dma_start3A_102 : memref<1x32xf32, #tpu.memory_space<vmem>> -> memref<32xf32, #tpu.memory_space<vmem>>
      %dma_start3A_104 = tpu.memref_slice %arg7[%add3A_101, %multiple_of3A] : memref<144x128xi32, #tpu.memory_space<vmem>> -> memref<1x32xi32, #tpu.memory_space<vmem>>
      %dma_start3A_105 = tpu.memref_squeeze %dma_start3A_104 : memref<1x32xi32, #tpu.memory_space<vmem>> -> memref<32xi32, #tpu.memory_space<vmem>>
      %dma_start3A_106 = arith.constant 0 : i32
      %dma_start3A_107 = tpu.memref_slice %arg12[%dma_start3A_106] : memref<32768xf32, #tpu.memory_space<vmem_shared>> -> memref<32768xf32, #tpu.memory_space<vmem_shared>>
      tpu.enqueue_indirect_dma source(%dma_start3A_103 : memref<32xf32, #tpu.memory_space<vmem>>) target(%dma_start3A_107 : memref<32768xf32, #tpu.memory_space<vmem_shared>>) offsets(%dma_start3A_105 : memref<32xi32, #tpu.memory_space<vmem>>) semaphore(%arg13 : memref<!tpu.dma_semaphore, #tpu.memory_space<semaphore_mem>>) {add = true}
      %add3A_108 = arith.constant 4 : i32
      %add3A_109 = arith.addi %multiple_of3A_67, %add3A_108 : i32
      %add3A_110 = arith.constant 4 : i32
      %add3A_111 = arith.addi %multiple_of3A_67, %add3A_110 : i32
      %dma_start3A_112 = tpu.memref_slice %arg8[%add3A_109, %multiple_of3A] : memref<144x128xf32, #tpu.memory_space<vmem>> -> memref<1x32xf32, #tpu.memory_space<vmem>>
      %dma_start3A_113 = tpu.memref_squeeze %dma_start3A_112 : memref<1x32xf32, #tpu.memory_space<vmem>> -> memref<32xf32, #tpu.memory_space<vmem>>
      %dma_start3A_114 = tpu.memref_slice %arg7[%add3A_111, %multiple_of3A] : memref<144x128xi32, #tpu.memory_space<vmem>> -> memref<1x32xi32, #tpu.memory_space<vmem>>
      %dma_start3A_115 = tpu.memref_squeeze %dma_start3A_114 : memref<1x32xi32, #tpu.memory_space<vmem>> -> memref<32xi32, #tpu.memory_space<vmem>>
      %dma_start3A_116 = arith.constant 0 : i32
      %dma_start3A_117 = tpu.memref_slice %arg12[%dma_start3A_116] : memref<32768xf32, #tpu.memory_space<vmem_shared>> -> memref<32768xf32, #tpu.memory_space<vmem_shared>>
      tpu.enqueue_indirect_dma source(%dma_start3A_113 : memref<32xf32, #tpu.memory_space<vmem>>) target(%dma_start3A_117 : memref<32768xf32, #tpu.memory_space<vmem_shared>>) offsets(%dma_start3A_115 : memref<32xi32, #tpu.memory_space<vmem>>) semaphore(%arg13 : memref<!tpu.dma_semaphore, #tpu.memory_space<semaphore_mem>>) {add = true}
      %add3A_118 = arith.constant 5 : i32
      %add3A_119 = arith.addi %multiple_of3A_67, %add3A_118 : i32
      %add3A_120 = arith.constant 5 : i32
      %add3A_121 = arith.addi %multiple_of3A_67, %add3A_120 : i32
      %dma_start3A_122 = tpu.memref_slice %arg8[%add3A_119, %multiple_of3A] : memref<144x128xf32, #tpu.memory_space<vmem>> -> memref<1x32xf32, #tpu.memory_space<vmem>>
      %dma_start3A_123 = tpu.memref_squeeze %dma_start3A_122 : memref<1x32xf32, #tpu.memory_space<vmem>> -> memref<32xf32, #tpu.memory_space<vmem>>
      %dma_start3A_124 = tpu.memref_slice %arg7[%add3A_121, %multiple_of3A] : memref<144x128xi32, #tpu.memory_space<vmem>> -> memref<1x32xi32, #tpu.memory_space<vmem>>
      %dma_start3A_125 = tpu.memref_squeeze %dma_start3A_124 : memref<1x32xi32, #tpu.memory_space<vmem>> -> memref<32xi32, #tpu.memory_space<vmem>>
      %dma_start3A_126 = arith.constant 0 : i32
      %dma_start3A_127 = tpu.memref_slice %arg12[%dma_start3A_126] : memref<32768xf32, #tpu.memory_space<vmem_shared>> -> memref<32768xf32, #tpu.memory_space<vmem_shared>>
      tpu.enqueue_indirect_dma source(%dma_start3A_123 : memref<32xf32, #tpu.memory_space<vmem>>) target(%dma_start3A_127 : memref<32768xf32, #tpu.memory_space<vmem_shared>>) offsets(%dma_start3A_125 : memref<32xi32, #tpu.memory_space<vmem>>) semaphore(%arg13 : memref<!tpu.dma_semaphore, #tpu.memory_space<semaphore_mem>>) {add = true}
      %add3A_128 = arith.constant 6 : i32
      %add3A_129 = arith.addi %multiple_of3A_67, %add3A_128 : i32
      %add3A_130 = arith.constant 6 : i32
      %add3A_131 = arith.addi %multiple_of3A_67, %add3A_130 : i32
      %dma_start3A_132 = tpu.memref_slice %arg8[%add3A_129, %multiple_of3A] : memref<144x128xf32, #tpu.memory_space<vmem>> -> memref<1x32xf32, #tpu.memory_space<vmem>>
      %dma_start3A_133 = tpu.memref_squeeze %dma_start3A_132 : memref<1x32xf32, #tpu.memory_space<vmem>> -> memref<32xf32, #tpu.memory_space<vmem>>
      %dma_start3A_134 = tpu.memref_slice %arg7[%add3A_131, %multiple_of3A] : memref<144x128xi32, #tpu.memory_space<vmem>> -> memref<1x32xi32, #tpu.memory_space<vmem>>
      %dma_start3A_135 = tpu.memref_squeeze %dma_start3A_134 : memref<1x32xi32, #tpu.memory_space<vmem>> -> memref<32xi32, #tpu.memory_space<vmem>>
      %dma_start3A_136 = arith.constant 0 : i32
      %dma_start3A_137 = tpu.memref_slice %arg12[%dma_start3A_136] : memref<32768xf32, #tpu.memory_space<vmem_shared>> -> memref<32768xf32, #tpu.memory_space<vmem_shared>>
      tpu.enqueue_indirect_dma source(%dma_start3A_133 : memref<32xf32, #tpu.memory_space<vmem>>) target(%dma_start3A_137 : memref<32768xf32, #tpu.memory_space<vmem_shared>>) offsets(%dma_start3A_135 : memref<32xi32, #tpu.memory_space<vmem>>) semaphore(%arg13 : memref<!tpu.dma_semaphore, #tpu.memory_space<semaphore_mem>>) {add = true}
      %add3A_138 = arith.constant 7 : i32
      %add3A_139 = arith.addi %multiple_of3A_67, %add3A_138 : i32
      %add3A_140 = arith.constant 7 : i32
      %add3A_141 = arith.addi %multiple_of3A_67, %add3A_140 : i32
      %dma_start3A_142 = tpu.memref_slice %arg8[%add3A_139, %multiple_of3A] : memref<144x128xf32, #tpu.memory_space<vmem>> -> memref<1x32xf32, #tpu.memory_space<vmem>>
      %dma_start3A_143 = tpu.memref_squeeze %dma_start3A_142 : memref<1x32xf32, #tpu.memory_space<vmem>> -> memref<32xf32, #tpu.memory_space<vmem>>
      %dma_start3A_144 = tpu.memref_slice %arg7[%add3A_141, %multiple_of3A] : memref<144x128xi32, #tpu.memory_space<vmem>> -> memref<1x32xi32, #tpu.memory_space<vmem>>
      %dma_start3A_145 = tpu.memref_squeeze %dma_start3A_144 : memref<1x32xi32, #tpu.memory_space<vmem>> -> memref<32xi32, #tpu.memory_space<vmem>>
      %dma_start3A_146 = arith.constant 0 : i32
      %dma_start3A_147 = tpu.memref_slice %arg12[%dma_start3A_146] : memref<32768xf32, #tpu.memory_space<vmem_shared>> -> memref<32768xf32, #tpu.memory_space<vmem_shared>>
      tpu.enqueue_indirect_dma source(%dma_start3A_143 : memref<32xf32, #tpu.memory_space<vmem>>) target(%dma_start3A_147 : memref<32768xf32, #tpu.memory_space<vmem_shared>>) offsets(%dma_start3A_145 : memref<32xi32, #tpu.memory_space<vmem>>) semaphore(%arg13 : memref<!tpu.dma_semaphore, #tpu.memory_space<semaphore_mem>>) {add = true}
      %dma_wait3A_148 = tpu.memref_slice %arg8[%add3A_69, %multiple_of3A] : memref<144x128xf32, #tpu.memory_space<vmem>> -> memref<1x32xf32, #tpu.memory_space<vmem>>
      %dma_wait3A_149 = tpu.memref_squeeze %dma_wait3A_148 : memref<1x32xf32, #tpu.memory_space<vmem>> -> memref<32xf32, #tpu.memory_space<vmem>>
      %dma_wait3A_150 = tpu.memref_slice %arg7[%add3A_71, %multiple_of3A] : memref<144x128xi32, #tpu.memory_space<vmem>> -> memref<1x32xi32, #tpu.memory_space<vmem>>
      %dma_wait3A_151 = tpu.memref_squeeze %dma_wait3A_150 : memref<1x32xi32, #tpu.memory_space<vmem>> -> memref<32xi32, #tpu.memory_space<vmem>>
      %dma_wait3A_152 = arith.constant 0 : i32
      %dma_wait3A_153 = tpu.memref_slice %arg12[%dma_wait3A_152] : memref<32768xf32, #tpu.memory_space<vmem_shared>> -> memref<32768xf32, #tpu.memory_space<vmem_shared>>
      tpu.wait_indirect_dma semaphore(%arg13 : memref<!tpu.dma_semaphore, #tpu.memory_space<semaphore_mem>>) src(%dma_wait3A_149 : memref<32xf32, #tpu.memory_space<vmem>>) dst(%dma_wait3A_153 : memref<32768xf32, #tpu.memory_space<vmem_shared>>)
      %dma_wait3A_154 = tpu.memref_slice %arg8[%add3A_79, %multiple_of3A] : memref<144x128xf32, #tpu.memory_space<vmem>> -> memref<1x32xf32, #tpu.memory_space<vmem>>
      %dma_wait3A_155 = tpu.memref_squeeze %dma_wait3A_154 : memref<1x32xf32, #tpu.memory_space<vmem>> -> memref<32xf32, #tpu.memory_space<vmem>>
      %dma_wait3A_156 = tpu.memref_slice %arg7[%add3A_81, %multiple_of3A] : memref<144x128xi32, #tpu.memory_space<vmem>> -> memref<1x32xi32, #tpu.memory_space<vmem>>
      %dma_wait3A_157 = tpu.memref_squeeze %dma_wait3A_156 : memref<1x32xi32, #tpu.memory_space<vmem>> -> memref<32xi32, #tpu.memory_space<vmem>>
      %dma_wait3A_158 = arith.constant 0 : i32
      %dma_wait3A_159 = tpu.memref_slice %arg12[%dma_wait3A_158] : memref<32768xf32, #tpu.memory_space<vmem_shared>> -> memref<32768xf32, #tpu.memory_space<vmem_shared>>
      tpu.wait_indirect_dma semaphore(%arg13 : memref<!tpu.dma_semaphore, #tpu.memory_space<semaphore_mem>>) src(%dma_wait3A_155 : memref<32xf32, #tpu.memory_space<vmem>>) dst(%dma_wait3A_159 : memref<32768xf32, #tpu.memory_space<vmem_shared>>)
      %dma_wait3A_160 = tpu.memref_slice %arg8[%add3A_89, %multiple_of3A] : memref<144x128xf32, #tpu.memory_space<vmem>> -> memref<1x32xf32, #tpu.memory_space<vmem>>
      %dma_wait3A_161 = tpu.memref_squeeze %dma_wait3A_160 : memref<1x32xf32, #tpu.memory_space<vmem>> -> memref<32xf32, #tpu.memory_space<vmem>>
      %dma_wait3A_162 = tpu.memref_slice %arg7[%add3A_91, %multiple_of3A] : memref<144x128xi32, #tpu.memory_space<vmem>> -> memref<1x32xi32, #tpu.memory_space<vmem>>
      %dma_wait3A_163 = tpu.memref_squeeze %dma_wait3A_162 : memref<1x32xi32, #tpu.memory_space<vmem>> -> memref<32xi32, #tpu.memory_space<vmem>>
      %dma_wait3A_164 = arith.constant 0 : i32
      %dma_wait3A_165 = tpu.memref_slice %arg12[%dma_wait3A_164] : memref<32768xf32, #tpu.memory_space<vmem_shared>> -> memref<32768xf32, #tpu.memory_space<vmem_shared>>
      tpu.wait_indirect_dma semaphore(%arg13 : memref<!tpu.dma_semaphore, #tpu.memory_space<semaphore_mem>>) src(%dma_wait3A_161 : memref<32xf32, #tpu.memory_space<vmem>>) dst(%dma_wait3A_165 : memref<32768xf32, #tpu.memory_space<vmem_shared>>)
      %dma_wait3A_166 = tpu.memref_slice %arg8[%add3A_99, %multiple_of3A] : memref<144x128xf32, #tpu.memory_space<vmem>> -> memref<1x32xf32, #tpu.memory_space<vmem>>
      %dma_wait3A_167 = tpu.memref_squeeze %dma_wait3A_166 : memref<1x32xf32, #tpu.memory_space<vmem>> -> memref<32xf32, #tpu.memory_space<vmem>>
      %dma_wait3A_168 = tpu.memref_slice %arg7[%add3A_101, %multiple_of3A] : memref<144x128xi32, #tpu.memory_space<vmem>> -> memref<1x32xi32, #tpu.memory_space<vmem>>
      %dma_wait3A_169 = tpu.memref_squeeze %dma_wait3A_168 : memref<1x32xi32, #tpu.memory_space<vmem>> -> memref<32xi32, #tpu.memory_space<vmem>>
      %dma_wait3A_170 = arith.constant 0 : i32
      %dma_wait3A_171 = tpu.memref_slice %arg12[%dma_wait3A_170] : memref<32768xf32, #tpu.memory_space<vmem_shared>> -> memref<32768xf32, #tpu.memory_space<vmem_shared>>
      tpu.wait_indirect_dma semaphore(%arg13 : memref<!tpu.dma_semaphore, #tpu.memory_space<semaphore_mem>>) src(%dma_wait3A_167 : memref<32xf32, #tpu.memory_space<vmem>>) dst(%dma_wait3A_171 : memref<32768xf32, #tpu.memory_space<vmem_shared>>)
      %dma_wait3A_172 = tpu.memref_slice %arg8[%add3A_109, %multiple_of3A] : memref<144x128xf32, #tpu.memory_space<vmem>> -> memref<1x32xf32, #tpu.memory_space<vmem>>
      %dma_wait3A_173 = tpu.memref_squeeze %dma_wait3A_172 : memref<1x32xf32, #tpu.memory_space<vmem>> -> memref<32xf32, #tpu.memory_space<vmem>>
      %dma_wait3A_174 = tpu.memref_slice %arg7[%add3A_111, %multiple_of3A] : memref<144x128xi32, #tpu.memory_space<vmem>> -> memref<1x32xi32, #tpu.memory_space<vmem>>
      %dma_wait3A_175 = tpu.memref_squeeze %dma_wait3A_174 : memref<1x32xi32, #tpu.memory_space<vmem>> -> memref<32xi32, #tpu.memory_space<vmem>>
      %dma_wait3A_176 = arith.constant 0 : i32
      %dma_wait3A_177 = tpu.memref_slice %arg12[%dma_wait3A_176] : memref<32768xf32, #tpu.memory_space<vmem_shared>> -> memref<32768xf32, #tpu.memory_space<vmem_shared>>
      tpu.wait_indirect_dma semaphore(%arg13 : memref<!tpu.dma_semaphore, #tpu.memory_space<semaphore_mem>>) src(%dma_wait3A_173 : memref<32xf32, #tpu.memory_space<vmem>>) dst(%dma_wait3A_177 : memref<32768xf32, #tpu.memory_space<vmem_shared>>)
      %dma_wait3A_178 = tpu.memref_slice %arg8[%add3A_119, %multiple_of3A] : memref<144x128xf32, #tpu.memory_space<vmem>> -> memref<1x32xf32, #tpu.memory_space<vmem>>
      %dma_wait3A_179 = tpu.memref_squeeze %dma_wait3A_178 : memref<1x32xf32, #tpu.memory_space<vmem>> -> memref<32xf32, #tpu.memory_space<vmem>>
      %dma_wait3A_180 = tpu.memref_slice %arg7[%add3A_121, %multiple_of3A] : memref<144x128xi32, #tpu.memory_space<vmem>> -> memref<1x32xi32, #tpu.memory_space<vmem>>
      %dma_wait3A_181 = tpu.memref_squeeze %dma_wait3A_180 : memref<1x32xi32, #tpu.memory_space<vmem>> -> memref<32xi32, #tpu.memory_space<vmem>>
      %dma_wait3A_182 = arith.constant 0 : i32
      %dma_wait3A_183 = tpu.memref_slice %arg12[%dma_wait3A_182] : memref<32768xf32, #tpu.memory_space<vmem_shared>> -> memref<32768xf32, #tpu.memory_space<vmem_shared>>
      tpu.wait_indirect_dma semaphore(%arg13 : memref<!tpu.dma_semaphore, #tpu.memory_space<semaphore_mem>>) src(%dma_wait3A_179 : memref<32xf32, #tpu.memory_space<vmem>>) dst(%dma_wait3A_183 : memref<32768xf32, #tpu.memory_space<vmem_shared>>)
      %dma_wait3A_184 = tpu.memref_slice %arg8[%add3A_129, %multiple_of3A] : memref<144x128xf32, #tpu.memory_space<vmem>> -> memref<1x32xf32, #tpu.memory_space<vmem>>
      %dma_wait3A_185 = tpu.memref_squeeze %dma_wait3A_184 : memref<1x32xf32, #tpu.memory_space<vmem>> -> memref<32xf32, #tpu.memory_space<vmem>>
      %dma_wait3A_186 = tpu.memref_slice %arg7[%add3A_131, %multiple_of3A] : memref<144x128xi32, #tpu.memory_space<vmem>> -> memref<1x32xi32, #tpu.memory_space<vmem>>
      %dma_wait3A_187 = tpu.memref_squeeze %dma_wait3A_186 : memref<1x32xi32, #tpu.memory_space<vmem>> -> memref<32xi32, #tpu.memory_space<vmem>>
      %dma_wait3A_188 = arith.constant 0 : i32
      %dma_wait3A_189 = tpu.memref_slice %arg12[%dma_wait3A_188] : memref<32768xf32, #tpu.memory_space<vmem_shared>> -> memref<32768xf32, #tpu.memory_space<vmem_shared>>
      tpu.wait_indirect_dma semaphore(%arg13 : memref<!tpu.dma_semaphore, #tpu.memory_space<semaphore_mem>>) src(%dma_wait3A_185 : memref<32xf32, #tpu.memory_space<vmem>>) dst(%dma_wait3A_189 : memref<32768xf32, #tpu.memory_space<vmem_shared>>)
      %dma_wait3A_190 = tpu.memref_slice %arg8[%add3A_139, %multiple_of3A] : memref<144x128xf32, #tpu.memory_space<vmem>> -> memref<1x32xf32, #tpu.memory_space<vmem>>
      %dma_wait3A_191 = tpu.memref_squeeze %dma_wait3A_190 : memref<1x32xf32, #tpu.memory_space<vmem>> -> memref<32xf32, #tpu.memory_space<vmem>>
      %dma_wait3A_192 = tpu.memref_slice %arg7[%add3A_141, %multiple_of3A] : memref<144x128xi32, #tpu.memory_space<vmem>> -> memref<1x32xi32, #tpu.memory_space<vmem>>
      %dma_wait3A_193 = tpu.memref_squeeze %dma_wait3A_192 : memref<1x32xi32, #tpu.memory_space<vmem>> -> memref<32xi32, #tpu.memory_space<vmem>>
      %dma_wait3A_194 = arith.constant 0 : i32
      %dma_wait3A_195 = tpu.memref_slice %arg12[%dma_wait3A_194] : memref<32768xf32, #tpu.memory_space<vmem_shared>> -> memref<32768xf32, #tpu.memory_space<vmem_shared>>
      tpu.wait_indirect_dma semaphore(%arg13 : memref<!tpu.dma_semaphore, #tpu.memory_space<semaphore_mem>>) src(%dma_wait3A_191 : memref<32xf32, #tpu.memory_space<vmem>>) dst(%dma_wait3A_195 : memref<32768xf32, #tpu.memory_space<vmem_shared>>)
      %scan3A_196 = arith.constant 0 : i32
      scf.yield %scan3A_196 : i32
    }
    %scan3A_48 = arith.constant 18 : i32
    %scan3A_49 = arith.constant 0 : i32
    %scan3A_50 = arith.constant 0 : i32
    %scan3A_51 = arith.constant 18 : i32
    %scan3A_52 = arith.addi %scan3A_50, %scan3A_51 : i32
    %scan3A_53 = arith.constant 1 : i32
    %scan3A_54 = scf.for %scan3A_63 = %scan3A_50 to %scan3A_52 step %scan3A_53 iter_args(%scan3A_64 = %scan3A_49) -> (i32)  : i32 {
      %mul3A_65 = arith.constant 8 : i32
      %mul3A_66 = arith.muli %scan3A_63, %mul3A_65 : i32
      %multiple_of3A_67 = tpu.assume_multiple %mul3A_66, 8 : i32
      %add3A_68 = arith.constant 0 : i32
      %add3A_69 = arith.addi %multiple_of3A_67, %add3A_68 : i32
      %add3A_70 = arith.constant 0 : i32
      %add3A_71 = arith.addi %multiple_of3A_67, %add3A_70 : i32
      %dma_start3A_72 = tpu.memref_slice %arg10[%add3A_69, %multiple_of3A] : memref<144x128xf32, #tpu.memory_space<vmem>> -> memref<1x32xf32, #tpu.memory_space<vmem>>
      %dma_start3A_73 = tpu.memref_squeeze %dma_start3A_72 : memref<1x32xf32, #tpu.memory_space<vmem>> -> memref<32xf32, #tpu.memory_space<vmem>>
      %dma_start3A_74 = tpu.memref_slice %arg9[%add3A_71, %multiple_of3A] : memref<144x128xi32, #tpu.memory_space<vmem>> -> memref<1x32xi32, #tpu.memory_space<vmem>>
      %dma_start3A_75 = tpu.memref_squeeze %dma_start3A_74 : memref<1x32xi32, #tpu.memory_space<vmem>> -> memref<32xi32, #tpu.memory_space<vmem>>
      %dma_start3A_76 = arith.constant 0 : i32
      %dma_start3A_77 = tpu.memref_slice %arg12[%dma_start3A_76] : memref<32768xf32, #tpu.memory_space<vmem_shared>> -> memref<32768xf32, #tpu.memory_space<vmem_shared>>
      tpu.enqueue_indirect_dma source(%dma_start3A_73 : memref<32xf32, #tpu.memory_space<vmem>>) target(%dma_start3A_77 : memref<32768xf32, #tpu.memory_space<vmem_shared>>) offsets(%dma_start3A_75 : memref<32xi32, #tpu.memory_space<vmem>>) semaphore(%arg13 : memref<!tpu.dma_semaphore, #tpu.memory_space<semaphore_mem>>) {add = true}
      %add3A_78 = arith.constant 1 : i32
      %add3A_79 = arith.addi %multiple_of3A_67, %add3A_78 : i32
      %add3A_80 = arith.constant 1 : i32
      %add3A_81 = arith.addi %multiple_of3A_67, %add3A_80 : i32
      %dma_start3A_82 = tpu.memref_slice %arg10[%add3A_79, %multiple_of3A] : memref<144x128xf32, #tpu.memory_space<vmem>> -> memref<1x32xf32, #tpu.memory_space<vmem>>
      %dma_start3A_83 = tpu.memref_squeeze %dma_start3A_82 : memref<1x32xf32, #tpu.memory_space<vmem>> -> memref<32xf32, #tpu.memory_space<vmem>>
      %dma_start3A_84 = tpu.memref_slice %arg9[%add3A_81, %multiple_of3A] : memref<144x128xi32, #tpu.memory_space<vmem>> -> memref<1x32xi32, #tpu.memory_space<vmem>>
      %dma_start3A_85 = tpu.memref_squeeze %dma_start3A_84 : memref<1x32xi32, #tpu.memory_space<vmem>> -> memref<32xi32, #tpu.memory_space<vmem>>
      %dma_start3A_86 = arith.constant 0 : i32
      %dma_start3A_87 = tpu.memref_slice %arg12[%dma_start3A_86] : memref<32768xf32, #tpu.memory_space<vmem_shared>> -> memref<32768xf32, #tpu.memory_space<vmem_shared>>
      tpu.enqueue_indirect_dma source(%dma_start3A_83 : memref<32xf32, #tpu.memory_space<vmem>>) target(%dma_start3A_87 : memref<32768xf32, #tpu.memory_space<vmem_shared>>) offsets(%dma_start3A_85 : memref<32xi32, #tpu.memory_space<vmem>>) semaphore(%arg13 : memref<!tpu.dma_semaphore, #tpu.memory_space<semaphore_mem>>) {add = true}
      %add3A_88 = arith.constant 2 : i32
      %add3A_89 = arith.addi %multiple_of3A_67, %add3A_88 : i32
      %add3A_90 = arith.constant 2 : i32
      %add3A_91 = arith.addi %multiple_of3A_67, %add3A_90 : i32
      %dma_start3A_92 = tpu.memref_slice %arg10[%add3A_89, %multiple_of3A] : memref<144x128xf32, #tpu.memory_space<vmem>> -> memref<1x32xf32, #tpu.memory_space<vmem>>
      %dma_start3A_93 = tpu.memref_squeeze %dma_start3A_92 : memref<1x32xf32, #tpu.memory_space<vmem>> -> memref<32xf32, #tpu.memory_space<vmem>>
      %dma_start3A_94 = tpu.memref_slice %arg9[%add3A_91, %multiple_of3A] : memref<144x128xi32, #tpu.memory_space<vmem>> -> memref<1x32xi32, #tpu.memory_space<vmem>>
      %dma_start3A_95 = tpu.memref_squeeze %dma_start3A_94 : memref<1x32xi32, #tpu.memory_space<vmem>> -> memref<32xi32, #tpu.memory_space<vmem>>
      %dma_start3A_96 = arith.constant 0 : i32
      %dma_start3A_97 = tpu.memref_slice %arg12[%dma_start3A_96] : memref<32768xf32, #tpu.memory_space<vmem_shared>> -> memref<32768xf32, #tpu.memory_space<vmem_shared>>
      tpu.enqueue_indirect_dma source(%dma_start3A_93 : memref<32xf32, #tpu.memory_space<vmem>>) target(%dma_start3A_97 : memref<32768xf32, #tpu.memory_space<vmem_shared>>) offsets(%dma_start3A_95 : memref<32xi32, #tpu.memory_space<vmem>>) semaphore(%arg13 : memref<!tpu.dma_semaphore, #tpu.memory_space<semaphore_mem>>) {add = true}
      %add3A_98 = arith.constant 3 : i32
      %add3A_99 = arith.addi %multiple_of3A_67, %add3A_98 : i32
      %add3A_100 = arith.constant 3 : i32
      %add3A_101 = arith.addi %multiple_of3A_67, %add3A_100 : i32
      %dma_start3A_102 = tpu.memref_slice %arg10[%add3A_99, %multiple_of3A] : memref<144x128xf32, #tpu.memory_space<vmem>> -> memref<1x32xf32, #tpu.memory_space<vmem>>
      %dma_start3A_103 = tpu.memref_squeeze %dma_start3A_102 : memref<1x32xf32, #tpu.memory_space<vmem>> -> memref<32xf32, #tpu.memory_space<vmem>>
      %dma_start3A_104 = tpu.memref_slice %arg9[%add3A_101, %multiple_of3A] : memref<144x128xi32, #tpu.memory_space<vmem>> -> memref<1x32xi32, #tpu.memory_space<vmem>>
      %dma_start3A_105 = tpu.memref_squeeze %dma_start3A_104 : memref<1x32xi32, #tpu.memory_space<vmem>> -> memref<32xi32, #tpu.memory_space<vmem>>
      %dma_start3A_106 = arith.constant 0 : i32
      %dma_start3A_107 = tpu.memref_slice %arg12[%dma_start3A_106] : memref<32768xf32, #tpu.memory_space<vmem_shared>> -> memref<32768xf32, #tpu.memory_space<vmem_shared>>
      tpu.enqueue_indirect_dma source(%dma_start3A_103 : memref<32xf32, #tpu.memory_space<vmem>>) target(%dma_start3A_107 : memref<32768xf32, #tpu.memory_space<vmem_shared>>) offsets(%dma_start3A_105 : memref<32xi32, #tpu.memory_space<vmem>>) semaphore(%arg13 : memref<!tpu.dma_semaphore, #tpu.memory_space<semaphore_mem>>) {add = true}
      %add3A_108 = arith.constant 4 : i32
      %add3A_109 = arith.addi %multiple_of3A_67, %add3A_108 : i32
      %add3A_110 = arith.constant 4 : i32
      %add3A_111 = arith.addi %multiple_of3A_67, %add3A_110 : i32
      %dma_start3A_112 = tpu.memref_slice %arg10[%add3A_109, %multiple_of3A] : memref<144x128xf32, #tpu.memory_space<vmem>> -> memref<1x32xf32, #tpu.memory_space<vmem>>
      %dma_start3A_113 = tpu.memref_squeeze %dma_start3A_112 : memref<1x32xf32, #tpu.memory_space<vmem>> -> memref<32xf32, #tpu.memory_space<vmem>>
      %dma_start3A_114 = tpu.memref_slice %arg9[%add3A_111, %multiple_of3A] : memref<144x128xi32, #tpu.memory_space<vmem>> -> memref<1x32xi32, #tpu.memory_space<vmem>>
      %dma_start3A_115 = tpu.memref_squeeze %dma_start3A_114 : memref<1x32xi32, #tpu.memory_space<vmem>> -> memref<32xi32, #tpu.memory_space<vmem>>
      %dma_start3A_116 = arith.constant 0 : i32
      %dma_start3A_117 = tpu.memref_slice %arg12[%dma_start3A_116] : memref<32768xf32, #tpu.memory_space<vmem_shared>> -> memref<32768xf32, #tpu.memory_space<vmem_shared>>
      tpu.enqueue_indirect_dma source(%dma_start3A_113 : memref<32xf32, #tpu.memory_space<vmem>>) target(%dma_start3A_117 : memref<32768xf32, #tpu.memory_space<vmem_shared>>) offsets(%dma_start3A_115 : memref<32xi32, #tpu.memory_space<vmem>>) semaphore(%arg13 : memref<!tpu.dma_semaphore, #tpu.memory_space<semaphore_mem>>) {add = true}
      %add3A_118 = arith.constant 5 : i32
      %add3A_119 = arith.addi %multiple_of3A_67, %add3A_118 : i32
      %add3A_120 = arith.constant 5 : i32
      %add3A_121 = arith.addi %multiple_of3A_67, %add3A_120 : i32
      %dma_start3A_122 = tpu.memref_slice %arg10[%add3A_119, %multiple_of3A] : memref<144x128xf32, #tpu.memory_space<vmem>> -> memref<1x32xf32, #tpu.memory_space<vmem>>
      %dma_start3A_123 = tpu.memref_squeeze %dma_start3A_122 : memref<1x32xf32, #tpu.memory_space<vmem>> -> memref<32xf32, #tpu.memory_space<vmem>>
      %dma_start3A_124 = tpu.memref_slice %arg9[%add3A_121, %multiple_of3A] : memref<144x128xi32, #tpu.memory_space<vmem>> -> memref<1x32xi32, #tpu.memory_space<vmem>>
      %dma_start3A_125 = tpu.memref_squeeze %dma_start3A_124 : memref<1x32xi32, #tpu.memory_space<vmem>> -> memref<32xi32, #tpu.memory_space<vmem>>
      %dma_start3A_126 = arith.constant 0 : i32
      %dma_start3A_127 = tpu.memref_slice %arg12[%dma_start3A_126] : memref<32768xf32, #tpu.memory_space<vmem_shared>> -> memref<32768xf32, #tpu.memory_space<vmem_shared>>
      tpu.enqueue_indirect_dma source(%dma_start3A_123 : memref<32xf32, #tpu.memory_space<vmem>>) target(%dma_start3A_127 : memref<32768xf32, #tpu.memory_space<vmem_shared>>) offsets(%dma_start3A_125 : memref<32xi32, #tpu.memory_space<vmem>>) semaphore(%arg13 : memref<!tpu.dma_semaphore, #tpu.memory_space<semaphore_mem>>) {add = true}
      %add3A_128 = arith.constant 6 : i32
      %add3A_129 = arith.addi %multiple_of3A_67, %add3A_128 : i32
      %add3A_130 = arith.constant 6 : i32
      %add3A_131 = arith.addi %multiple_of3A_67, %add3A_130 : i32
      %dma_start3A_132 = tpu.memref_slice %arg10[%add3A_129, %multiple_of3A] : memref<144x128xf32, #tpu.memory_space<vmem>> -> memref<1x32xf32, #tpu.memory_space<vmem>>
      %dma_start3A_133 = tpu.memref_squeeze %dma_start3A_132 : memref<1x32xf32, #tpu.memory_space<vmem>> -> memref<32xf32, #tpu.memory_space<vmem>>
      %dma_start3A_134 = tpu.memref_slice %arg9[%add3A_131, %multiple_of3A] : memref<144x128xi32, #tpu.memory_space<vmem>> -> memref<1x32xi32, #tpu.memory_space<vmem>>
      %dma_start3A_135 = tpu.memref_squeeze %dma_start3A_134 : memref<1x32xi32, #tpu.memory_space<vmem>> -> memref<32xi32, #tpu.memory_space<vmem>>
      %dma_start3A_136 = arith.constant 0 : i32
      %dma_start3A_137 = tpu.memref_slice %arg12[%dma_start3A_136] : memref<32768xf32, #tpu.memory_space<vmem_shared>> -> memref<32768xf32, #tpu.memory_space<vmem_shared>>
      tpu.enqueue_indirect_dma source(%dma_start3A_133 : memref<32xf32, #tpu.memory_space<vmem>>) target(%dma_start3A_137 : memref<32768xf32, #tpu.memory_space<vmem_shared>>) offsets(%dma_start3A_135 : memref<32xi32, #tpu.memory_space<vmem>>) semaphore(%arg13 : memref<!tpu.dma_semaphore, #tpu.memory_space<semaphore_mem>>) {add = true}
      %add3A_138 = arith.constant 7 : i32
      %add3A_139 = arith.addi %multiple_of3A_67, %add3A_138 : i32
      %add3A_140 = arith.constant 7 : i32
      %add3A_141 = arith.addi %multiple_of3A_67, %add3A_140 : i32
      %dma_start3A_142 = tpu.memref_slice %arg10[%add3A_139, %multiple_of3A] : memref<144x128xf32, #tpu.memory_space<vmem>> -> memref<1x32xf32, #tpu.memory_space<vmem>>
      %dma_start3A_143 = tpu.memref_squeeze %dma_start3A_142 : memref<1x32xf32, #tpu.memory_space<vmem>> -> memref<32xf32, #tpu.memory_space<vmem>>
      %dma_start3A_144 = tpu.memref_slice %arg9[%add3A_141, %multiple_of3A] : memref<144x128xi32, #tpu.memory_space<vmem>> -> memref<1x32xi32, #tpu.memory_space<vmem>>
      %dma_start3A_145 = tpu.memref_squeeze %dma_start3A_144 : memref<1x32xi32, #tpu.memory_space<vmem>> -> memref<32xi32, #tpu.memory_space<vmem>>
      %dma_start3A_146 = arith.constant 0 : i32
      %dma_start3A_147 = tpu.memref_slice %arg12[%dma_start3A_146] : memref<32768xf32, #tpu.memory_space<vmem_shared>> -> memref<32768xf32, #tpu.memory_space<vmem_shared>>
      tpu.enqueue_indirect_dma source(%dma_start3A_143 : memref<32xf32, #tpu.memory_space<vmem>>) target(%dma_start3A_147 : memref<32768xf32, #tpu.memory_space<vmem_shared>>) offsets(%dma_start3A_145 : memref<32xi32, #tpu.memory_space<vmem>>) semaphore(%arg13 : memref<!tpu.dma_semaphore, #tpu.memory_space<semaphore_mem>>) {add = true}
      %dma_wait3A_148 = tpu.memref_slice %arg10[%add3A_69, %multiple_of3A] : memref<144x128xf32, #tpu.memory_space<vmem>> -> memref<1x32xf32, #tpu.memory_space<vmem>>
      %dma_wait3A_149 = tpu.memref_squeeze %dma_wait3A_148 : memref<1x32xf32, #tpu.memory_space<vmem>> -> memref<32xf32, #tpu.memory_space<vmem>>
      %dma_wait3A_150 = tpu.memref_slice %arg9[%add3A_71, %multiple_of3A] : memref<144x128xi32, #tpu.memory_space<vmem>> -> memref<1x32xi32, #tpu.memory_space<vmem>>
      %dma_wait3A_151 = tpu.memref_squeeze %dma_wait3A_150 : memref<1x32xi32, #tpu.memory_space<vmem>> -> memref<32xi32, #tpu.memory_space<vmem>>
      %dma_wait3A_152 = arith.constant 0 : i32
      %dma_wait3A_153 = tpu.memref_slice %arg12[%dma_wait3A_152] : memref<32768xf32, #tpu.memory_space<vmem_shared>> -> memref<32768xf32, #tpu.memory_space<vmem_shared>>
      tpu.wait_indirect_dma semaphore(%arg13 : memref<!tpu.dma_semaphore, #tpu.memory_space<semaphore_mem>>) src(%dma_wait3A_149 : memref<32xf32, #tpu.memory_space<vmem>>) dst(%dma_wait3A_153 : memref<32768xf32, #tpu.memory_space<vmem_shared>>)
      %dma_wait3A_154 = tpu.memref_slice %arg10[%add3A_79, %multiple_of3A] : memref<144x128xf32, #tpu.memory_space<vmem>> -> memref<1x32xf32, #tpu.memory_space<vmem>>
      %dma_wait3A_155 = tpu.memref_squeeze %dma_wait3A_154 : memref<1x32xf32, #tpu.memory_space<vmem>> -> memref<32xf32, #tpu.memory_space<vmem>>
      %dma_wait3A_156 = tpu.memref_slice %arg9[%add3A_81, %multiple_of3A] : memref<144x128xi32, #tpu.memory_space<vmem>> -> memref<1x32xi32, #tpu.memory_space<vmem>>
      %dma_wait3A_157 = tpu.memref_squeeze %dma_wait3A_156 : memref<1x32xi32, #tpu.memory_space<vmem>> -> memref<32xi32, #tpu.memory_space<vmem>>
      %dma_wait3A_158 = arith.constant 0 : i32
      %dma_wait3A_159 = tpu.memref_slice %arg12[%dma_wait3A_158] : memref<32768xf32, #tpu.memory_space<vmem_shared>> -> memref<32768xf32, #tpu.memory_space<vmem_shared>>
      tpu.wait_indirect_dma semaphore(%arg13 : memref<!tpu.dma_semaphore, #tpu.memory_space<semaphore_mem>>) src(%dma_wait3A_155 : memref<32xf32, #tpu.memory_space<vmem>>) dst(%dma_wait3A_159 : memref<32768xf32, #tpu.memory_space<vmem_shared>>)
      %dma_wait3A_160 = tpu.memref_slice %arg10[%add3A_89, %multiple_of3A] : memref<144x128xf32, #tpu.memory_space<vmem>> -> memref<1x32xf32, #tpu.memory_space<vmem>>
      %dma_wait3A_161 = tpu.memref_squeeze %dma_wait3A_160 : memref<1x32xf32, #tpu.memory_space<vmem>> -> memref<32xf32, #tpu.memory_space<vmem>>
      %dma_wait3A_162 = tpu.memref_slice %arg9[%add3A_91, %multiple_of3A] : memref<144x128xi32, #tpu.memory_space<vmem>> -> memref<1x32xi32, #tpu.memory_space<vmem>>
      %dma_wait3A_163 = tpu.memref_squeeze %dma_wait3A_162 : memref<1x32xi32, #tpu.memory_space<vmem>> -> memref<32xi32, #tpu.memory_space<vmem>>
      %dma_wait3A_164 = arith.constant 0 : i32
      %dma_wait3A_165 = tpu.memref_slice %arg12[%dma_wait3A_164] : memref<32768xf32, #tpu.memory_space<vmem_shared>> -> memref<32768xf32, #tpu.memory_space<vmem_shared>>
      tpu.wait_indirect_dma semaphore(%arg13 : memref<!tpu.dma_semaphore, #tpu.memory_space<semaphore_mem>>) src(%dma_wait3A_161 : memref<32xf32, #tpu.memory_space<vmem>>) dst(%dma_wait3A_165 : memref<32768xf32, #tpu.memory_space<vmem_shared>>)
      %dma_wait3A_166 = tpu.memref_slice %arg10[%add3A_99, %multiple_of3A] : memref<144x128xf32, #tpu.memory_space<vmem>> -> memref<1x32xf32, #tpu.memory_space<vmem>>
      %dma_wait3A_167 = tpu.memref_squeeze %dma_wait3A_166 : memref<1x32xf32, #tpu.memory_space<vmem>> -> memref<32xf32, #tpu.memory_space<vmem>>
      %dma_wait3A_168 = tpu.memref_slice %arg9[%add3A_101, %multiple_of3A] : memref<144x128xi32, #tpu.memory_space<vmem>> -> memref<1x32xi32, #tpu.memory_space<vmem>>
      %dma_wait3A_169 = tpu.memref_squeeze %dma_wait3A_168 : memref<1x32xi32, #tpu.memory_space<vmem>> -> memref<32xi32, #tpu.memory_space<vmem>>
      %dma_wait3A_170 = arith.constant 0 : i32
      %dma_wait3A_171 = tpu.memref_slice %arg12[%dma_wait3A_170] : memref<32768xf32, #tpu.memory_space<vmem_shared>> -> memref<32768xf32, #tpu.memory_space<vmem_shared>>
      tpu.wait_indirect_dma semaphore(%arg13 : memref<!tpu.dma_semaphore, #tpu.memory_space<semaphore_mem>>) src(%dma_wait3A_167 : memref<32xf32, #tpu.memory_space<vmem>>) dst(%dma_wait3A_171 : memref<32768xf32, #tpu.memory_space<vmem_shared>>)
      %dma_wait3A_172 = tpu.memref_slice %arg10[%add3A_109, %multiple_of3A] : memref<144x128xf32, #tpu.memory_space<vmem>> -> memref<1x32xf32, #tpu.memory_space<vmem>>
      %dma_wait3A_173 = tpu.memref_squeeze %dma_wait3A_172 : memref<1x32xf32, #tpu.memory_space<vmem>> -> memref<32xf32, #tpu.memory_space<vmem>>
      %dma_wait3A_174 = tpu.memref_slice %arg9[%add3A_111, %multiple_of3A] : memref<144x128xi32, #tpu.memory_space<vmem>> -> memref<1x32xi32, #tpu.memory_space<vmem>>
      %dma_wait3A_175 = tpu.memref_squeeze %dma_wait3A_174 : memref<1x32xi32, #tpu.memory_space<vmem>> -> memref<32xi32, #tpu.memory_space<vmem>>
      %dma_wait3A_176 = arith.constant 0 : i32
      %dma_wait3A_177 = tpu.memref_slice %arg12[%dma_wait3A_176] : memref<32768xf32, #tpu.memory_space<vmem_shared>> -> memref<32768xf32, #tpu.memory_space<vmem_shared>>
      tpu.wait_indirect_dma semaphore(%arg13 : memref<!tpu.dma_semaphore, #tpu.memory_space<semaphore_mem>>) src(%dma_wait3A_173 : memref<32xf32, #tpu.memory_space<vmem>>) dst(%dma_wait3A_177 : memref<32768xf32, #tpu.memory_space<vmem_shared>>)
      %dma_wait3A_178 = tpu.memref_slice %arg10[%add3A_119, %multiple_of3A] : memref<144x128xf32, #tpu.memory_space<vmem>> -> memref<1x32xf32, #tpu.memory_space<vmem>>
      %dma_wait3A_179 = tpu.memref_squeeze %dma_wait3A_178 : memref<1x32xf32, #tpu.memory_space<vmem>> -> memref<32xf32, #tpu.memory_space<vmem>>
      %dma_wait3A_180 = tpu.memref_slice %arg9[%add3A_121, %multiple_of3A] : memref<144x128xi32, #tpu.memory_space<vmem>> -> memref<1x32xi32, #tpu.memory_space<vmem>>
      %dma_wait3A_181 = tpu.memref_squeeze %dma_wait3A_180 : memref<1x32xi32, #tpu.memory_space<vmem>> -> memref<32xi32, #tpu.memory_space<vmem>>
      %dma_wait3A_182 = arith.constant 0 : i32
      %dma_wait3A_183 = tpu.memref_slice %arg12[%dma_wait3A_182] : memref<32768xf32, #tpu.memory_space<vmem_shared>> -> memref<32768xf32, #tpu.memory_space<vmem_shared>>
      tpu.wait_indirect_dma semaphore(%arg13 : memref<!tpu.dma_semaphore, #tpu.memory_space<semaphore_mem>>) src(%dma_wait3A_179 : memref<32xf32, #tpu.memory_space<vmem>>) dst(%dma_wait3A_183 : memref<32768xf32, #tpu.memory_space<vmem_shared>>)
      %dma_wait3A_184 = tpu.memref_slice %arg10[%add3A_129, %multiple_of3A] : memref<144x128xf32, #tpu.memory_space<vmem>> -> memref<1x32xf32, #tpu.memory_space<vmem>>
      %dma_wait3A_185 = tpu.memref_squeeze %dma_wait3A_184 : memref<1x32xf32, #tpu.memory_space<vmem>> -> memref<32xf32, #tpu.memory_space<vmem>>
      %dma_wait3A_186 = tpu.memref_slice %arg9[%add3A_131, %multiple_of3A] : memref<144x128xi32, #tpu.memory_space<vmem>> -> memref<1x32xi32, #tpu.memory_space<vmem>>
      %dma_wait3A_187 = tpu.memref_squeeze %dma_wait3A_186 : memref<1x32xi32, #tpu.memory_space<vmem>> -> memref<32xi32, #tpu.memory_space<vmem>>
      %dma_wait3A_188 = arith.constant 0 : i32
      %dma_wait3A_189 = tpu.memref_slice %arg12[%dma_wait3A_188] : memref<32768xf32, #tpu.memory_space<vmem_shared>> -> memref<32768xf32, #tpu.memory_space<vmem_shared>>
      tpu.wait_indirect_dma semaphore(%arg13 : memref<!tpu.dma_semaphore, #tpu.memory_space<semaphore_mem>>) src(%dma_wait3A_185 : memref<32xf32, #tpu.memory_space<vmem>>) dst(%dma_wait3A_189 : memref<32768xf32, #tpu.memory_space<vmem_shared>>)
      %dma_wait3A_190 = tpu.memref_slice %arg10[%add3A_139, %multiple_of3A] : memref<144x128xf32, #tpu.memory_space<vmem>> -> memref<1x32xf32, #tpu.memory_space<vmem>>
      %dma_wait3A_191 = tpu.memref_squeeze %dma_wait3A_190 : memref<1x32xf32, #tpu.memory_space<vmem>> -> memref<32xf32, #tpu.memory_space<vmem>>
      %dma_wait3A_192 = tpu.memref_slice %arg9[%add3A_141, %multiple_of3A] : memref<144x128xi32, #tpu.memory_space<vmem>> -> memref<1x32xi32, #tpu.memory_space<vmem>>
      %dma_wait3A_193 = tpu.memref_squeeze %dma_wait3A_192 : memref<1x32xi32, #tpu.memory_space<vmem>> -> memref<32xi32, #tpu.memory_space<vmem>>
      %dma_wait3A_194 = arith.constant 0 : i32
      %dma_wait3A_195 = tpu.memref_slice %arg12[%dma_wait3A_194] : memref<32768xf32, #tpu.memory_space<vmem_shared>> -> memref<32768xf32, #tpu.memory_space<vmem_shared>>
      tpu.wait_indirect_dma semaphore(%arg13 : memref<!tpu.dma_semaphore, #tpu.memory_space<semaphore_mem>>) src(%dma_wait3A_191 : memref<32xf32, #tpu.memory_space<vmem>>) dst(%dma_wait3A_195 : memref<32768xf32, #tpu.memory_space<vmem_shared>>)
      %scan3A_196 = arith.constant 0 : i32
      scf.yield %scan3A_196 : i32
    }
    %scan3A_55 = arith.constant 18 : i32
    %barrier3A_56 = arith.constant 0 : index
    tpu.barrier barrier_id(%barrier3A_56)
    %mul3A_57 = arith.constant 2048 : i32
    %mul3A_58 = arith.muli %arg1, %mul3A_57 : i32
    %mul3A_59 = arith.constant 32768 : i32
    %mul3A_60 = arith.muli %arg0, %mul3A_59 : i32
    %mul3A_61 = arith.constant 2048 : i32
    %mul3A_62 = arith.muli %arg1, %mul3A_61 : i32
    %add3A = arith.addi %mul3A_60, %mul3A_62 : i32
    "tpu.region"() ({
      %run_scoped3A = tpu.sem_alloc : memref<!tpu.dma_semaphore, #tpu.memory_space<semaphore_mem>>
      %dma_start3A_63 = tpu.memref_slice %arg6[%add3A] : memref<65536xf32, #tpu.memory_space<hbm>> -> memref<2048xf32, #tpu.memory_space<hbm>>
      %dma_start3A_64 = tpu.memref_slice %arg12[%mul3A_58] : memref<32768xf32, #tpu.memory_space<vmem_shared>> -> memref<2048xf32, #tpu.memory_space<vmem_shared>>
      tpu.enqueue_dma source(%dma_start3A_64 : memref<2048xf32, #tpu.memory_space<vmem_shared>>) target(%dma_start3A_63 : memref<2048xf32, #tpu.memory_space<hbm>>) target_semaphore(%run_scoped3A : memref<!tpu.dma_semaphore, #tpu.memory_space<semaphore_mem>>)
      %dma_wait3A_65 = tpu.memref_slice %arg6[%add3A] : memref<65536xf32, #tpu.memory_space<hbm>> -> memref<2048xf32, #tpu.memory_space<hbm>>
      %dma_wait3A_66 = tpu.memref_slice %arg12[%mul3A_58] : memref<32768xf32, #tpu.memory_space<vmem_shared>> -> memref<2048xf32, #tpu.memory_space<vmem_shared>>
      tpu.wait_dma2 semaphore(%run_scoped3A : memref<!tpu.dma_semaphore, #tpu.memory_space<semaphore_mem>>) src(%dma_wait3A_66 : memref<2048xf32, #tpu.memory_space<vmem_shared>>) dst(%dma_wait3A_65 : memref<2048xf32, #tpu.memory_space<hbm>>)
      tpu.yield
    }) : () -> ()
    return
  }
}

module attributes {stable_mosaic.version = 14 : i64} {
  func.func @_mask_body(%arg0: i32, %arg1: memref<4x8x48x64xi8, #tpu.memory_space<vmem>>, %arg2: memref<10x8x48x64xi8, #tpu.memory_space<vmem>>, %arg3: memref<50x8x48x64xi8, #tpu.memory_space<vmem>>, %arg4: memref<10x8x48x64xi8, #tpu.memory_space<vmem>>, %arg5: memref<2x8x48x64xi8, #tpu.memory_space<vmem>>, %arg6: memref<2x8x48x64xi8, #tpu.memory_space<vmem>>, %arg7: memref<2x8x48x64xi8, #tpu.memory_space<vmem>>, %arg8: memref<1x8x48x64xi8, #tpu.memory_space<vmem>>, %arg9: memref<8x48x64xi8, #tpu.memory_space<vmem>>, %arg10: memref<8x48x64xi8, #tpu.memory_space<vmem>>) attributes {dimension_semantics = [#tpu.dimension_semantics<arbitrary>], iteration_bounds = array<i64: 6>, scalar_prefetch = 0 : i64, scratch_operands = 0 : i64, tpu.core_type = #tpu.core_type<tc>, window_params = [{transform_indices = @transform_0, window_bounds = array<i64: 4, 8, 48, 64>}, {transform_indices = @transform_1, window_bounds = array<i64: 10, 8, 48, 64>}, {transform_indices = @transform_2, window_bounds = array<i64: 50, 8, 48, 64>}, {transform_indices = @transform_3, window_bounds = array<i64: 10, 8, 48, 64>}, {transform_indices = @transform_4, window_bounds = array<i64: 2, 8, 48, 64>}, {transform_indices = @transform_5, window_bounds = array<i64: 2, 8, 48, 64>}, {transform_indices = @transform_6, window_bounds = array<i64: 2, 8, 48, 64>}, {transform_indices = @transform_7, window_bounds = array<i64: 1, 8, 48, 64>}, {transform_indices = @transform_8, window_bounds = array<i64: 8, 48, 64>}, {transform_indices = @transform_9, window_bounds = array<i64: 8, 48, 64>}]} {
    %get3A = arith.constant 0 : index
    %get3A_0 = arith.constant 0 : index
    %get3A_1 = arith.constant 0 : index
    %get3A_2 = arith.constant 0 : index
    %get3A_3 = vector.load %arg1[%get3A, %get3A_0, %get3A_1, %get3A_2] : memref<4x8x48x64xi8, #tpu.memory_space<vmem>>, vector<1x8x48x64xi8>
    %get3A_4 = vector.shape_cast %get3A_3 : vector<1x8x48x64xi8> to vector<8x48x64xi8>
    %get3A_5 = arith.constant 1 : index
    %get3A_6 = arith.constant 0 : index
    %get3A_7 = arith.constant 0 : index
    %get3A_8 = arith.constant 0 : index
    %get3A_9 = vector.load %arg1[%get3A_5, %get3A_6, %get3A_7, %get3A_8] : memref<4x8x48x64xi8, #tpu.memory_space<vmem>>, vector<1x8x48x64xi8>
    %get3A_10 = vector.shape_cast %get3A_9 : vector<1x8x48x64xi8> to vector<8x48x64xi8>
    %or3A = arith.ori %get3A_4, %get3A_10 : vector<8x48x64xi8>
    %get3A_11 = arith.constant 2 : index
    %get3A_12 = arith.constant 0 : index
    %get3A_13 = arith.constant 0 : index
    %get3A_14 = arith.constant 0 : index
    %get3A_15 = vector.load %arg1[%get3A_11, %get3A_12, %get3A_13, %get3A_14] : memref<4x8x48x64xi8, #tpu.memory_space<vmem>>, vector<1x8x48x64xi8>
    %get3A_16 = vector.shape_cast %get3A_15 : vector<1x8x48x64xi8> to vector<8x48x64xi8>
    %or3A_17 = arith.ori %or3A, %get3A_16 : vector<8x48x64xi8>
    %get3A_18 = arith.constant 3 : index
    %get3A_19 = arith.constant 0 : index
    %get3A_20 = arith.constant 0 : index
    %get3A_21 = arith.constant 0 : index
    %get3A_22 = vector.load %arg1[%get3A_18, %get3A_19, %get3A_20, %get3A_21] : memref<4x8x48x64xi8, #tpu.memory_space<vmem>>, vector<1x8x48x64xi8>
    %get3A_23 = vector.shape_cast %get3A_22 : vector<1x8x48x64xi8> to vector<8x48x64xi8>
    %or3A_24 = arith.ori %or3A_17, %get3A_23 : vector<8x48x64xi8>
    %swap3A = arith.constant 0 : index
    %swap3A_25 = arith.constant 0 : index
    %swap3A_26 = arith.constant 0 : index
    %swap3A_27 = vector.load %arg10[%swap3A, %swap3A_25, %swap3A_26] : memref<8x48x64xi8, #tpu.memory_space<vmem>>, vector<8x48x64xi8>
    tpu.vector_store %arg10[%swap3A, %swap3A_25, %swap3A_26], %or3A_24 {strides = array<i32>} : memref<8x48x64xi8, #tpu.memory_space<vmem>>, vector<8x48x64xi8>,
    %get3A_28 = arith.constant 0 : index
    %get3A_29 = arith.constant 0 : index
    %get3A_30 = arith.constant 0 : index
    %get3A_31 = arith.constant 0 : index
    %get3A_32 = vector.load %arg2[%get3A_28, %get3A_29, %get3A_30, %get3A_31] : memref<10x8x48x64xi8, #tpu.memory_space<vmem>>, vector<1x8x48x64xi8>
    %get3A_33 = vector.shape_cast %get3A_32 : vector<1x8x48x64xi8> to vector<8x48x64xi8>
    %get3A_34 = arith.constant 1 : index
    %get3A_35 = arith.constant 0 : index
    %get3A_36 = arith.constant 0 : index
    %get3A_37 = arith.constant 0 : index
    %get3A_38 = vector.load %arg2[%get3A_34, %get3A_35, %get3A_36, %get3A_37] : memref<10x8x48x64xi8, #tpu.memory_space<vmem>>, vector<1x8x48x64xi8>
    %get3A_39 = vector.shape_cast %get3A_38 : vector<1x8x48x64xi8> to vector<8x48x64xi8>
    %or3A_40 = arith.ori %get3A_33, %get3A_39 : vector<8x48x64xi8>
    %get3A_41 = arith.constant 2 : index
    %get3A_42 = arith.constant 0 : index
    %get3A_43 = arith.constant 0 : index
    %get3A_44 = arith.constant 0 : index
    %get3A_45 = vector.load %arg2[%get3A_41, %get3A_42, %get3A_43, %get3A_44] : memref<10x8x48x64xi8, #tpu.memory_space<vmem>>, vector<1x8x48x64xi8>
    %get3A_46 = vector.shape_cast %get3A_45 : vector<1x8x48x64xi8> to vector<8x48x64xi8>
    %or3A_47 = arith.ori %or3A_40, %get3A_46 : vector<8x48x64xi8>
    %get3A_48 = arith.constant 3 : index
    %get3A_49 = arith.constant 0 : index
    %get3A_50 = arith.constant 0 : index
    %get3A_51 = arith.constant 0 : index
    %get3A_52 = vector.load %arg2[%get3A_48, %get3A_49, %get3A_50, %get3A_51] : memref<10x8x48x64xi8, #tpu.memory_space<vmem>>, vector<1x8x48x64xi8>
    %get3A_53 = vector.shape_cast %get3A_52 : vector<1x8x48x64xi8> to vector<8x48x64xi8>
    %or3A_54 = arith.ori %or3A_47, %get3A_53 : vector<8x48x64xi8>
    %get3A_55 = arith.constant 4 : index
    %get3A_56 = arith.constant 0 : index
    %get3A_57 = arith.constant 0 : index
    %get3A_58 = arith.constant 0 : index
    %get3A_59 = vector.load %arg2[%get3A_55, %get3A_56, %get3A_57, %get3A_58] : memref<10x8x48x64xi8, #tpu.memory_space<vmem>>, vector<1x8x48x64xi8>
    %get3A_60 = vector.shape_cast %get3A_59 : vector<1x8x48x64xi8> to vector<8x48x64xi8>
    %or3A_61 = arith.ori %or3A_54, %get3A_60 : vector<8x48x64xi8>
    %get3A_62 = arith.constant 5 : index
    %get3A_63 = arith.constant 0 : index
    %get3A_64 = arith.constant 0 : index
    %get3A_65 = arith.constant 0 : index
    %get3A_66 = vector.load %arg2[%get3A_62, %get3A_63, %get3A_64, %get3A_65] : memref<10x8x48x64xi8, #tpu.memory_space<vmem>>, vector<1x8x48x64xi8>
    %get3A_67 = vector.shape_cast %get3A_66 : vector<1x8x48x64xi8> to vector<8x48x64xi8>
    %or3A_68 = arith.ori %or3A_61, %get3A_67 : vector<8x48x64xi8>
    %get3A_69 = arith.constant 6 : index
    %get3A_70 = arith.constant 0 : index
    %get3A_71 = arith.constant 0 : index
    %get3A_72 = arith.constant 0 : index
    %get3A_73 = vector.load %arg2[%get3A_69, %get3A_70, %get3A_71, %get3A_72] : memref<10x8x48x64xi8, #tpu.memory_space<vmem>>, vector<1x8x48x64xi8>
    %get3A_74 = vector.shape_cast %get3A_73 : vector<1x8x48x64xi8> to vector<8x48x64xi8>
    %or3A_75 = arith.ori %or3A_68, %get3A_74 : vector<8x48x64xi8>
    %get3A_76 = arith.constant 7 : index
    %get3A_77 = arith.constant 0 : index
    %get3A_78 = arith.constant 0 : index
    %get3A_79 = arith.constant 0 : index
    %get3A_80 = vector.load %arg2[%get3A_76, %get3A_77, %get3A_78, %get3A_79] : memref<10x8x48x64xi8, #tpu.memory_space<vmem>>, vector<1x8x48x64xi8>
    %get3A_81 = vector.shape_cast %get3A_80 : vector<1x8x48x64xi8> to vector<8x48x64xi8>
    %or3A_82 = arith.ori %or3A_75, %get3A_81 : vector<8x48x64xi8>
    %get3A_83 = arith.constant 8 : index
    %get3A_84 = arith.constant 0 : index
    %get3A_85 = arith.constant 0 : index
    %get3A_86 = arith.constant 0 : index
    %get3A_87 = vector.load %arg2[%get3A_83, %get3A_84, %get3A_85, %get3A_86] : memref<10x8x48x64xi8, #tpu.memory_space<vmem>>, vector<1x8x48x64xi8>
    %get3A_88 = vector.shape_cast %get3A_87 : vector<1x8x48x64xi8> to vector<8x48x64xi8>
    %or3A_89 = arith.ori %or3A_82, %get3A_88 : vector<8x48x64xi8>
    %get3A_90 = arith.constant 9 : index
    %get3A_91 = arith.constant 0 : index
    %get3A_92 = arith.constant 0 : index
    %get3A_93 = arith.constant 0 : index
    %get3A_94 = vector.load %arg2[%get3A_90, %get3A_91, %get3A_92, %get3A_93] : memref<10x8x48x64xi8, #tpu.memory_space<vmem>>, vector<1x8x48x64xi8>
    %get3A_95 = vector.shape_cast %get3A_94 : vector<1x8x48x64xi8> to vector<8x48x64xi8>
    %or3A_96 = arith.ori %or3A_89, %get3A_95 : vector<8x48x64xi8>
    %get3A_97 = arith.constant 0 : index
    %get3A_98 = arith.constant 0 : index
    %get3A_99 = arith.constant 0 : index
    %get3A_100 = arith.constant 0 : index
    %get3A_101 = vector.load %arg3[%get3A_97, %get3A_98, %get3A_99, %get3A_100] : memref<50x8x48x64xi8, #tpu.memory_space<vmem>>, vector<1x8x48x64xi8>
    %get3A_102 = vector.shape_cast %get3A_101 : vector<1x8x48x64xi8> to vector<8x48x64xi8>
    %get3A_103 = arith.constant 1 : index
    %get3A_104 = arith.constant 0 : index
    %get3A_105 = arith.constant 0 : index
    %get3A_106 = arith.constant 0 : index
    %get3A_107 = vector.load %arg3[%get3A_103, %get3A_104, %get3A_105, %get3A_106] : memref<50x8x48x64xi8, #tpu.memory_space<vmem>>, vector<1x8x48x64xi8>
    %get3A_108 = vector.shape_cast %get3A_107 : vector<1x8x48x64xi8> to vector<8x48x64xi8>
    %or3A_109 = arith.ori %get3A_102, %get3A_108 : vector<8x48x64xi8>
    %get3A_110 = arith.constant 2 : index
    %get3A_111 = arith.constant 0 : index
    %get3A_112 = arith.constant 0 : index
    %get3A_113 = arith.constant 0 : index
    %get3A_114 = vector.load %arg3[%get3A_110, %get3A_111, %get3A_112, %get3A_113] : memref<50x8x48x64xi8, #tpu.memory_space<vmem>>, vector<1x8x48x64xi8>
    %get3A_115 = vector.shape_cast %get3A_114 : vector<1x8x48x64xi8> to vector<8x48x64xi8>
    %or3A_116 = arith.ori %or3A_109, %get3A_115 : vector<8x48x64xi8>
    %get3A_117 = arith.constant 3 : index
    %get3A_118 = arith.constant 0 : index
    %get3A_119 = arith.constant 0 : index
    %get3A_120 = arith.constant 0 : index
    %get3A_121 = vector.load %arg3[%get3A_117, %get3A_118, %get3A_119, %get3A_120] : memref<50x8x48x64xi8, #tpu.memory_space<vmem>>, vector<1x8x48x64xi8>
    %get3A_122 = vector.shape_cast %get3A_121 : vector<1x8x48x64xi8> to vector<8x48x64xi8>
    %or3A_123 = arith.ori %or3A_116, %get3A_122 : vector<8x48x64xi8>
    %get3A_124 = arith.constant 4 : index
    %get3A_125 = arith.constant 0 : index
    %get3A_126 = arith.constant 0 : index
    %get3A_127 = arith.constant 0 : index
    %get3A_128 = vector.load %arg3[%get3A_124, %get3A_125, %get3A_126, %get3A_127] : memref<50x8x48x64xi8, #tpu.memory_space<vmem>>, vector<1x8x48x64xi8>
    %get3A_129 = vector.shape_cast %get3A_128 : vector<1x8x48x64xi8> to vector<8x48x64xi8>
    %or3A_130 = arith.ori %or3A_123, %get3A_129 : vector<8x48x64xi8>
    %get3A_131 = arith.constant 5 : index
    %get3A_132 = arith.constant 0 : index
    %get3A_133 = arith.constant 0 : index
    %get3A_134 = arith.constant 0 : index
    %get3A_135 = vector.load %arg3[%get3A_131, %get3A_132, %get3A_133, %get3A_134] : memref<50x8x48x64xi8, #tpu.memory_space<vmem>>, vector<1x8x48x64xi8>
    %get3A_136 = vector.shape_cast %get3A_135 : vector<1x8x48x64xi8> to vector<8x48x64xi8>
    %or3A_137 = arith.ori %or3A_130, %get3A_136 : vector<8x48x64xi8>
    %get3A_138 = arith.constant 6 : index
    %get3A_139 = arith.constant 0 : index
    %get3A_140 = arith.constant 0 : index
    %get3A_141 = arith.constant 0 : index
    %get3A_142 = vector.load %arg3[%get3A_138, %get3A_139, %get3A_140, %get3A_141] : memref<50x8x48x64xi8, #tpu.memory_space<vmem>>, vector<1x8x48x64xi8>
    %get3A_143 = vector.shape_cast %get3A_142 : vector<1x8x48x64xi8> to vector<8x48x64xi8>
    %or3A_144 = arith.ori %or3A_137, %get3A_143 : vector<8x48x64xi8>
    %get3A_145 = arith.constant 7 : index
    %get3A_146 = arith.constant 0 : index
    %get3A_147 = arith.constant 0 : index
    %get3A_148 = arith.constant 0 : index
    %get3A_149 = vector.load %arg3[%get3A_145, %get3A_146, %get3A_147, %get3A_148] : memref<50x8x48x64xi8, #tpu.memory_space<vmem>>, vector<1x8x48x64xi8>
    %get3A_150 = vector.shape_cast %get3A_149 : vector<1x8x48x64xi8> to vector<8x48x64xi8>
    %or3A_151 = arith.ori %or3A_144, %get3A_150 : vector<8x48x64xi8>
    %get3A_152 = arith.constant 8 : index
    %get3A_153 = arith.constant 0 : index
    %get3A_154 = arith.constant 0 : index
    %get3A_155 = arith.constant 0 : index
    %get3A_156 = vector.load %arg3[%get3A_152, %get3A_153, %get3A_154, %get3A_155] : memref<50x8x48x64xi8, #tpu.memory_space<vmem>>, vector<1x8x48x64xi8>
    %get3A_157 = vector.shape_cast %get3A_156 : vector<1x8x48x64xi8> to vector<8x48x64xi8>
    %or3A_158 = arith.ori %or3A_151, %get3A_157 : vector<8x48x64xi8>
    %get3A_159 = arith.constant 9 : index
    %get3A_160 = arith.constant 0 : index
    %get3A_161 = arith.constant 0 : index
    %get3A_162 = arith.constant 0 : index
    %get3A_163 = vector.load %arg3[%get3A_159, %get3A_160, %get3A_161, %get3A_162] : memref<50x8x48x64xi8, #tpu.memory_space<vmem>>, vector<1x8x48x64xi8>
    %get3A_164 = vector.shape_cast %get3A_163 : vector<1x8x48x64xi8> to vector<8x48x64xi8>
    %or3A_165 = arith.ori %or3A_158, %get3A_164 : vector<8x48x64xi8>
    %get3A_166 = arith.constant 10 : index
    %get3A_167 = arith.constant 0 : index
    %get3A_168 = arith.constant 0 : index
    %get3A_169 = arith.constant 0 : index
    %get3A_170 = vector.load %arg3[%get3A_166, %get3A_167, %get3A_168, %get3A_169] : memref<50x8x48x64xi8, #tpu.memory_space<vmem>>, vector<1x8x48x64xi8>
    %get3A_171 = vector.shape_cast %get3A_170 : vector<1x8x48x64xi8> to vector<8x48x64xi8>
    %or3A_172 = arith.ori %or3A_165, %get3A_171 : vector<8x48x64xi8>
    %get3A_173 = arith.constant 11 : index
    %get3A_174 = arith.constant 0 : index
    %get3A_175 = arith.constant 0 : index
    %get3A_176 = arith.constant 0 : index
    %get3A_177 = vector.load %arg3[%get3A_173, %get3A_174, %get3A_175, %get3A_176] : memref<50x8x48x64xi8, #tpu.memory_space<vmem>>, vector<1x8x48x64xi8>
    %get3A_178 = vector.shape_cast %get3A_177 : vector<1x8x48x64xi8> to vector<8x48x64xi8>
    %or3A_179 = arith.ori %or3A_172, %get3A_178 : vector<8x48x64xi8>
    %get3A_180 = arith.constant 12 : index
    %get3A_181 = arith.constant 0 : index
    %get3A_182 = arith.constant 0 : index
    %get3A_183 = arith.constant 0 : index
    %get3A_184 = vector.load %arg3[%get3A_180, %get3A_181, %get3A_182, %get3A_183] : memref<50x8x48x64xi8, #tpu.memory_space<vmem>>, vector<1x8x48x64xi8>
    %get3A_185 = vector.shape_cast %get3A_184 : vector<1x8x48x64xi8> to vector<8x48x64xi8>
    %or3A_186 = arith.ori %or3A_179, %get3A_185 : vector<8x48x64xi8>
    %get3A_187 = arith.constant 13 : index
    %get3A_188 = arith.constant 0 : index
    %get3A_189 = arith.constant 0 : index
    %get3A_190 = arith.constant 0 : index
    %get3A_191 = vector.load %arg3[%get3A_187, %get3A_188, %get3A_189, %get3A_190] : memref<50x8x48x64xi8, #tpu.memory_space<vmem>>, vector<1x8x48x64xi8>
    %get3A_192 = vector.shape_cast %get3A_191 : vector<1x8x48x64xi8> to vector<8x48x64xi8>
    %or3A_193 = arith.ori %or3A_186, %get3A_192 : vector<8x48x64xi8>
    %get3A_194 = arith.constant 14 : index
    %get3A_195 = arith.constant 0 : index
    %get3A_196 = arith.constant 0 : index
    %get3A_197 = arith.constant 0 : index
    %get3A_198 = vector.load %arg3[%get3A_194, %get3A_195, %get3A_196, %get3A_197] : memref<50x8x48x64xi8, #tpu.memory_space<vmem>>, vector<1x8x48x64xi8>
    %get3A_199 = vector.shape_cast %get3A_198 : vector<1x8x48x64xi8> to vector<8x48x64xi8>
    %or3A_200 = arith.ori %or3A_193, %get3A_199 : vector<8x48x64xi8>
    %get3A_201 = arith.constant 15 : index
    %get3A_202 = arith.constant 0 : index
    %get3A_203 = arith.constant 0 : index
    %get3A_204 = arith.constant 0 : index
    %get3A_205 = vector.load %arg3[%get3A_201, %get3A_202, %get3A_203, %get3A_204] : memref<50x8x48x64xi8, #tpu.memory_space<vmem>>, vector<1x8x48x64xi8>
    %get3A_206 = vector.shape_cast %get3A_205 : vector<1x8x48x64xi8> to vector<8x48x64xi8>
    %or3A_207 = arith.ori %or3A_200, %get3A_206 : vector<8x48x64xi8>
    %get3A_208 = arith.constant 16 : index
    %get3A_209 = arith.constant 0 : index
    %get3A_210 = arith.constant 0 : index
    %get3A_211 = arith.constant 0 : index
    %get3A_212 = vector.load %arg3[%get3A_208, %get3A_209, %get3A_210, %get3A_211] : memref<50x8x48x64xi8, #tpu.memory_space<vmem>>, vector<1x8x48x64xi8>
    %get3A_213 = vector.shape_cast %get3A_212 : vector<1x8x48x64xi8> to vector<8x48x64xi8>
    %or3A_214 = arith.ori %or3A_207, %get3A_213 : vector<8x48x64xi8>
    %get3A_215 = arith.constant 17 : index
    %get3A_216 = arith.constant 0 : index
    %get3A_217 = arith.constant 0 : index
    %get3A_218 = arith.constant 0 : index
    %get3A_219 = vector.load %arg3[%get3A_215, %get3A_216, %get3A_217, %get3A_218] : memref<50x8x48x64xi8, #tpu.memory_space<vmem>>, vector<1x8x48x64xi8>
    %get3A_220 = vector.shape_cast %get3A_219 : vector<1x8x48x64xi8> to vector<8x48x64xi8>
    %or3A_221 = arith.ori %or3A_214, %get3A_220 : vector<8x48x64xi8>
    %get3A_222 = arith.constant 18 : index
    %get3A_223 = arith.constant 0 : index
    %get3A_224 = arith.constant 0 : index
    %get3A_225 = arith.constant 0 : index
    %get3A_226 = vector.load %arg3[%get3A_222, %get3A_223, %get3A_224, %get3A_225] : memref<50x8x48x64xi8, #tpu.memory_space<vmem>>, vector<1x8x48x64xi8>
    %get3A_227 = vector.shape_cast %get3A_226 : vector<1x8x48x64xi8> to vector<8x48x64xi8>
    %or3A_228 = arith.ori %or3A_221, %get3A_227 : vector<8x48x64xi8>
    %get3A_229 = arith.constant 19 : index
    %get3A_230 = arith.constant 0 : index
    %get3A_231 = arith.constant 0 : index
    %get3A_232 = arith.constant 0 : index
    %get3A_233 = vector.load %arg3[%get3A_229, %get3A_230, %get3A_231, %get3A_232] : memref<50x8x48x64xi8, #tpu.memory_space<vmem>>, vector<1x8x48x64xi8>
    %get3A_234 = vector.shape_cast %get3A_233 : vector<1x8x48x64xi8> to vector<8x48x64xi8>
    %or3A_235 = arith.ori %or3A_228, %get3A_234 : vector<8x48x64xi8>
    %get3A_236 = arith.constant 20 : index
    %get3A_237 = arith.constant 0 : index
    %get3A_238 = arith.constant 0 : index
    %get3A_239 = arith.constant 0 : index
    %get3A_240 = vector.load %arg3[%get3A_236, %get3A_237, %get3A_238, %get3A_239] : memref<50x8x48x64xi8, #tpu.memory_space<vmem>>, vector<1x8x48x64xi8>
    %get3A_241 = vector.shape_cast %get3A_240 : vector<1x8x48x64xi8> to vector<8x48x64xi8>
    %or3A_242 = arith.ori %or3A_235, %get3A_241 : vector<8x48x64xi8>
    %get3A_243 = arith.constant 21 : index
    %get3A_244 = arith.constant 0 : index
    %get3A_245 = arith.constant 0 : index
    %get3A_246 = arith.constant 0 : index
    %get3A_247 = vector.load %arg3[%get3A_243, %get3A_244, %get3A_245, %get3A_246] : memref<50x8x48x64xi8, #tpu.memory_space<vmem>>, vector<1x8x48x64xi8>
    %get3A_248 = vector.shape_cast %get3A_247 : vector<1x8x48x64xi8> to vector<8x48x64xi8>
    %or3A_249 = arith.ori %or3A_242, %get3A_248 : vector<8x48x64xi8>
    %get3A_250 = arith.constant 22 : index
    %get3A_251 = arith.constant 0 : index
    %get3A_252 = arith.constant 0 : index
    %get3A_253 = arith.constant 0 : index
    %get3A_254 = vector.load %arg3[%get3A_250, %get3A_251, %get3A_252, %get3A_253] : memref<50x8x48x64xi8, #tpu.memory_space<vmem>>, vector<1x8x48x64xi8>
    %get3A_255 = vector.shape_cast %get3A_254 : vector<1x8x48x64xi8> to vector<8x48x64xi8>
    %or3A_256 = arith.ori %or3A_249, %get3A_255 : vector<8x48x64xi8>
    %get3A_257 = arith.constant 23 : index
    %get3A_258 = arith.constant 0 : index
    %get3A_259 = arith.constant 0 : index
    %get3A_260 = arith.constant 0 : index
    %get3A_261 = vector.load %arg3[%get3A_257, %get3A_258, %get3A_259, %get3A_260] : memref<50x8x48x64xi8, #tpu.memory_space<vmem>>, vector<1x8x48x64xi8>
    %get3A_262 = vector.shape_cast %get3A_261 : vector<1x8x48x64xi8> to vector<8x48x64xi8>
    %or3A_263 = arith.ori %or3A_256, %get3A_262 : vector<8x48x64xi8>
    %get3A_264 = arith.constant 24 : index
    %get3A_265 = arith.constant 0 : index
    %get3A_266 = arith.constant 0 : index
    %get3A_267 = arith.constant 0 : index
    %get3A_268 = vector.load %arg3[%get3A_264, %get3A_265, %get3A_266, %get3A_267] : memref<50x8x48x64xi8, #tpu.memory_space<vmem>>, vector<1x8x48x64xi8>
    %get3A_269 = vector.shape_cast %get3A_268 : vector<1x8x48x64xi8> to vector<8x48x64xi8>
    %or3A_270 = arith.ori %or3A_263, %get3A_269 : vector<8x48x64xi8>
    %get3A_271 = arith.constant 25 : index
    %get3A_272 = arith.constant 0 : index
    %get3A_273 = arith.constant 0 : index
    %get3A_274 = arith.constant 0 : index
    %get3A_275 = vector.load %arg3[%get3A_271, %get3A_272, %get3A_273, %get3A_274] : memref<50x8x48x64xi8, #tpu.memory_space<vmem>>, vector<1x8x48x64xi8>
    %get3A_276 = vector.shape_cast %get3A_275 : vector<1x8x48x64xi8> to vector<8x48x64xi8>
    %or3A_277 = arith.ori %or3A_270, %get3A_276 : vector<8x48x64xi8>
    %get3A_278 = arith.constant 26 : index
    %get3A_279 = arith.constant 0 : index
    %get3A_280 = arith.constant 0 : index
    %get3A_281 = arith.constant 0 : index
    %get3A_282 = vector.load %arg3[%get3A_278, %get3A_279, %get3A_280, %get3A_281] : memref<50x8x48x64xi8, #tpu.memory_space<vmem>>, vector<1x8x48x64xi8>
    %get3A_283 = vector.shape_cast %get3A_282 : vector<1x8x48x64xi8> to vector<8x48x64xi8>
    %or3A_284 = arith.ori %or3A_277, %get3A_283 : vector<8x48x64xi8>
    %get3A_285 = arith.constant 27 : index
    %get3A_286 = arith.constant 0 : index
    %get3A_287 = arith.constant 0 : index
    %get3A_288 = arith.constant 0 : index
    %get3A_289 = vector.load %arg3[%get3A_285, %get3A_286, %get3A_287, %get3A_288] : memref<50x8x48x64xi8, #tpu.memory_space<vmem>>, vector<1x8x48x64xi8>
    %get3A_290 = vector.shape_cast %get3A_289 : vector<1x8x48x64xi8> to vector<8x48x64xi8>
    %or3A_291 = arith.ori %or3A_284, %get3A_290 : vector<8x48x64xi8>
    %get3A_292 = arith.constant 28 : index
    %get3A_293 = arith.constant 0 : index
    %get3A_294 = arith.constant 0 : index
    %get3A_295 = arith.constant 0 : index
    %get3A_296 = vector.load %arg3[%get3A_292, %get3A_293, %get3A_294, %get3A_295] : memref<50x8x48x64xi8, #tpu.memory_space<vmem>>, vector<1x8x48x64xi8>
    %get3A_297 = vector.shape_cast %get3A_296 : vector<1x8x48x64xi8> to vector<8x48x64xi8>
    %or3A_298 = arith.ori %or3A_291, %get3A_297 : vector<8x48x64xi8>
    %get3A_299 = arith.constant 29 : index
    %get3A_300 = arith.constant 0 : index
    %get3A_301 = arith.constant 0 : index
    %get3A_302 = arith.constant 0 : index
    %get3A_303 = vector.load %arg3[%get3A_299, %get3A_300, %get3A_301, %get3A_302] : memref<50x8x48x64xi8, #tpu.memory_space<vmem>>, vector<1x8x48x64xi8>
    %get3A_304 = vector.shape_cast %get3A_303 : vector<1x8x48x64xi8> to vector<8x48x64xi8>
    %or3A_305 = arith.ori %or3A_298, %get3A_304 : vector<8x48x64xi8>
    %get3A_306 = arith.constant 30 : index
    %get3A_307 = arith.constant 0 : index
    %get3A_308 = arith.constant 0 : index
    %get3A_309 = arith.constant 0 : index
    %get3A_310 = vector.load %arg3[%get3A_306, %get3A_307, %get3A_308, %get3A_309] : memref<50x8x48x64xi8, #tpu.memory_space<vmem>>, vector<1x8x48x64xi8>
    %get3A_311 = vector.shape_cast %get3A_310 : vector<1x8x48x64xi8> to vector<8x48x64xi8>
    %or3A_312 = arith.ori %or3A_305, %get3A_311 : vector<8x48x64xi8>
    %get3A_313 = arith.constant 31 : index
    %get3A_314 = arith.constant 0 : index
    %get3A_315 = arith.constant 0 : index
    %get3A_316 = arith.constant 0 : index
    %get3A_317 = vector.load %arg3[%get3A_313, %get3A_314, %get3A_315, %get3A_316] : memref<50x8x48x64xi8, #tpu.memory_space<vmem>>, vector<1x8x48x64xi8>
    %get3A_318 = vector.shape_cast %get3A_317 : vector<1x8x48x64xi8> to vector<8x48x64xi8>
    %or3A_319 = arith.ori %or3A_312, %get3A_318 : vector<8x48x64xi8>
    %get3A_320 = arith.constant 32 : index
    %get3A_321 = arith.constant 0 : index
    %get3A_322 = arith.constant 0 : index
    %get3A_323 = arith.constant 0 : index
    %get3A_324 = vector.load %arg3[%get3A_320, %get3A_321, %get3A_322, %get3A_323] : memref<50x8x48x64xi8, #tpu.memory_space<vmem>>, vector<1x8x48x64xi8>
    %get3A_325 = vector.shape_cast %get3A_324 : vector<1x8x48x64xi8> to vector<8x48x64xi8>
    %or3A_326 = arith.ori %or3A_319, %get3A_325 : vector<8x48x64xi8>
    %get3A_327 = arith.constant 33 : index
    %get3A_328 = arith.constant 0 : index
    %get3A_329 = arith.constant 0 : index
    %get3A_330 = arith.constant 0 : index
    %get3A_331 = vector.load %arg3[%get3A_327, %get3A_328, %get3A_329, %get3A_330] : memref<50x8x48x64xi8, #tpu.memory_space<vmem>>, vector<1x8x48x64xi8>
    %get3A_332 = vector.shape_cast %get3A_331 : vector<1x8x48x64xi8> to vector<8x48x64xi8>
    %or3A_333 = arith.ori %or3A_326, %get3A_332 : vector<8x48x64xi8>
    %get3A_334 = arith.constant 34 : index
    %get3A_335 = arith.constant 0 : index
    %get3A_336 = arith.constant 0 : index
    %get3A_337 = arith.constant 0 : index
    %get3A_338 = vector.load %arg3[%get3A_334, %get3A_335, %get3A_336, %get3A_337] : memref<50x8x48x64xi8, #tpu.memory_space<vmem>>, vector<1x8x48x64xi8>
    %get3A_339 = vector.shape_cast %get3A_338 : vector<1x8x48x64xi8> to vector<8x48x64xi8>
    %or3A_340 = arith.ori %or3A_333, %get3A_339 : vector<8x48x64xi8>
    %get3A_341 = arith.constant 35 : index
    %get3A_342 = arith.constant 0 : index
    %get3A_343 = arith.constant 0 : index
    %get3A_344 = arith.constant 0 : index
    %get3A_345 = vector.load %arg3[%get3A_341, %get3A_342, %get3A_343, %get3A_344] : memref<50x8x48x64xi8, #tpu.memory_space<vmem>>, vector<1x8x48x64xi8>
    %get3A_346 = vector.shape_cast %get3A_345 : vector<1x8x48x64xi8> to vector<8x48x64xi8>
    %or3A_347 = arith.ori %or3A_340, %get3A_346 : vector<8x48x64xi8>
    %get3A_348 = arith.constant 36 : index
    %get3A_349 = arith.constant 0 : index
    %get3A_350 = arith.constant 0 : index
    %get3A_351 = arith.constant 0 : index
    %get3A_352 = vector.load %arg3[%get3A_348, %get3A_349, %get3A_350, %get3A_351] : memref<50x8x48x64xi8, #tpu.memory_space<vmem>>, vector<1x8x48x64xi8>
    %get3A_353 = vector.shape_cast %get3A_352 : vector<1x8x48x64xi8> to vector<8x48x64xi8>
    %or3A_354 = arith.ori %or3A_347, %get3A_353 : vector<8x48x64xi8>
    %get3A_355 = arith.constant 37 : index
    %get3A_356 = arith.constant 0 : index
    %get3A_357 = arith.constant 0 : index
    %get3A_358 = arith.constant 0 : index
    %get3A_359 = vector.load %arg3[%get3A_355, %get3A_356, %get3A_357, %get3A_358] : memref<50x8x48x64xi8, #tpu.memory_space<vmem>>, vector<1x8x48x64xi8>
    %get3A_360 = vector.shape_cast %get3A_359 : vector<1x8x48x64xi8> to vector<8x48x64xi8>
    %or3A_361 = arith.ori %or3A_354, %get3A_360 : vector<8x48x64xi8>
    %get3A_362 = arith.constant 38 : index
    %get3A_363 = arith.constant 0 : index
    %get3A_364 = arith.constant 0 : index
    %get3A_365 = arith.constant 0 : index
    %get3A_366 = vector.load %arg3[%get3A_362, %get3A_363, %get3A_364, %get3A_365] : memref<50x8x48x64xi8, #tpu.memory_space<vmem>>, vector<1x8x48x64xi8>
    %get3A_367 = vector.shape_cast %get3A_366 : vector<1x8x48x64xi8> to vector<8x48x64xi8>
    %or3A_368 = arith.ori %or3A_361, %get3A_367 : vector<8x48x64xi8>
    %get3A_369 = arith.constant 39 : index
    %get3A_370 = arith.constant 0 : index
    %get3A_371 = arith.constant 0 : index
    %get3A_372 = arith.constant 0 : index
    %get3A_373 = vector.load %arg3[%get3A_369, %get3A_370, %get3A_371, %get3A_372] : memref<50x8x48x64xi8, #tpu.memory_space<vmem>>, vector<1x8x48x64xi8>
    %get3A_374 = vector.shape_cast %get3A_373 : vector<1x8x48x64xi8> to vector<8x48x64xi8>
    %or3A_375 = arith.ori %or3A_368, %get3A_374 : vector<8x48x64xi8>
    %get3A_376 = arith.constant 40 : index
    %get3A_377 = arith.constant 0 : index
    %get3A_378 = arith.constant 0 : index
    %get3A_379 = arith.constant 0 : index
    %get3A_380 = vector.load %arg3[%get3A_376, %get3A_377, %get3A_378, %get3A_379] : memref<50x8x48x64xi8, #tpu.memory_space<vmem>>, vector<1x8x48x64xi8>
    %get3A_381 = vector.shape_cast %get3A_380 : vector<1x8x48x64xi8> to vector<8x48x64xi8>
    %or3A_382 = arith.ori %or3A_375, %get3A_381 : vector<8x48x64xi8>
    %get3A_383 = arith.constant 41 : index
    %get3A_384 = arith.constant 0 : index
    %get3A_385 = arith.constant 0 : index
    %get3A_386 = arith.constant 0 : index
    %get3A_387 = vector.load %arg3[%get3A_383, %get3A_384, %get3A_385, %get3A_386] : memref<50x8x48x64xi8, #tpu.memory_space<vmem>>, vector<1x8x48x64xi8>
    %get3A_388 = vector.shape_cast %get3A_387 : vector<1x8x48x64xi8> to vector<8x48x64xi8>
    %or3A_389 = arith.ori %or3A_382, %get3A_388 : vector<8x48x64xi8>
    %get3A_390 = arith.constant 42 : index
    %get3A_391 = arith.constant 0 : index
    %get3A_392 = arith.constant 0 : index
    %get3A_393 = arith.constant 0 : index
    %get3A_394 = vector.load %arg3[%get3A_390, %get3A_391, %get3A_392, %get3A_393] : memref<50x8x48x64xi8, #tpu.memory_space<vmem>>, vector<1x8x48x64xi8>
    %get3A_395 = vector.shape_cast %get3A_394 : vector<1x8x48x64xi8> to vector<8x48x64xi8>
    %or3A_396 = arith.ori %or3A_389, %get3A_395 : vector<8x48x64xi8>
    %get3A_397 = arith.constant 43 : index
    %get3A_398 = arith.constant 0 : index
    %get3A_399 = arith.constant 0 : index
    %get3A_400 = arith.constant 0 : index
    %get3A_401 = vector.load %arg3[%get3A_397, %get3A_398, %get3A_399, %get3A_400] : memref<50x8x48x64xi8, #tpu.memory_space<vmem>>, vector<1x8x48x64xi8>
    %get3A_402 = vector.shape_cast %get3A_401 : vector<1x8x48x64xi8> to vector<8x48x64xi8>
    %or3A_403 = arith.ori %or3A_396, %get3A_402 : vector<8x48x64xi8>
    %get3A_404 = arith.constant 44 : index
    %get3A_405 = arith.constant 0 : index
    %get3A_406 = arith.constant 0 : index
    %get3A_407 = arith.constant 0 : index
    %get3A_408 = vector.load %arg3[%get3A_404, %get3A_405, %get3A_406, %get3A_407] : memref<50x8x48x64xi8, #tpu.memory_space<vmem>>, vector<1x8x48x64xi8>
    %get3A_409 = vector.shape_cast %get3A_408 : vector<1x8x48x64xi8> to vector<8x48x64xi8>
    %or3A_410 = arith.ori %or3A_403, %get3A_409 : vector<8x48x64xi8>
    %get3A_411 = arith.constant 45 : index
    %get3A_412 = arith.constant 0 : index
    %get3A_413 = arith.constant 0 : index
    %get3A_414 = arith.constant 0 : index
    %get3A_415 = vector.load %arg3[%get3A_411, %get3A_412, %get3A_413, %get3A_414] : memref<50x8x48x64xi8, #tpu.memory_space<vmem>>, vector<1x8x48x64xi8>
    %get3A_416 = vector.shape_cast %get3A_415 : vector<1x8x48x64xi8> to vector<8x48x64xi8>
    %or3A_417 = arith.ori %or3A_410, %get3A_416 : vector<8x48x64xi8>
    %get3A_418 = arith.constant 46 : index
    %get3A_419 = arith.constant 0 : index
    %get3A_420 = arith.constant 0 : index
    %get3A_421 = arith.constant 0 : index
    %get3A_422 = vector.load %arg3[%get3A_418, %get3A_419, %get3A_420, %get3A_421] : memref<50x8x48x64xi8, #tpu.memory_space<vmem>>, vector<1x8x48x64xi8>
    %get3A_423 = vector.shape_cast %get3A_422 : vector<1x8x48x64xi8> to vector<8x48x64xi8>
    %or3A_424 = arith.ori %or3A_417, %get3A_423 : vector<8x48x64xi8>
    %get3A_425 = arith.constant 47 : index
    %get3A_426 = arith.constant 0 : index
    %get3A_427 = arith.constant 0 : index
    %get3A_428 = arith.constant 0 : index
    %get3A_429 = vector.load %arg3[%get3A_425, %get3A_426, %get3A_427, %get3A_428] : memref<50x8x48x64xi8, #tpu.memory_space<vmem>>, vector<1x8x48x64xi8>
    %get3A_430 = vector.shape_cast %get3A_429 : vector<1x8x48x64xi8> to vector<8x48x64xi8>
    %or3A_431 = arith.ori %or3A_424, %get3A_430 : vector<8x48x64xi8>
    %get3A_432 = arith.constant 48 : index
    %get3A_433 = arith.constant 0 : index
    %get3A_434 = arith.constant 0 : index
    %get3A_435 = arith.constant 0 : index
    %get3A_436 = vector.load %arg3[%get3A_432, %get3A_433, %get3A_434, %get3A_435] : memref<50x8x48x64xi8, #tpu.memory_space<vmem>>, vector<1x8x48x64xi8>
    %get3A_437 = vector.shape_cast %get3A_436 : vector<1x8x48x64xi8> to vector<8x48x64xi8>
    %or3A_438 = arith.ori %or3A_431, %get3A_437 : vector<8x48x64xi8>
    %get3A_439 = arith.constant 49 : index
    %get3A_440 = arith.constant 0 : index
    %get3A_441 = arith.constant 0 : index
    %get3A_442 = arith.constant 0 : index
    %get3A_443 = vector.load %arg3[%get3A_439, %get3A_440, %get3A_441, %get3A_442] : memref<50x8x48x64xi8, #tpu.memory_space<vmem>>, vector<1x8x48x64xi8>
    %get3A_444 = vector.shape_cast %get3A_443 : vector<1x8x48x64xi8> to vector<8x48x64xi8>
    %or3A_445 = arith.ori %or3A_438, %get3A_444 : vector<8x48x64xi8>
    %or3A_446 = arith.ori %or3A_96, %or3A_445 : vector<8x48x64xi8>
    %get3A_447 = arith.constant 0 : index
    %get3A_448 = arith.constant 0 : index
    %get3A_449 = arith.constant 0 : index
    %get3A_450 = arith.constant 0 : index
    %get3A_451 = vector.load %arg4[%get3A_447, %get3A_448, %get3A_449, %get3A_450] : memref<10x8x48x64xi8, #tpu.memory_space<vmem>>, vector<1x8x48x64xi8>
    %get3A_452 = vector.shape_cast %get3A_451 : vector<1x8x48x64xi8> to vector<8x48x64xi8>
    %get3A_453 = arith.constant 1 : index
    %get3A_454 = arith.constant 0 : index
    %get3A_455 = arith.constant 0 : index
    %get3A_456 = arith.constant 0 : index
    %get3A_457 = vector.load %arg4[%get3A_453, %get3A_454, %get3A_455, %get3A_456] : memref<10x8x48x64xi8, #tpu.memory_space<vmem>>, vector<1x8x48x64xi8>
    %get3A_458 = vector.shape_cast %get3A_457 : vector<1x8x48x64xi8> to vector<8x48x64xi8>
    %or3A_459 = arith.ori %get3A_452, %get3A_458 : vector<8x48x64xi8>
    %get3A_460 = arith.constant 2 : index
    %get3A_461 = arith.constant 0 : index
    %get3A_462 = arith.constant 0 : index
    %get3A_463 = arith.constant 0 : index
    %get3A_464 = vector.load %arg4[%get3A_460, %get3A_461, %get3A_462, %get3A_463] : memref<10x8x48x64xi8, #tpu.memory_space<vmem>>, vector<1x8x48x64xi8>
    %get3A_465 = vector.shape_cast %get3A_464 : vector<1x8x48x64xi8> to vector<8x48x64xi8>
    %or3A_466 = arith.ori %or3A_459, %get3A_465 : vector<8x48x64xi8>
    %get3A_467 = arith.constant 3 : index
    %get3A_468 = arith.constant 0 : index
    %get3A_469 = arith.constant 0 : index
    %get3A_470 = arith.constant 0 : index
    %get3A_471 = vector.load %arg4[%get3A_467, %get3A_468, %get3A_469, %get3A_470] : memref<10x8x48x64xi8, #tpu.memory_space<vmem>>, vector<1x8x48x64xi8>
    %get3A_472 = vector.shape_cast %get3A_471 : vector<1x8x48x64xi8> to vector<8x48x64xi8>
    %or3A_473 = arith.ori %or3A_466, %get3A_472 : vector<8x48x64xi8>
    %get3A_474 = arith.constant 4 : index
    %get3A_475 = arith.constant 0 : index
    %get3A_476 = arith.constant 0 : index
    %get3A_477 = arith.constant 0 : index
    %get3A_478 = vector.load %arg4[%get3A_474, %get3A_475, %get3A_476, %get3A_477] : memref<10x8x48x64xi8, #tpu.memory_space<vmem>>, vector<1x8x48x64xi8>
    %get3A_479 = vector.shape_cast %get3A_478 : vector<1x8x48x64xi8> to vector<8x48x64xi8>
    %or3A_480 = arith.ori %or3A_473, %get3A_479 : vector<8x48x64xi8>
    %get3A_481 = arith.constant 5 : index
    %get3A_482 = arith.constant 0 : index
    %get3A_483 = arith.constant 0 : index
    %get3A_484 = arith.constant 0 : index
    %get3A_485 = vector.load %arg4[%get3A_481, %get3A_482, %get3A_483, %get3A_484] : memref<10x8x48x64xi8, #tpu.memory_space<vmem>>, vector<1x8x48x64xi8>
    %get3A_486 = vector.shape_cast %get3A_485 : vector<1x8x48x64xi8> to vector<8x48x64xi8>
    %or3A_487 = arith.ori %or3A_480, %get3A_486 : vector<8x48x64xi8>
    %get3A_488 = arith.constant 6 : index
    %get3A_489 = arith.constant 0 : index
    %get3A_490 = arith.constant 0 : index
    %get3A_491 = arith.constant 0 : index
    %get3A_492 = vector.load %arg4[%get3A_488, %get3A_489, %get3A_490, %get3A_491] : memref<10x8x48x64xi8, #tpu.memory_space<vmem>>, vector<1x8x48x64xi8>
    %get3A_493 = vector.shape_cast %get3A_492 : vector<1x8x48x64xi8> to vector<8x48x64xi8>
    %or3A_494 = arith.ori %or3A_487, %get3A_493 : vector<8x48x64xi8>
    %get3A_495 = arith.constant 7 : index
    %get3A_496 = arith.constant 0 : index
    %get3A_497 = arith.constant 0 : index
    %get3A_498 = arith.constant 0 : index
    %get3A_499 = vector.load %arg4[%get3A_495, %get3A_496, %get3A_497, %get3A_498] : memref<10x8x48x64xi8, #tpu.memory_space<vmem>>, vector<1x8x48x64xi8>
    %get3A_500 = vector.shape_cast %get3A_499 : vector<1x8x48x64xi8> to vector<8x48x64xi8>
    %or3A_501 = arith.ori %or3A_494, %get3A_500 : vector<8x48x64xi8>
    %get3A_502 = arith.constant 8 : index
    %get3A_503 = arith.constant 0 : index
    %get3A_504 = arith.constant 0 : index
    %get3A_505 = arith.constant 0 : index
    %get3A_506 = vector.load %arg4[%get3A_502, %get3A_503, %get3A_504, %get3A_505] : memref<10x8x48x64xi8, #tpu.memory_space<vmem>>, vector<1x8x48x64xi8>
    %get3A_507 = vector.shape_cast %get3A_506 : vector<1x8x48x64xi8> to vector<8x48x64xi8>
    %or3A_508 = arith.ori %or3A_501, %get3A_507 : vector<8x48x64xi8>
    %get3A_509 = arith.constant 9 : index
    %get3A_510 = arith.constant 0 : index
    %get3A_511 = arith.constant 0 : index
    %get3A_512 = arith.constant 0 : index
    %get3A_513 = vector.load %arg4[%get3A_509, %get3A_510, %get3A_511, %get3A_512] : memref<10x8x48x64xi8, #tpu.memory_space<vmem>>, vector<1x8x48x64xi8>
    %get3A_514 = vector.shape_cast %get3A_513 : vector<1x8x48x64xi8> to vector<8x48x64xi8>
    %or3A_515 = arith.ori %or3A_508, %get3A_514 : vector<8x48x64xi8>
    %or3A_516 = arith.ori %or3A_446, %or3A_515 : vector<8x48x64xi8>
    %get3A_517 = arith.constant 0 : index
    %get3A_518 = arith.constant 0 : index
    %get3A_519 = arith.constant 0 : index
    %get3A_520 = arith.constant 0 : index
    %get3A_521 = vector.load %arg5[%get3A_517, %get3A_518, %get3A_519, %get3A_520] : memref<2x8x48x64xi8, #tpu.memory_space<vmem>>, vector<1x8x48x64xi8>
    %get3A_522 = vector.shape_cast %get3A_521 : vector<1x8x48x64xi8> to vector<8x48x64xi8>
    %get3A_523 = arith.constant 1 : index
    %get3A_524 = arith.constant 0 : index
    %get3A_525 = arith.constant 0 : index
    %get3A_526 = arith.constant 0 : index
    %get3A_527 = vector.load %arg5[%get3A_523, %get3A_524, %get3A_525, %get3A_526] : memref<2x8x48x64xi8, #tpu.memory_space<vmem>>, vector<1x8x48x64xi8>
    %get3A_528 = vector.shape_cast %get3A_527 : vector<1x8x48x64xi8> to vector<8x48x64xi8>
    %or3A_529 = arith.ori %get3A_522, %get3A_528 : vector<8x48x64xi8>
    %or3A_530 = arith.ori %or3A_516, %or3A_529 : vector<8x48x64xi8>
    %get3A_531 = arith.constant 0 : index
    %get3A_532 = arith.constant 0 : index
    %get3A_533 = arith.constant 0 : index
    %get3A_534 = arith.constant 0 : index
    %get3A_535 = vector.load %arg6[%get3A_531, %get3A_532, %get3A_533, %get3A_534] : memref<2x8x48x64xi8, #tpu.memory_space<vmem>>, vector<1x8x48x64xi8>
    %get3A_536 = vector.shape_cast %get3A_535 : vector<1x8x48x64xi8> to vector<8x48x64xi8>
    %get3A_537 = arith.constant 1 : index
    %get3A_538 = arith.constant 0 : index
    %get3A_539 = arith.constant 0 : index
    %get3A_540 = arith.constant 0 : index
    %get3A_541 = vector.load %arg6[%get3A_537, %get3A_538, %get3A_539, %get3A_540] : memref<2x8x48x64xi8, #tpu.memory_space<vmem>>, vector<1x8x48x64xi8>
    %get3A_542 = vector.shape_cast %get3A_541 : vector<1x8x48x64xi8> to vector<8x48x64xi8>
    %or3A_543 = arith.ori %get3A_536, %get3A_542 : vector<8x48x64xi8>
    %or3A_544 = arith.ori %or3A_530, %or3A_543 : vector<8x48x64xi8>
    %get3A_545 = arith.constant 0 : index
    %get3A_546 = arith.constant 0 : index
    %get3A_547 = arith.constant 0 : index
    %get3A_548 = arith.constant 0 : index
    %get3A_549 = vector.load %arg7[%get3A_545, %get3A_546, %get3A_547, %get3A_548] : memref<2x8x48x64xi8, #tpu.memory_space<vmem>>, vector<1x8x48x64xi8>
    %get3A_550 = vector.shape_cast %get3A_549 : vector<1x8x48x64xi8> to vector<8x48x64xi8>
    %get3A_551 = arith.constant 1 : index
    %get3A_552 = arith.constant 0 : index
    %get3A_553 = arith.constant 0 : index
    %get3A_554 = arith.constant 0 : index
    %get3A_555 = vector.load %arg7[%get3A_551, %get3A_552, %get3A_553, %get3A_554] : memref<2x8x48x64xi8, #tpu.memory_space<vmem>>, vector<1x8x48x64xi8>
    %get3A_556 = vector.shape_cast %get3A_555 : vector<1x8x48x64xi8> to vector<8x48x64xi8>
    %or3A_557 = arith.ori %get3A_550, %get3A_556 : vector<8x48x64xi8>
    %or3A_558 = arith.ori %or3A_544, %or3A_557 : vector<8x48x64xi8>
    %get3A_559 = arith.constant 0 : index
    %get3A_560 = arith.constant 0 : index
    %get3A_561 = arith.constant 0 : index
    %get3A_562 = arith.constant 0 : index
    %get3A_563 = vector.load %arg8[%get3A_559, %get3A_560, %get3A_561, %get3A_562] : memref<1x8x48x64xi8, #tpu.memory_space<vmem>>, vector<1x8x48x64xi8>
    %get3A_564 = vector.shape_cast %get3A_563 : vector<1x8x48x64xi8> to vector<8x48x64xi8>
    %or3A_565 = arith.ori %or3A_558, %get3A_564 : vector<8x48x64xi8>
    %swap3A_566 = arith.constant 0 : index
    %swap3A_567 = arith.constant 0 : index
    %swap3A_568 = arith.constant 0 : index
    %swap3A_569 = vector.load %arg9[%swap3A_566, %swap3A_567, %swap3A_568] : memref<8x48x64xi8, #tpu.memory_space<vmem>>, vector<8x48x64xi8>
    tpu.vector_store %arg9[%swap3A_566, %swap3A_567, %swap3A_568], %or3A_565 {strides = array<i32>} : memref<8x48x64xi8, #tpu.memory_space<vmem>>, vector<8x48x64xi8>,
    return
  }
  func.func @transform_0(%arg0: i32) -> (i32, i32, i32, i32) {
    %c0_i32 = arith.constant 0 : i32
    %c0_i32_0 = arith.constant 0 : i32
    %c0_i32_1 = arith.constant 0 : i32
    %c0_i32_2 = arith.constant 0 : i32
    return %c0_i32, %arg0, %c0_i32_0, %c0_i32_1 : i32, i32, i32, i32
  }
  func.func @transform_1(%arg0: i32) -> (i32, i32, i32, i32) {
    %c0_i32 = arith.constant 0 : i32
    %c0_i32_0 = arith.constant 0 : i32
    %c0_i32_1 = arith.constant 0 : i32
    %c0_i32_2 = arith.constant 0 : i32
    return %c0_i32, %arg0, %c0_i32_0, %c0_i32_1 : i32, i32, i32, i32
  }
  func.func @transform_2(%arg0: i32) -> (i32, i32, i32, i32) {
    %c0_i32 = arith.constant 0 : i32
    %c0_i32_0 = arith.constant 0 : i32
    %c0_i32_1 = arith.constant 0 : i32
    %c0_i32_2 = arith.constant 0 : i32
    return %c0_i32, %arg0, %c0_i32_0, %c0_i32_1 : i32, i32, i32, i32
  }
  func.func @transform_3(%arg0: i32) -> (i32, i32, i32, i32) {
    %c0_i32 = arith.constant 0 : i32
    %c0_i32_0 = arith.constant 0 : i32
    %c0_i32_1 = arith.constant 0 : i32
    %c0_i32_2 = arith.constant 0 : i32
    return %c0_i32, %arg0, %c0_i32_0, %c0_i32_1 : i32, i32, i32, i32
  }
  func.func @transform_4(%arg0: i32) -> (i32, i32, i32, i32) {
    %c0_i32 = arith.constant 0 : i32
    %c0_i32_0 = arith.constant 0 : i32
    %c0_i32_1 = arith.constant 0 : i32
    %c0_i32_2 = arith.constant 0 : i32
    return %c0_i32, %arg0, %c0_i32_0, %c0_i32_1 : i32, i32, i32, i32
  }
  func.func @transform_5(%arg0: i32) -> (i32, i32, i32, i32) {
    %c0_i32 = arith.constant 0 : i32
    %c0_i32_0 = arith.constant 0 : i32
    %c0_i32_1 = arith.constant 0 : i32
    %c0_i32_2 = arith.constant 0 : i32
    return %c0_i32, %arg0, %c0_i32_0, %c0_i32_1 : i32, i32, i32, i32
  }
  func.func @transform_6(%arg0: i32) -> (i32, i32, i32, i32) {
    %c0_i32 = arith.constant 0 : i32
    %c0_i32_0 = arith.constant 0 : i32
    %c0_i32_1 = arith.constant 0 : i32
    %c0_i32_2 = arith.constant 0 : i32
    return %c0_i32, %arg0, %c0_i32_0, %c0_i32_1 : i32, i32, i32, i32
  }
  func.func @transform_7(%arg0: i32) -> (i32, i32, i32, i32) {
    %c0_i32 = arith.constant 0 : i32
    %c0_i32_0 = arith.constant 0 : i32
    %c0_i32_1 = arith.constant 0 : i32
    %c0_i32_2 = arith.constant 0 : i32
    return %c0_i32, %arg0, %c0_i32_0, %c0_i32_1 : i32, i32, i32, i32
  }
  func.func @transform_8(%arg0: i32) -> (i32, i32, i32) {
    %c0_i32 = arith.constant 0 : i32
    %c0_i32_0 = arith.constant 0 : i32
    %c0_i32_1 = arith.constant 0 : i32
    return %arg0, %c0_i32, %c0_i32_0 : i32, i32, i32
  }
  func.func @transform_9(%arg0: i32) -> (i32, i32, i32) {
    %c0_i32 = arith.constant 0 : i32
    %c0_i32_0 = arith.constant 0 : i32
    %c0_i32_1 = arith.constant 0 : i32
    return %arg0, %c0_i32, %c0_i32_0 : i32, i32, i32
  }
}

module attributes {stable_mosaic.version = 14 : i64} {
  func.func @_dense_body(%arg0: memref<2x64xf32, #tpu.memory_space<vmem>>, %arg1: memref<6x48x48x64xf32, #tpu.memory_space<vmem>>, %arg2: memref<6x48x48x64xf32, #tpu.memory_space<vmem>>, %arg3: memref<4x48x48x64xf32, #tpu.memory_space<vmem>>, %arg4: memref<2x48x48x64xf32, #tpu.memory_space<vmem>>, %arg5: memref<48x48x64xi8, #tpu.memory_space<vmem>>, %arg6: memref<48x48x64xi8, #tpu.memory_space<vmem>>, %arg7: memref<2x2xf32, #tpu.memory_space<smem>>, %arg8: memref<2xf32, #tpu.memory_space<smem>>, %arg9: memref<2x6xf32, #tpu.memory_space<smem>>, %arg10: memref<2xf32, #tpu.memory_space<smem>>, %arg11: memref<2x4xf32, #tpu.memory_space<smem>>, %arg12: memref<2xf32, #tpu.memory_space<smem>>, %arg13: memref<2x6xf32, #tpu.memory_space<smem>>, %arg14: memref<2xf32, #tpu.memory_space<smem>>, %arg15: memref<8x50xf32, #tpu.memory_space<smem>>, %arg16: memref<8xf32, #tpu.memory_space<smem>>, %arg17: memref<1x16xf32, #tpu.memory_space<smem>>, %arg18: memref<1xf32, #tpu.memory_space<smem>>, %arg19: memref<48x48x128xf32, #tpu.memory_space<vmem>>, %arg20: memref<48x48x128xf32, #tpu.memory_space<vmem>>, %arg21: memref<48x48x128xi32, #tpu.memory_space<vmem>>, %arg22: memref<48x48x128xi32, #tpu.memory_space<vmem>>, %arg23: memref<2x52x52x64xf32, #tpu.memory_space<vmem>>, %arg24: memref<2x52x52x128xf32, #tpu.memory_space<vmem>>, %arg25: memref<52x52x64xf32, #tpu.memory_space<vmem>>) attributes {dimension_semantics = [], scalar_prefetch = 0 : i64, scratch_operands = 3 : i64, tpu.core_type = #tpu.core_type<tc>} {
    %broadcast_in_dim3A = arith.constant 0.000000e+00 : f32
    %broadcast_in_dim3A_0 = vector.broadcast %broadcast_in_dim3A : f32 to vector<2x1x50x64xf32>
    %broadcast_in_dim3A_1 = arith.constant 0.000000e+00 : f32
    %broadcast_in_dim3A_2 = vector.broadcast %broadcast_in_dim3A_1 : f32 to vector<2x50x1x64xf32>
    %swap3A = arith.constant 0 : index
    %swap3A_3 = arith.constant 1 : index
    %swap3A_4 = arith.constant 1 : index
    %swap3A_5 = arith.constant 0 : index
    %swap3A_6 = vector.load %arg23[%swap3A, %swap3A_3, %swap3A_4, %swap3A_5] : memref<2x52x52x64xf32, #tpu.memory_space<vmem>>, vector<2x1x50x64xf32>
    tpu.vector_store %arg23[%swap3A, %swap3A_3, %swap3A_4, %swap3A_5], %broadcast_in_dim3A_0 {strides = array<i32>} : memref<2x52x52x64xf32, #tpu.memory_space<vmem>>, vector<2x1x50x64xf32>,
    %slice3A = vector.extract_strided_slice %broadcast_in_dim3A_0 {offsets = [0, 0, 0, 0], sizes = [1, 1, 50, 64], strides = [1, 1, 1, 1]} : vector<2x1x50x64xf32> to vector<1x1x50x64xf32>
    %squeeze3A = vector.shape_cast %slice3A : vector<1x1x50x64xf32> to vector<1x50x64xf32>
    %swap3A_7 = arith.constant 1 : index
    %swap3A_8 = arith.constant 1 : index
    %swap3A_9 = arith.constant 0 : index
    %swap3A_10 = vector.load %arg25[%swap3A_7, %swap3A_8, %swap3A_9] : memref<52x52x64xf32, #tpu.memory_space<vmem>>, vector<1x50x64xf32>
    tpu.vector_store %arg25[%swap3A_7, %swap3A_8, %swap3A_9], %squeeze3A {strides = array<i32>} : memref<52x52x64xf32, #tpu.memory_space<vmem>>, vector<1x50x64xf32>,
    %swap3A_11 = arith.constant 0 : index
    %swap3A_12 = arith.constant 50 : index
    %swap3A_13 = arith.constant 1 : index
    %swap3A_14 = arith.constant 0 : index
    %swap3A_15 = vector.load %arg23[%swap3A_11, %swap3A_12, %swap3A_13, %swap3A_14] : memref<2x52x52x64xf32, #tpu.memory_space<vmem>>, vector<2x1x50x64xf32>
    tpu.vector_store %arg23[%swap3A_11, %swap3A_12, %swap3A_13, %swap3A_14], %broadcast_in_dim3A_0 {strides = array<i32>} : memref<2x52x52x64xf32, #tpu.memory_space<vmem>>, vector<2x1x50x64xf32>,
    %slice3A_16 = vector.extract_strided_slice %broadcast_in_dim3A_0 {offsets = [0, 0, 0, 0], sizes = [1, 1, 50, 64], strides = [1, 1, 1, 1]} : vector<2x1x50x64xf32> to vector<1x1x50x64xf32>
    %squeeze3A_17 = vector.shape_cast %slice3A_16 : vector<1x1x50x64xf32> to vector<1x50x64xf32>
    %swap3A_18 = arith.constant 50 : index
    %swap3A_19 = arith.constant 1 : index
    %swap3A_20 = arith.constant 0 : index
    %swap3A_21 = vector.load %arg25[%swap3A_18, %swap3A_19, %swap3A_20] : memref<52x52x64xf32, #tpu.memory_space<vmem>>, vector<1x50x64xf32>
    tpu.vector_store %arg25[%swap3A_18, %swap3A_19, %swap3A_20], %squeeze3A_17 {strides = array<i32>} : memref<52x52x64xf32, #tpu.memory_space<vmem>>, vector<1x50x64xf32>,
    %swap3A_22 = arith.constant 0 : index
    %swap3A_23 = arith.constant 1 : index
    %swap3A_24 = arith.constant 1 : index
    %swap3A_25 = arith.constant 0 : index
    %swap3A_26 = vector.load %arg23[%swap3A_22, %swap3A_23, %swap3A_24, %swap3A_25] : memref<2x52x52x64xf32, #tpu.memory_space<vmem>>, vector<2x50x1x64xf32>
    tpu.vector_store %arg23[%swap3A_22, %swap3A_23, %swap3A_24, %swap3A_25], %broadcast_in_dim3A_2 {strides = array<i32>} : memref<2x52x52x64xf32, #tpu.memory_space<vmem>>, vector<2x50x1x64xf32>,
    %slice3A_27 = vector.extract_strided_slice %broadcast_in_dim3A_2 {offsets = [0, 0, 0, 0], sizes = [1, 50, 1, 64], strides = [1, 1, 1, 1]} : vector<2x50x1x64xf32> to vector<1x50x1x64xf32>
    %squeeze3A_28 = vector.shape_cast %slice3A_27 : vector<1x50x1x64xf32> to vector<50x1x64xf32>
    %swap3A_29 = arith.constant 1 : index
    %swap3A_30 = arith.constant 1 : index
    %swap3A_31 = arith.constant 0 : index
    %swap3A_32 = vector.load %arg25[%swap3A_29, %swap3A_30, %swap3A_31] : memref<52x52x64xf32, #tpu.memory_space<vmem>>, vector<50x1x64xf32>
    tpu.vector_store %arg25[%swap3A_29, %swap3A_30, %swap3A_31], %squeeze3A_28 {strides = array<i32>} : memref<52x52x64xf32, #tpu.memory_space<vmem>>, vector<50x1x64xf32>,
    %swap3A_33 = arith.constant 0 : index
    %swap3A_34 = arith.constant 1 : index
    %swap3A_35 = arith.constant 50 : index
    %swap3A_36 = arith.constant 0 : index
    %swap3A_37 = vector.load %arg23[%swap3A_33, %swap3A_34, %swap3A_35, %swap3A_36] : memref<2x52x52x64xf32, #tpu.memory_space<vmem>>, vector<2x50x1x64xf32>
    tpu.vector_store %arg23[%swap3A_33, %swap3A_34, %swap3A_35, %swap3A_36], %broadcast_in_dim3A_2 {strides = array<i32>} : memref<2x52x52x64xf32, #tpu.memory_space<vmem>>, vector<2x50x1x64xf32>,
    %slice3A_38 = vector.extract_strided_slice %broadcast_in_dim3A_2 {offsets = [0, 0, 0, 0], sizes = [1, 50, 1, 64], strides = [1, 1, 1, 1]} : vector<2x50x1x64xf32> to vector<1x50x1x64xf32>
    %squeeze3A_39 = vector.shape_cast %slice3A_38 : vector<1x50x1x64xf32> to vector<50x1x64xf32>
    %swap3A_40 = arith.constant 1 : index
    %swap3A_41 = arith.constant 50 : index
    %swap3A_42 = arith.constant 0 : index
    %swap3A_43 = vector.load %arg25[%swap3A_40, %swap3A_41, %swap3A_42] : memref<52x52x64xf32, #tpu.memory_space<vmem>>, vector<50x1x64xf32>
    tpu.vector_store %arg25[%swap3A_40, %swap3A_41, %swap3A_42], %squeeze3A_39 {strides = array<i32>} : memref<52x52x64xf32, #tpu.memory_space<vmem>>, vector<50x1x64xf32>,
    %broadcast_in_dim3A_44 = arith.constant 0.000000e+00 : f32
    %broadcast_in_dim3A_45 = vector.broadcast %broadcast_in_dim3A_44 : f32 to vector<2x52x52x128xf32>
    %swap3A_46 = arith.constant 0 : index
    %swap3A_47 = arith.constant 0 : index
    %swap3A_48 = arith.constant 0 : index
    %swap3A_49 = arith.constant 0 : index
    %swap3A_50 = vector.load %arg24[%swap3A_46, %swap3A_47, %swap3A_48, %swap3A_49] : memref<2x52x52x128xf32, #tpu.memory_space<vmem>>, vector<2x52x52x128xf32>
    tpu.vector_store %arg24[%swap3A_46, %swap3A_47, %swap3A_48, %swap3A_49], %broadcast_in_dim3A_45 {strides = array<i32>} : memref<2x52x52x128xf32, #tpu.memory_space<vmem>>, vector<2x52x52x128xf32>,
    %get3A = arith.constant 0 : index
    %get3A_51 = arith.constant 0 : index
    %get3A_52 = arith.constant 0 : index
    %get3A_53 = arith.constant 0 : index
    %get3A_54 = vector.load %arg1[%get3A, %get3A_51, %get3A_52, %get3A_53] : memref<6x48x48x64xf32, #tpu.memory_space<vmem>>, vector<1x48x48x64xf32>
    %get3A_55 = vector.shape_cast %get3A_54 : vector<1x48x48x64xf32> to vector<48x48x64xf32>
    %get3A_56 = arith.constant 0 : index
    %get3A_57 = arith.constant 0 : index
    %get3A_58 = memref.load %arg13[%get3A_56, %get3A_57] : memref<2x6xf32, #tpu.memory_space<smem>>
    %mul3A = vector.broadcast %get3A_58 : f32 to vector<48x48x64xf32>
    %mul3A_59 = arith.mulf %get3A_55, %mul3A : vector<48x48x64xf32>
    %get3A_60 = arith.constant 1 : index
    %get3A_61 = arith.constant 0 : index
    %get3A_62 = arith.constant 0 : index
    %get3A_63 = arith.constant 0 : index
    %get3A_64 = vector.load %arg1[%get3A_60, %get3A_61, %get3A_62, %get3A_63] : memref<6x48x48x64xf32, #tpu.memory_space<vmem>>, vector<1x48x48x64xf32>
    %get3A_65 = vector.shape_cast %get3A_64 : vector<1x48x48x64xf32> to vector<48x48x64xf32>
    %get3A_66 = arith.constant 0 : index
    %get3A_67 = arith.constant 1 : index
    %get3A_68 = memref.load %arg13[%get3A_66, %get3A_67] : memref<2x6xf32, #tpu.memory_space<smem>>
    %mul3A_69 = vector.broadcast %get3A_68 : f32 to vector<48x48x64xf32>
    %mul3A_70 = arith.mulf %get3A_65, %mul3A_69 : vector<48x48x64xf32>
    %add3A = arith.addf %mul3A_59, %mul3A_70 : vector<48x48x64xf32>
    %get3A_71 = arith.constant 2 : index
    %get3A_72 = arith.constant 0 : index
    %get3A_73 = arith.constant 0 : index
    %get3A_74 = arith.constant 0 : index
    %get3A_75 = vector.load %arg1[%get3A_71, %get3A_72, %get3A_73, %get3A_74] : memref<6x48x48x64xf32, #tpu.memory_space<vmem>>, vector<1x48x48x64xf32>
    %get3A_76 = vector.shape_cast %get3A_75 : vector<1x48x48x64xf32> to vector<48x48x64xf32>
    %get3A_77 = arith.constant 0 : index
    %get3A_78 = arith.constant 2 : index
    %get3A_79 = memref.load %arg13[%get3A_77, %get3A_78] : memref<2x6xf32, #tpu.memory_space<smem>>
    %mul3A_80 = vector.broadcast %get3A_79 : f32 to vector<48x48x64xf32>
    %mul3A_81 = arith.mulf %get3A_76, %mul3A_80 : vector<48x48x64xf32>
    %add3A_82 = arith.addf %add3A, %mul3A_81 : vector<48x48x64xf32>
    %get3A_83 = arith.constant 3 : index
    %get3A_84 = arith.constant 0 : index
    %get3A_85 = arith.constant 0 : index
    %get3A_86 = arith.constant 0 : index
    %get3A_87 = vector.load %arg1[%get3A_83, %get3A_84, %get3A_85, %get3A_86] : memref<6x48x48x64xf32, #tpu.memory_space<vmem>>, vector<1x48x48x64xf32>
    %get3A_88 = vector.shape_cast %get3A_87 : vector<1x48x48x64xf32> to vector<48x48x64xf32>
    %get3A_89 = arith.constant 0 : index
    %get3A_90 = arith.constant 3 : index
    %get3A_91 = memref.load %arg13[%get3A_89, %get3A_90] : memref<2x6xf32, #tpu.memory_space<smem>>
    %mul3A_92 = vector.broadcast %get3A_91 : f32 to vector<48x48x64xf32>
    %mul3A_93 = arith.mulf %get3A_88, %mul3A_92 : vector<48x48x64xf32>
    %add3A_94 = arith.addf %add3A_82, %mul3A_93 : vector<48x48x64xf32>
    %get3A_95 = arith.constant 4 : index
    %get3A_96 = arith.constant 0 : index
    %get3A_97 = arith.constant 0 : index
    %get3A_98 = arith.constant 0 : index
    %get3A_99 = vector.load %arg1[%get3A_95, %get3A_96, %get3A_97, %get3A_98] : memref<6x48x48x64xf32, #tpu.memory_space<vmem>>, vector<1x48x48x64xf32>
    %get3A_100 = vector.shape_cast %get3A_99 : vector<1x48x48x64xf32> to vector<48x48x64xf32>
    %get3A_101 = arith.constant 0 : index
    %get3A_102 = arith.constant 4 : index
    %get3A_103 = memref.load %arg13[%get3A_101, %get3A_102] : memref<2x6xf32, #tpu.memory_space<smem>>
    %mul3A_104 = vector.broadcast %get3A_103 : f32 to vector<48x48x64xf32>
    %mul3A_105 = arith.mulf %get3A_100, %mul3A_104 : vector<48x48x64xf32>
    %add3A_106 = arith.addf %add3A_94, %mul3A_105 : vector<48x48x64xf32>
    %get3A_107 = arith.constant 5 : index
    %get3A_108 = arith.constant 0 : index
    %get3A_109 = arith.constant 0 : index
    %get3A_110 = arith.constant 0 : index
    %get3A_111 = vector.load %arg1[%get3A_107, %get3A_108, %get3A_109, %get3A_110] : memref<6x48x48x64xf32, #tpu.memory_space<vmem>>, vector<1x48x48x64xf32>
    %get3A_112 = vector.shape_cast %get3A_111 : vector<1x48x48x64xf32> to vector<48x48x64xf32>
    %get3A_113 = arith.constant 0 : index
    %get3A_114 = arith.constant 5 : index
    %get3A_115 = memref.load %arg13[%get3A_113, %get3A_114] : memref<2x6xf32, #tpu.memory_space<smem>>
    %mul3A_116 = vector.broadcast %get3A_115 : f32 to vector<48x48x64xf32>
    %mul3A_117 = arith.mulf %get3A_112, %mul3A_116 : vector<48x48x64xf32>
    %add3A_118 = arith.addf %add3A_106, %mul3A_117 : vector<48x48x64xf32>
    %get3A_119 = arith.constant 0 : index
    %get3A_120 = memref.load %arg14[%get3A_119] : memref<2xf32, #tpu.memory_space<smem>>
    %add3A_121 = vector.broadcast %get3A_120 : f32 to vector<48x48x64xf32>
    %add3A_122 = arith.addf %add3A_118, %add3A_121 : vector<48x48x64xf32>
    %ge3A = arith.constant 0.000000e+00 : f32
    %ge3A_123 = vector.broadcast %ge3A : f32 to vector<48x48x64xf32>
    %ge3A_124 = arith.cmpf oge, %add3A_122, %ge3A_123 : vector<48x48x64xf32>
    %mul3A_125 = arith.constant 0.00999999977 : f32
    %mul3A_126 = vector.broadcast %mul3A_125 : f32 to vector<48x48x64xf32>
    %mul3A_127 = arith.mulf %mul3A_126, %add3A_122 : vector<48x48x64xf32>
    %select_n3A = arith.select %ge3A_124, %add3A_122, %mul3A_127 : vector<48x48x64xi1>, vector<48x48x64xf32>
    %swap3A_128 = arith.constant 0 : index
    %swap3A_129 = arith.constant 2 : index
    %swap3A_130 = arith.constant 2 : index
    %swap3A_131 = arith.constant 0 : index
    %swap3A_132 = vector.load %arg23[%swap3A_128, %swap3A_129, %swap3A_130, %swap3A_131] : memref<2x52x52x64xf32, #tpu.memory_space<vmem>>, vector<1x48x48x64xf32>
    %swap3A_133 = vector.shape_cast %swap3A_132 : vector<1x48x48x64xf32> to vector<48x48x64xf32>
    %swap3A_134 = vector.shape_cast %select_n3A : vector<48x48x64xf32> to vector<1x48x48x64xf32>
    tpu.vector_store %arg23[%swap3A_128, %swap3A_129, %swap3A_130, %swap3A_131], %swap3A_134 {strides = array<i32>} : memref<2x52x52x64xf32, #tpu.memory_space<vmem>>, vector<1x48x48x64xf32>,
    %get3A_135 = arith.constant 0 : index
    %get3A_136 = arith.constant 0 : index
    %get3A_137 = arith.constant 0 : index
    %get3A_138 = arith.constant 0 : index
    %get3A_139 = vector.load %arg1[%get3A_135, %get3A_136, %get3A_137, %get3A_138] : memref<6x48x48x64xf32, #tpu.memory_space<vmem>>, vector<1x48x48x64xf32>
    %get3A_140 = vector.shape_cast %get3A_139 : vector<1x48x48x64xf32> to vector<48x48x64xf32>
    %get3A_141 = arith.constant 1 : index
    %get3A_142 = arith.constant 0 : index
    %get3A_143 = memref.load %arg13[%get3A_141, %get3A_142] : memref<2x6xf32, #tpu.memory_space<smem>>
    %mul3A_144 = vector.broadcast %get3A_143 : f32 to vector<48x48x64xf32>
    %mul3A_145 = arith.mulf %get3A_140, %mul3A_144 : vector<48x48x64xf32>
    %get3A_146 = arith.constant 1 : index
    %get3A_147 = arith.constant 0 : index
    %get3A_148 = arith.constant 0 : index
    %get3A_149 = arith.constant 0 : index
    %get3A_150 = vector.load %arg1[%get3A_146, %get3A_147, %get3A_148, %get3A_149] : memref<6x48x48x64xf32, #tpu.memory_space<vmem>>, vector<1x48x48x64xf32>
    %get3A_151 = vector.shape_cast %get3A_150 : vector<1x48x48x64xf32> to vector<48x48x64xf32>
    %get3A_152 = arith.constant 1 : index
    %get3A_153 = arith.constant 1 : index
    %get3A_154 = memref.load %arg13[%get3A_152, %get3A_153] : memref<2x6xf32, #tpu.memory_space<smem>>
    %mul3A_155 = vector.broadcast %get3A_154 : f32 to vector<48x48x64xf32>
    %mul3A_156 = arith.mulf %get3A_151, %mul3A_155 : vector<48x48x64xf32>
    %add3A_157 = arith.addf %mul3A_145, %mul3A_156 : vector<48x48x64xf32>
    %get3A_158 = arith.constant 2 : index
    %get3A_159 = arith.constant 0 : index
    %get3A_160 = arith.constant 0 : index
    %get3A_161 = arith.constant 0 : index
    %get3A_162 = vector.load %arg1[%get3A_158, %get3A_159, %get3A_160, %get3A_161] : memref<6x48x48x64xf32, #tpu.memory_space<vmem>>, vector<1x48x48x64xf32>
    %get3A_163 = vector.shape_cast %get3A_162 : vector<1x48x48x64xf32> to vector<48x48x64xf32>
    %get3A_164 = arith.constant 1 : index
    %get3A_165 = arith.constant 2 : index
    %get3A_166 = memref.load %arg13[%get3A_164, %get3A_165] : memref<2x6xf32, #tpu.memory_space<smem>>
    %mul3A_167 = vector.broadcast %get3A_166 : f32 to vector<48x48x64xf32>
    %mul3A_168 = arith.mulf %get3A_163, %mul3A_167 : vector<48x48x64xf32>
    %add3A_169 = arith.addf %add3A_157, %mul3A_168 : vector<48x48x64xf32>
    %get3A_170 = arith.constant 3 : index
    %get3A_171 = arith.constant 0 : index
    %get3A_172 = arith.constant 0 : index
    %get3A_173 = arith.constant 0 : index
    %get3A_174 = vector.load %arg1[%get3A_170, %get3A_171, %get3A_172, %get3A_173] : memref<6x48x48x64xf32, #tpu.memory_space<vmem>>, vector<1x48x48x64xf32>
    %get3A_175 = vector.shape_cast %get3A_174 : vector<1x48x48x64xf32> to vector<48x48x64xf32>
    %get3A_176 = arith.constant 1 : index
    %get3A_177 = arith.constant 3 : index
    %get3A_178 = memref.load %arg13[%get3A_176, %get3A_177] : memref<2x6xf32, #tpu.memory_space<smem>>
    %mul3A_179 = vector.broadcast %get3A_178 : f32 to vector<48x48x64xf32>
    %mul3A_180 = arith.mulf %get3A_175, %mul3A_179 : vector<48x48x64xf32>
    %add3A_181 = arith.addf %add3A_169, %mul3A_180 : vector<48x48x64xf32>
    %get3A_182 = arith.constant 4 : index
    %get3A_183 = arith.constant 0 : index
    %get3A_184 = arith.constant 0 : index
    %get3A_185 = arith.constant 0 : index
    %get3A_186 = vector.load %arg1[%get3A_182, %get3A_183, %get3A_184, %get3A_185] : memref<6x48x48x64xf32, #tpu.memory_space<vmem>>, vector<1x48x48x64xf32>
    %get3A_187 = vector.shape_cast %get3A_186 : vector<1x48x48x64xf32> to vector<48x48x64xf32>
    %get3A_188 = arith.constant 1 : index
    %get3A_189 = arith.constant 4 : index
    %get3A_190 = memref.load %arg13[%get3A_188, %get3A_189] : memref<2x6xf32, #tpu.memory_space<smem>>
    %mul3A_191 = vector.broadcast %get3A_190 : f32 to vector<48x48x64xf32>
    %mul3A_192 = arith.mulf %get3A_187, %mul3A_191 : vector<48x48x64xf32>
    %add3A_193 = arith.addf %add3A_181, %mul3A_192 : vector<48x48x64xf32>
    %get3A_194 = arith.constant 5 : index
    %get3A_195 = arith.constant 0 : index
    %get3A_196 = arith.constant 0 : index
    %get3A_197 = arith.constant 0 : index
    %get3A_198 = vector.load %arg1[%get3A_194, %get3A_195, %get3A_196, %get3A_197] : memref<6x48x48x64xf32, #tpu.memory_space<vmem>>, vector<1x48x48x64xf32>
    %get3A_199 = vector.shape_cast %get3A_198 : vector<1x48x48x64xf32> to vector<48x48x64xf32>
    %get3A_200 = arith.constant 1 : index
    %get3A_201 = arith.constant 5 : index
    %get3A_202 = memref.load %arg13[%get3A_200, %get3A_201] : memref<2x6xf32, #tpu.memory_space<smem>>
    %mul3A_203 = vector.broadcast %get3A_202 : f32 to vector<48x48x64xf32>
    %mul3A_204 = arith.mulf %get3A_199, %mul3A_203 : vector<48x48x64xf32>
    %add3A_205 = arith.addf %add3A_193, %mul3A_204 : vector<48x48x64xf32>
    %get3A_206 = arith.constant 1 : index
    %get3A_207 = memref.load %arg14[%get3A_206] : memref<2xf32, #tpu.memory_space<smem>>
    %add3A_208 = vector.broadcast %get3A_207 : f32 to vector<48x48x64xf32>
    %add3A_209 = arith.addf %add3A_205, %add3A_208 : vector<48x48x64xf32>
    %ge3A_210 = arith.constant 0.000000e+00 : f32
    %ge3A_211 = vector.broadcast %ge3A_210 : f32 to vector<48x48x64xf32>
    %ge3A_212 = arith.cmpf oge, %add3A_209, %ge3A_211 : vector<48x48x64xf32>
    %mul3A_213 = arith.constant 0.00999999977 : f32
    %mul3A_214 = vector.broadcast %mul3A_213 : f32 to vector<48x48x64xf32>
    %mul3A_215 = arith.mulf %mul3A_214, %add3A_209 : vector<48x48x64xf32>
    %select_n3A_216 = arith.select %ge3A_212, %add3A_209, %mul3A_215 : vector<48x48x64xi1>, vector<48x48x64xf32>
    %swap3A_217 = arith.constant 1 : index
    %swap3A_218 = arith.constant 2 : index
    %swap3A_219 = arith.constant 2 : index
    %swap3A_220 = arith.constant 0 : index
    %swap3A_221 = vector.load %arg23[%swap3A_217, %swap3A_218, %swap3A_219, %swap3A_220] : memref<2x52x52x64xf32, #tpu.memory_space<vmem>>, vector<1x48x48x64xf32>
    %swap3A_222 = vector.shape_cast %swap3A_221 : vector<1x48x48x64xf32> to vector<48x48x64xf32>
    %swap3A_223 = vector.shape_cast %select_n3A_216 : vector<48x48x64xf32> to vector<1x48x48x64xf32>
    tpu.vector_store %arg23[%swap3A_217, %swap3A_218, %swap3A_219, %swap3A_220], %swap3A_223 {strides = array<i32>} : memref<2x52x52x64xf32, #tpu.memory_space<vmem>>, vector<1x48x48x64xf32>,
    %get3A_224 = arith.constant 0 : index
    %get3A_225 = arith.constant 1 : index
    %get3A_226 = arith.constant 1 : index
    %get3A_227 = arith.constant 0 : index
    %get3A_228 = vector.load %arg23[%get3A_224, %get3A_225, %get3A_226, %get3A_227] : memref<2x52x52x64xf32, #tpu.memory_space<vmem>>, vector<1x48x48x64xf32>
    %get3A_229 = vector.shape_cast %get3A_228 : vector<1x48x48x64xf32> to vector<48x48x64xf32>
    %get3A_230 = arith.constant 0 : index
    %get3A_231 = arith.constant 1 : index
    %get3A_232 = arith.constant 2 : index
    %get3A_233 = arith.constant 0 : index
    %get3A_234 = vector.load %arg23[%get3A_230, %get3A_231, %get3A_232, %get3A_233] : memref<2x52x52x64xf32, #tpu.memory_space<vmem>>, vector<1x48x48x64xf32>
    %get3A_235 = vector.shape_cast %get3A_234 : vector<1x48x48x64xf32> to vector<48x48x64xf32>
    %add3A_236 = arith.addf %get3A_229, %get3A_235 : vector<48x48x64xf32>
    %get3A_237 = arith.constant 0 : index
    %get3A_238 = arith.constant 1 : index
    %get3A_239 = arith.constant 3 : index
    %get3A_240 = arith.constant 0 : index
    %get3A_241 = vector.load %arg23[%get3A_237, %get3A_238, %get3A_239, %get3A_240] : memref<2x52x52x64xf32, #tpu.memory_space<vmem>>, vector<1x48x48x64xf32>
    %get3A_242 = vector.shape_cast %get3A_241 : vector<1x48x48x64xf32> to vector<48x48x64xf32>
    %add3A_243 = arith.addf %add3A_236, %get3A_242 : vector<48x48x64xf32>
    %get3A_244 = arith.constant 0 : index
    %get3A_245 = arith.constant 2 : index
    %get3A_246 = arith.constant 1 : index
    %get3A_247 = arith.constant 0 : index
    %get3A_248 = vector.load %arg23[%get3A_244, %get3A_245, %get3A_246, %get3A_247] : memref<2x52x52x64xf32, #tpu.memory_space<vmem>>, vector<1x48x48x64xf32>
    %get3A_249 = vector.shape_cast %get3A_248 : vector<1x48x48x64xf32> to vector<48x48x64xf32>
    %add3A_250 = arith.addf %add3A_243, %get3A_249 : vector<48x48x64xf32>
    %get3A_251 = arith.constant 0 : index
    %get3A_252 = arith.constant 2 : index
    %get3A_253 = arith.constant 2 : index
    %get3A_254 = arith.constant 0 : index
    %get3A_255 = vector.load %arg23[%get3A_251, %get3A_252, %get3A_253, %get3A_254] : memref<2x52x52x64xf32, #tpu.memory_space<vmem>>, vector<1x48x48x64xf32>
    %get3A_256 = vector.shape_cast %get3A_255 : vector<1x48x48x64xf32> to vector<48x48x64xf32>
    %add3A_257 = arith.addf %add3A_250, %get3A_256 : vector<48x48x64xf32>
    %get3A_258 = arith.constant 0 : index
    %get3A_259 = arith.constant 2 : index
    %get3A_260 = arith.constant 3 : index
    %get3A_261 = arith.constant 0 : index
    %get3A_262 = vector.load %arg23[%get3A_258, %get3A_259, %get3A_260, %get3A_261] : memref<2x52x52x64xf32, #tpu.memory_space<vmem>>, vector<1x48x48x64xf32>
    %get3A_263 = vector.shape_cast %get3A_262 : vector<1x48x48x64xf32> to vector<48x48x64xf32>
    %add3A_264 = arith.addf %add3A_257, %get3A_263 : vector<48x48x64xf32>
    %get3A_265 = arith.constant 0 : index
    %get3A_266 = arith.constant 3 : index
    %get3A_267 = arith.constant 1 : index
    %get3A_268 = arith.constant 0 : index
    %get3A_269 = vector.load %arg23[%get3A_265, %get3A_266, %get3A_267, %get3A_268] : memref<2x52x52x64xf32, #tpu.memory_space<vmem>>, vector<1x48x48x64xf32>
    %get3A_270 = vector.shape_cast %get3A_269 : vector<1x48x48x64xf32> to vector<48x48x64xf32>
    %add3A_271 = arith.addf %add3A_264, %get3A_270 : vector<48x48x64xf32>
    %get3A_272 = arith.constant 0 : index
    %get3A_273 = arith.constant 3 : index
    %get3A_274 = arith.constant 2 : index
    %get3A_275 = arith.constant 0 : index
    %get3A_276 = vector.load %arg23[%get3A_272, %get3A_273, %get3A_274, %get3A_275] : memref<2x52x52x64xf32, #tpu.memory_space<vmem>>, vector<1x48x48x64xf32>
    %get3A_277 = vector.shape_cast %get3A_276 : vector<1x48x48x64xf32> to vector<48x48x64xf32>
    %add3A_278 = arith.addf %add3A_271, %get3A_277 : vector<48x48x64xf32>
    %get3A_279 = arith.constant 0 : index
    %get3A_280 = arith.constant 3 : index
    %get3A_281 = arith.constant 3 : index
    %get3A_282 = arith.constant 0 : index
    %get3A_283 = vector.load %arg23[%get3A_279, %get3A_280, %get3A_281, %get3A_282] : memref<2x52x52x64xf32, #tpu.memory_space<vmem>>, vector<1x48x48x64xf32>
    %get3A_284 = vector.shape_cast %get3A_283 : vector<1x48x48x64xf32> to vector<48x48x64xf32>
    %add3A_285 = arith.addf %add3A_278, %get3A_284 : vector<48x48x64xf32>
    %mul3A_286 = arith.constant 0.111111112 : f32
    %mul3A_287 = vector.broadcast %mul3A_286 : f32 to vector<48x48x64xf32>
    %mul3A_288 = arith.mulf %add3A_285, %mul3A_287 : vector<48x48x64xf32>
    %swap3A_289 = arith.constant 0 : index
    %swap3A_290 = arith.constant 2 : index
    %swap3A_291 = arith.constant 2 : index
    %swap3A_292 = arith.constant 0 : index
    %swap3A_293 = vector.load %arg24[%swap3A_289, %swap3A_290, %swap3A_291, %swap3A_292] : memref<2x52x52x128xf32, #tpu.memory_space<vmem>>, vector<1x48x48x64xf32>
    %swap3A_294 = vector.shape_cast %swap3A_293 : vector<1x48x48x64xf32> to vector<48x48x64xf32>
    %swap3A_295 = vector.shape_cast %mul3A_288 : vector<48x48x64xf32> to vector<1x48x48x64xf32>
    tpu.vector_store %arg24[%swap3A_289, %swap3A_290, %swap3A_291, %swap3A_292], %swap3A_295 {strides = array<i32>} : memref<2x52x52x128xf32, #tpu.memory_space<vmem>>, vector<1x48x48x64xf32>,
    %swap3A_296 = arith.constant 0 : index
    %swap3A_297 = arith.constant 1 : index
    %swap3A_298 = arith.constant 2 : index
    %swap3A_299 = arith.constant 64 : index
    %swap3A_300 = vector.load %arg24[%swap3A_296, %swap3A_297, %swap3A_298, %swap3A_299] : memref<2x52x52x128xf32, #tpu.memory_space<vmem>>, vector<1x48x48x64xf32>
    %swap3A_301 = vector.shape_cast %swap3A_300 : vector<1x48x48x64xf32> to vector<48x48x64xf32>
    %swap3A_302 = vector.shape_cast %mul3A_288 : vector<48x48x64xf32> to vector<1x48x48x64xf32>
    tpu.vector_store %arg24[%swap3A_296, %swap3A_297, %swap3A_298, %swap3A_299], %swap3A_302 {strides = array<i32>} : memref<2x52x52x128xf32, #tpu.memory_space<vmem>>, vector<1x48x48x64xf32>,
    %get3A_303 = arith.constant 1 : index
    %get3A_304 = arith.constant 1 : index
    %get3A_305 = arith.constant 1 : index
    %get3A_306 = arith.constant 0 : index
    %get3A_307 = vector.load %arg23[%get3A_303, %get3A_304, %get3A_305, %get3A_306] : memref<2x52x52x64xf32, #tpu.memory_space<vmem>>, vector<1x48x48x64xf32>
    %get3A_308 = vector.shape_cast %get3A_307 : vector<1x48x48x64xf32> to vector<48x48x64xf32>
    %get3A_309 = arith.constant 1 : index
    %get3A_310 = arith.constant 1 : index
    %get3A_311 = arith.constant 2 : index
    %get3A_312 = arith.constant 0 : index
    %get3A_313 = vector.load %arg23[%get3A_309, %get3A_310, %get3A_311, %get3A_312] : memref<2x52x52x64xf32, #tpu.memory_space<vmem>>, vector<1x48x48x64xf32>
    %get3A_314 = vector.shape_cast %get3A_313 : vector<1x48x48x64xf32> to vector<48x48x64xf32>
    %add3A_315 = arith.addf %get3A_308, %get3A_314 : vector<48x48x64xf32>
    %get3A_316 = arith.constant 1 : index
    %get3A_317 = arith.constant 1 : index
    %get3A_318 = arith.constant 3 : index
    %get3A_319 = arith.constant 0 : index
    %get3A_320 = vector.load %arg23[%get3A_316, %get3A_317, %get3A_318, %get3A_319] : memref<2x52x52x64xf32, #tpu.memory_space<vmem>>, vector<1x48x48x64xf32>
    %get3A_321 = vector.shape_cast %get3A_320 : vector<1x48x48x64xf32> to vector<48x48x64xf32>
    %add3A_322 = arith.addf %add3A_315, %get3A_321 : vector<48x48x64xf32>
    %get3A_323 = arith.constant 1 : index
    %get3A_324 = arith.constant 2 : index
    %get3A_325 = arith.constant 1 : index
    %get3A_326 = arith.constant 0 : index
    %get3A_327 = vector.load %arg23[%get3A_323, %get3A_324, %get3A_325, %get3A_326] : memref<2x52x52x64xf32, #tpu.memory_space<vmem>>, vector<1x48x48x64xf32>
    %get3A_328 = vector.shape_cast %get3A_327 : vector<1x48x48x64xf32> to vector<48x48x64xf32>
    %add3A_329 = arith.addf %add3A_322, %get3A_328 : vector<48x48x64xf32>
    %get3A_330 = arith.constant 1 : index
    %get3A_331 = arith.constant 2 : index
    %get3A_332 = arith.constant 2 : index
    %get3A_333 = arith.constant 0 : index
    %get3A_334 = vector.load %arg23[%get3A_330, %get3A_331, %get3A_332, %get3A_333] : memref<2x52x52x64xf32, #tpu.memory_space<vmem>>, vector<1x48x48x64xf32>
    %get3A_335 = vector.shape_cast %get3A_334 : vector<1x48x48x64xf32> to vector<48x48x64xf32>
    %add3A_336 = arith.addf %add3A_329, %get3A_335 : vector<48x48x64xf32>
    %get3A_337 = arith.constant 1 : index
    %get3A_338 = arith.constant 2 : index
    %get3A_339 = arith.constant 3 : index
    %get3A_340 = arith.constant 0 : index
    %get3A_341 = vector.load %arg23[%get3A_337, %get3A_338, %get3A_339, %get3A_340] : memref<2x52x52x64xf32, #tpu.memory_space<vmem>>, vector<1x48x48x64xf32>
    %get3A_342 = vector.shape_cast %get3A_341 : vector<1x48x48x64xf32> to vector<48x48x64xf32>
    %add3A_343 = arith.addf %add3A_336, %get3A_342 : vector<48x48x64xf32>
    %get3A_344 = arith.constant 1 : index
    %get3A_345 = arith.constant 3 : index
    %get3A_346 = arith.constant 1 : index
    %get3A_347 = arith.constant 0 : index
    %get3A_348 = vector.load %arg23[%get3A_344, %get3A_345, %get3A_346, %get3A_347] : memref<2x52x52x64xf32, #tpu.memory_space<vmem>>, vector<1x48x48x64xf32>
    %get3A_349 = vector.shape_cast %get3A_348 : vector<1x48x48x64xf32> to vector<48x48x64xf32>
    %add3A_350 = arith.addf %add3A_343, %get3A_349 : vector<48x48x64xf32>
    %get3A_351 = arith.constant 1 : index
    %get3A_352 = arith.constant 3 : index
    %get3A_353 = arith.constant 2 : index
    %get3A_354 = arith.constant 0 : index
    %get3A_355 = vector.load %arg23[%get3A_351, %get3A_352, %get3A_353, %get3A_354] : memref<2x52x52x64xf32, #tpu.memory_space<vmem>>, vector<1x48x48x64xf32>
    %get3A_356 = vector.shape_cast %get3A_355 : vector<1x48x48x64xf32> to vector<48x48x64xf32>
    %add3A_357 = arith.addf %add3A_350, %get3A_356 : vector<48x48x64xf32>
    %get3A_358 = arith.constant 1 : index
    %get3A_359 = arith.constant 3 : index
    %get3A_360 = arith.constant 3 : index
    %get3A_361 = arith.constant 0 : index
    %get3A_362 = vector.load %arg23[%get3A_358, %get3A_359, %get3A_360, %get3A_361] : memref<2x52x52x64xf32, #tpu.memory_space<vmem>>, vector<1x48x48x64xf32>
    %get3A_363 = vector.shape_cast %get3A_362 : vector<1x48x48x64xf32> to vector<48x48x64xf32>
    %add3A_364 = arith.addf %add3A_357, %get3A_363 : vector<48x48x64xf32>
    %mul3A_365 = arith.constant 0.111111112 : f32
    %mul3A_366 = vector.broadcast %mul3A_365 : f32 to vector<48x48x64xf32>
    %mul3A_367 = arith.mulf %add3A_364, %mul3A_366 : vector<48x48x64xf32>
    %swap3A_368 = arith.constant 1 : index
    %swap3A_369 = arith.constant 2 : index
    %swap3A_370 = arith.constant 2 : index
    %swap3A_371 = arith.constant 0 : index
    %swap3A_372 = vector.load %arg24[%swap3A_368, %swap3A_369, %swap3A_370, %swap3A_371] : memref<2x52x52x128xf32, #tpu.memory_space<vmem>>, vector<1x48x48x64xf32>
    %swap3A_373 = vector.shape_cast %swap3A_372 : vector<1x48x48x64xf32> to vector<48x48x64xf32>
    %swap3A_374 = vector.shape_cast %mul3A_367 : vector<48x48x64xf32> to vector<1x48x48x64xf32>
    tpu.vector_store %arg24[%swap3A_368, %swap3A_369, %swap3A_370, %swap3A_371], %swap3A_374 {strides = array<i32>} : memref<2x52x52x128xf32, #tpu.memory_space<vmem>>, vector<1x48x48x64xf32>,
    %swap3A_375 = arith.constant 1 : index
    %swap3A_376 = arith.constant 1 : index
    %swap3A_377 = arith.constant 2 : index
    %swap3A_378 = arith.constant 64 : index
    %swap3A_379 = vector.load %arg24[%swap3A_375, %swap3A_376, %swap3A_377, %swap3A_378] : memref<2x52x52x128xf32, #tpu.memory_space<vmem>>, vector<1x48x48x64xf32>
    %swap3A_380 = vector.shape_cast %swap3A_379 : vector<1x48x48x64xf32> to vector<48x48x64xf32>
    %swap3A_381 = vector.shape_cast %mul3A_367 : vector<48x48x64xf32> to vector<1x48x48x64xf32>
    tpu.vector_store %arg24[%swap3A_375, %swap3A_376, %swap3A_377, %swap3A_378], %swap3A_381 {strides = array<i32>} : memref<2x52x52x128xf32, #tpu.memory_space<vmem>>, vector<1x48x48x64xf32>,
    %scan3A = arith.constant 0 : i32
    %scan3A_382 = arith.constant 24 : i32
    %scan3A_383 = arith.addi %scan3A, %scan3A_382 : i32
    %scan3A_384 = arith.constant 1 : i32
    scf.for %scan3A_905 = %scan3A to %scan3A_383 step %scan3A_384  : i32 {
      %mul3A_906 = arith.constant 2 : i32
      %mul3A_907 = arith.muli %scan3A_905, %mul3A_906 : i32
      %add3A_908 = arith.constant 2 : i32
      %add3A_909 = arith.addi %mul3A_907, %add3A_908 : i32
      %add3A_910 = arith.constant -2 : i32
      %add3A_911 = arith.addi %add3A_909, %add3A_910 : i32
      %get3A_912 = arith.constant 0 : index
      %get3A_913 = arith.index_cast %add3A_911 : i32 to index
      %get3A_914 = arith.constant 0 : index
      %get3A_915 = arith.constant 0 : index
      %get3A_916 = vector.load %arg24[%get3A_912, %get3A_913, %get3A_914, %get3A_915] : memref<2x52x52x128xf32, #tpu.memory_space<vmem>>, vector<1x1x48x128xf32>
      %get3A_917 = vector.shape_cast %get3A_916 : vector<1x1x48x128xf32> to vector<1x48x128xf32>
      %get3A_918 = arith.constant 0 : index
      %get3A_919 = arith.constant 0 : index
      %get3A_920 = memref.load %arg15[%get3A_918, %get3A_919] : memref<8x50xf32, #tpu.memory_space<smem>>
      %mul3A_921 = vector.broadcast %get3A_920 : f32 to vector<1x48x128xf32>
      %mul3A_922 = arith.mulf %get3A_917, %mul3A_921 : vector<1x48x128xf32>
      %get3A_923 = arith.constant 1 : index
      %get3A_924 = arith.constant 0 : index
      %get3A_925 = memref.load %arg15[%get3A_923, %get3A_924] : memref<8x50xf32, #tpu.memory_space<smem>>
      %mul3A_926 = vector.broadcast %get3A_925 : f32 to vector<1x48x128xf32>
      %mul3A_927 = arith.mulf %get3A_917, %mul3A_926 : vector<1x48x128xf32>
      %get3A_928 = arith.constant 2 : index
      %get3A_929 = arith.constant 0 : index
      %get3A_930 = memref.load %arg15[%get3A_928, %get3A_929] : memref<8x50xf32, #tpu.memory_space<smem>>
      %mul3A_931 = vector.broadcast %get3A_930 : f32 to vector<1x48x128xf32>
      %mul3A_932 = arith.mulf %get3A_917, %mul3A_931 : vector<1x48x128xf32>
      %get3A_933 = arith.constant 3 : index
      %get3A_934 = arith.constant 0 : index
      %get3A_935 = memref.load %arg15[%get3A_933, %get3A_934] : memref<8x50xf32, #tpu.memory_space<smem>>
      %mul3A_936 = vector.broadcast %get3A_935 : f32 to vector<1x48x128xf32>
      %mul3A_937 = arith.mulf %get3A_917, %mul3A_936 : vector<1x48x128xf32>
      %get3A_938 = arith.constant 4 : index
      %get3A_939 = arith.constant 0 : index
      %get3A_940 = memref.load %arg15[%get3A_938, %get3A_939] : memref<8x50xf32, #tpu.memory_space<smem>>
      %mul3A_941 = vector.broadcast %get3A_940 : f32 to vector<1x48x128xf32>
      %mul3A_942 = arith.mulf %get3A_917, %mul3A_941 : vector<1x48x128xf32>
      %get3A_943 = arith.constant 5 : index
      %get3A_944 = arith.constant 0 : index
      %get3A_945 = memref.load %arg15[%get3A_943, %get3A_944] : memref<8x50xf32, #tpu.memory_space<smem>>
      %mul3A_946 = vector.broadcast %get3A_945 : f32 to vector<1x48x128xf32>
      %mul3A_947 = arith.mulf %get3A_917, %mul3A_946 : vector<1x48x128xf32>
      %get3A_948 = arith.constant 6 : index
      %get3A_949 = arith.constant 0 : index
      %get3A_950 = memref.load %arg15[%get3A_948, %get3A_949] : memref<8x50xf32, #tpu.memory_space<smem>>
      %mul3A_951 = vector.broadcast %get3A_950 : f32 to vector<1x48x128xf32>
      %mul3A_952 = arith.mulf %get3A_917, %mul3A_951 : vector<1x48x128xf32>
      %get3A_953 = arith.constant 7 : index
      %get3A_954 = arith.constant 0 : index
      %get3A_955 = memref.load %arg15[%get3A_953, %get3A_954] : memref<8x50xf32, #tpu.memory_space<smem>>
      %mul3A_956 = vector.broadcast %get3A_955 : f32 to vector<1x48x128xf32>
      %mul3A_957 = arith.mulf %get3A_917, %mul3A_956 : vector<1x48x128xf32>
      %add3A_958 = arith.constant 2 : i32
      %add3A_959 = arith.addi %mul3A_907, %add3A_958 : i32
      %add3A_960 = arith.constant -2 : i32
      %add3A_961 = arith.addi %add3A_959, %add3A_960 : i32
      %get3A_962 = arith.constant 0 : index
      %get3A_963 = arith.index_cast %add3A_961 : i32 to index
      %get3A_964 = arith.constant 1 : index
      %get3A_965 = arith.constant 0 : index
      %get3A_966 = vector.load %arg24[%get3A_962, %get3A_963, %get3A_964, %get3A_965] : memref<2x52x52x128xf32, #tpu.memory_space<vmem>>, vector<1x1x48x128xf32>
      %get3A_967 = vector.shape_cast %get3A_966 : vector<1x1x48x128xf32> to vector<1x48x128xf32>
      %get3A_968 = arith.constant 0 : index
      %get3A_969 = arith.constant 1 : index
      %get3A_970 = memref.load %arg15[%get3A_968, %get3A_969] : memref<8x50xf32, #tpu.memory_space<smem>>
      %mul3A_971 = vector.broadcast %get3A_970 : f32 to vector<1x48x128xf32>
      %mul3A_972 = arith.mulf %get3A_967, %mul3A_971 : vector<1x48x128xf32>
      %add3A_973 = arith.addf %mul3A_922, %mul3A_972 : vector<1x48x128xf32>
      %get3A_974 = arith.constant 1 : index
      %get3A_975 = arith.constant 1 : index
      %get3A_976 = memref.load %arg15[%get3A_974, %get3A_975] : memref<8x50xf32, #tpu.memory_space<smem>>
      %mul3A_977 = vector.broadcast %get3A_976 : f32 to vector<1x48x128xf32>
      %mul3A_978 = arith.mulf %get3A_967, %mul3A_977 : vector<1x48x128xf32>
      %add3A_979 = arith.addf %mul3A_927, %mul3A_978 : vector<1x48x128xf32>
      %get3A_980 = arith.constant 2 : index
      %get3A_981 = arith.constant 1 : index
      %get3A_982 = memref.load %arg15[%get3A_980, %get3A_981] : memref<8x50xf32, #tpu.memory_space<smem>>
      %mul3A_983 = vector.broadcast %get3A_982 : f32 to vector<1x48x128xf32>
      %mul3A_984 = arith.mulf %get3A_967, %mul3A_983 : vector<1x48x128xf32>
      %add3A_985 = arith.addf %mul3A_932, %mul3A_984 : vector<1x48x128xf32>
      %get3A_986 = arith.constant 3 : index
      %get3A_987 = arith.constant 1 : index
      %get3A_988 = memref.load %arg15[%get3A_986, %get3A_987] : memref<8x50xf32, #tpu.memory_space<smem>>
      %mul3A_989 = vector.broadcast %get3A_988 : f32 to vector<1x48x128xf32>
      %mul3A_990 = arith.mulf %get3A_967, %mul3A_989 : vector<1x48x128xf32>
      %add3A_991 = arith.addf %mul3A_937, %mul3A_990 : vector<1x48x128xf32>
      %get3A_992 = arith.constant 4 : index
      %get3A_993 = arith.constant 1 : index
      %get3A_994 = memref.load %arg15[%get3A_992, %get3A_993] : memref<8x50xf32, #tpu.memory_space<smem>>
      %mul3A_995 = vector.broadcast %get3A_994 : f32 to vector<1x48x128xf32>
      %mul3A_996 = arith.mulf %get3A_967, %mul3A_995 : vector<1x48x128xf32>
      %add3A_997 = arith.addf %mul3A_942, %mul3A_996 : vector<1x48x128xf32>
      %get3A_998 = arith.constant 5 : index
      %get3A_999 = arith.constant 1 : index
      %get3A_1000 = memref.load %arg15[%get3A_998, %get3A_999] : memref<8x50xf32, #tpu.memory_space<smem>>
      %mul3A_1001 = vector.broadcast %get3A_1000 : f32 to vector<1x48x128xf32>
      %mul3A_1002 = arith.mulf %get3A_967, %mul3A_1001 : vector<1x48x128xf32>
      %add3A_1003 = arith.addf %mul3A_947, %mul3A_1002 : vector<1x48x128xf32>
      %get3A_1004 = arith.constant 6 : index
      %get3A_1005 = arith.constant 1 : index
      %get3A_1006 = memref.load %arg15[%get3A_1004, %get3A_1005] : memref<8x50xf32, #tpu.memory_space<smem>>
      %mul3A_1007 = vector.broadcast %get3A_1006 : f32 to vector<1x48x128xf32>
      %mul3A_1008 = arith.mulf %get3A_967, %mul3A_1007 : vector<1x48x128xf32>
      %add3A_1009 = arith.addf %mul3A_952, %mul3A_1008 : vector<1x48x128xf32>
      %get3A_1010 = arith.constant 7 : index
      %get3A_1011 = arith.constant 1 : index
      %get3A_1012 = memref.load %arg15[%get3A_1010, %get3A_1011] : memref<8x50xf32, #tpu.memory_space<smem>>
      %mul3A_1013 = vector.broadcast %get3A_1012 : f32 to vector<1x48x128xf32>
      %mul3A_1014 = arith.mulf %get3A_967, %mul3A_1013 : vector<1x48x128xf32>
      %add3A_1015 = arith.addf %mul3A_957, %mul3A_1014 : vector<1x48x128xf32>
      %add3A_1016 = arith.constant 2 : i32
      %add3A_1017 = arith.addi %mul3A_907, %add3A_1016 : i32
      %add3A_1018 = arith.constant -2 : i32
      %add3A_1019 = arith.addi %add3A_1017, %add3A_1018 : i32
      %get3A_1020 = arith.constant 0 : index
      %get3A_1021 = arith.index_cast %add3A_1019 : i32 to index
      %get3A_1022 = arith.constant 2 : index
      %get3A_1023 = arith.constant 0 : index
      %get3A_1024 = vector.load %arg24[%get3A_1020, %get3A_1021, %get3A_1022, %get3A_1023] : memref<2x52x52x128xf32, #tpu.memory_space<vmem>>, vector<1x1x48x128xf32>
      %get3A_1025 = vector.shape_cast %get3A_1024 : vector<1x1x48x128xf32> to vector<1x48x128xf32>
      %get3A_1026 = arith.constant 0 : index
      %get3A_1027 = arith.constant 2 : index
      %get3A_1028 = memref.load %arg15[%get3A_1026, %get3A_1027] : memref<8x50xf32, #tpu.memory_space<smem>>
      %mul3A_1029 = vector.broadcast %get3A_1028 : f32 to vector<1x48x128xf32>
      %mul3A_1030 = arith.mulf %get3A_1025, %mul3A_1029 : vector<1x48x128xf32>
      %add3A_1031 = arith.addf %add3A_973, %mul3A_1030 : vector<1x48x128xf32>
      %get3A_1032 = arith.constant 1 : index
      %get3A_1033 = arith.constant 2 : index
      %get3A_1034 = memref.load %arg15[%get3A_1032, %get3A_1033] : memref<8x50xf32, #tpu.memory_space<smem>>
      %mul3A_1035 = vector.broadcast %get3A_1034 : f32 to vector<1x48x128xf32>
      %mul3A_1036 = arith.mulf %get3A_1025, %mul3A_1035 : vector<1x48x128xf32>
      %add3A_1037 = arith.addf %add3A_979, %mul3A_1036 : vector<1x48x128xf32>
      %get3A_1038 = arith.constant 2 : index
      %get3A_1039 = arith.constant 2 : index
      %get3A_1040 = memref.load %arg15[%get3A_1038, %get3A_1039] : memref<8x50xf32, #tpu.memory_space<smem>>
      %mul3A_1041 = vector.broadcast %get3A_1040 : f32 to vector<1x48x128xf32>
      %mul3A_1042 = arith.mulf %get3A_1025, %mul3A_1041 : vector<1x48x128xf32>
      %add3A_1043 = arith.addf %add3A_985, %mul3A_1042 : vector<1x48x128xf32>
      %get3A_1044 = arith.constant 3 : index
      %get3A_1045 = arith.constant 2 : index
      %get3A_1046 = memref.load %arg15[%get3A_1044, %get3A_1045] : memref<8x50xf32, #tpu.memory_space<smem>>
      %mul3A_1047 = vector.broadcast %get3A_1046 : f32 to vector<1x48x128xf32>
      %mul3A_1048 = arith.mulf %get3A_1025, %mul3A_1047 : vector<1x48x128xf32>
      %add3A_1049 = arith.addf %add3A_991, %mul3A_1048 : vector<1x48x128xf32>
      %get3A_1050 = arith.constant 4 : index
      %get3A_1051 = arith.constant 2 : index
      %get3A_1052 = memref.load %arg15[%get3A_1050, %get3A_1051] : memref<8x50xf32, #tpu.memory_space<smem>>
      %mul3A_1053 = vector.broadcast %get3A_1052 : f32 to vector<1x48x128xf32>
      %mul3A_1054 = arith.mulf %get3A_1025, %mul3A_1053 : vector<1x48x128xf32>
      %add3A_1055 = arith.addf %add3A_997, %mul3A_1054 : vector<1x48x128xf32>
      %get3A_1056 = arith.constant 5 : index
      %get3A_1057 = arith.constant 2 : index
      %get3A_1058 = memref.load %arg15[%get3A_1056, %get3A_1057] : memref<8x50xf32, #tpu.memory_space<smem>>
      %mul3A_1059 = vector.broadcast %get3A_1058 : f32 to vector<1x48x128xf32>
      %mul3A_1060 = arith.mulf %get3A_1025, %mul3A_1059 : vector<1x48x128xf32>
      %add3A_1061 = arith.addf %add3A_1003, %mul3A_1060 : vector<1x48x128xf32>
      %get3A_1062 = arith.constant 6 : index
      %get3A_1063 = arith.constant 2 : index
      %get3A_1064 = memref.load %arg15[%get3A_1062, %get3A_1063] : memref<8x50xf32, #tpu.memory_space<smem>>
      %mul3A_1065 = vector.broadcast %get3A_1064 : f32 to vector<1x48x128xf32>
      %mul3A_1066 = arith.mulf %get3A_1025, %mul3A_1065 : vector<1x48x128xf32>
      %add3A_1067 = arith.addf %add3A_1009, %mul3A_1066 : vector<1x48x128xf32>
      %get3A_1068 = arith.constant 7 : index
      %get3A_1069 = arith.constant 2 : index
      %get3A_1070 = memref.load %arg15[%get3A_1068, %get3A_1069] : memref<8x50xf32, #tpu.memory_space<smem>>
      %mul3A_1071 = vector.broadcast %get3A_1070 : f32 to vector<1x48x128xf32>
      %mul3A_1072 = arith.mulf %get3A_1025, %mul3A_1071 : vector<1x48x128xf32>
      %add3A_1073 = arith.addf %add3A_1015, %mul3A_1072 : vector<1x48x128xf32>
      %add3A_1074 = arith.constant 2 : i32
      %add3A_1075 = arith.addi %mul3A_907, %add3A_1074 : i32
      %add3A_1076 = arith.constant -2 : i32
      %add3A_1077 = arith.addi %add3A_1075, %add3A_1076 : i32
      %get3A_1078 = arith.constant 0 : index
      %get3A_1079 = arith.index_cast %add3A_1077 : i32 to index
      %get3A_1080 = arith.constant 3 : index
      %get3A_1081 = arith.constant 0 : index
      %get3A_1082 = vector.load %arg24[%get3A_1078, %get3A_1079, %get3A_1080, %get3A_1081] : memref<2x52x52x128xf32, #tpu.memory_space<vmem>>, vector<1x1x48x128xf32>
      %get3A_1083 = vector.shape_cast %get3A_1082 : vector<1x1x48x128xf32> to vector<1x48x128xf32>
      %get3A_1084 = arith.constant 0 : index
      %get3A_1085 = arith.constant 3 : index
      %get3A_1086 = memref.load %arg15[%get3A_1084, %get3A_1085] : memref<8x50xf32, #tpu.memory_space<smem>>
      %mul3A_1087 = vector.broadcast %get3A_1086 : f32 to vector<1x48x128xf32>
      %mul3A_1088 = arith.mulf %get3A_1083, %mul3A_1087 : vector<1x48x128xf32>
      %add3A_1089 = arith.addf %add3A_1031, %mul3A_1088 : vector<1x48x128xf32>
      %get3A_1090 = arith.constant 1 : index
      %get3A_1091 = arith.constant 3 : index
      %get3A_1092 = memref.load %arg15[%get3A_1090, %get3A_1091] : memref<8x50xf32, #tpu.memory_space<smem>>
      %mul3A_1093 = vector.broadcast %get3A_1092 : f32 to vector<1x48x128xf32>
      %mul3A_1094 = arith.mulf %get3A_1083, %mul3A_1093 : vector<1x48x128xf32>
      %add3A_1095 = arith.addf %add3A_1037, %mul3A_1094 : vector<1x48x128xf32>
      %get3A_1096 = arith.constant 2 : index
      %get3A_1097 = arith.constant 3 : index
      %get3A_1098 = memref.load %arg15[%get3A_1096, %get3A_1097] : memref<8x50xf32, #tpu.memory_space<smem>>
      %mul3A_1099 = vector.broadcast %get3A_1098 : f32 to vector<1x48x128xf32>
      %mul3A_1100 = arith.mulf %get3A_1083, %mul3A_1099 : vector<1x48x128xf32>
      %add3A_1101 = arith.addf %add3A_1043, %mul3A_1100 : vector<1x48x128xf32>
      %get3A_1102 = arith.constant 3 : index
      %get3A_1103 = arith.constant 3 : index
      %get3A_1104 = memref.load %arg15[%get3A_1102, %get3A_1103] : memref<8x50xf32, #tpu.memory_space<smem>>
      %mul3A_1105 = vector.broadcast %get3A_1104 : f32 to vector<1x48x128xf32>
      %mul3A_1106 = arith.mulf %get3A_1083, %mul3A_1105 : vector<1x48x128xf32>
      %add3A_1107 = arith.addf %add3A_1049, %mul3A_1106 : vector<1x48x128xf32>
      %get3A_1108 = arith.constant 4 : index
      %get3A_1109 = arith.constant 3 : index
      %get3A_1110 = memref.load %arg15[%get3A_1108, %get3A_1109] : memref<8x50xf32, #tpu.memory_space<smem>>
      %mul3A_1111 = vector.broadcast %get3A_1110 : f32 to vector<1x48x128xf32>
      %mul3A_1112 = arith.mulf %get3A_1083, %mul3A_1111 : vector<1x48x128xf32>
      %add3A_1113 = arith.addf %add3A_1055, %mul3A_1112 : vector<1x48x128xf32>
      %get3A_1114 = arith.constant 5 : index
      %get3A_1115 = arith.constant 3 : index
      %get3A_1116 = memref.load %arg15[%get3A_1114, %get3A_1115] : memref<8x50xf32, #tpu.memory_space<smem>>
      %mul3A_1117 = vector.broadcast %get3A_1116 : f32 to vector<1x48x128xf32>
      %mul3A_1118 = arith.mulf %get3A_1083, %mul3A_1117 : vector<1x48x128xf32>
      %add3A_1119 = arith.addf %add3A_1061, %mul3A_1118 : vector<1x48x128xf32>
      %get3A_1120 = arith.constant 6 : index
      %get3A_1121 = arith.constant 3 : index
      %get3A_1122 = memref.load %arg15[%get3A_1120, %get3A_1121] : memref<8x50xf32, #tpu.memory_space<smem>>
      %mul3A_1123 = vector.broadcast %get3A_1122 : f32 to vector<1x48x128xf32>
      %mul3A_1124 = arith.mulf %get3A_1083, %mul3A_1123 : vector<1x48x128xf32>
      %add3A_1125 = arith.addf %add3A_1067, %mul3A_1124 : vector<1x48x128xf32>
      %get3A_1126 = arith.constant 7 : index
      %get3A_1127 = arith.constant 3 : index
      %get3A_1128 = memref.load %arg15[%get3A_1126, %get3A_1127] : memref<8x50xf32, #tpu.memory_space<smem>>
      %mul3A_1129 = vector.broadcast %get3A_1128 : f32 to vector<1x48x128xf32>
      %mul3A_1130 = arith.mulf %get3A_1083, %mul3A_1129 : vector<1x48x128xf32>
      %add3A_1131 = arith.addf %add3A_1073, %mul3A_1130 : vector<1x48x128xf32>
      %add3A_1132 = arith.constant 2 : i32
      %add3A_1133 = arith.addi %mul3A_907, %add3A_1132 : i32
      %add3A_1134 = arith.constant -2 : i32
      %add3A_1135 = arith.addi %add3A_1133, %add3A_1134 : i32
      %get3A_1136 = arith.constant 0 : index
      %get3A_1137 = arith.index_cast %add3A_1135 : i32 to index
      %get3A_1138 = arith.constant 4 : index
      %get3A_1139 = arith.constant 0 : index
      %get3A_1140 = vector.load %arg24[%get3A_1136, %get3A_1137, %get3A_1138, %get3A_1139] : memref<2x52x52x128xf32, #tpu.memory_space<vmem>>, vector<1x1x48x128xf32>
      %get3A_1141 = vector.shape_cast %get3A_1140 : vector<1x1x48x128xf32> to vector<1x48x128xf32>
      %get3A_1142 = arith.constant 0 : index
      %get3A_1143 = arith.constant 4 : index
      %get3A_1144 = memref.load %arg15[%get3A_1142, %get3A_1143] : memref<8x50xf32, #tpu.memory_space<smem>>
      %mul3A_1145 = vector.broadcast %get3A_1144 : f32 to vector<1x48x128xf32>
      %mul3A_1146 = arith.mulf %get3A_1141, %mul3A_1145 : vector<1x48x128xf32>
      %add3A_1147 = arith.addf %add3A_1089, %mul3A_1146 : vector<1x48x128xf32>
      %get3A_1148 = arith.constant 1 : index
      %get3A_1149 = arith.constant 4 : index
      %get3A_1150 = memref.load %arg15[%get3A_1148, %get3A_1149] : memref<8x50xf32, #tpu.memory_space<smem>>
      %mul3A_1151 = vector.broadcast %get3A_1150 : f32 to vector<1x48x128xf32>
      %mul3A_1152 = arith.mulf %get3A_1141, %mul3A_1151 : vector<1x48x128xf32>
      %add3A_1153 = arith.addf %add3A_1095, %mul3A_1152 : vector<1x48x128xf32>
      %get3A_1154 = arith.constant 2 : index
      %get3A_1155 = arith.constant 4 : index
      %get3A_1156 = memref.load %arg15[%get3A_1154, %get3A_1155] : memref<8x50xf32, #tpu.memory_space<smem>>
      %mul3A_1157 = vector.broadcast %get3A_1156 : f32 to vector<1x48x128xf32>
      %mul3A_1158 = arith.mulf %get3A_1141, %mul3A_1157 : vector<1x48x128xf32>
      %add3A_1159 = arith.addf %add3A_1101, %mul3A_1158 : vector<1x48x128xf32>
      %get3A_1160 = arith.constant 3 : index
      %get3A_1161 = arith.constant 4 : index
      %get3A_1162 = memref.load %arg15[%get3A_1160, %get3A_1161] : memref<8x50xf32, #tpu.memory_space<smem>>
      %mul3A_1163 = vector.broadcast %get3A_1162 : f32 to vector<1x48x128xf32>
      %mul3A_1164 = arith.mulf %get3A_1141, %mul3A_1163 : vector<1x48x128xf32>
      %add3A_1165 = arith.addf %add3A_1107, %mul3A_1164 : vector<1x48x128xf32>
      %get3A_1166 = arith.constant 4 : index
      %get3A_1167 = arith.constant 4 : index
      %get3A_1168 = memref.load %arg15[%get3A_1166, %get3A_1167] : memref<8x50xf32, #tpu.memory_space<smem>>
      %mul3A_1169 = vector.broadcast %get3A_1168 : f32 to vector<1x48x128xf32>
      %mul3A_1170 = arith.mulf %get3A_1141, %mul3A_1169 : vector<1x48x128xf32>
      %add3A_1171 = arith.addf %add3A_1113, %mul3A_1170 : vector<1x48x128xf32>
      %get3A_1172 = arith.constant 5 : index
      %get3A_1173 = arith.constant 4 : index
      %get3A_1174 = memref.load %arg15[%get3A_1172, %get3A_1173] : memref<8x50xf32, #tpu.memory_space<smem>>
      %mul3A_1175 = vector.broadcast %get3A_1174 : f32 to vector<1x48x128xf32>
      %mul3A_1176 = arith.mulf %get3A_1141, %mul3A_1175 : vector<1x48x128xf32>
      %add3A_1177 = arith.addf %add3A_1119, %mul3A_1176 : vector<1x48x128xf32>
      %get3A_1178 = arith.constant 6 : index
      %get3A_1179 = arith.constant 4 : index
      %get3A_1180 = memref.load %arg15[%get3A_1178, %get3A_1179] : memref<8x50xf32, #tpu.memory_space<smem>>
      %mul3A_1181 = vector.broadcast %get3A_1180 : f32 to vector<1x48x128xf32>
      %mul3A_1182 = arith.mulf %get3A_1141, %mul3A_1181 : vector<1x48x128xf32>
      %add3A_1183 = arith.addf %add3A_1125, %mul3A_1182 : vector<1x48x128xf32>
      %get3A_1184 = arith.constant 7 : index
      %get3A_1185 = arith.constant 4 : index
      %get3A_1186 = memref.load %arg15[%get3A_1184, %get3A_1185] : memref<8x50xf32, #tpu.memory_space<smem>>
      %mul3A_1187 = vector.broadcast %get3A_1186 : f32 to vector<1x48x128xf32>
      %mul3A_1188 = arith.mulf %get3A_1141, %mul3A_1187 : vector<1x48x128xf32>
      %add3A_1189 = arith.addf %add3A_1131, %mul3A_1188 : vector<1x48x128xf32>
      %add3A_1190 = arith.constant 2 : i32
      %add3A_1191 = arith.addi %mul3A_907, %add3A_1190 : i32
      %add3A_1192 = arith.constant -1 : i32
      %add3A_1193 = arith.addi %add3A_1191, %add3A_1192 : i32
      %get3A_1194 = arith.constant 0 : index
      %get3A_1195 = arith.index_cast %add3A_1193 : i32 to index
      %get3A_1196 = arith.constant 0 : index
      %get3A_1197 = arith.constant 0 : index
      %get3A_1198 = vector.load %arg24[%get3A_1194, %get3A_1195, %get3A_1196, %get3A_1197] : memref<2x52x52x128xf32, #tpu.memory_space<vmem>>, vector<1x1x48x128xf32>
      %get3A_1199 = vector.shape_cast %get3A_1198 : vector<1x1x48x128xf32> to vector<1x48x128xf32>
      %get3A_1200 = arith.constant 0 : index
      %get3A_1201 = arith.constant 5 : index
      %get3A_1202 = memref.load %arg15[%get3A_1200, %get3A_1201] : memref<8x50xf32, #tpu.memory_space<smem>>
      %mul3A_1203 = vector.broadcast %get3A_1202 : f32 to vector<1x48x128xf32>
      %mul3A_1204 = arith.mulf %get3A_1199, %mul3A_1203 : vector<1x48x128xf32>
      %add3A_1205 = arith.addf %add3A_1147, %mul3A_1204 : vector<1x48x128xf32>
      %get3A_1206 = arith.constant 1 : index
      %get3A_1207 = arith.constant 5 : index
      %get3A_1208 = memref.load %arg15[%get3A_1206, %get3A_1207] : memref<8x50xf32, #tpu.memory_space<smem>>
      %mul3A_1209 = vector.broadcast %get3A_1208 : f32 to vector<1x48x128xf32>
      %mul3A_1210 = arith.mulf %get3A_1199, %mul3A_1209 : vector<1x48x128xf32>
      %add3A_1211 = arith.addf %add3A_1153, %mul3A_1210 : vector<1x48x128xf32>
      %get3A_1212 = arith.constant 2 : index
      %get3A_1213 = arith.constant 5 : index
      %get3A_1214 = memref.load %arg15[%get3A_1212, %get3A_1213] : memref<8x50xf32, #tpu.memory_space<smem>>
      %mul3A_1215 = vector.broadcast %get3A_1214 : f32 to vector<1x48x128xf32>
      %mul3A_1216 = arith.mulf %get3A_1199, %mul3A_1215 : vector<1x48x128xf32>
      %add3A_1217 = arith.addf %add3A_1159, %mul3A_1216 : vector<1x48x128xf32>
      %get3A_1218 = arith.constant 3 : index
      %get3A_1219 = arith.constant 5 : index
      %get3A_1220 = memref.load %arg15[%get3A_1218, %get3A_1219] : memref<8x50xf32, #tpu.memory_space<smem>>
      %mul3A_1221 = vector.broadcast %get3A_1220 : f32 to vector<1x48x128xf32>
      %mul3A_1222 = arith.mulf %get3A_1199, %mul3A_1221 : vector<1x48x128xf32>
      %add3A_1223 = arith.addf %add3A_1165, %mul3A_1222 : vector<1x48x128xf32>
      %get3A_1224 = arith.constant 4 : index
      %get3A_1225 = arith.constant 5 : index
      %get3A_1226 = memref.load %arg15[%get3A_1224, %get3A_1225] : memref<8x50xf32, #tpu.memory_space<smem>>
      %mul3A_1227 = vector.broadcast %get3A_1226 : f32 to vector<1x48x128xf32>
      %mul3A_1228 = arith.mulf %get3A_1199, %mul3A_1227 : vector<1x48x128xf32>
      %add3A_1229 = arith.addf %add3A_1171, %mul3A_1228 : vector<1x48x128xf32>
      %get3A_1230 = arith.constant 5 : index
      %get3A_1231 = arith.constant 5 : index
      %get3A_1232 = memref.load %arg15[%get3A_1230, %get3A_1231] : memref<8x50xf32, #tpu.memory_space<smem>>
      %mul3A_1233 = vector.broadcast %get3A_1232 : f32 to vector<1x48x128xf32>
      %mul3A_1234 = arith.mulf %get3A_1199, %mul3A_1233 : vector<1x48x128xf32>
      %add3A_1235 = arith.addf %add3A_1177, %mul3A_1234 : vector<1x48x128xf32>
      %get3A_1236 = arith.constant 6 : index
      %get3A_1237 = arith.constant 5 : index
      %get3A_1238 = memref.load %arg15[%get3A_1236, %get3A_1237] : memref<8x50xf32, #tpu.memory_space<smem>>
      %mul3A_1239 = vector.broadcast %get3A_1238 : f32 to vector<1x48x128xf32>
      %mul3A_1240 = arith.mulf %get3A_1199, %mul3A_1239 : vector<1x48x128xf32>
      %add3A_1241 = arith.addf %add3A_1183, %mul3A_1240 : vector<1x48x128xf32>
      %get3A_1242 = arith.constant 7 : index
      %get3A_1243 = arith.constant 5 : index
      %get3A_1244 = memref.load %arg15[%get3A_1242, %get3A_1243] : memref<8x50xf32, #tpu.memory_space<smem>>
      %mul3A_1245 = vector.broadcast %get3A_1244 : f32 to vector<1x48x128xf32>
      %mul3A_1246 = arith.mulf %get3A_1199, %mul3A_1245 : vector<1x48x128xf32>
      %add3A_1247 = arith.addf %add3A_1189, %mul3A_1246 : vector<1x48x128xf32>
      %add3A_1248 = arith.constant 2 : i32
      %add3A_1249 = arith.addi %mul3A_907, %add3A_1248 : i32
      %add3A_1250 = arith.constant -1 : i32
      %add3A_1251 = arith.addi %add3A_1249, %add3A_1250 : i32
      %get3A_1252 = arith.constant 0 : index
      %get3A_1253 = arith.index_cast %add3A_1251 : i32 to index
      %get3A_1254 = arith.constant 1 : index
      %get3A_1255 = arith.constant 0 : index
      %get3A_1256 = vector.load %arg24[%get3A_1252, %get3A_1253, %get3A_1254, %get3A_1255] : memref<2x52x52x128xf32, #tpu.memory_space<vmem>>, vector<1x1x48x128xf32>
      %get3A_1257 = vector.shape_cast %get3A_1256 : vector<1x1x48x128xf32> to vector<1x48x128xf32>
      %get3A_1258 = arith.constant 0 : index
      %get3A_1259 = arith.constant 6 : index
      %get3A_1260 = memref.load %arg15[%get3A_1258, %get3A_1259] : memref<8x50xf32, #tpu.memory_space<smem>>
      %mul3A_1261 = vector.broadcast %get3A_1260 : f32 to vector<1x48x128xf32>
      %mul3A_1262 = arith.mulf %get3A_1257, %mul3A_1261 : vector<1x48x128xf32>
      %add3A_1263 = arith.addf %add3A_1205, %mul3A_1262 : vector<1x48x128xf32>
      %get3A_1264 = arith.constant 1 : index
      %get3A_1265 = arith.constant 6 : index
      %get3A_1266 = memref.load %arg15[%get3A_1264, %get3A_1265] : memref<8x50xf32, #tpu.memory_space<smem>>
      %mul3A_1267 = vector.broadcast %get3A_1266 : f32 to vector<1x48x128xf32>
      %mul3A_1268 = arith.mulf %get3A_1257, %mul3A_1267 : vector<1x48x128xf32>
      %add3A_1269 = arith.addf %add3A_1211, %mul3A_1268 : vector<1x48x128xf32>
      %get3A_1270 = arith.constant 2 : index
      %get3A_1271 = arith.constant 6 : index
      %get3A_1272 = memref.load %arg15[%get3A_1270, %get3A_1271] : memref<8x50xf32, #tpu.memory_space<smem>>
      %mul3A_1273 = vector.broadcast %get3A_1272 : f32 to vector<1x48x128xf32>
      %mul3A_1274 = arith.mulf %get3A_1257, %mul3A_1273 : vector<1x48x128xf32>
      %add3A_1275 = arith.addf %add3A_1217, %mul3A_1274 : vector<1x48x128xf32>
      %get3A_1276 = arith.constant 3 : index
      %get3A_1277 = arith.constant 6 : index
      %get3A_1278 = memref.load %arg15[%get3A_1276, %get3A_1277] : memref<8x50xf32, #tpu.memory_space<smem>>
      %mul3A_1279 = vector.broadcast %get3A_1278 : f32 to vector<1x48x128xf32>
      %mul3A_1280 = arith.mulf %get3A_1257, %mul3A_1279 : vector<1x48x128xf32>
      %add3A_1281 = arith.addf %add3A_1223, %mul3A_1280 : vector<1x48x128xf32>
      %get3A_1282 = arith.constant 4 : index
      %get3A_1283 = arith.constant 6 : index
      %get3A_1284 = memref.load %arg15[%get3A_1282, %get3A_1283] : memref<8x50xf32, #tpu.memory_space<smem>>
      %mul3A_1285 = vector.broadcast %get3A_1284 : f32 to vector<1x48x128xf32>
      %mul3A_1286 = arith.mulf %get3A_1257, %mul3A_1285 : vector<1x48x128xf32>
      %add3A_1287 = arith.addf %add3A_1229, %mul3A_1286 : vector<1x48x128xf32>
      %get3A_1288 = arith.constant 5 : index
      %get3A_1289 = arith.constant 6 : index
      %get3A_1290 = memref.load %arg15[%get3A_1288, %get3A_1289] : memref<8x50xf32, #tpu.memory_space<smem>>
      %mul3A_1291 = vector.broadcast %get3A_1290 : f32 to vector<1x48x128xf32>
      %mul3A_1292 = arith.mulf %get3A_1257, %mul3A_1291 : vector<1x48x128xf32>
      %add3A_1293 = arith.addf %add3A_1235, %mul3A_1292 : vector<1x48x128xf32>
      %get3A_1294 = arith.constant 6 : index
      %get3A_1295 = arith.constant 6 : index
      %get3A_1296 = memref.load %arg15[%get3A_1294, %get3A_1295] : memref<8x50xf32, #tpu.memory_space<smem>>
      %mul3A_1297 = vector.broadcast %get3A_1296 : f32 to vector<1x48x128xf32>
      %mul3A_1298 = arith.mulf %get3A_1257, %mul3A_1297 : vector<1x48x128xf32>
      %add3A_1299 = arith.addf %add3A_1241, %mul3A_1298 : vector<1x48x128xf32>
      %get3A_1300 = arith.constant 7 : index
      %get3A_1301 = arith.constant 6 : index
      %get3A_1302 = memref.load %arg15[%get3A_1300, %get3A_1301] : memref<8x50xf32, #tpu.memory_space<smem>>
      %mul3A_1303 = vector.broadcast %get3A_1302 : f32 to vector<1x48x128xf32>
      %mul3A_1304 = arith.mulf %get3A_1257, %mul3A_1303 : vector<1x48x128xf32>
      %add3A_1305 = arith.addf %add3A_1247, %mul3A_1304 : vector<1x48x128xf32>
      %add3A_1306 = arith.constant 2 : i32
      %add3A_1307 = arith.addi %mul3A_907, %add3A_1306 : i32
      %add3A_1308 = arith.constant -1 : i32
      %add3A_1309 = arith.addi %add3A_1307, %add3A_1308 : i32
      %get3A_1310 = arith.constant 0 : index
      %get3A_1311 = arith.index_cast %add3A_1309 : i32 to index
      %get3A_1312 = arith.constant 2 : index
      %get3A_1313 = arith.constant 0 : index
      %get3A_1314 = vector.load %arg24[%get3A_1310, %get3A_1311, %get3A_1312, %get3A_1313] : memref<2x52x52x128xf32, #tpu.memory_space<vmem>>, vector<1x1x48x128xf32>
      %get3A_1315 = vector.shape_cast %get3A_1314 : vector<1x1x48x128xf32> to vector<1x48x128xf32>
      %get3A_1316 = arith.constant 0 : index
      %get3A_1317 = arith.constant 7 : index
      %get3A_1318 = memref.load %arg15[%get3A_1316, %get3A_1317] : memref<8x50xf32, #tpu.memory_space<smem>>
      %mul3A_1319 = vector.broadcast %get3A_1318 : f32 to vector<1x48x128xf32>
      %mul3A_1320 = arith.mulf %get3A_1315, %mul3A_1319 : vector<1x48x128xf32>
      %add3A_1321 = arith.addf %add3A_1263, %mul3A_1320 : vector<1x48x128xf32>
      %get3A_1322 = arith.constant 1 : index
      %get3A_1323 = arith.constant 7 : index
      %get3A_1324 = memref.load %arg15[%get3A_1322, %get3A_1323] : memref<8x50xf32, #tpu.memory_space<smem>>
      %mul3A_1325 = vector.broadcast %get3A_1324 : f32 to vector<1x48x128xf32>
      %mul3A_1326 = arith.mulf %get3A_1315, %mul3A_1325 : vector<1x48x128xf32>
      %add3A_1327 = arith.addf %add3A_1269, %mul3A_1326 : vector<1x48x128xf32>
      %get3A_1328 = arith.constant 2 : index
      %get3A_1329 = arith.constant 7 : index
      %get3A_1330 = memref.load %arg15[%get3A_1328, %get3A_1329] : memref<8x50xf32, #tpu.memory_space<smem>>
      %mul3A_1331 = vector.broadcast %get3A_1330 : f32 to vector<1x48x128xf32>
      %mul3A_1332 = arith.mulf %get3A_1315, %mul3A_1331 : vector<1x48x128xf32>
      %add3A_1333 = arith.addf %add3A_1275, %mul3A_1332 : vector<1x48x128xf32>
      %get3A_1334 = arith.constant 3 : index
      %get3A_1335 = arith.constant 7 : index
      %get3A_1336 = memref.load %arg15[%get3A_1334, %get3A_1335] : memref<8x50xf32, #tpu.memory_space<smem>>
      %mul3A_1337 = vector.broadcast %get3A_1336 : f32 to vector<1x48x128xf32>
      %mul3A_1338 = arith.mulf %get3A_1315, %mul3A_1337 : vector<1x48x128xf32>
      %add3A_1339 = arith.addf %add3A_1281, %mul3A_1338 : vector<1x48x128xf32>
      %get3A_1340 = arith.constant 4 : index
      %get3A_1341 = arith.constant 7 : index
      %get3A_1342 = memref.load %arg15[%get3A_1340, %get3A_1341] : memref<8x50xf32, #tpu.memory_space<smem>>
      %mul3A_1343 = vector.broadcast %get3A_1342 : f32 to vector<1x48x128xf32>
      %mul3A_1344 = arith.mulf %get3A_1315, %mul3A_1343 : vector<1x48x128xf32>
      %add3A_1345 = arith.addf %add3A_1287, %mul3A_1344 : vector<1x48x128xf32>
      %get3A_1346 = arith.constant 5 : index
      %get3A_1347 = arith.constant 7 : index
      %get3A_1348 = memref.load %arg15[%get3A_1346, %get3A_1347] : memref<8x50xf32, #tpu.memory_space<smem>>
      %mul3A_1349 = vector.broadcast %get3A_1348 : f32 to vector<1x48x128xf32>
      %mul3A_1350 = arith.mulf %get3A_1315, %mul3A_1349 : vector<1x48x128xf32>
      %add3A_1351 = arith.addf %add3A_1293, %mul3A_1350 : vector<1x48x128xf32>
      %get3A_1352 = arith.constant 6 : index
      %get3A_1353 = arith.constant 7 : index
      %get3A_1354 = memref.load %arg15[%get3A_1352, %get3A_1353] : memref<8x50xf32, #tpu.memory_space<smem>>
      %mul3A_1355 = vector.broadcast %get3A_1354 : f32 to vector<1x48x128xf32>
      %mul3A_1356 = arith.mulf %get3A_1315, %mul3A_1355 : vector<1x48x128xf32>
      %add3A_1357 = arith.addf %add3A_1299, %mul3A_1356 : vector<1x48x128xf32>
      %get3A_1358 = arith.constant 7 : index
      %get3A_1359 = arith.constant 7 : index
      %get3A_1360 = memref.load %arg15[%get3A_1358, %get3A_1359] : memref<8x50xf32, #tpu.memory_space<smem>>
      %mul3A_1361 = vector.broadcast %get3A_1360 : f32 to vector<1x48x128xf32>
      %mul3A_1362 = arith.mulf %get3A_1315, %mul3A_1361 : vector<1x48x128xf32>
      %add3A_1363 = arith.addf %add3A_1305, %mul3A_1362 : vector<1x48x128xf32>
      %add3A_1364 = arith.constant 2 : i32
      %add3A_1365 = arith.addi %mul3A_907, %add3A_1364 : i32
      %add3A_1366 = arith.constant -1 : i32
      %add3A_1367 = arith.addi %add3A_1365, %add3A_1366 : i32
      %get3A_1368 = arith.constant 0 : index
      %get3A_1369 = arith.index_cast %add3A_1367 : i32 to index
      %get3A_1370 = arith.constant 3 : index
      %get3A_1371 = arith.constant 0 : index
      %get3A_1372 = vector.load %arg24[%get3A_1368, %get3A_1369, %get3A_1370, %get3A_1371] : memref<2x52x52x128xf32, #tpu.memory_space<vmem>>, vector<1x1x48x128xf32>
      %get3A_1373 = vector.shape_cast %get3A_1372 : vector<1x1x48x128xf32> to vector<1x48x128xf32>
      %get3A_1374 = arith.constant 0 : index
      %get3A_1375 = arith.constant 8 : index
      %get3A_1376 = memref.load %arg15[%get3A_1374, %get3A_1375] : memref<8x50xf32, #tpu.memory_space<smem>>
      %mul3A_1377 = vector.broadcast %get3A_1376 : f32 to vector<1x48x128xf32>
      %mul3A_1378 = arith.mulf %get3A_1373, %mul3A_1377 : vector<1x48x128xf32>
      %add3A_1379 = arith.addf %add3A_1321, %mul3A_1378 : vector<1x48x128xf32>
      %get3A_1380 = arith.constant 1 : index
      %get3A_1381 = arith.constant 8 : index
      %get3A_1382 = memref.load %arg15[%get3A_1380, %get3A_1381] : memref<8x50xf32, #tpu.memory_space<smem>>
      %mul3A_1383 = vector.broadcast %get3A_1382 : f32 to vector<1x48x128xf32>
      %mul3A_1384 = arith.mulf %get3A_1373, %mul3A_1383 : vector<1x48x128xf32>
      %add3A_1385 = arith.addf %add3A_1327, %mul3A_1384 : vector<1x48x128xf32>
      %get3A_1386 = arith.constant 2 : index
      %get3A_1387 = arith.constant 8 : index
      %get3A_1388 = memref.load %arg15[%get3A_1386, %get3A_1387] : memref<8x50xf32, #tpu.memory_space<smem>>
      %mul3A_1389 = vector.broadcast %get3A_1388 : f32 to vector<1x48x128xf32>
      %mul3A_1390 = arith.mulf %get3A_1373, %mul3A_1389 : vector<1x48x128xf32>
      %add3A_1391 = arith.addf %add3A_1333, %mul3A_1390 : vector<1x48x128xf32>
      %get3A_1392 = arith.constant 3 : index
      %get3A_1393 = arith.constant 8 : index
      %get3A_1394 = memref.load %arg15[%get3A_1392, %get3A_1393] : memref<8x50xf32, #tpu.memory_space<smem>>
      %mul3A_1395 = vector.broadcast %get3A_1394 : f32 to vector<1x48x128xf32>
      %mul3A_1396 = arith.mulf %get3A_1373, %mul3A_1395 : vector<1x48x128xf32>
      %add3A_1397 = arith.addf %add3A_1339, %mul3A_1396 : vector<1x48x128xf32>
      %get3A_1398 = arith.constant 4 : index
      %get3A_1399 = arith.constant 8 : index
      %get3A_1400 = memref.load %arg15[%get3A_1398, %get3A_1399] : memref<8x50xf32, #tpu.memory_space<smem>>
      %mul3A_1401 = vector.broadcast %get3A_1400 : f32 to vector<1x48x128xf32>
      %mul3A_1402 = arith.mulf %get3A_1373, %mul3A_1401 : vector<1x48x128xf32>
      %add3A_1403 = arith.addf %add3A_1345, %mul3A_1402 : vector<1x48x128xf32>
      %get3A_1404 = arith.constant 5 : index
      %get3A_1405 = arith.constant 8 : index
      %get3A_1406 = memref.load %arg15[%get3A_1404, %get3A_1405] : memref<8x50xf32, #tpu.memory_space<smem>>
      %mul3A_1407 = vector.broadcast %get3A_1406 : f32 to vector<1x48x128xf32>
      %mul3A_1408 = arith.mulf %get3A_1373, %mul3A_1407 : vector<1x48x128xf32>
      %add3A_1409 = arith.addf %add3A_1351, %mul3A_1408 : vector<1x48x128xf32>
      %get3A_1410 = arith.constant 6 : index
      %get3A_1411 = arith.constant 8 : index
      %get3A_1412 = memref.load %arg15[%get3A_1410, %get3A_1411] : memref<8x50xf32, #tpu.memory_space<smem>>
      %mul3A_1413 = vector.broadcast %get3A_1412 : f32 to vector<1x48x128xf32>
      %mul3A_1414 = arith.mulf %get3A_1373, %mul3A_1413 : vector<1x48x128xf32>
      %add3A_1415 = arith.addf %add3A_1357, %mul3A_1414 : vector<1x48x128xf32>
      %get3A_1416 = arith.constant 7 : index
      %get3A_1417 = arith.constant 8 : index
      %get3A_1418 = memref.load %arg15[%get3A_1416, %get3A_1417] : memref<8x50xf32, #tpu.memory_space<smem>>
      %mul3A_1419 = vector.broadcast %get3A_1418 : f32 to vector<1x48x128xf32>
      %mul3A_1420 = arith.mulf %get3A_1373, %mul3A_1419 : vector<1x48x128xf32>
      %add3A_1421 = arith.addf %add3A_1363, %mul3A_1420 : vector<1x48x128xf32>
      %add3A_1422 = arith.constant 2 : i32
      %add3A_1423 = arith.addi %mul3A_907, %add3A_1422 : i32
      %add3A_1424 = arith.constant -1 : i32
      %add3A_1425 = arith.addi %add3A_1423, %add3A_1424 : i32
      %get3A_1426 = arith.constant 0 : index
      %get3A_1427 = arith.index_cast %add3A_1425 : i32 to index
      %get3A_1428 = arith.constant 4 : index
      %get3A_1429 = arith.constant 0 : index
      %get3A_1430 = vector.load %arg24[%get3A_1426, %get3A_1427, %get3A_1428, %get3A_1429] : memref<2x52x52x128xf32, #tpu.memory_space<vmem>>, vector<1x1x48x128xf32>
      %get3A_1431 = vector.shape_cast %get3A_1430 : vector<1x1x48x128xf32> to vector<1x48x128xf32>
      %get3A_1432 = arith.constant 0 : index
      %get3A_1433 = arith.constant 9 : index
      %get3A_1434 = memref.load %arg15[%get3A_1432, %get3A_1433] : memref<8x50xf32, #tpu.memory_space<smem>>
      %mul3A_1435 = vector.broadcast %get3A_1434 : f32 to vector<1x48x128xf32>
      %mul3A_1436 = arith.mulf %get3A_1431, %mul3A_1435 : vector<1x48x128xf32>
      %add3A_1437 = arith.addf %add3A_1379, %mul3A_1436 : vector<1x48x128xf32>
      %get3A_1438 = arith.constant 1 : index
      %get3A_1439 = arith.constant 9 : index
      %get3A_1440 = memref.load %arg15[%get3A_1438, %get3A_1439] : memref<8x50xf32, #tpu.memory_space<smem>>
      %mul3A_1441 = vector.broadcast %get3A_1440 : f32 to vector<1x48x128xf32>
      %mul3A_1442 = arith.mulf %get3A_1431, %mul3A_1441 : vector<1x48x128xf32>
      %add3A_1443 = arith.addf %add3A_1385, %mul3A_1442 : vector<1x48x128xf32>
      %get3A_1444 = arith.constant 2 : index
      %get3A_1445 = arith.constant 9 : index
      %get3A_1446 = memref.load %arg15[%get3A_1444, %get3A_1445] : memref<8x50xf32, #tpu.memory_space<smem>>
      %mul3A_1447 = vector.broadcast %get3A_1446 : f32 to vector<1x48x128xf32>
      %mul3A_1448 = arith.mulf %get3A_1431, %mul3A_1447 : vector<1x48x128xf32>
      %add3A_1449 = arith.addf %add3A_1391, %mul3A_1448 : vector<1x48x128xf32>
      %get3A_1450 = arith.constant 3 : index
      %get3A_1451 = arith.constant 9 : index
      %get3A_1452 = memref.load %arg15[%get3A_1450, %get3A_1451] : memref<8x50xf32, #tpu.memory_space<smem>>
      %mul3A_1453 = vector.broadcast %get3A_1452 : f32 to vector<1x48x128xf32>
      %mul3A_1454 = arith.mulf %get3A_1431, %mul3A_1453 : vector<1x48x128xf32>
      %add3A_1455 = arith.addf %add3A_1397, %mul3A_1454 : vector<1x48x128xf32>
      %get3A_1456 = arith.constant 4 : index
      %get3A_1457 = arith.constant 9 : index
      %get3A_1458 = memref.load %arg15[%get3A_1456, %get3A_1457] : memref<8x50xf32, #tpu.memory_space<smem>>
      %mul3A_1459 = vector.broadcast %get3A_1458 : f32 to vector<1x48x128xf32>
      %mul3A_1460 = arith.mulf %get3A_1431, %mul3A_1459 : vector<1x48x128xf32>
      %add3A_1461 = arith.addf %add3A_1403, %mul3A_1460 : vector<1x48x128xf32>
      %get3A_1462 = arith.constant 5 : index
      %get3A_1463 = arith.constant 9 : index
      %get3A_1464 = memref.load %arg15[%get3A_1462, %get3A_1463] : memref<8x50xf32, #tpu.memory_space<smem>>
      %mul3A_1465 = vector.broadcast %get3A_1464 : f32 to vector<1x48x128xf32>
      %mul3A_1466 = arith.mulf %get3A_1431, %mul3A_1465 : vector<1x48x128xf32>
      %add3A_1467 = arith.addf %add3A_1409, %mul3A_1466 : vector<1x48x128xf32>
      %get3A_1468 = arith.constant 6 : index
      %get3A_1469 = arith.constant 9 : index
      %get3A_1470 = memref.load %arg15[%get3A_1468, %get3A_1469] : memref<8x50xf32, #tpu.memory_space<smem>>
      %mul3A_1471 = vector.broadcast %get3A_1470 : f32 to vector<1x48x128xf32>
      %mul3A_1472 = arith.mulf %get3A_1431, %mul3A_1471 : vector<1x48x128xf32>
      %add3A_1473 = arith.addf %add3A_1415, %mul3A_1472 : vector<1x48x128xf32>
      %get3A_1474 = arith.constant 7 : index
      %get3A_1475 = arith.constant 9 : index
      %get3A_1476 = memref.load %arg15[%get3A_1474, %get3A_1475] : memref<8x50xf32, #tpu.memory_space<smem>>
      %mul3A_1477 = vector.broadcast %get3A_1476 : f32 to vector<1x48x128xf32>
      %mul3A_1478 = arith.mulf %get3A_1431, %mul3A_1477 : vector<1x48x128xf32>
      %add3A_1479 = arith.addf %add3A_1421, %mul3A_1478 : vector<1x48x128xf32>
      %add3A_1480 = arith.constant 2 : i32
      %add3A_1481 = arith.addi %mul3A_907, %add3A_1480 : i32
      %add3A_1482 = arith.constant 0 : i32
      %add3A_1483 = arith.addi %add3A_1481, %add3A_1482 : i32
      %get3A_1484 = arith.constant 0 : index
      %get3A_1485 = arith.index_cast %add3A_1483 : i32 to index
      %get3A_1486 = arith.constant 0 : index
      %get3A_1487 = arith.constant 0 : index
      %get3A_1488 = vector.load %arg24[%get3A_1484, %get3A_1485, %get3A_1486, %get3A_1487] : memref<2x52x52x128xf32, #tpu.memory_space<vmem>>, vector<1x1x48x128xf32>
      %get3A_1489 = vector.shape_cast %get3A_1488 : vector<1x1x48x128xf32> to vector<1x48x128xf32>
      %get3A_1490 = arith.constant 0 : index
      %get3A_1491 = arith.constant 10 : index
      %get3A_1492 = memref.load %arg15[%get3A_1490, %get3A_1491] : memref<8x50xf32, #tpu.memory_space<smem>>
      %mul3A_1493 = vector.broadcast %get3A_1492 : f32 to vector<1x48x128xf32>
      %mul3A_1494 = arith.mulf %get3A_1489, %mul3A_1493 : vector<1x48x128xf32>
      %add3A_1495 = arith.addf %add3A_1437, %mul3A_1494 : vector<1x48x128xf32>
      %get3A_1496 = arith.constant 1 : index
      %get3A_1497 = arith.constant 10 : index
      %get3A_1498 = memref.load %arg15[%get3A_1496, %get3A_1497] : memref<8x50xf32, #tpu.memory_space<smem>>
      %mul3A_1499 = vector.broadcast %get3A_1498 : f32 to vector<1x48x128xf32>
      %mul3A_1500 = arith.mulf %get3A_1489, %mul3A_1499 : vector<1x48x128xf32>
      %add3A_1501 = arith.addf %add3A_1443, %mul3A_1500 : vector<1x48x128xf32>
      %get3A_1502 = arith.constant 2 : index
      %get3A_1503 = arith.constant 10 : index
      %get3A_1504 = memref.load %arg15[%get3A_1502, %get3A_1503] : memref<8x50xf32, #tpu.memory_space<smem>>
      %mul3A_1505 = vector.broadcast %get3A_1504 : f32 to vector<1x48x128xf32>
      %mul3A_1506 = arith.mulf %get3A_1489, %mul3A_1505 : vector<1x48x128xf32>
      %add3A_1507 = arith.addf %add3A_1449, %mul3A_1506 : vector<1x48x128xf32>
      %get3A_1508 = arith.constant 3 : index
      %get3A_1509 = arith.constant 10 : index
      %get3A_1510 = memref.load %arg15[%get3A_1508, %get3A_1509] : memref<8x50xf32, #tpu.memory_space<smem>>
      %mul3A_1511 = vector.broadcast %get3A_1510 : f32 to vector<1x48x128xf32>
      %mul3A_1512 = arith.mulf %get3A_1489, %mul3A_1511 : vector<1x48x128xf32>
      %add3A_1513 = arith.addf %add3A_1455, %mul3A_1512 : vector<1x48x128xf32>
      %get3A_1514 = arith.constant 4 : index
      %get3A_1515 = arith.constant 10 : index
      %get3A_1516 = memref.load %arg15[%get3A_1514, %get3A_1515] : memref<8x50xf32, #tpu.memory_space<smem>>
      %mul3A_1517 = vector.broadcast %get3A_1516 : f32 to vector<1x48x128xf32>
      %mul3A_1518 = arith.mulf %get3A_1489, %mul3A_1517 : vector<1x48x128xf32>
      %add3A_1519 = arith.addf %add3A_1461, %mul3A_1518 : vector<1x48x128xf32>
      %get3A_1520 = arith.constant 5 : index
      %get3A_1521 = arith.constant 10 : index
      %get3A_1522 = memref.load %arg15[%get3A_1520, %get3A_1521] : memref<8x50xf32, #tpu.memory_space<smem>>
      %mul3A_1523 = vector.broadcast %get3A_1522 : f32 to vector<1x48x128xf32>
      %mul3A_1524 = arith.mulf %get3A_1489, %mul3A_1523 : vector<1x48x128xf32>
      %add3A_1525 = arith.addf %add3A_1467, %mul3A_1524 : vector<1x48x128xf32>
      %get3A_1526 = arith.constant 6 : index
      %get3A_1527 = arith.constant 10 : index
      %get3A_1528 = memref.load %arg15[%get3A_1526, %get3A_1527] : memref<8x50xf32, #tpu.memory_space<smem>>
      %mul3A_1529 = vector.broadcast %get3A_1528 : f32 to vector<1x48x128xf32>
      %mul3A_1530 = arith.mulf %get3A_1489, %mul3A_1529 : vector<1x48x128xf32>
      %add3A_1531 = arith.addf %add3A_1473, %mul3A_1530 : vector<1x48x128xf32>
      %get3A_1532 = arith.constant 7 : index
      %get3A_1533 = arith.constant 10 : index
      %get3A_1534 = memref.load %arg15[%get3A_1532, %get3A_1533] : memref<8x50xf32, #tpu.memory_space<smem>>
      %mul3A_1535 = vector.broadcast %get3A_1534 : f32 to vector<1x48x128xf32>
      %mul3A_1536 = arith.mulf %get3A_1489, %mul3A_1535 : vector<1x48x128xf32>
      %add3A_1537 = arith.addf %add3A_1479, %mul3A_1536 : vector<1x48x128xf32>
      %add3A_1538 = arith.constant 2 : i32
      %add3A_1539 = arith.addi %mul3A_907, %add3A_1538 : i32
      %add3A_1540 = arith.constant 0 : i32
      %add3A_1541 = arith.addi %add3A_1539, %add3A_1540 : i32
      %get3A_1542 = arith.constant 0 : index
      %get3A_1543 = arith.index_cast %add3A_1541 : i32 to index
      %get3A_1544 = arith.constant 1 : index
      %get3A_1545 = arith.constant 0 : index
      %get3A_1546 = vector.load %arg24[%get3A_1542, %get3A_1543, %get3A_1544, %get3A_1545] : memref<2x52x52x128xf32, #tpu.memory_space<vmem>>, vector<1x1x48x128xf32>
      %get3A_1547 = vector.shape_cast %get3A_1546 : vector<1x1x48x128xf32> to vector<1x48x128xf32>
      %get3A_1548 = arith.constant 0 : index
      %get3A_1549 = arith.constant 11 : index
      %get3A_1550 = memref.load %arg15[%get3A_1548, %get3A_1549] : memref<8x50xf32, #tpu.memory_space<smem>>
      %mul3A_1551 = vector.broadcast %get3A_1550 : f32 to vector<1x48x128xf32>
      %mul3A_1552 = arith.mulf %get3A_1547, %mul3A_1551 : vector<1x48x128xf32>
      %add3A_1553 = arith.addf %add3A_1495, %mul3A_1552 : vector<1x48x128xf32>
      %get3A_1554 = arith.constant 1 : index
      %get3A_1555 = arith.constant 11 : index
      %get3A_1556 = memref.load %arg15[%get3A_1554, %get3A_1555] : memref<8x50xf32, #tpu.memory_space<smem>>
      %mul3A_1557 = vector.broadcast %get3A_1556 : f32 to vector<1x48x128xf32>
      %mul3A_1558 = arith.mulf %get3A_1547, %mul3A_1557 : vector<1x48x128xf32>
      %add3A_1559 = arith.addf %add3A_1501, %mul3A_1558 : vector<1x48x128xf32>
      %get3A_1560 = arith.constant 2 : index
      %get3A_1561 = arith.constant 11 : index
      %get3A_1562 = memref.load %arg15[%get3A_1560, %get3A_1561] : memref<8x50xf32, #tpu.memory_space<smem>>
      %mul3A_1563 = vector.broadcast %get3A_1562 : f32 to vector<1x48x128xf32>
      %mul3A_1564 = arith.mulf %get3A_1547, %mul3A_1563 : vector<1x48x128xf32>
      %add3A_1565 = arith.addf %add3A_1507, %mul3A_1564 : vector<1x48x128xf32>
      %get3A_1566 = arith.constant 3 : index
      %get3A_1567 = arith.constant 11 : index
      %get3A_1568 = memref.load %arg15[%get3A_1566, %get3A_1567] : memref<8x50xf32, #tpu.memory_space<smem>>
      %mul3A_1569 = vector.broadcast %get3A_1568 : f32 to vector<1x48x128xf32>
      %mul3A_1570 = arith.mulf %get3A_1547, %mul3A_1569 : vector<1x48x128xf32>
      %add3A_1571 = arith.addf %add3A_1513, %mul3A_1570 : vector<1x48x128xf32>
      %get3A_1572 = arith.constant 4 : index
      %get3A_1573 = arith.constant 11 : index
      %get3A_1574 = memref.load %arg15[%get3A_1572, %get3A_1573] : memref<8x50xf32, #tpu.memory_space<smem>>
      %mul3A_1575 = vector.broadcast %get3A_1574 : f32 to vector<1x48x128xf32>
      %mul3A_1576 = arith.mulf %get3A_1547, %mul3A_1575 : vector<1x48x128xf32>
      %add3A_1577 = arith.addf %add3A_1519, %mul3A_1576 : vector<1x48x128xf32>
      %get3A_1578 = arith.constant 5 : index
      %get3A_1579 = arith.constant 11 : index
      %get3A_1580 = memref.load %arg15[%get3A_1578, %get3A_1579] : memref<8x50xf32, #tpu.memory_space<smem>>
      %mul3A_1581 = vector.broadcast %get3A_1580 : f32 to vector<1x48x128xf32>
      %mul3A_1582 = arith.mulf %get3A_1547, %mul3A_1581 : vector<1x48x128xf32>
      %add3A_1583 = arith.addf %add3A_1525, %mul3A_1582 : vector<1x48x128xf32>
      %get3A_1584 = arith.constant 6 : index
      %get3A_1585 = arith.constant 11 : index
      %get3A_1586 = memref.load %arg15[%get3A_1584, %get3A_1585] : memref<8x50xf32, #tpu.memory_space<smem>>
      %mul3A_1587 = vector.broadcast %get3A_1586 : f32 to vector<1x48x128xf32>
      %mul3A_1588 = arith.mulf %get3A_1547, %mul3A_1587 : vector<1x48x128xf32>
      %add3A_1589 = arith.addf %add3A_1531, %mul3A_1588 : vector<1x48x128xf32>
      %get3A_1590 = arith.constant 7 : index
      %get3A_1591 = arith.constant 11 : index
      %get3A_1592 = memref.load %arg15[%get3A_1590, %get3A_1591] : memref<8x50xf32, #tpu.memory_space<smem>>
      %mul3A_1593 = vector.broadcast %get3A_1592 : f32 to vector<1x48x128xf32>
      %mul3A_1594 = arith.mulf %get3A_1547, %mul3A_1593 : vector<1x48x128xf32>
      %add3A_1595 = arith.addf %add3A_1537, %mul3A_1594 : vector<1x48x128xf32>
      %add3A_1596 = arith.constant 2 : i32
      %add3A_1597 = arith.addi %mul3A_907, %add3A_1596 : i32
      %add3A_1598 = arith.constant 0 : i32
      %add3A_1599 = arith.addi %add3A_1597, %add3A_1598 : i32
      %get3A_1600 = arith.constant 0 : index
      %get3A_1601 = arith.index_cast %add3A_1599 : i32 to index
      %get3A_1602 = arith.constant 2 : index
      %get3A_1603 = arith.constant 0 : index
      %get3A_1604 = vector.load %arg24[%get3A_1600, %get3A_1601, %get3A_1602, %get3A_1603] : memref<2x52x52x128xf32, #tpu.memory_space<vmem>>, vector<1x1x48x128xf32>
      %get3A_1605 = vector.shape_cast %get3A_1604 : vector<1x1x48x128xf32> to vector<1x48x128xf32>
      %get3A_1606 = arith.constant 0 : index
      %get3A_1607 = arith.constant 12 : index
      %get3A_1608 = memref.load %arg15[%get3A_1606, %get3A_1607] : memref<8x50xf32, #tpu.memory_space<smem>>
      %mul3A_1609 = vector.broadcast %get3A_1608 : f32 to vector<1x48x128xf32>
      %mul3A_1610 = arith.mulf %get3A_1605, %mul3A_1609 : vector<1x48x128xf32>
      %add3A_1611 = arith.addf %add3A_1553, %mul3A_1610 : vector<1x48x128xf32>
      %get3A_1612 = arith.constant 1 : index
      %get3A_1613 = arith.constant 12 : index
      %get3A_1614 = memref.load %arg15[%get3A_1612, %get3A_1613] : memref<8x50xf32, #tpu.memory_space<smem>>
      %mul3A_1615 = vector.broadcast %get3A_1614 : f32 to vector<1x48x128xf32>
      %mul3A_1616 = arith.mulf %get3A_1605, %mul3A_1615 : vector<1x48x128xf32>
      %add3A_1617 = arith.addf %add3A_1559, %mul3A_1616 : vector<1x48x128xf32>
      %get3A_1618 = arith.constant 2 : index
      %get3A_1619 = arith.constant 12 : index
      %get3A_1620 = memref.load %arg15[%get3A_1618, %get3A_1619] : memref<8x50xf32, #tpu.memory_space<smem>>
      %mul3A_1621 = vector.broadcast %get3A_1620 : f32 to vector<1x48x128xf32>
      %mul3A_1622 = arith.mulf %get3A_1605, %mul3A_1621 : vector<1x48x128xf32>
      %add3A_1623 = arith.addf %add3A_1565, %mul3A_1622 : vector<1x48x128xf32>
      %get3A_1624 = arith.constant 3 : index
      %get3A_1625 = arith.constant 12 : index
      %get3A_1626 = memref.load %arg15[%get3A_1624, %get3A_1625] : memref<8x50xf32, #tpu.memory_space<smem>>
      %mul3A_1627 = vector.broadcast %get3A_1626 : f32 to vector<1x48x128xf32>
      %mul3A_1628 = arith.mulf %get3A_1605, %mul3A_1627 : vector<1x48x128xf32>
      %add3A_1629 = arith.addf %add3A_1571, %mul3A_1628 : vector<1x48x128xf32>
      %get3A_1630 = arith.constant 4 : index
      %get3A_1631 = arith.constant 12 : index
      %get3A_1632 = memref.load %arg15[%get3A_1630, %get3A_1631] : memref<8x50xf32, #tpu.memory_space<smem>>
      %mul3A_1633 = vector.broadcast %get3A_1632 : f32 to vector<1x48x128xf32>
      %mul3A_1634 = arith.mulf %get3A_1605, %mul3A_1633 : vector<1x48x128xf32>
      %add3A_1635 = arith.addf %add3A_1577, %mul3A_1634 : vector<1x48x128xf32>
      %get3A_1636 = arith.constant 5 : index
      %get3A_1637 = arith.constant 12 : index
      %get3A_1638 = memref.load %arg15[%get3A_1636, %get3A_1637] : memref<8x50xf32, #tpu.memory_space<smem>>
      %mul3A_1639 = vector.broadcast %get3A_1638 : f32 to vector<1x48x128xf32>
      %mul3A_1640 = arith.mulf %get3A_1605, %mul3A_1639 : vector<1x48x128xf32>
      %add3A_1641 = arith.addf %add3A_1583, %mul3A_1640 : vector<1x48x128xf32>
      %get3A_1642 = arith.constant 6 : index
      %get3A_1643 = arith.constant 12 : index
      %get3A_1644 = memref.load %arg15[%get3A_1642, %get3A_1643] : memref<8x50xf32, #tpu.memory_space<smem>>
      %mul3A_1645 = vector.broadcast %get3A_1644 : f32 to vector<1x48x128xf32>
      %mul3A_1646 = arith.mulf %get3A_1605, %mul3A_1645 : vector<1x48x128xf32>
      %add3A_1647 = arith.addf %add3A_1589, %mul3A_1646 : vector<1x48x128xf32>
      %get3A_1648 = arith.constant 7 : index
      %get3A_1649 = arith.constant 12 : index
      %get3A_1650 = memref.load %arg15[%get3A_1648, %get3A_1649] : memref<8x50xf32, #tpu.memory_space<smem>>
      %mul3A_1651 = vector.broadcast %get3A_1650 : f32 to vector<1x48x128xf32>
      %mul3A_1652 = arith.mulf %get3A_1605, %mul3A_1651 : vector<1x48x128xf32>
      %add3A_1653 = arith.addf %add3A_1595, %mul3A_1652 : vector<1x48x128xf32>
      %add3A_1654 = arith.constant 2 : i32
      %add3A_1655 = arith.addi %mul3A_907, %add3A_1654 : i32
      %add3A_1656 = arith.constant 0 : i32
      %add3A_1657 = arith.addi %add3A_1655, %add3A_1656 : i32
      %get3A_1658 = arith.constant 0 : index
      %get3A_1659 = arith.index_cast %add3A_1657 : i32 to index
      %get3A_1660 = arith.constant 3 : index
      %get3A_1661 = arith.constant 0 : index
      %get3A_1662 = vector.load %arg24[%get3A_1658, %get3A_1659, %get3A_1660, %get3A_1661] : memref<2x52x52x128xf32, #tpu.memory_space<vmem>>, vector<1x1x48x128xf32>
      %get3A_1663 = vector.shape_cast %get3A_1662 : vector<1x1x48x128xf32> to vector<1x48x128xf32>
      %get3A_1664 = arith.constant 0 : index
      %get3A_1665 = arith.constant 13 : index
      %get3A_1666 = memref.load %arg15[%get3A_1664, %get3A_1665] : memref<8x50xf32, #tpu.memory_space<smem>>
      %mul3A_1667 = vector.broadcast %get3A_1666 : f32 to vector<1x48x128xf32>
      %mul3A_1668 = arith.mulf %get3A_1663, %mul3A_1667 : vector<1x48x128xf32>
      %add3A_1669 = arith.addf %add3A_1611, %mul3A_1668 : vector<1x48x128xf32>
      %get3A_1670 = arith.constant 1 : index
      %get3A_1671 = arith.constant 13 : index
      %get3A_1672 = memref.load %arg15[%get3A_1670, %get3A_1671] : memref<8x50xf32, #tpu.memory_space<smem>>
      %mul3A_1673 = vector.broadcast %get3A_1672 : f32 to vector<1x48x128xf32>
      %mul3A_1674 = arith.mulf %get3A_1663, %mul3A_1673 : vector<1x48x128xf32>
      %add3A_1675 = arith.addf %add3A_1617, %mul3A_1674 : vector<1x48x128xf32>
      %get3A_1676 = arith.constant 2 : index
      %get3A_1677 = arith.constant 13 : index
      %get3A_1678 = memref.load %arg15[%get3A_1676, %get3A_1677] : memref<8x50xf32, #tpu.memory_space<smem>>
      %mul3A_1679 = vector.broadcast %get3A_1678 : f32 to vector<1x48x128xf32>
      %mul3A_1680 = arith.mulf %get3A_1663, %mul3A_1679 : vector<1x48x128xf32>
      %add3A_1681 = arith.addf %add3A_1623, %mul3A_1680 : vector<1x48x128xf32>
      %get3A_1682 = arith.constant 3 : index
      %get3A_1683 = arith.constant 13 : index
      %get3A_1684 = memref.load %arg15[%get3A_1682, %get3A_1683] : memref<8x50xf32, #tpu.memory_space<smem>>
      %mul3A_1685 = vector.broadcast %get3A_1684 : f32 to vector<1x48x128xf32>
      %mul3A_1686 = arith.mulf %get3A_1663, %mul3A_1685 : vector<1x48x128xf32>
      %add3A_1687 = arith.addf %add3A_1629, %mul3A_1686 : vector<1x48x128xf32>
      %get3A_1688 = arith.constant 4 : index
      %get3A_1689 = arith.constant 13 : index
      %get3A_1690 = memref.load %arg15[%get3A_1688, %get3A_1689] : memref<8x50xf32, #tpu.memory_space<smem>>
      %mul3A_1691 = vector.broadcast %get3A_1690 : f32 to vector<1x48x128xf32>
      %mul3A_1692 = arith.mulf %get3A_1663, %mul3A_1691 : vector<1x48x128xf32>
      %add3A_1693 = arith.addf %add3A_1635, %mul3A_1692 : vector<1x48x128xf32>
      %get3A_1694 = arith.constant 5 : index
      %get3A_1695 = arith.constant 13 : index
      %get3A_1696 = memref.load %arg15[%get3A_1694, %get3A_1695] : memref<8x50xf32, #tpu.memory_space<smem>>
      %mul3A_1697 = vector.broadcast %get3A_1696 : f32 to vector<1x48x128xf32>
      %mul3A_1698 = arith.mulf %get3A_1663, %mul3A_1697 : vector<1x48x128xf32>
      %add3A_1699 = arith.addf %add3A_1641, %mul3A_1698 : vector<1x48x128xf32>
      %get3A_1700 = arith.constant 6 : index
      %get3A_1701 = arith.constant 13 : index
      %get3A_1702 = memref.load %arg15[%get3A_1700, %get3A_1701] : memref<8x50xf32, #tpu.memory_space<smem>>
      %mul3A_1703 = vector.broadcast %get3A_1702 : f32 to vector<1x48x128xf32>
      %mul3A_1704 = arith.mulf %get3A_1663, %mul3A_1703 : vector<1x48x128xf32>
      %add3A_1705 = arith.addf %add3A_1647, %mul3A_1704 : vector<1x48x128xf32>
      %get3A_1706 = arith.constant 7 : index
      %get3A_1707 = arith.constant 13 : index
      %get3A_1708 = memref.load %arg15[%get3A_1706, %get3A_1707] : memref<8x50xf32, #tpu.memory_space<smem>>
      %mul3A_1709 = vector.broadcast %get3A_1708 : f32 to vector<1x48x128xf32>
      %mul3A_1710 = arith.mulf %get3A_1663, %mul3A_1709 : vector<1x48x128xf32>
      %add3A_1711 = arith.addf %add3A_1653, %mul3A_1710 : vector<1x48x128xf32>
      %add3A_1712 = arith.constant 2 : i32
      %add3A_1713 = arith.addi %mul3A_907, %add3A_1712 : i32
      %add3A_1714 = arith.constant 0 : i32
      %add3A_1715 = arith.addi %add3A_1713, %add3A_1714 : i32
      %get3A_1716 = arith.constant 0 : index
      %get3A_1717 = arith.index_cast %add3A_1715 : i32 to index
      %get3A_1718 = arith.constant 4 : index
      %get3A_1719 = arith.constant 0 : index
      %get3A_1720 = vector.load %arg24[%get3A_1716, %get3A_1717, %get3A_1718, %get3A_1719] : memref<2x52x52x128xf32, #tpu.memory_space<vmem>>, vector<1x1x48x128xf32>
      %get3A_1721 = vector.shape_cast %get3A_1720 : vector<1x1x48x128xf32> to vector<1x48x128xf32>
      %get3A_1722 = arith.constant 0 : index
      %get3A_1723 = arith.constant 14 : index
      %get3A_1724 = memref.load %arg15[%get3A_1722, %get3A_1723] : memref<8x50xf32, #tpu.memory_space<smem>>
      %mul3A_1725 = vector.broadcast %get3A_1724 : f32 to vector<1x48x128xf32>
      %mul3A_1726 = arith.mulf %get3A_1721, %mul3A_1725 : vector<1x48x128xf32>
      %add3A_1727 = arith.addf %add3A_1669, %mul3A_1726 : vector<1x48x128xf32>
      %get3A_1728 = arith.constant 1 : index
      %get3A_1729 = arith.constant 14 : index
      %get3A_1730 = memref.load %arg15[%get3A_1728, %get3A_1729] : memref<8x50xf32, #tpu.memory_space<smem>>
      %mul3A_1731 = vector.broadcast %get3A_1730 : f32 to vector<1x48x128xf32>
      %mul3A_1732 = arith.mulf %get3A_1721, %mul3A_1731 : vector<1x48x128xf32>
      %add3A_1733 = arith.addf %add3A_1675, %mul3A_1732 : vector<1x48x128xf32>
      %get3A_1734 = arith.constant 2 : index
      %get3A_1735 = arith.constant 14 : index
      %get3A_1736 = memref.load %arg15[%get3A_1734, %get3A_1735] : memref<8x50xf32, #tpu.memory_space<smem>>
      %mul3A_1737 = vector.broadcast %get3A_1736 : f32 to vector<1x48x128xf32>
      %mul3A_1738 = arith.mulf %get3A_1721, %mul3A_1737 : vector<1x48x128xf32>
      %add3A_1739 = arith.addf %add3A_1681, %mul3A_1738 : vector<1x48x128xf32>
      %get3A_1740 = arith.constant 3 : index
      %get3A_1741 = arith.constant 14 : index
      %get3A_1742 = memref.load %arg15[%get3A_1740, %get3A_1741] : memref<8x50xf32, #tpu.memory_space<smem>>
      %mul3A_1743 = vector.broadcast %get3A_1742 : f32 to vector<1x48x128xf32>
      %mul3A_1744 = arith.mulf %get3A_1721, %mul3A_1743 : vector<1x48x128xf32>
      %add3A_1745 = arith.addf %add3A_1687, %mul3A_1744 : vector<1x48x128xf32>
      %get3A_1746 = arith.constant 4 : index
      %get3A_1747 = arith.constant 14 : index
      %get3A_1748 = memref.load %arg15[%get3A_1746, %get3A_1747] : memref<8x50xf32, #tpu.memory_space<smem>>
      %mul3A_1749 = vector.broadcast %get3A_1748 : f32 to vector<1x48x128xf32>
      %mul3A_1750 = arith.mulf %get3A_1721, %mul3A_1749 : vector<1x48x128xf32>
      %add3A_1751 = arith.addf %add3A_1693, %mul3A_1750 : vector<1x48x128xf32>
      %get3A_1752 = arith.constant 5 : index
      %get3A_1753 = arith.constant 14 : index
      %get3A_1754 = memref.load %arg15[%get3A_1752, %get3A_1753] : memref<8x50xf32, #tpu.memory_space<smem>>
      %mul3A_1755 = vector.broadcast %get3A_1754 : f32 to vector<1x48x128xf32>
      %mul3A_1756 = arith.mulf %get3A_1721, %mul3A_1755 : vector<1x48x128xf32>
      %add3A_1757 = arith.addf %add3A_1699, %mul3A_1756 : vector<1x48x128xf32>
      %get3A_1758 = arith.constant 6 : index
      %get3A_1759 = arith.constant 14 : index
      %get3A_1760 = memref.load %arg15[%get3A_1758, %get3A_1759] : memref<8x50xf32, #tpu.memory_space<smem>>
      %mul3A_1761 = vector.broadcast %get3A_1760 : f32 to vector<1x48x128xf32>
      %mul3A_1762 = arith.mulf %get3A_1721, %mul3A_1761 : vector<1x48x128xf32>
      %add3A_1763 = arith.addf %add3A_1705, %mul3A_1762 : vector<1x48x128xf32>
      %get3A_1764 = arith.constant 7 : index
      %get3A_1765 = arith.constant 14 : index
      %get3A_1766 = memref.load %arg15[%get3A_1764, %get3A_1765] : memref<8x50xf32, #tpu.memory_space<smem>>
      %mul3A_1767 = vector.broadcast %get3A_1766 : f32 to vector<1x48x128xf32>
      %mul3A_1768 = arith.mulf %get3A_1721, %mul3A_1767 : vector<1x48x128xf32>
      %add3A_1769 = arith.addf %add3A_1711, %mul3A_1768 : vector<1x48x128xf32>
      %add3A_1770 = arith.constant 2 : i32
      %add3A_1771 = arith.addi %mul3A_907, %add3A_1770 : i32
      %add3A_1772 = arith.constant 1 : i32
      %add3A_1773 = arith.addi %add3A_1771, %add3A_1772 : i32
      %get3A_1774 = arith.constant 0 : index
      %get3A_1775 = arith.index_cast %add3A_1773 : i32 to index
      %get3A_1776 = arith.constant 0 : index
      %get3A_1777 = arith.constant 0 : index
      %get3A_1778 = vector.load %arg24[%get3A_1774, %get3A_1775, %get3A_1776, %get3A_1777] : memref<2x52x52x128xf32, #tpu.memory_space<vmem>>, vector<1x1x48x128xf32>
      %get3A_1779 = vector.shape_cast %get3A_1778 : vector<1x1x48x128xf32> to vector<1x48x128xf32>
      %get3A_1780 = arith.constant 0 : index
      %get3A_1781 = arith.constant 15 : index
      %get3A_1782 = memref.load %arg15[%get3A_1780, %get3A_1781] : memref<8x50xf32, #tpu.memory_space<smem>>
      %mul3A_1783 = vector.broadcast %get3A_1782 : f32 to vector<1x48x128xf32>
      %mul3A_1784 = arith.mulf %get3A_1779, %mul3A_1783 : vector<1x48x128xf32>
      %add3A_1785 = arith.addf %add3A_1727, %mul3A_1784 : vector<1x48x128xf32>
      %get3A_1786 = arith.constant 1 : index
      %get3A_1787 = arith.constant 15 : index
      %get3A_1788 = memref.load %arg15[%get3A_1786, %get3A_1787] : memref<8x50xf32, #tpu.memory_space<smem>>
      %mul3A_1789 = vector.broadcast %get3A_1788 : f32 to vector<1x48x128xf32>
      %mul3A_1790 = arith.mulf %get3A_1779, %mul3A_1789 : vector<1x48x128xf32>
      %add3A_1791 = arith.addf %add3A_1733, %mul3A_1790 : vector<1x48x128xf32>
      %get3A_1792 = arith.constant 2 : index
      %get3A_1793 = arith.constant 15 : index
      %get3A_1794 = memref.load %arg15[%get3A_1792, %get3A_1793] : memref<8x50xf32, #tpu.memory_space<smem>>
      %mul3A_1795 = vector.broadcast %get3A_1794 : f32 to vector<1x48x128xf32>
      %mul3A_1796 = arith.mulf %get3A_1779, %mul3A_1795 : vector<1x48x128xf32>
      %add3A_1797 = arith.addf %add3A_1739, %mul3A_1796 : vector<1x48x128xf32>
      %get3A_1798 = arith.constant 3 : index
      %get3A_1799 = arith.constant 15 : index
      %get3A_1800 = memref.load %arg15[%get3A_1798, %get3A_1799] : memref<8x50xf32, #tpu.memory_space<smem>>
      %mul3A_1801 = vector.broadcast %get3A_1800 : f32 to vector<1x48x128xf32>
      %mul3A_1802 = arith.mulf %get3A_1779, %mul3A_1801 : vector<1x48x128xf32>
      %add3A_1803 = arith.addf %add3A_1745, %mul3A_1802 : vector<1x48x128xf32>
      %get3A_1804 = arith.constant 4 : index
      %get3A_1805 = arith.constant 15 : index
      %get3A_1806 = memref.load %arg15[%get3A_1804, %get3A_1805] : memref<8x50xf32, #tpu.memory_space<smem>>
      %mul3A_1807 = vector.broadcast %get3A_1806 : f32 to vector<1x48x128xf32>
      %mul3A_1808 = arith.mulf %get3A_1779, %mul3A_1807 : vector<1x48x128xf32>
      %add3A_1809 = arith.addf %add3A_1751, %mul3A_1808 : vector<1x48x128xf32>
      %get3A_1810 = arith.constant 5 : index
      %get3A_1811 = arith.constant 15 : index
      %get3A_1812 = memref.load %arg15[%get3A_1810, %get3A_1811] : memref<8x50xf32, #tpu.memory_space<smem>>
      %mul3A_1813 = vector.broadcast %get3A_1812 : f32 to vector<1x48x128xf32>
      %mul3A_1814 = arith.mulf %get3A_1779, %mul3A_1813 : vector<1x48x128xf32>
      %add3A_1815 = arith.addf %add3A_1757, %mul3A_1814 : vector<1x48x128xf32>
      %get3A_1816 = arith.constant 6 : index
      %get3A_1817 = arith.constant 15 : index
      %get3A_1818 = memref.load %arg15[%get3A_1816, %get3A_1817] : memref<8x50xf32, #tpu.memory_space<smem>>
      %mul3A_1819 = vector.broadcast %get3A_1818 : f32 to vector<1x48x128xf32>
      %mul3A_1820 = arith.mulf %get3A_1779, %mul3A_1819 : vector<1x48x128xf32>
      %add3A_1821 = arith.addf %add3A_1763, %mul3A_1820 : vector<1x48x128xf32>
      %get3A_1822 = arith.constant 7 : index
      %get3A_1823 = arith.constant 15 : index
      %get3A_1824 = memref.load %arg15[%get3A_1822, %get3A_1823] : memref<8x50xf32, #tpu.memory_space<smem>>
      %mul3A_1825 = vector.broadcast %get3A_1824 : f32 to vector<1x48x128xf32>
      %mul3A_1826 = arith.mulf %get3A_1779, %mul3A_1825 : vector<1x48x128xf32>
      %add3A_1827 = arith.addf %add3A_1769, %mul3A_1826 : vector<1x48x128xf32>
      %add3A_1828 = arith.constant 2 : i32
      %add3A_1829 = arith.addi %mul3A_907, %add3A_1828 : i32
      %add3A_1830 = arith.constant 1 : i32
      %add3A_1831 = arith.addi %add3A_1829, %add3A_1830 : i32
      %get3A_1832 = arith.constant 0 : index
      %get3A_1833 = arith.index_cast %add3A_1831 : i32 to index
      %get3A_1834 = arith.constant 1 : index
      %get3A_1835 = arith.constant 0 : index
      %get3A_1836 = vector.load %arg24[%get3A_1832, %get3A_1833, %get3A_1834, %get3A_1835] : memref<2x52x52x128xf32, #tpu.memory_space<vmem>>, vector<1x1x48x128xf32>
      %get3A_1837 = vector.shape_cast %get3A_1836 : vector<1x1x48x128xf32> to vector<1x48x128xf32>
      %get3A_1838 = arith.constant 0 : index
      %get3A_1839 = arith.constant 16 : index
      %get3A_1840 = memref.load %arg15[%get3A_1838, %get3A_1839] : memref<8x50xf32, #tpu.memory_space<smem>>
      %mul3A_1841 = vector.broadcast %get3A_1840 : f32 to vector<1x48x128xf32>
      %mul3A_1842 = arith.mulf %get3A_1837, %mul3A_1841 : vector<1x48x128xf32>
      %add3A_1843 = arith.addf %add3A_1785, %mul3A_1842 : vector<1x48x128xf32>
      %get3A_1844 = arith.constant 1 : index
      %get3A_1845 = arith.constant 16 : index
      %get3A_1846 = memref.load %arg15[%get3A_1844, %get3A_1845] : memref<8x50xf32, #tpu.memory_space<smem>>
      %mul3A_1847 = vector.broadcast %get3A_1846 : f32 to vector<1x48x128xf32>
      %mul3A_1848 = arith.mulf %get3A_1837, %mul3A_1847 : vector<1x48x128xf32>
      %add3A_1849 = arith.addf %add3A_1791, %mul3A_1848 : vector<1x48x128xf32>
      %get3A_1850 = arith.constant 2 : index
      %get3A_1851 = arith.constant 16 : index
      %get3A_1852 = memref.load %arg15[%get3A_1850, %get3A_1851] : memref<8x50xf32, #tpu.memory_space<smem>>
      %mul3A_1853 = vector.broadcast %get3A_1852 : f32 to vector<1x48x128xf32>
      %mul3A_1854 = arith.mulf %get3A_1837, %mul3A_1853 : vector<1x48x128xf32>
      %add3A_1855 = arith.addf %add3A_1797, %mul3A_1854 : vector<1x48x128xf32>
      %get3A_1856 = arith.constant 3 : index
      %get3A_1857 = arith.constant 16 : index
      %get3A_1858 = memref.load %arg15[%get3A_1856, %get3A_1857] : memref<8x50xf32, #tpu.memory_space<smem>>
      %mul3A_1859 = vector.broadcast %get3A_1858 : f32 to vector<1x48x128xf32>
      %mul3A_1860 = arith.mulf %get3A_1837, %mul3A_1859 : vector<1x48x128xf32>
      %add3A_1861 = arith.addf %add3A_1803, %mul3A_1860 : vector<1x48x128xf32>
      %get3A_1862 = arith.constant 4 : index
      %get3A_1863 = arith.constant 16 : index
      %get3A_1864 = memref.load %arg15[%get3A_1862, %get3A_1863] : memref<8x50xf32, #tpu.memory_space<smem>>
      %mul3A_1865 = vector.broadcast %get3A_1864 : f32 to vector<1x48x128xf32>
      %mul3A_1866 = arith.mulf %get3A_1837, %mul3A_1865 : vector<1x48x128xf32>
      %add3A_1867 = arith.addf %add3A_1809, %mul3A_1866 : vector<1x48x128xf32>
      %get3A_1868 = arith.constant 5 : index
      %get3A_1869 = arith.constant 16 : index
      %get3A_1870 = memref.load %arg15[%get3A_1868, %get3A_1869] : memref<8x50xf32, #tpu.memory_space<smem>>
      %mul3A_1871 = vector.broadcast %get3A_1870 : f32 to vector<1x48x128xf32>
      %mul3A_1872 = arith.mulf %get3A_1837, %mul3A_1871 : vector<1x48x128xf32>
      %add3A_1873 = arith.addf %add3A_1815, %mul3A_1872 : vector<1x48x128xf32>
      %get3A_1874 = arith.constant 6 : index
      %get3A_1875 = arith.constant 16 : index
      %get3A_1876 = memref.load %arg15[%get3A_1874, %get3A_1875] : memref<8x50xf32, #tpu.memory_space<smem>>
      %mul3A_1877 = vector.broadcast %get3A_1876 : f32 to vector<1x48x128xf32>
      %mul3A_1878 = arith.mulf %get3A_1837, %mul3A_1877 : vector<1x48x128xf32>
      %add3A_1879 = arith.addf %add3A_1821, %mul3A_1878 : vector<1x48x128xf32>
      %get3A_1880 = arith.constant 7 : index
      %get3A_1881 = arith.constant 16 : index
      %get3A_1882 = memref.load %arg15[%get3A_1880, %get3A_1881] : memref<8x50xf32, #tpu.memory_space<smem>>
      %mul3A_1883 = vector.broadcast %get3A_1882 : f32 to vector<1x48x128xf32>
      %mul3A_1884 = arith.mulf %get3A_1837, %mul3A_1883 : vector<1x48x128xf32>
      %add3A_1885 = arith.addf %add3A_1827, %mul3A_1884 : vector<1x48x128xf32>
      %add3A_1886 = arith.constant 2 : i32
      %add3A_1887 = arith.addi %mul3A_907, %add3A_1886 : i32
      %add3A_1888 = arith.constant 1 : i32
      %add3A_1889 = arith.addi %add3A_1887, %add3A_1888 : i32
      %get3A_1890 = arith.constant 0 : index
      %get3A_1891 = arith.index_cast %add3A_1889 : i32 to index
      %get3A_1892 = arith.constant 2 : index
      %get3A_1893 = arith.constant 0 : index
      %get3A_1894 = vector.load %arg24[%get3A_1890, %get3A_1891, %get3A_1892, %get3A_1893] : memref<2x52x52x128xf32, #tpu.memory_space<vmem>>, vector<1x1x48x128xf32>
      %get3A_1895 = vector.shape_cast %get3A_1894 : vector<1x1x48x128xf32> to vector<1x48x128xf32>
      %get3A_1896 = arith.constant 0 : index
      %get3A_1897 = arith.constant 17 : index
      %get3A_1898 = memref.load %arg15[%get3A_1896, %get3A_1897] : memref<8x50xf32, #tpu.memory_space<smem>>
      %mul3A_1899 = vector.broadcast %get3A_1898 : f32 to vector<1x48x128xf32>
      %mul3A_1900 = arith.mulf %get3A_1895, %mul3A_1899 : vector<1x48x128xf32>
      %add3A_1901 = arith.addf %add3A_1843, %mul3A_1900 : vector<1x48x128xf32>
      %get3A_1902 = arith.constant 1 : index
      %get3A_1903 = arith.constant 17 : index
      %get3A_1904 = memref.load %arg15[%get3A_1902, %get3A_1903] : memref<8x50xf32, #tpu.memory_space<smem>>
      %mul3A_1905 = vector.broadcast %get3A_1904 : f32 to vector<1x48x128xf32>
      %mul3A_1906 = arith.mulf %get3A_1895, %mul3A_1905 : vector<1x48x128xf32>
      %add3A_1907 = arith.addf %add3A_1849, %mul3A_1906 : vector<1x48x128xf32>
      %get3A_1908 = arith.constant 2 : index
      %get3A_1909 = arith.constant 17 : index
      %get3A_1910 = memref.load %arg15[%get3A_1908, %get3A_1909] : memref<8x50xf32, #tpu.memory_space<smem>>
      %mul3A_1911 = vector.broadcast %get3A_1910 : f32 to vector<1x48x128xf32>
      %mul3A_1912 = arith.mulf %get3A_1895, %mul3A_1911 : vector<1x48x128xf32>
      %add3A_1913 = arith.addf %add3A_1855, %mul3A_1912 : vector<1x48x128xf32>
      %get3A_1914 = arith.constant 3 : index
      %get3A_1915 = arith.constant 17 : index
      %get3A_1916 = memref.load %arg15[%get3A_1914, %get3A_1915] : memref<8x50xf32, #tpu.memory_space<smem>>
      %mul3A_1917 = vector.broadcast %get3A_1916 : f32 to vector<1x48x128xf32>
      %mul3A_1918 = arith.mulf %get3A_1895, %mul3A_1917 : vector<1x48x128xf32>
      %add3A_1919 = arith.addf %add3A_1861, %mul3A_1918 : vector<1x48x128xf32>
      %get3A_1920 = arith.constant 4 : index
      %get3A_1921 = arith.constant 17 : index
      %get3A_1922 = memref.load %arg15[%get3A_1920, %get3A_1921] : memref<8x50xf32, #tpu.memory_space<smem>>
      %mul3A_1923 = vector.broadcast %get3A_1922 : f32 to vector<1x48x128xf32>
      %mul3A_1924 = arith.mulf %get3A_1895, %mul3A_1923 : vector<1x48x128xf32>
      %add3A_1925 = arith.addf %add3A_1867, %mul3A_1924 : vector<1x48x128xf32>
      %get3A_1926 = arith.constant 5 : index
      %get3A_1927 = arith.constant 17 : index
      %get3A_1928 = memref.load %arg15[%get3A_1926, %get3A_1927] : memref<8x50xf32, #tpu.memory_space<smem>>
      %mul3A_1929 = vector.broadcast %get3A_1928 : f32 to vector<1x48x128xf32>
      %mul3A_1930 = arith.mulf %get3A_1895, %mul3A_1929 : vector<1x48x128xf32>
      %add3A_1931 = arith.addf %add3A_1873, %mul3A_1930 : vector<1x48x128xf32>
      %get3A_1932 = arith.constant 6 : index
      %get3A_1933 = arith.constant 17 : index
      %get3A_1934 = memref.load %arg15[%get3A_1932, %get3A_1933] : memref<8x50xf32, #tpu.memory_space<smem>>
      %mul3A_1935 = vector.broadcast %get3A_1934 : f32 to vector<1x48x128xf32>
      %mul3A_1936 = arith.mulf %get3A_1895, %mul3A_1935 : vector<1x48x128xf32>
      %add3A_1937 = arith.addf %add3A_1879, %mul3A_1936 : vector<1x48x128xf32>
      %get3A_1938 = arith.constant 7 : index
      %get3A_1939 = arith.constant 17 : index
      %get3A_1940 = memref.load %arg15[%get3A_1938, %get3A_1939] : memref<8x50xf32, #tpu.memory_space<smem>>
      %mul3A_1941 = vector.broadcast %get3A_1940 : f32 to vector<1x48x128xf32>
      %mul3A_1942 = arith.mulf %get3A_1895, %mul3A_1941 : vector<1x48x128xf32>
      %add3A_1943 = arith.addf %add3A_1885, %mul3A_1942 : vector<1x48x128xf32>
      %add3A_1944 = arith.constant 2 : i32
      %add3A_1945 = arith.addi %mul3A_907, %add3A_1944 : i32
      %add3A_1946 = arith.constant 1 : i32
      %add3A_1947 = arith.addi %add3A_1945, %add3A_1946 : i32
      %get3A_1948 = arith.constant 0 : index
      %get3A_1949 = arith.index_cast %add3A_1947 : i32 to index
      %get3A_1950 = arith.constant 3 : index
      %get3A_1951 = arith.constant 0 : index
      %get3A_1952 = vector.load %arg24[%get3A_1948, %get3A_1949, %get3A_1950, %get3A_1951] : memref<2x52x52x128xf32, #tpu.memory_space<vmem>>, vector<1x1x48x128xf32>
      %get3A_1953 = vector.shape_cast %get3A_1952 : vector<1x1x48x128xf32> to vector<1x48x128xf32>
      %get3A_1954 = arith.constant 0 : index
      %get3A_1955 = arith.constant 18 : index
      %get3A_1956 = memref.load %arg15[%get3A_1954, %get3A_1955] : memref<8x50xf32, #tpu.memory_space<smem>>
      %mul3A_1957 = vector.broadcast %get3A_1956 : f32 to vector<1x48x128xf32>
      %mul3A_1958 = arith.mulf %get3A_1953, %mul3A_1957 : vector<1x48x128xf32>
      %add3A_1959 = arith.addf %add3A_1901, %mul3A_1958 : vector<1x48x128xf32>
      %get3A_1960 = arith.constant 1 : index
      %get3A_1961 = arith.constant 18 : index
      %get3A_1962 = memref.load %arg15[%get3A_1960, %get3A_1961] : memref<8x50xf32, #tpu.memory_space<smem>>
      %mul3A_1963 = vector.broadcast %get3A_1962 : f32 to vector<1x48x128xf32>
      %mul3A_1964 = arith.mulf %get3A_1953, %mul3A_1963 : vector<1x48x128xf32>
      %add3A_1965 = arith.addf %add3A_1907, %mul3A_1964 : vector<1x48x128xf32>
      %get3A_1966 = arith.constant 2 : index
      %get3A_1967 = arith.constant 18 : index
      %get3A_1968 = memref.load %arg15[%get3A_1966, %get3A_1967] : memref<8x50xf32, #tpu.memory_space<smem>>
      %mul3A_1969 = vector.broadcast %get3A_1968 : f32 to vector<1x48x128xf32>
      %mul3A_1970 = arith.mulf %get3A_1953, %mul3A_1969 : vector<1x48x128xf32>
      %add3A_1971 = arith.addf %add3A_1913, %mul3A_1970 : vector<1x48x128xf32>
      %get3A_1972 = arith.constant 3 : index
      %get3A_1973 = arith.constant 18 : index
      %get3A_1974 = memref.load %arg15[%get3A_1972, %get3A_1973] : memref<8x50xf32, #tpu.memory_space<smem>>
      %mul3A_1975 = vector.broadcast %get3A_1974 : f32 to vector<1x48x128xf32>
      %mul3A_1976 = arith.mulf %get3A_1953, %mul3A_1975 : vector<1x48x128xf32>
      %add3A_1977 = arith.addf %add3A_1919, %mul3A_1976 : vector<1x48x128xf32>
      %get3A_1978 = arith.constant 4 : index
      %get3A_1979 = arith.constant 18 : index
      %get3A_1980 = memref.load %arg15[%get3A_1978, %get3A_1979] : memref<8x50xf32, #tpu.memory_space<smem>>
      %mul3A_1981 = vector.broadcast %get3A_1980 : f32 to vector<1x48x128xf32>
      %mul3A_1982 = arith.mulf %get3A_1953, %mul3A_1981 : vector<1x48x128xf32>
      %add3A_1983 = arith.addf %add3A_1925, %mul3A_1982 : vector<1x48x128xf32>
      %get3A_1984 = arith.constant 5 : index
      %get3A_1985 = arith.constant 18 : index
      %get3A_1986 = memref.load %arg15[%get3A_1984, %get3A_1985] : memref<8x50xf32, #tpu.memory_space<smem>>
      %mul3A_1987 = vector.broadcast %get3A_1986 : f32 to vector<1x48x128xf32>
      %mul3A_1988 = arith.mulf %get3A_1953, %mul3A_1987 : vector<1x48x128xf32>
      %add3A_1989 = arith.addf %add3A_1931, %mul3A_1988 : vector<1x48x128xf32>
      %get3A_1990 = arith.constant 6 : index
      %get3A_1991 = arith.constant 18 : index
      %get3A_1992 = memref.load %arg15[%get3A_1990, %get3A_1991] : memref<8x50xf32, #tpu.memory_space<smem>>
      %mul3A_1993 = vector.broadcast %get3A_1992 : f32 to vector<1x48x128xf32>
      %mul3A_1994 = arith.mulf %get3A_1953, %mul3A_1993 : vector<1x48x128xf32>
      %add3A_1995 = arith.addf %add3A_1937, %mul3A_1994 : vector<1x48x128xf32>
      %get3A_1996 = arith.constant 7 : index
      %get3A_1997 = arith.constant 18 : index
      %get3A_1998 = memref.load %arg15[%get3A_1996, %get3A_1997] : memref<8x50xf32, #tpu.memory_space<smem>>
      %mul3A_1999 = vector.broadcast %get3A_1998 : f32 to vector<1x48x128xf32>
      %mul3A_2000 = arith.mulf %get3A_1953, %mul3A_1999 : vector<1x48x128xf32>
      %add3A_2001 = arith.addf %add3A_1943, %mul3A_2000 : vector<1x48x128xf32>
      %add3A_2002 = arith.constant 2 : i32
      %add3A_2003 = arith.addi %mul3A_907, %add3A_2002 : i32
      %add3A_2004 = arith.constant 1 : i32
      %add3A_2005 = arith.addi %add3A_2003, %add3A_2004 : i32
      %get3A_2006 = arith.constant 0 : index
      %get3A_2007 = arith.index_cast %add3A_2005 : i32 to index
      %get3A_2008 = arith.constant 4 : index
      %get3A_2009 = arith.constant 0 : index
      %get3A_2010 = vector.load %arg24[%get3A_2006, %get3A_2007, %get3A_2008, %get3A_2009] : memref<2x52x52x128xf32, #tpu.memory_space<vmem>>, vector<1x1x48x128xf32>
      %get3A_2011 = vector.shape_cast %get3A_2010 : vector<1x1x48x128xf32> to vector<1x48x128xf32>
      %get3A_2012 = arith.constant 0 : index
      %get3A_2013 = arith.constant 19 : index
      %get3A_2014 = memref.load %arg15[%get3A_2012, %get3A_2013] : memref<8x50xf32, #tpu.memory_space<smem>>
      %mul3A_2015 = vector.broadcast %get3A_2014 : f32 to vector<1x48x128xf32>
      %mul3A_2016 = arith.mulf %get3A_2011, %mul3A_2015 : vector<1x48x128xf32>
      %add3A_2017 = arith.addf %add3A_1959, %mul3A_2016 : vector<1x48x128xf32>
      %get3A_2018 = arith.constant 1 : index
      %get3A_2019 = arith.constant 19 : index
      %get3A_2020 = memref.load %arg15[%get3A_2018, %get3A_2019] : memref<8x50xf32, #tpu.memory_space<smem>>
      %mul3A_2021 = vector.broadcast %get3A_2020 : f32 to vector<1x48x128xf32>
      %mul3A_2022 = arith.mulf %get3A_2011, %mul3A_2021 : vector<1x48x128xf32>
      %add3A_2023 = arith.addf %add3A_1965, %mul3A_2022 : vector<1x48x128xf32>
      %get3A_2024 = arith.constant 2 : index
      %get3A_2025 = arith.constant 19 : index
      %get3A_2026 = memref.load %arg15[%get3A_2024, %get3A_2025] : memref<8x50xf32, #tpu.memory_space<smem>>
      %mul3A_2027 = vector.broadcast %get3A_2026 : f32 to vector<1x48x128xf32>
      %mul3A_2028 = arith.mulf %get3A_2011, %mul3A_2027 : vector<1x48x128xf32>
      %add3A_2029 = arith.addf %add3A_1971, %mul3A_2028 : vector<1x48x128xf32>
      %get3A_2030 = arith.constant 3 : index
      %get3A_2031 = arith.constant 19 : index
      %get3A_2032 = memref.load %arg15[%get3A_2030, %get3A_2031] : memref<8x50xf32, #tpu.memory_space<smem>>
      %mul3A_2033 = vector.broadcast %get3A_2032 : f32 to vector<1x48x128xf32>
      %mul3A_2034 = arith.mulf %get3A_2011, %mul3A_2033 : vector<1x48x128xf32>
      %add3A_2035 = arith.addf %add3A_1977, %mul3A_2034 : vector<1x48x128xf32>
      %get3A_2036 = arith.constant 4 : index
      %get3A_2037 = arith.constant 19 : index
      %get3A_2038 = memref.load %arg15[%get3A_2036, %get3A_2037] : memref<8x50xf32, #tpu.memory_space<smem>>
      %mul3A_2039 = vector.broadcast %get3A_2038 : f32 to vector<1x48x128xf32>
      %mul3A_2040 = arith.mulf %get3A_2011, %mul3A_2039 : vector<1x48x128xf32>
      %add3A_2041 = arith.addf %add3A_1983, %mul3A_2040 : vector<1x48x128xf32>
      %get3A_2042 = arith.constant 5 : index
      %get3A_2043 = arith.constant 19 : index
      %get3A_2044 = memref.load %arg15[%get3A_2042, %get3A_2043] : memref<8x50xf32, #tpu.memory_space<smem>>
      %mul3A_2045 = vector.broadcast %get3A_2044 : f32 to vector<1x48x128xf32>
      %mul3A_2046 = arith.mulf %get3A_2011, %mul3A_2045 : vector<1x48x128xf32>
      %add3A_2047 = arith.addf %add3A_1989, %mul3A_2046 : vector<1x48x128xf32>
      %get3A_2048 = arith.constant 6 : index
      %get3A_2049 = arith.constant 19 : index
      %get3A_2050 = memref.load %arg15[%get3A_2048, %get3A_2049] : memref<8x50xf32, #tpu.memory_space<smem>>
      %mul3A_2051 = vector.broadcast %get3A_2050 : f32 to vector<1x48x128xf32>
      %mul3A_2052 = arith.mulf %get3A_2011, %mul3A_2051 : vector<1x48x128xf32>
      %add3A_2053 = arith.addf %add3A_1995, %mul3A_2052 : vector<1x48x128xf32>
      %get3A_2054 = arith.constant 7 : index
      %get3A_2055 = arith.constant 19 : index
      %get3A_2056 = memref.load %arg15[%get3A_2054, %get3A_2055] : memref<8x50xf32, #tpu.memory_space<smem>>
      %mul3A_2057 = vector.broadcast %get3A_2056 : f32 to vector<1x48x128xf32>
      %mul3A_2058 = arith.mulf %get3A_2011, %mul3A_2057 : vector<1x48x128xf32>
      %add3A_2059 = arith.addf %add3A_2001, %mul3A_2058 : vector<1x48x128xf32>
      %add3A_2060 = arith.constant 2 : i32
      %add3A_2061 = arith.addi %mul3A_907, %add3A_2060 : i32
      %add3A_2062 = arith.constant 2 : i32
      %add3A_2063 = arith.addi %add3A_2061, %add3A_2062 : i32
      %get3A_2064 = arith.constant 0 : index
      %get3A_2065 = arith.index_cast %add3A_2063 : i32 to index
      %get3A_2066 = arith.constant 0 : index
      %get3A_2067 = arith.constant 0 : index
      %get3A_2068 = vector.load %arg24[%get3A_2064, %get3A_2065, %get3A_2066, %get3A_2067] : memref<2x52x52x128xf32, #tpu.memory_space<vmem>>, vector<1x1x48x128xf32>
      %get3A_2069 = vector.shape_cast %get3A_2068 : vector<1x1x48x128xf32> to vector<1x48x128xf32>
      %get3A_2070 = arith.constant 0 : index
      %get3A_2071 = arith.constant 20 : index
      %get3A_2072 = memref.load %arg15[%get3A_2070, %get3A_2071] : memref<8x50xf32, #tpu.memory_space<smem>>
      %mul3A_2073 = vector.broadcast %get3A_2072 : f32 to vector<1x48x128xf32>
      %mul3A_2074 = arith.mulf %get3A_2069, %mul3A_2073 : vector<1x48x128xf32>
      %add3A_2075 = arith.addf %add3A_2017, %mul3A_2074 : vector<1x48x128xf32>
      %get3A_2076 = arith.constant 1 : index
      %get3A_2077 = arith.constant 20 : index
      %get3A_2078 = memref.load %arg15[%get3A_2076, %get3A_2077] : memref<8x50xf32, #tpu.memory_space<smem>>
      %mul3A_2079 = vector.broadcast %get3A_2078 : f32 to vector<1x48x128xf32>
      %mul3A_2080 = arith.mulf %get3A_2069, %mul3A_2079 : vector<1x48x128xf32>
      %add3A_2081 = arith.addf %add3A_2023, %mul3A_2080 : vector<1x48x128xf32>
      %get3A_2082 = arith.constant 2 : index
      %get3A_2083 = arith.constant 20 : index
      %get3A_2084 = memref.load %arg15[%get3A_2082, %get3A_2083] : memref<8x50xf32, #tpu.memory_space<smem>>
      %mul3A_2085 = vector.broadcast %get3A_2084 : f32 to vector<1x48x128xf32>
      %mul3A_2086 = arith.mulf %get3A_2069, %mul3A_2085 : vector<1x48x128xf32>
      %add3A_2087 = arith.addf %add3A_2029, %mul3A_2086 : vector<1x48x128xf32>
      %get3A_2088 = arith.constant 3 : index
      %get3A_2089 = arith.constant 20 : index
      %get3A_2090 = memref.load %arg15[%get3A_2088, %get3A_2089] : memref<8x50xf32, #tpu.memory_space<smem>>
      %mul3A_2091 = vector.broadcast %get3A_2090 : f32 to vector<1x48x128xf32>
      %mul3A_2092 = arith.mulf %get3A_2069, %mul3A_2091 : vector<1x48x128xf32>
      %add3A_2093 = arith.addf %add3A_2035, %mul3A_2092 : vector<1x48x128xf32>
      %get3A_2094 = arith.constant 4 : index
      %get3A_2095 = arith.constant 20 : index
      %get3A_2096 = memref.load %arg15[%get3A_2094, %get3A_2095] : memref<8x50xf32, #tpu.memory_space<smem>>
      %mul3A_2097 = vector.broadcast %get3A_2096 : f32 to vector<1x48x128xf32>
      %mul3A_2098 = arith.mulf %get3A_2069, %mul3A_2097 : vector<1x48x128xf32>
      %add3A_2099 = arith.addf %add3A_2041, %mul3A_2098 : vector<1x48x128xf32>
      %get3A_2100 = arith.constant 5 : index
      %get3A_2101 = arith.constant 20 : index
      %get3A_2102 = memref.load %arg15[%get3A_2100, %get3A_2101] : memref<8x50xf32, #tpu.memory_space<smem>>
      %mul3A_2103 = vector.broadcast %get3A_2102 : f32 to vector<1x48x128xf32>
      %mul3A_2104 = arith.mulf %get3A_2069, %mul3A_2103 : vector<1x48x128xf32>
      %add3A_2105 = arith.addf %add3A_2047, %mul3A_2104 : vector<1x48x128xf32>
      %get3A_2106 = arith.constant 6 : index
      %get3A_2107 = arith.constant 20 : index
      %get3A_2108 = memref.load %arg15[%get3A_2106, %get3A_2107] : memref<8x50xf32, #tpu.memory_space<smem>>
      %mul3A_2109 = vector.broadcast %get3A_2108 : f32 to vector<1x48x128xf32>
      %mul3A_2110 = arith.mulf %get3A_2069, %mul3A_2109 : vector<1x48x128xf32>
      %add3A_2111 = arith.addf %add3A_2053, %mul3A_2110 : vector<1x48x128xf32>
      %get3A_2112 = arith.constant 7 : index
      %get3A_2113 = arith.constant 20 : index
      %get3A_2114 = memref.load %arg15[%get3A_2112, %get3A_2113] : memref<8x50xf32, #tpu.memory_space<smem>>
      %mul3A_2115 = vector.broadcast %get3A_2114 : f32 to vector<1x48x128xf32>
      %mul3A_2116 = arith.mulf %get3A_2069, %mul3A_2115 : vector<1x48x128xf32>
      %add3A_2117 = arith.addf %add3A_2059, %mul3A_2116 : vector<1x48x128xf32>
      %add3A_2118 = arith.constant 2 : i32
      %add3A_2119 = arith.addi %mul3A_907, %add3A_2118 : i32
      %add3A_2120 = arith.constant 2 : i32
      %add3A_2121 = arith.addi %add3A_2119, %add3A_2120 : i32
      %get3A_2122 = arith.constant 0 : index
      %get3A_2123 = arith.index_cast %add3A_2121 : i32 to index
      %get3A_2124 = arith.constant 1 : index
      %get3A_2125 = arith.constant 0 : index
      %get3A_2126 = vector.load %arg24[%get3A_2122, %get3A_2123, %get3A_2124, %get3A_2125] : memref<2x52x52x128xf32, #tpu.memory_space<vmem>>, vector<1x1x48x128xf32>
      %get3A_2127 = vector.shape_cast %get3A_2126 : vector<1x1x48x128xf32> to vector<1x48x128xf32>
      %get3A_2128 = arith.constant 0 : index
      %get3A_2129 = arith.constant 21 : index
      %get3A_2130 = memref.load %arg15[%get3A_2128, %get3A_2129] : memref<8x50xf32, #tpu.memory_space<smem>>
      %mul3A_2131 = vector.broadcast %get3A_2130 : f32 to vector<1x48x128xf32>
      %mul3A_2132 = arith.mulf %get3A_2127, %mul3A_2131 : vector<1x48x128xf32>
      %add3A_2133 = arith.addf %add3A_2075, %mul3A_2132 : vector<1x48x128xf32>
      %get3A_2134 = arith.constant 1 : index
      %get3A_2135 = arith.constant 21 : index
      %get3A_2136 = memref.load %arg15[%get3A_2134, %get3A_2135] : memref<8x50xf32, #tpu.memory_space<smem>>
      %mul3A_2137 = vector.broadcast %get3A_2136 : f32 to vector<1x48x128xf32>
      %mul3A_2138 = arith.mulf %get3A_2127, %mul3A_2137 : vector<1x48x128xf32>
      %add3A_2139 = arith.addf %add3A_2081, %mul3A_2138 : vector<1x48x128xf32>
      %get3A_2140 = arith.constant 2 : index
      %get3A_2141 = arith.constant 21 : index
      %get3A_2142 = memref.load %arg15[%get3A_2140, %get3A_2141] : memref<8x50xf32, #tpu.memory_space<smem>>
      %mul3A_2143 = vector.broadcast %get3A_2142 : f32 to vector<1x48x128xf32>
      %mul3A_2144 = arith.mulf %get3A_2127, %mul3A_2143 : vector<1x48x128xf32>
      %add3A_2145 = arith.addf %add3A_2087, %mul3A_2144 : vector<1x48x128xf32>
      %get3A_2146 = arith.constant 3 : index
      %get3A_2147 = arith.constant 21 : index
      %get3A_2148 = memref.load %arg15[%get3A_2146, %get3A_2147] : memref<8x50xf32, #tpu.memory_space<smem>>
      %mul3A_2149 = vector.broadcast %get3A_2148 : f32 to vector<1x48x128xf32>
      %mul3A_2150 = arith.mulf %get3A_2127, %mul3A_2149 : vector<1x48x128xf32>
      %add3A_2151 = arith.addf %add3A_2093, %mul3A_2150 : vector<1x48x128xf32>
      %get3A_2152 = arith.constant 4 : index
      %get3A_2153 = arith.constant 21 : index
      %get3A_2154 = memref.load %arg15[%get3A_2152, %get3A_2153] : memref<8x50xf32, #tpu.memory_space<smem>>
      %mul3A_2155 = vector.broadcast %get3A_2154 : f32 to vector<1x48x128xf32>
      %mul3A_2156 = arith.mulf %get3A_2127, %mul3A_2155 : vector<1x48x128xf32>
      %add3A_2157 = arith.addf %add3A_2099, %mul3A_2156 : vector<1x48x128xf32>
      %get3A_2158 = arith.constant 5 : index
      %get3A_2159 = arith.constant 21 : index
      %get3A_2160 = memref.load %arg15[%get3A_2158, %get3A_2159] : memref<8x50xf32, #tpu.memory_space<smem>>
      %mul3A_2161 = vector.broadcast %get3A_2160 : f32 to vector<1x48x128xf32>
      %mul3A_2162 = arith.mulf %get3A_2127, %mul3A_2161 : vector<1x48x128xf32>
      %add3A_2163 = arith.addf %add3A_2105, %mul3A_2162 : vector<1x48x128xf32>
      %get3A_2164 = arith.constant 6 : index
      %get3A_2165 = arith.constant 21 : index
      %get3A_2166 = memref.load %arg15[%get3A_2164, %get3A_2165] : memref<8x50xf32, #tpu.memory_space<smem>>
      %mul3A_2167 = vector.broadcast %get3A_2166 : f32 to vector<1x48x128xf32>
      %mul3A_2168 = arith.mulf %get3A_2127, %mul3A_2167 : vector<1x48x128xf32>
      %add3A_2169 = arith.addf %add3A_2111, %mul3A_2168 : vector<1x48x128xf32>
      %get3A_2170 = arith.constant 7 : index
      %get3A_2171 = arith.constant 21 : index
      %get3A_2172 = memref.load %arg15[%get3A_2170, %get3A_2171] : memref<8x50xf32, #tpu.memory_space<smem>>
      %mul3A_2173 = vector.broadcast %get3A_2172 : f32 to vector<1x48x128xf32>
      %mul3A_2174 = arith.mulf %get3A_2127, %mul3A_2173 : vector<1x48x128xf32>
      %add3A_2175 = arith.addf %add3A_2117, %mul3A_2174 : vector<1x48x128xf32>
      %add3A_2176 = arith.constant 2 : i32
      %add3A_2177 = arith.addi %mul3A_907, %add3A_2176 : i32
      %add3A_2178 = arith.constant 2 : i32
      %add3A_2179 = arith.addi %add3A_2177, %add3A_2178 : i32
      %get3A_2180 = arith.constant 0 : index
      %get3A_2181 = arith.index_cast %add3A_2179 : i32 to index
      %get3A_2182 = arith.constant 2 : index
      %get3A_2183 = arith.constant 0 : index
      %get3A_2184 = vector.load %arg24[%get3A_2180, %get3A_2181, %get3A_2182, %get3A_2183] : memref<2x52x52x128xf32, #tpu.memory_space<vmem>>, vector<1x1x48x128xf32>
      %get3A_2185 = vector.shape_cast %get3A_2184 : vector<1x1x48x128xf32> to vector<1x48x128xf32>
      %get3A_2186 = arith.constant 0 : index
      %get3A_2187 = arith.constant 22 : index
      %get3A_2188 = memref.load %arg15[%get3A_2186, %get3A_2187] : memref<8x50xf32, #tpu.memory_space<smem>>
      %mul3A_2189 = vector.broadcast %get3A_2188 : f32 to vector<1x48x128xf32>
      %mul3A_2190 = arith.mulf %get3A_2185, %mul3A_2189 : vector<1x48x128xf32>
      %add3A_2191 = arith.addf %add3A_2133, %mul3A_2190 : vector<1x48x128xf32>
      %get3A_2192 = arith.constant 1 : index
      %get3A_2193 = arith.constant 22 : index
      %get3A_2194 = memref.load %arg15[%get3A_2192, %get3A_2193] : memref<8x50xf32, #tpu.memory_space<smem>>
      %mul3A_2195 = vector.broadcast %get3A_2194 : f32 to vector<1x48x128xf32>
      %mul3A_2196 = arith.mulf %get3A_2185, %mul3A_2195 : vector<1x48x128xf32>
      %add3A_2197 = arith.addf %add3A_2139, %mul3A_2196 : vector<1x48x128xf32>
      %get3A_2198 = arith.constant 2 : index
      %get3A_2199 = arith.constant 22 : index
      %get3A_2200 = memref.load %arg15[%get3A_2198, %get3A_2199] : memref<8x50xf32, #tpu.memory_space<smem>>
      %mul3A_2201 = vector.broadcast %get3A_2200 : f32 to vector<1x48x128xf32>
      %mul3A_2202 = arith.mulf %get3A_2185, %mul3A_2201 : vector<1x48x128xf32>
      %add3A_2203 = arith.addf %add3A_2145, %mul3A_2202 : vector<1x48x128xf32>
      %get3A_2204 = arith.constant 3 : index
      %get3A_2205 = arith.constant 22 : index
      %get3A_2206 = memref.load %arg15[%get3A_2204, %get3A_2205] : memref<8x50xf32, #tpu.memory_space<smem>>
      %mul3A_2207 = vector.broadcast %get3A_2206 : f32 to vector<1x48x128xf32>
      %mul3A_2208 = arith.mulf %get3A_2185, %mul3A_2207 : vector<1x48x128xf32>
      %add3A_2209 = arith.addf %add3A_2151, %mul3A_2208 : vector<1x48x128xf32>
      %get3A_2210 = arith.constant 4 : index
      %get3A_2211 = arith.constant 22 : index
      %get3A_2212 = memref.load %arg15[%get3A_2210, %get3A_2211] : memref<8x50xf32, #tpu.memory_space<smem>>
      %mul3A_2213 = vector.broadcast %get3A_2212 : f32 to vector<1x48x128xf32>
      %mul3A_2214 = arith.mulf %get3A_2185, %mul3A_2213 : vector<1x48x128xf32>
      %add3A_2215 = arith.addf %add3A_2157, %mul3A_2214 : vector<1x48x128xf32>
      %get3A_2216 = arith.constant 5 : index
      %get3A_2217 = arith.constant 22 : index
      %get3A_2218 = memref.load %arg15[%get3A_2216, %get3A_2217] : memref<8x50xf32, #tpu.memory_space<smem>>
      %mul3A_2219 = vector.broadcast %get3A_2218 : f32 to vector<1x48x128xf32>
      %mul3A_2220 = arith.mulf %get3A_2185, %mul3A_2219 : vector<1x48x128xf32>
      %add3A_2221 = arith.addf %add3A_2163, %mul3A_2220 : vector<1x48x128xf32>
      %get3A_2222 = arith.constant 6 : index
      %get3A_2223 = arith.constant 22 : index
      %get3A_2224 = memref.load %arg15[%get3A_2222, %get3A_2223] : memref<8x50xf32, #tpu.memory_space<smem>>
      %mul3A_2225 = vector.broadcast %get3A_2224 : f32 to vector<1x48x128xf32>
      %mul3A_2226 = arith.mulf %get3A_2185, %mul3A_2225 : vector<1x48x128xf32>
      %add3A_2227 = arith.addf %add3A_2169, %mul3A_2226 : vector<1x48x128xf32>
      %get3A_2228 = arith.constant 7 : index
      %get3A_2229 = arith.constant 22 : index
      %get3A_2230 = memref.load %arg15[%get3A_2228, %get3A_2229] : memref<8x50xf32, #tpu.memory_space<smem>>
      %mul3A_2231 = vector.broadcast %get3A_2230 : f32 to vector<1x48x128xf32>
      %mul3A_2232 = arith.mulf %get3A_2185, %mul3A_2231 : vector<1x48x128xf32>
      %add3A_2233 = arith.addf %add3A_2175, %mul3A_2232 : vector<1x48x128xf32>
      %add3A_2234 = arith.constant 2 : i32
      %add3A_2235 = arith.addi %mul3A_907, %add3A_2234 : i32
      %add3A_2236 = arith.constant 2 : i32
      %add3A_2237 = arith.addi %add3A_2235, %add3A_2236 : i32
      %get3A_2238 = arith.constant 0 : index
      %get3A_2239 = arith.index_cast %add3A_2237 : i32 to index
      %get3A_2240 = arith.constant 3 : index
      %get3A_2241 = arith.constant 0 : index
      %get3A_2242 = vector.load %arg24[%get3A_2238, %get3A_2239, %get3A_2240, %get3A_2241] : memref<2x52x52x128xf32, #tpu.memory_space<vmem>>, vector<1x1x48x128xf32>
      %get3A_2243 = vector.shape_cast %get3A_2242 : vector<1x1x48x128xf32> to vector<1x48x128xf32>
      %get3A_2244 = arith.constant 0 : index
      %get3A_2245 = arith.constant 23 : index
      %get3A_2246 = memref.load %arg15[%get3A_2244, %get3A_2245] : memref<8x50xf32, #tpu.memory_space<smem>>
      %mul3A_2247 = vector.broadcast %get3A_2246 : f32 to vector<1x48x128xf32>
      %mul3A_2248 = arith.mulf %get3A_2243, %mul3A_2247 : vector<1x48x128xf32>
      %add3A_2249 = arith.addf %add3A_2191, %mul3A_2248 : vector<1x48x128xf32>
      %get3A_2250 = arith.constant 1 : index
      %get3A_2251 = arith.constant 23 : index
      %get3A_2252 = memref.load %arg15[%get3A_2250, %get3A_2251] : memref<8x50xf32, #tpu.memory_space<smem>>
      %mul3A_2253 = vector.broadcast %get3A_2252 : f32 to vector<1x48x128xf32>
      %mul3A_2254 = arith.mulf %get3A_2243, %mul3A_2253 : vector<1x48x128xf32>
      %add3A_2255 = arith.addf %add3A_2197, %mul3A_2254 : vector<1x48x128xf32>
      %get3A_2256 = arith.constant 2 : index
      %get3A_2257 = arith.constant 23 : index
      %get3A_2258 = memref.load %arg15[%get3A_2256, %get3A_2257] : memref<8x50xf32, #tpu.memory_space<smem>>
      %mul3A_2259 = vector.broadcast %get3A_2258 : f32 to vector<1x48x128xf32>
      %mul3A_2260 = arith.mulf %get3A_2243, %mul3A_2259 : vector<1x48x128xf32>
      %add3A_2261 = arith.addf %add3A_2203, %mul3A_2260 : vector<1x48x128xf32>
      %get3A_2262 = arith.constant 3 : index
      %get3A_2263 = arith.constant 23 : index
      %get3A_2264 = memref.load %arg15[%get3A_2262, %get3A_2263] : memref<8x50xf32, #tpu.memory_space<smem>>
      %mul3A_2265 = vector.broadcast %get3A_2264 : f32 to vector<1x48x128xf32>
      %mul3A_2266 = arith.mulf %get3A_2243, %mul3A_2265 : vector<1x48x128xf32>
      %add3A_2267 = arith.addf %add3A_2209, %mul3A_2266 : vector<1x48x128xf32>
      %get3A_2268 = arith.constant 4 : index
      %get3A_2269 = arith.constant 23 : index
      %get3A_2270 = memref.load %arg15[%get3A_2268, %get3A_2269] : memref<8x50xf32, #tpu.memory_space<smem>>
      %mul3A_2271 = vector.broadcast %get3A_2270 : f32 to vector<1x48x128xf32>
      %mul3A_2272 = arith.mulf %get3A_2243, %mul3A_2271 : vector<1x48x128xf32>
      %add3A_2273 = arith.addf %add3A_2215, %mul3A_2272 : vector<1x48x128xf32>
      %get3A_2274 = arith.constant 5 : index
      %get3A_2275 = arith.constant 23 : index
      %get3A_2276 = memref.load %arg15[%get3A_2274, %get3A_2275] : memref<8x50xf32, #tpu.memory_space<smem>>
      %mul3A_2277 = vector.broadcast %get3A_2276 : f32 to vector<1x48x128xf32>
      %mul3A_2278 = arith.mulf %get3A_2243, %mul3A_2277 : vector<1x48x128xf32>
      %add3A_2279 = arith.addf %add3A_2221, %mul3A_2278 : vector<1x48x128xf32>
      %get3A_2280 = arith.constant 6 : index
      %get3A_2281 = arith.constant 23 : index
      %get3A_2282 = memref.load %arg15[%get3A_2280, %get3A_2281] : memref<8x50xf32, #tpu.memory_space<smem>>
      %mul3A_2283 = vector.broadcast %get3A_2282 : f32 to vector<1x48x128xf32>
      %mul3A_2284 = arith.mulf %get3A_2243, %mul3A_2283 : vector<1x48x128xf32>
      %add3A_2285 = arith.addf %add3A_2227, %mul3A_2284 : vector<1x48x128xf32>
      %get3A_2286 = arith.constant 7 : index
      %get3A_2287 = arith.constant 23 : index
      %get3A_2288 = memref.load %arg15[%get3A_2286, %get3A_2287] : memref<8x50xf32, #tpu.memory_space<smem>>
      %mul3A_2289 = vector.broadcast %get3A_2288 : f32 to vector<1x48x128xf32>
      %mul3A_2290 = arith.mulf %get3A_2243, %mul3A_2289 : vector<1x48x128xf32>
      %add3A_2291 = arith.addf %add3A_2233, %mul3A_2290 : vector<1x48x128xf32>
      %add3A_2292 = arith.constant 2 : i32
      %add3A_2293 = arith.addi %mul3A_907, %add3A_2292 : i32
      %add3A_2294 = arith.constant 2 : i32
      %add3A_2295 = arith.addi %add3A_2293, %add3A_2294 : i32
      %get3A_2296 = arith.constant 0 : index
      %get3A_2297 = arith.index_cast %add3A_2295 : i32 to index
      %get3A_2298 = arith.constant 4 : index
      %get3A_2299 = arith.constant 0 : index
      %get3A_2300 = vector.load %arg24[%get3A_2296, %get3A_2297, %get3A_2298, %get3A_2299] : memref<2x52x52x128xf32, #tpu.memory_space<vmem>>, vector<1x1x48x128xf32>
      %get3A_2301 = vector.shape_cast %get3A_2300 : vector<1x1x48x128xf32> to vector<1x48x128xf32>
      %get3A_2302 = arith.constant 0 : index
      %get3A_2303 = arith.constant 24 : index
      %get3A_2304 = memref.load %arg15[%get3A_2302, %get3A_2303] : memref<8x50xf32, #tpu.memory_space<smem>>
      %mul3A_2305 = vector.broadcast %get3A_2304 : f32 to vector<1x48x128xf32>
      %mul3A_2306 = arith.mulf %get3A_2301, %mul3A_2305 : vector<1x48x128xf32>
      %add3A_2307 = arith.addf %add3A_2249, %mul3A_2306 : vector<1x48x128xf32>
      %get3A_2308 = arith.constant 1 : index
      %get3A_2309 = arith.constant 24 : index
      %get3A_2310 = memref.load %arg15[%get3A_2308, %get3A_2309] : memref<8x50xf32, #tpu.memory_space<smem>>
      %mul3A_2311 = vector.broadcast %get3A_2310 : f32 to vector<1x48x128xf32>
      %mul3A_2312 = arith.mulf %get3A_2301, %mul3A_2311 : vector<1x48x128xf32>
      %add3A_2313 = arith.addf %add3A_2255, %mul3A_2312 : vector<1x48x128xf32>
      %get3A_2314 = arith.constant 2 : index
      %get3A_2315 = arith.constant 24 : index
      %get3A_2316 = memref.load %arg15[%get3A_2314, %get3A_2315] : memref<8x50xf32, #tpu.memory_space<smem>>
      %mul3A_2317 = vector.broadcast %get3A_2316 : f32 to vector<1x48x128xf32>
      %mul3A_2318 = arith.mulf %get3A_2301, %mul3A_2317 : vector<1x48x128xf32>
      %add3A_2319 = arith.addf %add3A_2261, %mul3A_2318 : vector<1x48x128xf32>
      %get3A_2320 = arith.constant 3 : index
      %get3A_2321 = arith.constant 24 : index
      %get3A_2322 = memref.load %arg15[%get3A_2320, %get3A_2321] : memref<8x50xf32, #tpu.memory_space<smem>>
      %mul3A_2323 = vector.broadcast %get3A_2322 : f32 to vector<1x48x128xf32>
      %mul3A_2324 = arith.mulf %get3A_2301, %mul3A_2323 : vector<1x48x128xf32>
      %add3A_2325 = arith.addf %add3A_2267, %mul3A_2324 : vector<1x48x128xf32>
      %get3A_2326 = arith.constant 4 : index
      %get3A_2327 = arith.constant 24 : index
      %get3A_2328 = memref.load %arg15[%get3A_2326, %get3A_2327] : memref<8x50xf32, #tpu.memory_space<smem>>
      %mul3A_2329 = vector.broadcast %get3A_2328 : f32 to vector<1x48x128xf32>
      %mul3A_2330 = arith.mulf %get3A_2301, %mul3A_2329 : vector<1x48x128xf32>
      %add3A_2331 = arith.addf %add3A_2273, %mul3A_2330 : vector<1x48x128xf32>
      %get3A_2332 = arith.constant 5 : index
      %get3A_2333 = arith.constant 24 : index
      %get3A_2334 = memref.load %arg15[%get3A_2332, %get3A_2333] : memref<8x50xf32, #tpu.memory_space<smem>>
      %mul3A_2335 = vector.broadcast %get3A_2334 : f32 to vector<1x48x128xf32>
      %mul3A_2336 = arith.mulf %get3A_2301, %mul3A_2335 : vector<1x48x128xf32>
      %add3A_2337 = arith.addf %add3A_2279, %mul3A_2336 : vector<1x48x128xf32>
      %get3A_2338 = arith.constant 6 : index
      %get3A_2339 = arith.constant 24 : index
      %get3A_2340 = memref.load %arg15[%get3A_2338, %get3A_2339] : memref<8x50xf32, #tpu.memory_space<smem>>
      %mul3A_2341 = vector.broadcast %get3A_2340 : f32 to vector<1x48x128xf32>
      %mul3A_2342 = arith.mulf %get3A_2301, %mul3A_2341 : vector<1x48x128xf32>
      %add3A_2343 = arith.addf %add3A_2285, %mul3A_2342 : vector<1x48x128xf32>
      %get3A_2344 = arith.constant 7 : index
      %get3A_2345 = arith.constant 24 : index
      %get3A_2346 = memref.load %arg15[%get3A_2344, %get3A_2345] : memref<8x50xf32, #tpu.memory_space<smem>>
      %mul3A_2347 = vector.broadcast %get3A_2346 : f32 to vector<1x48x128xf32>
      %mul3A_2348 = arith.mulf %get3A_2301, %mul3A_2347 : vector<1x48x128xf32>
      %add3A_2349 = arith.addf %add3A_2291, %mul3A_2348 : vector<1x48x128xf32>
      %add3A_2350 = arith.constant 2 : i32
      %add3A_2351 = arith.addi %mul3A_907, %add3A_2350 : i32
      %add3A_2352 = arith.constant -2 : i32
      %add3A_2353 = arith.addi %add3A_2351, %add3A_2352 : i32
      %get3A_2354 = arith.constant 1 : index
      %get3A_2355 = arith.index_cast %add3A_2353 : i32 to index
      %get3A_2356 = arith.constant 0 : index
      %get3A_2357 = arith.constant 0 : index
      %get3A_2358 = vector.load %arg24[%get3A_2354, %get3A_2355, %get3A_2356, %get3A_2357] : memref<2x52x52x128xf32, #tpu.memory_space<vmem>>, vector<1x1x48x128xf32>
      %get3A_2359 = vector.shape_cast %get3A_2358 : vector<1x1x48x128xf32> to vector<1x48x128xf32>
      %get3A_2360 = arith.constant 0 : index
      %get3A_2361 = arith.constant 25 : index
      %get3A_2362 = memref.load %arg15[%get3A_2360, %get3A_2361] : memref<8x50xf32, #tpu.memory_space<smem>>
      %mul3A_2363 = vector.broadcast %get3A_2362 : f32 to vector<1x48x128xf32>
      %mul3A_2364 = arith.mulf %get3A_2359, %mul3A_2363 : vector<1x48x128xf32>
      %add3A_2365 = arith.addf %add3A_2307, %mul3A_2364 : vector<1x48x128xf32>
      %get3A_2366 = arith.constant 1 : index
      %get3A_2367 = arith.constant 25 : index
      %get3A_2368 = memref.load %arg15[%get3A_2366, %get3A_2367] : memref<8x50xf32, #tpu.memory_space<smem>>
      %mul3A_2369 = vector.broadcast %get3A_2368 : f32 to vector<1x48x128xf32>
      %mul3A_2370 = arith.mulf %get3A_2359, %mul3A_2369 : vector<1x48x128xf32>
      %add3A_2371 = arith.addf %add3A_2313, %mul3A_2370 : vector<1x48x128xf32>
      %get3A_2372 = arith.constant 2 : index
      %get3A_2373 = arith.constant 25 : index
      %get3A_2374 = memref.load %arg15[%get3A_2372, %get3A_2373] : memref<8x50xf32, #tpu.memory_space<smem>>
      %mul3A_2375 = vector.broadcast %get3A_2374 : f32 to vector<1x48x128xf32>
      %mul3A_2376 = arith.mulf %get3A_2359, %mul3A_2375 : vector<1x48x128xf32>
      %add3A_2377 = arith.addf %add3A_2319, %mul3A_2376 : vector<1x48x128xf32>
      %get3A_2378 = arith.constant 3 : index
      %get3A_2379 = arith.constant 25 : index
      %get3A_2380 = memref.load %arg15[%get3A_2378, %get3A_2379] : memref<8x50xf32, #tpu.memory_space<smem>>
      %mul3A_2381 = vector.broadcast %get3A_2380 : f32 to vector<1x48x128xf32>
      %mul3A_2382 = arith.mulf %get3A_2359, %mul3A_2381 : vector<1x48x128xf32>
      %add3A_2383 = arith.addf %add3A_2325, %mul3A_2382 : vector<1x48x128xf32>
      %get3A_2384 = arith.constant 4 : index
      %get3A_2385 = arith.constant 25 : index
      %get3A_2386 = memref.load %arg15[%get3A_2384, %get3A_2385] : memref<8x50xf32, #tpu.memory_space<smem>>
      %mul3A_2387 = vector.broadcast %get3A_2386 : f32 to vector<1x48x128xf32>
      %mul3A_2388 = arith.mulf %get3A_2359, %mul3A_2387 : vector<1x48x128xf32>
      %add3A_2389 = arith.addf %add3A_2331, %mul3A_2388 : vector<1x48x128xf32>
      %get3A_2390 = arith.constant 5 : index
      %get3A_2391 = arith.constant 25 : index
      %get3A_2392 = memref.load %arg15[%get3A_2390, %get3A_2391] : memref<8x50xf32, #tpu.memory_space<smem>>
      %mul3A_2393 = vector.broadcast %get3A_2392 : f32 to vector<1x48x128xf32>
      %mul3A_2394 = arith.mulf %get3A_2359, %mul3A_2393 : vector<1x48x128xf32>
      %add3A_2395 = arith.addf %add3A_2337, %mul3A_2394 : vector<1x48x128xf32>
      %get3A_2396 = arith.constant 6 : index
      %get3A_2397 = arith.constant 25 : index
      %get3A_2398 = memref.load %arg15[%get3A_2396, %get3A_2397] : memref<8x50xf32, #tpu.memory_space<smem>>
      %mul3A_2399 = vector.broadcast %get3A_2398 : f32 to vector<1x48x128xf32>
      %mul3A_2400 = arith.mulf %get3A_2359, %mul3A_2399 : vector<1x48x128xf32>
      %add3A_2401 = arith.addf %add3A_2343, %mul3A_2400 : vector<1x48x128xf32>
      %get3A_2402 = arith.constant 7 : index
      %get3A_2403 = arith.constant 25 : index
      %get3A_2404 = memref.load %arg15[%get3A_2402, %get3A_2403] : memref<8x50xf32, #tpu.memory_space<smem>>
      %mul3A_2405 = vector.broadcast %get3A_2404 : f32 to vector<1x48x128xf32>
      %mul3A_2406 = arith.mulf %get3A_2359, %mul3A_2405 : vector<1x48x128xf32>
      %add3A_2407 = arith.addf %add3A_2349, %mul3A_2406 : vector<1x48x128xf32>
      %add3A_2408 = arith.constant 2 : i32
      %add3A_2409 = arith.addi %mul3A_907, %add3A_2408 : i32
      %add3A_2410 = arith.constant -2 : i32
      %add3A_2411 = arith.addi %add3A_2409, %add3A_2410 : i32
      %get3A_2412 = arith.constant 1 : index
      %get3A_2413 = arith.index_cast %add3A_2411 : i32 to index
      %get3A_2414 = arith.constant 1 : index
      %get3A_2415 = arith.constant 0 : index
      %get3A_2416 = vector.load %arg24[%get3A_2412, %get3A_2413, %get3A_2414, %get3A_2415] : memref<2x52x52x128xf32, #tpu.memory_space<vmem>>, vector<1x1x48x128xf32>
      %get3A_2417 = vector.shape_cast %get3A_2416 : vector<1x1x48x128xf32> to vector<1x48x128xf32>
      %get3A_2418 = arith.constant 0 : index
      %get3A_2419 = arith.constant 26 : index
      %get3A_2420 = memref.load %arg15[%get3A_2418, %get3A_2419] : memref<8x50xf32, #tpu.memory_space<smem>>
      %mul3A_2421 = vector.broadcast %get3A_2420 : f32 to vector<1x48x128xf32>
      %mul3A_2422 = arith.mulf %get3A_2417, %mul3A_2421 : vector<1x48x128xf32>
      %add3A_2423 = arith.addf %add3A_2365, %mul3A_2422 : vector<1x48x128xf32>
      %get3A_2424 = arith.constant 1 : index
      %get3A_2425 = arith.constant 26 : index
      %get3A_2426 = memref.load %arg15[%get3A_2424, %get3A_2425] : memref<8x50xf32, #tpu.memory_space<smem>>
      %mul3A_2427 = vector.broadcast %get3A_2426 : f32 to vector<1x48x128xf32>
      %mul3A_2428 = arith.mulf %get3A_2417, %mul3A_2427 : vector<1x48x128xf32>
      %add3A_2429 = arith.addf %add3A_2371, %mul3A_2428 : vector<1x48x128xf32>
      %get3A_2430 = arith.constant 2 : index
      %get3A_2431 = arith.constant 26 : index
      %get3A_2432 = memref.load %arg15[%get3A_2430, %get3A_2431] : memref<8x50xf32, #tpu.memory_space<smem>>
      %mul3A_2433 = vector.broadcast %get3A_2432 : f32 to vector<1x48x128xf32>
      %mul3A_2434 = arith.mulf %get3A_2417, %mul3A_2433 : vector<1x48x128xf32>
      %add3A_2435 = arith.addf %add3A_2377, %mul3A_2434 : vector<1x48x128xf32>
      %get3A_2436 = arith.constant 3 : index
      %get3A_2437 = arith.constant 26 : index
      %get3A_2438 = memref.load %arg15[%get3A_2436, %get3A_2437] : memref<8x50xf32, #tpu.memory_space<smem>>
      %mul3A_2439 = vector.broadcast %get3A_2438 : f32 to vector<1x48x128xf32>
      %mul3A_2440 = arith.mulf %get3A_2417, %mul3A_2439 : vector<1x48x128xf32>
      %add3A_2441 = arith.addf %add3A_2383, %mul3A_2440 : vector<1x48x128xf32>
      %get3A_2442 = arith.constant 4 : index
      %get3A_2443 = arith.constant 26 : index
      %get3A_2444 = memref.load %arg15[%get3A_2442, %get3A_2443] : memref<8x50xf32, #tpu.memory_space<smem>>
      %mul3A_2445 = vector.broadcast %get3A_2444 : f32 to vector<1x48x128xf32>
      %mul3A_2446 = arith.mulf %get3A_2417, %mul3A_2445 : vector<1x48x128xf32>
      %add3A_2447 = arith.addf %add3A_2389, %mul3A_2446 : vector<1x48x128xf32>
      %get3A_2448 = arith.constant 5 : index
      %get3A_2449 = arith.constant 26 : index
      %get3A_2450 = memref.load %arg15[%get3A_2448, %get3A_2449] : memref<8x50xf32, #tpu.memory_space<smem>>
      %mul3A_2451 = vector.broadcast %get3A_2450 : f32 to vector<1x48x128xf32>
      %mul3A_2452 = arith.mulf %get3A_2417, %mul3A_2451 : vector<1x48x128xf32>
      %add3A_2453 = arith.addf %add3A_2395, %mul3A_2452 : vector<1x48x128xf32>
      %get3A_2454 = arith.constant 6 : index
      %get3A_2455 = arith.constant 26 : index
      %get3A_2456 = memref.load %arg15[%get3A_2454, %get3A_2455] : memref<8x50xf32, #tpu.memory_space<smem>>
      %mul3A_2457 = vector.broadcast %get3A_2456 : f32 to vector<1x48x128xf32>
      %mul3A_2458 = arith.mulf %get3A_2417, %mul3A_2457 : vector<1x48x128xf32>
      %add3A_2459 = arith.addf %add3A_2401, %mul3A_2458 : vector<1x48x128xf32>
      %get3A_2460 = arith.constant 7 : index
      %get3A_2461 = arith.constant 26 : index
      %get3A_2462 = memref.load %arg15[%get3A_2460, %get3A_2461] : memref<8x50xf32, #tpu.memory_space<smem>>
      %mul3A_2463 = vector.broadcast %get3A_2462 : f32 to vector<1x48x128xf32>
      %mul3A_2464 = arith.mulf %get3A_2417, %mul3A_2463 : vector<1x48x128xf32>
      %add3A_2465 = arith.addf %add3A_2407, %mul3A_2464 : vector<1x48x128xf32>
      %add3A_2466 = arith.constant 2 : i32
      %add3A_2467 = arith.addi %mul3A_907, %add3A_2466 : i32
      %add3A_2468 = arith.constant -2 : i32
      %add3A_2469 = arith.addi %add3A_2467, %add3A_2468 : i32
      %get3A_2470 = arith.constant 1 : index
      %get3A_2471 = arith.index_cast %add3A_2469 : i32 to index
      %get3A_2472 = arith.constant 2 : index
      %get3A_2473 = arith.constant 0 : index
      %get3A_2474 = vector.load %arg24[%get3A_2470, %get3A_2471, %get3A_2472, %get3A_2473] : memref<2x52x52x128xf32, #tpu.memory_space<vmem>>, vector<1x1x48x128xf32>
      %get3A_2475 = vector.shape_cast %get3A_2474 : vector<1x1x48x128xf32> to vector<1x48x128xf32>
      %get3A_2476 = arith.constant 0 : index
      %get3A_2477 = arith.constant 27 : index
      %get3A_2478 = memref.load %arg15[%get3A_2476, %get3A_2477] : memref<8x50xf32, #tpu.memory_space<smem>>
      %mul3A_2479 = vector.broadcast %get3A_2478 : f32 to vector<1x48x128xf32>
      %mul3A_2480 = arith.mulf %get3A_2475, %mul3A_2479 : vector<1x48x128xf32>
      %add3A_2481 = arith.addf %add3A_2423, %mul3A_2480 : vector<1x48x128xf32>
      %get3A_2482 = arith.constant 1 : index
      %get3A_2483 = arith.constant 27 : index
      %get3A_2484 = memref.load %arg15[%get3A_2482, %get3A_2483] : memref<8x50xf32, #tpu.memory_space<smem>>
      %mul3A_2485 = vector.broadcast %get3A_2484 : f32 to vector<1x48x128xf32>
      %mul3A_2486 = arith.mulf %get3A_2475, %mul3A_2485 : vector<1x48x128xf32>
      %add3A_2487 = arith.addf %add3A_2429, %mul3A_2486 : vector<1x48x128xf32>
      %get3A_2488 = arith.constant 2 : index
      %get3A_2489 = arith.constant 27 : index
      %get3A_2490 = memref.load %arg15[%get3A_2488, %get3A_2489] : memref<8x50xf32, #tpu.memory_space<smem>>
      %mul3A_2491 = vector.broadcast %get3A_2490 : f32 to vector<1x48x128xf32>
      %mul3A_2492 = arith.mulf %get3A_2475, %mul3A_2491 : vector<1x48x128xf32>
      %add3A_2493 = arith.addf %add3A_2435, %mul3A_2492 : vector<1x48x128xf32>
      %get3A_2494 = arith.constant 3 : index
      %get3A_2495 = arith.constant 27 : index
      %get3A_2496 = memref.load %arg15[%get3A_2494, %get3A_2495] : memref<8x50xf32, #tpu.memory_space<smem>>
      %mul3A_2497 = vector.broadcast %get3A_2496 : f32 to vector<1x48x128xf32>
      %mul3A_2498 = arith.mulf %get3A_2475, %mul3A_2497 : vector<1x48x128xf32>
      %add3A_2499 = arith.addf %add3A_2441, %mul3A_2498 : vector<1x48x128xf32>
      %get3A_2500 = arith.constant 4 : index
      %get3A_2501 = arith.constant 27 : index
      %get3A_2502 = memref.load %arg15[%get3A_2500, %get3A_2501] : memref<8x50xf32, #tpu.memory_space<smem>>
      %mul3A_2503 = vector.broadcast %get3A_2502 : f32 to vector<1x48x128xf32>
      %mul3A_2504 = arith.mulf %get3A_2475, %mul3A_2503 : vector<1x48x128xf32>
      %add3A_2505 = arith.addf %add3A_2447, %mul3A_2504 : vector<1x48x128xf32>
      %get3A_2506 = arith.constant 5 : index
      %get3A_2507 = arith.constant 27 : index
      %get3A_2508 = memref.load %arg15[%get3A_2506, %get3A_2507] : memref<8x50xf32, #tpu.memory_space<smem>>
      %mul3A_2509 = vector.broadcast %get3A_2508 : f32 to vector<1x48x128xf32>
      %mul3A_2510 = arith.mulf %get3A_2475, %mul3A_2509 : vector<1x48x128xf32>
      %add3A_2511 = arith.addf %add3A_2453, %mul3A_2510 : vector<1x48x128xf32>
      %get3A_2512 = arith.constant 6 : index
      %get3A_2513 = arith.constant 27 : index
      %get3A_2514 = memref.load %arg15[%get3A_2512, %get3A_2513] : memref<8x50xf32, #tpu.memory_space<smem>>
      %mul3A_2515 = vector.broadcast %get3A_2514 : f32 to vector<1x48x128xf32>
      %mul3A_2516 = arith.mulf %get3A_2475, %mul3A_2515 : vector<1x48x128xf32>
      %add3A_2517 = arith.addf %add3A_2459, %mul3A_2516 : vector<1x48x128xf32>
      %get3A_2518 = arith.constant 7 : index
      %get3A_2519 = arith.constant 27 : index
      %get3A_2520 = memref.load %arg15[%get3A_2518, %get3A_2519] : memref<8x50xf32, #tpu.memory_space<smem>>
      %mul3A_2521 = vector.broadcast %get3A_2520 : f32 to vector<1x48x128xf32>
      %mul3A_2522 = arith.mulf %get3A_2475, %mul3A_2521 : vector<1x48x128xf32>
      %add3A_2523 = arith.addf %add3A_2465, %mul3A_2522 : vector<1x48x128xf32>
      %add3A_2524 = arith.constant 2 : i32
      %add3A_2525 = arith.addi %mul3A_907, %add3A_2524 : i32
      %add3A_2526 = arith.constant -2 : i32
      %add3A_2527 = arith.addi %add3A_2525, %add3A_2526 : i32
      %get3A_2528 = arith.constant 1 : index
      %get3A_2529 = arith.index_cast %add3A_2527 : i32 to index
      %get3A_2530 = arith.constant 3 : index
      %get3A_2531 = arith.constant 0 : index
      %get3A_2532 = vector.load %arg24[%get3A_2528, %get3A_2529, %get3A_2530, %get3A_2531] : memref<2x52x52x128xf32, #tpu.memory_space<vmem>>, vector<1x1x48x128xf32>
      %get3A_2533 = vector.shape_cast %get3A_2532 : vector<1x1x48x128xf32> to vector<1x48x128xf32>
      %get3A_2534 = arith.constant 0 : index
      %get3A_2535 = arith.constant 28 : index
      %get3A_2536 = memref.load %arg15[%get3A_2534, %get3A_2535] : memref<8x50xf32, #tpu.memory_space<smem>>
      %mul3A_2537 = vector.broadcast %get3A_2536 : f32 to vector<1x48x128xf32>
      %mul3A_2538 = arith.mulf %get3A_2533, %mul3A_2537 : vector<1x48x128xf32>
      %add3A_2539 = arith.addf %add3A_2481, %mul3A_2538 : vector<1x48x128xf32>
      %get3A_2540 = arith.constant 1 : index
      %get3A_2541 = arith.constant 28 : index
      %get3A_2542 = memref.load %arg15[%get3A_2540, %get3A_2541] : memref<8x50xf32, #tpu.memory_space<smem>>
      %mul3A_2543 = vector.broadcast %get3A_2542 : f32 to vector<1x48x128xf32>
      %mul3A_2544 = arith.mulf %get3A_2533, %mul3A_2543 : vector<1x48x128xf32>
      %add3A_2545 = arith.addf %add3A_2487, %mul3A_2544 : vector<1x48x128xf32>
      %get3A_2546 = arith.constant 2 : index
      %get3A_2547 = arith.constant 28 : index
      %get3A_2548 = memref.load %arg15[%get3A_2546, %get3A_2547] : memref<8x50xf32, #tpu.memory_space<smem>>
      %mul3A_2549 = vector.broadcast %get3A_2548 : f32 to vector<1x48x128xf32>
      %mul3A_2550 = arith.mulf %get3A_2533, %mul3A_2549 : vector<1x48x128xf32>
      %add3A_2551 = arith.addf %add3A_2493, %mul3A_2550 : vector<1x48x128xf32>
      %get3A_2552 = arith.constant 3 : index
      %get3A_2553 = arith.constant 28 : index
      %get3A_2554 = memref.load %arg15[%get3A_2552, %get3A_2553] : memref<8x50xf32, #tpu.memory_space<smem>>
      %mul3A_2555 = vector.broadcast %get3A_2554 : f32 to vector<1x48x128xf32>
      %mul3A_2556 = arith.mulf %get3A_2533, %mul3A_2555 : vector<1x48x128xf32>
      %add3A_2557 = arith.addf %add3A_2499, %mul3A_2556 : vector<1x48x128xf32>
      %get3A_2558 = arith.constant 4 : index
      %get3A_2559 = arith.constant 28 : index
      %get3A_2560 = memref.load %arg15[%get3A_2558, %get3A_2559] : memref<8x50xf32, #tpu.memory_space<smem>>
      %mul3A_2561 = vector.broadcast %get3A_2560 : f32 to vector<1x48x128xf32>
      %mul3A_2562 = arith.mulf %get3A_2533, %mul3A_2561 : vector<1x48x128xf32>
      %add3A_2563 = arith.addf %add3A_2505, %mul3A_2562 : vector<1x48x128xf32>
      %get3A_2564 = arith.constant 5 : index
      %get3A_2565 = arith.constant 28 : index
      %get3A_2566 = memref.load %arg15[%get3A_2564, %get3A_2565] : memref<8x50xf32, #tpu.memory_space<smem>>
      %mul3A_2567 = vector.broadcast %get3A_2566 : f32 to vector<1x48x128xf32>
      %mul3A_2568 = arith.mulf %get3A_2533, %mul3A_2567 : vector<1x48x128xf32>
      %add3A_2569 = arith.addf %add3A_2511, %mul3A_2568 : vector<1x48x128xf32>
      %get3A_2570 = arith.constant 6 : index
      %get3A_2571 = arith.constant 28 : index
      %get3A_2572 = memref.load %arg15[%get3A_2570, %get3A_2571] : memref<8x50xf32, #tpu.memory_space<smem>>
      %mul3A_2573 = vector.broadcast %get3A_2572 : f32 to vector<1x48x128xf32>
      %mul3A_2574 = arith.mulf %get3A_2533, %mul3A_2573 : vector<1x48x128xf32>
      %add3A_2575 = arith.addf %add3A_2517, %mul3A_2574 : vector<1x48x128xf32>
      %get3A_2576 = arith.constant 7 : index
      %get3A_2577 = arith.constant 28 : index
      %get3A_2578 = memref.load %arg15[%get3A_2576, %get3A_2577] : memref<8x50xf32, #tpu.memory_space<smem>>
      %mul3A_2579 = vector.broadcast %get3A_2578 : f32 to vector<1x48x128xf32>
      %mul3A_2580 = arith.mulf %get3A_2533, %mul3A_2579 : vector<1x48x128xf32>
      %add3A_2581 = arith.addf %add3A_2523, %mul3A_2580 : vector<1x48x128xf32>
      %add3A_2582 = arith.constant 2 : i32
      %add3A_2583 = arith.addi %mul3A_907, %add3A_2582 : i32
      %add3A_2584 = arith.constant -2 : i32
      %add3A_2585 = arith.addi %add3A_2583, %add3A_2584 : i32
      %get3A_2586 = arith.constant 1 : index
      %get3A_2587 = arith.index_cast %add3A_2585 : i32 to index
      %get3A_2588 = arith.constant 4 : index
      %get3A_2589 = arith.constant 0 : index
      %get3A_2590 = vector.load %arg24[%get3A_2586, %get3A_2587, %get3A_2588, %get3A_2589] : memref<2x52x52x128xf32, #tpu.memory_space<vmem>>, vector<1x1x48x128xf32>
      %get3A_2591 = vector.shape_cast %get3A_2590 : vector<1x1x48x128xf32> to vector<1x48x128xf32>
      %get3A_2592 = arith.constant 0 : index
      %get3A_2593 = arith.constant 29 : index
      %get3A_2594 = memref.load %arg15[%get3A_2592, %get3A_2593] : memref<8x50xf32, #tpu.memory_space<smem>>
      %mul3A_2595 = vector.broadcast %get3A_2594 : f32 to vector<1x48x128xf32>
      %mul3A_2596 = arith.mulf %get3A_2591, %mul3A_2595 : vector<1x48x128xf32>
      %add3A_2597 = arith.addf %add3A_2539, %mul3A_2596 : vector<1x48x128xf32>
      %get3A_2598 = arith.constant 1 : index
      %get3A_2599 = arith.constant 29 : index
      %get3A_2600 = memref.load %arg15[%get3A_2598, %get3A_2599] : memref<8x50xf32, #tpu.memory_space<smem>>
      %mul3A_2601 = vector.broadcast %get3A_2600 : f32 to vector<1x48x128xf32>
      %mul3A_2602 = arith.mulf %get3A_2591, %mul3A_2601 : vector<1x48x128xf32>
      %add3A_2603 = arith.addf %add3A_2545, %mul3A_2602 : vector<1x48x128xf32>
      %get3A_2604 = arith.constant 2 : index
      %get3A_2605 = arith.constant 29 : index
      %get3A_2606 = memref.load %arg15[%get3A_2604, %get3A_2605] : memref<8x50xf32, #tpu.memory_space<smem>>
      %mul3A_2607 = vector.broadcast %get3A_2606 : f32 to vector<1x48x128xf32>
      %mul3A_2608 = arith.mulf %get3A_2591, %mul3A_2607 : vector<1x48x128xf32>
      %add3A_2609 = arith.addf %add3A_2551, %mul3A_2608 : vector<1x48x128xf32>
      %get3A_2610 = arith.constant 3 : index
      %get3A_2611 = arith.constant 29 : index
      %get3A_2612 = memref.load %arg15[%get3A_2610, %get3A_2611] : memref<8x50xf32, #tpu.memory_space<smem>>
      %mul3A_2613 = vector.broadcast %get3A_2612 : f32 to vector<1x48x128xf32>
      %mul3A_2614 = arith.mulf %get3A_2591, %mul3A_2613 : vector<1x48x128xf32>
      %add3A_2615 = arith.addf %add3A_2557, %mul3A_2614 : vector<1x48x128xf32>
      %get3A_2616 = arith.constant 4 : index
      %get3A_2617 = arith.constant 29 : index
      %get3A_2618 = memref.load %arg15[%get3A_2616, %get3A_2617] : memref<8x50xf32, #tpu.memory_space<smem>>
      %mul3A_2619 = vector.broadcast %get3A_2618 : f32 to vector<1x48x128xf32>
      %mul3A_2620 = arith.mulf %get3A_2591, %mul3A_2619 : vector<1x48x128xf32>
      %add3A_2621 = arith.addf %add3A_2563, %mul3A_2620 : vector<1x48x128xf32>
      %get3A_2622 = arith.constant 5 : index
      %get3A_2623 = arith.constant 29 : index
      %get3A_2624 = memref.load %arg15[%get3A_2622, %get3A_2623] : memref<8x50xf32, #tpu.memory_space<smem>>
      %mul3A_2625 = vector.broadcast %get3A_2624 : f32 to vector<1x48x128xf32>
      %mul3A_2626 = arith.mulf %get3A_2591, %mul3A_2625 : vector<1x48x128xf32>
      %add3A_2627 = arith.addf %add3A_2569, %mul3A_2626 : vector<1x48x128xf32>
      %get3A_2628 = arith.constant 6 : index
      %get3A_2629 = arith.constant 29 : index
      %get3A_2630 = memref.load %arg15[%get3A_2628, %get3A_2629] : memref<8x50xf32, #tpu.memory_space<smem>>
      %mul3A_2631 = vector.broadcast %get3A_2630 : f32 to vector<1x48x128xf32>
      %mul3A_2632 = arith.mulf %get3A_2591, %mul3A_2631 : vector<1x48x128xf32>
      %add3A_2633 = arith.addf %add3A_2575, %mul3A_2632 : vector<1x48x128xf32>
      %get3A_2634 = arith.constant 7 : index
      %get3A_2635 = arith.constant 29 : index
      %get3A_2636 = memref.load %arg15[%get3A_2634, %get3A_2635] : memref<8x50xf32, #tpu.memory_space<smem>>
      %mul3A_2637 = vector.broadcast %get3A_2636 : f32 to vector<1x48x128xf32>
      %mul3A_2638 = arith.mulf %get3A_2591, %mul3A_2637 : vector<1x48x128xf32>
      %add3A_2639 = arith.addf %add3A_2581, %mul3A_2638 : vector<1x48x128xf32>
      %add3A_2640 = arith.constant 2 : i32
      %add3A_2641 = arith.addi %mul3A_907, %add3A_2640 : i32
      %add3A_2642 = arith.constant -1 : i32
      %add3A_2643 = arith.addi %add3A_2641, %add3A_2642 : i32
      %get3A_2644 = arith.constant 1 : index
      %get3A_2645 = arith.index_cast %add3A_2643 : i32 to index
      %get3A_2646 = arith.constant 0 : index
      %get3A_2647 = arith.constant 0 : index
      %get3A_2648 = vector.load %arg24[%get3A_2644, %get3A_2645, %get3A_2646, %get3A_2647] : memref<2x52x52x128xf32, #tpu.memory_space<vmem>>, vector<1x1x48x128xf32>
      %get3A_2649 = vector.shape_cast %get3A_2648 : vector<1x1x48x128xf32> to vector<1x48x128xf32>
      %get3A_2650 = arith.constant 0 : index
      %get3A_2651 = arith.constant 30 : index
      %get3A_2652 = memref.load %arg15[%get3A_2650, %get3A_2651] : memref<8x50xf32, #tpu.memory_space<smem>>
      %mul3A_2653 = vector.broadcast %get3A_2652 : f32 to vector<1x48x128xf32>
      %mul3A_2654 = arith.mulf %get3A_2649, %mul3A_2653 : vector<1x48x128xf32>
      %add3A_2655 = arith.addf %add3A_2597, %mul3A_2654 : vector<1x48x128xf32>
      %get3A_2656 = arith.constant 1 : index
      %get3A_2657 = arith.constant 30 : index
      %get3A_2658 = memref.load %arg15[%get3A_2656, %get3A_2657] : memref<8x50xf32, #tpu.memory_space<smem>>
      %mul3A_2659 = vector.broadcast %get3A_2658 : f32 to vector<1x48x128xf32>
      %mul3A_2660 = arith.mulf %get3A_2649, %mul3A_2659 : vector<1x48x128xf32>
      %add3A_2661 = arith.addf %add3A_2603, %mul3A_2660 : vector<1x48x128xf32>
      %get3A_2662 = arith.constant 2 : index
      %get3A_2663 = arith.constant 30 : index
      %get3A_2664 = memref.load %arg15[%get3A_2662, %get3A_2663] : memref<8x50xf32, #tpu.memory_space<smem>>
      %mul3A_2665 = vector.broadcast %get3A_2664 : f32 to vector<1x48x128xf32>
      %mul3A_2666 = arith.mulf %get3A_2649, %mul3A_2665 : vector<1x48x128xf32>
      %add3A_2667 = arith.addf %add3A_2609, %mul3A_2666 : vector<1x48x128xf32>
      %get3A_2668 = arith.constant 3 : index
      %get3A_2669 = arith.constant 30 : index
      %get3A_2670 = memref.load %arg15[%get3A_2668, %get3A_2669] : memref<8x50xf32, #tpu.memory_space<smem>>
      %mul3A_2671 = vector.broadcast %get3A_2670 : f32 to vector<1x48x128xf32>
      %mul3A_2672 = arith.mulf %get3A_2649, %mul3A_2671 : vector<1x48x128xf32>
      %add3A_2673 = arith.addf %add3A_2615, %mul3A_2672 : vector<1x48x128xf32>
      %get3A_2674 = arith.constant 4 : index
      %get3A_2675 = arith.constant 30 : index
      %get3A_2676 = memref.load %arg15[%get3A_2674, %get3A_2675] : memref<8x50xf32, #tpu.memory_space<smem>>
      %mul3A_2677 = vector.broadcast %get3A_2676 : f32 to vector<1x48x128xf32>
      %mul3A_2678 = arith.mulf %get3A_2649, %mul3A_2677 : vector<1x48x128xf32>
      %add3A_2679 = arith.addf %add3A_2621, %mul3A_2678 : vector<1x48x128xf32>
      %get3A_2680 = arith.constant 5 : index
      %get3A_2681 = arith.constant 30 : index
      %get3A_2682 = memref.load %arg15[%get3A_2680, %get3A_2681] : memref<8x50xf32, #tpu.memory_space<smem>>
      %mul3A_2683 = vector.broadcast %get3A_2682 : f32 to vector<1x48x128xf32>
      %mul3A_2684 = arith.mulf %get3A_2649, %mul3A_2683 : vector<1x48x128xf32>
      %add3A_2685 = arith.addf %add3A_2627, %mul3A_2684 : vector<1x48x128xf32>
      %get3A_2686 = arith.constant 6 : index
      %get3A_2687 = arith.constant 30 : index
      %get3A_2688 = memref.load %arg15[%get3A_2686, %get3A_2687] : memref<8x50xf32, #tpu.memory_space<smem>>
      %mul3A_2689 = vector.broadcast %get3A_2688 : f32 to vector<1x48x128xf32>
      %mul3A_2690 = arith.mulf %get3A_2649, %mul3A_2689 : vector<1x48x128xf32>
      %add3A_2691 = arith.addf %add3A_2633, %mul3A_2690 : vector<1x48x128xf32>
      %get3A_2692 = arith.constant 7 : index
      %get3A_2693 = arith.constant 30 : index
      %get3A_2694 = memref.load %arg15[%get3A_2692, %get3A_2693] : memref<8x50xf32, #tpu.memory_space<smem>>
      %mul3A_2695 = vector.broadcast %get3A_2694 : f32 to vector<1x48x128xf32>
      %mul3A_2696 = arith.mulf %get3A_2649, %mul3A_2695 : vector<1x48x128xf32>
      %add3A_2697 = arith.addf %add3A_2639, %mul3A_2696 : vector<1x48x128xf32>
      %add3A_2698 = arith.constant 2 : i32
      %add3A_2699 = arith.addi %mul3A_907, %add3A_2698 : i32
      %add3A_2700 = arith.constant -1 : i32
      %add3A_2701 = arith.addi %add3A_2699, %add3A_2700 : i32
      %get3A_2702 = arith.constant 1 : index
      %get3A_2703 = arith.index_cast %add3A_2701 : i32 to index
      %get3A_2704 = arith.constant 1 : index
      %get3A_2705 = arith.constant 0 : index
      %get3A_2706 = vector.load %arg24[%get3A_2702, %get3A_2703, %get3A_2704, %get3A_2705] : memref<2x52x52x128xf32, #tpu.memory_space<vmem>>, vector<1x1x48x128xf32>
      %get3A_2707 = vector.shape_cast %get3A_2706 : vector<1x1x48x128xf32> to vector<1x48x128xf32>
      %get3A_2708 = arith.constant 0 : index
      %get3A_2709 = arith.constant 31 : index
      %get3A_2710 = memref.load %arg15[%get3A_2708, %get3A_2709] : memref<8x50xf32, #tpu.memory_space<smem>>
      %mul3A_2711 = vector.broadcast %get3A_2710 : f32 to vector<1x48x128xf32>
      %mul3A_2712 = arith.mulf %get3A_2707, %mul3A_2711 : vector<1x48x128xf32>
      %add3A_2713 = arith.addf %add3A_2655, %mul3A_2712 : vector<1x48x128xf32>
      %get3A_2714 = arith.constant 1 : index
      %get3A_2715 = arith.constant 31 : index
      %get3A_2716 = memref.load %arg15[%get3A_2714, %get3A_2715] : memref<8x50xf32, #tpu.memory_space<smem>>
      %mul3A_2717 = vector.broadcast %get3A_2716 : f32 to vector<1x48x128xf32>
      %mul3A_2718 = arith.mulf %get3A_2707, %mul3A_2717 : vector<1x48x128xf32>
      %add3A_2719 = arith.addf %add3A_2661, %mul3A_2718 : vector<1x48x128xf32>
      %get3A_2720 = arith.constant 2 : index
      %get3A_2721 = arith.constant 31 : index
      %get3A_2722 = memref.load %arg15[%get3A_2720, %get3A_2721] : memref<8x50xf32, #tpu.memory_space<smem>>
      %mul3A_2723 = vector.broadcast %get3A_2722 : f32 to vector<1x48x128xf32>
      %mul3A_2724 = arith.mulf %get3A_2707, %mul3A_2723 : vector<1x48x128xf32>
      %add3A_2725 = arith.addf %add3A_2667, %mul3A_2724 : vector<1x48x128xf32>
      %get3A_2726 = arith.constant 3 : index
      %get3A_2727 = arith.constant 31 : index
      %get3A_2728 = memref.load %arg15[%get3A_2726, %get3A_2727] : memref<8x50xf32, #tpu.memory_space<smem>>
      %mul3A_2729 = vector.broadcast %get3A_2728 : f32 to vector<1x48x128xf32>
      %mul3A_2730 = arith.mulf %get3A_2707, %mul3A_2729 : vector<1x48x128xf32>
      %add3A_2731 = arith.addf %add3A_2673, %mul3A_2730 : vector<1x48x128xf32>
      %get3A_2732 = arith.constant 4 : index
      %get3A_2733 = arith.constant 31 : index
      %get3A_2734 = memref.load %arg15[%get3A_2732, %get3A_2733] : memref<8x50xf32, #tpu.memory_space<smem>>
      %mul3A_2735 = vector.broadcast %get3A_2734 : f32 to vector<1x48x128xf32>
      %mul3A_2736 = arith.mulf %get3A_2707, %mul3A_2735 : vector<1x48x128xf32>
      %add3A_2737 = arith.addf %add3A_2679, %mul3A_2736 : vector<1x48x128xf32>
      %get3A_2738 = arith.constant 5 : index
      %get3A_2739 = arith.constant 31 : index
      %get3A_2740 = memref.load %arg15[%get3A_2738, %get3A_2739] : memref<8x50xf32, #tpu.memory_space<smem>>
      %mul3A_2741 = vector.broadcast %get3A_2740 : f32 to vector<1x48x128xf32>
      %mul3A_2742 = arith.mulf %get3A_2707, %mul3A_2741 : vector<1x48x128xf32>
      %add3A_2743 = arith.addf %add3A_2685, %mul3A_2742 : vector<1x48x128xf32>
      %get3A_2744 = arith.constant 6 : index
      %get3A_2745 = arith.constant 31 : index
      %get3A_2746 = memref.load %arg15[%get3A_2744, %get3A_2745] : memref<8x50xf32, #tpu.memory_space<smem>>
      %mul3A_2747 = vector.broadcast %get3A_2746 : f32 to vector<1x48x128xf32>
      %mul3A_2748 = arith.mulf %get3A_2707, %mul3A_2747 : vector<1x48x128xf32>
      %add3A_2749 = arith.addf %add3A_2691, %mul3A_2748 : vector<1x48x128xf32>
      %get3A_2750 = arith.constant 7 : index
      %get3A_2751 = arith.constant 31 : index
      %get3A_2752 = memref.load %arg15[%get3A_2750, %get3A_2751] : memref<8x50xf32, #tpu.memory_space<smem>>
      %mul3A_2753 = vector.broadcast %get3A_2752 : f32 to vector<1x48x128xf32>
      %mul3A_2754 = arith.mulf %get3A_2707, %mul3A_2753 : vector<1x48x128xf32>
      %add3A_2755 = arith.addf %add3A_2697, %mul3A_2754 : vector<1x48x128xf32>
      %add3A_2756 = arith.constant 2 : i32
      %add3A_2757 = arith.addi %mul3A_907, %add3A_2756 : i32
      %add3A_2758 = arith.constant -1 : i32
      %add3A_2759 = arith.addi %add3A_2757, %add3A_2758 : i32
      %get3A_2760 = arith.constant 1 : index
      %get3A_2761 = arith.index_cast %add3A_2759 : i32 to index
      %get3A_2762 = arith.constant 2 : index
      %get3A_2763 = arith.constant 0 : index
      %get3A_2764 = vector.load %arg24[%get3A_2760, %get3A_2761, %get3A_2762, %get3A_2763] : memref<2x52x52x128xf32, #tpu.memory_space<vmem>>, vector<1x1x48x128xf32>
      %get3A_2765 = vector.shape_cast %get3A_2764 : vector<1x1x48x128xf32> to vector<1x48x128xf32>
      %get3A_2766 = arith.constant 0 : index
      %get3A_2767 = arith.constant 32 : index
      %get3A_2768 = memref.load %arg15[%get3A_2766, %get3A_2767] : memref<8x50xf32, #tpu.memory_space<smem>>
      %mul3A_2769 = vector.broadcast %get3A_2768 : f32 to vector<1x48x128xf32>
      %mul3A_2770 = arith.mulf %get3A_2765, %mul3A_2769 : vector<1x48x128xf32>
      %add3A_2771 = arith.addf %add3A_2713, %mul3A_2770 : vector<1x48x128xf32>
      %get3A_2772 = arith.constant 1 : index
      %get3A_2773 = arith.constant 32 : index
      %get3A_2774 = memref.load %arg15[%get3A_2772, %get3A_2773] : memref<8x50xf32, #tpu.memory_space<smem>>
      %mul3A_2775 = vector.broadcast %get3A_2774 : f32 to vector<1x48x128xf32>
      %mul3A_2776 = arith.mulf %get3A_2765, %mul3A_2775 : vector<1x48x128xf32>
      %add3A_2777 = arith.addf %add3A_2719, %mul3A_2776 : vector<1x48x128xf32>
      %get3A_2778 = arith.constant 2 : index
      %get3A_2779 = arith.constant 32 : index
      %get3A_2780 = memref.load %arg15[%get3A_2778, %get3A_2779] : memref<8x50xf32, #tpu.memory_space<smem>>
      %mul3A_2781 = vector.broadcast %get3A_2780 : f32 to vector<1x48x128xf32>
      %mul3A_2782 = arith.mulf %get3A_2765, %mul3A_2781 : vector<1x48x128xf32>
      %add3A_2783 = arith.addf %add3A_2725, %mul3A_2782 : vector<1x48x128xf32>
      %get3A_2784 = arith.constant 3 : index
      %get3A_2785 = arith.constant 32 : index
      %get3A_2786 = memref.load %arg15[%get3A_2784, %get3A_2785] : memref<8x50xf32, #tpu.memory_space<smem>>
      %mul3A_2787 = vector.broadcast %get3A_2786 : f32 to vector<1x48x128xf32>
      %mul3A_2788 = arith.mulf %get3A_2765, %mul3A_2787 : vector<1x48x128xf32>
      %add3A_2789 = arith.addf %add3A_2731, %mul3A_2788 : vector<1x48x128xf32>
      %get3A_2790 = arith.constant 4 : index
      %get3A_2791 = arith.constant 32 : index
      %get3A_2792 = memref.load %arg15[%get3A_2790, %get3A_2791] : memref<8x50xf32, #tpu.memory_space<smem>>
      %mul3A_2793 = vector.broadcast %get3A_2792 : f32 to vector<1x48x128xf32>
      %mul3A_2794 = arith.mulf %get3A_2765, %mul3A_2793 : vector<1x48x128xf32>
      %add3A_2795 = arith.addf %add3A_2737, %mul3A_2794 : vector<1x48x128xf32>
      %get3A_2796 = arith.constant 5 : index
      %get3A_2797 = arith.constant 32 : index
      %get3A_2798 = memref.load %arg15[%get3A_2796, %get3A_2797] : memref<8x50xf32, #tpu.memory_space<smem>>
      %mul3A_2799 = vector.broadcast %get3A_2798 : f32 to vector<1x48x128xf32>
      %mul3A_2800 = arith.mulf %get3A_2765, %mul3A_2799 : vector<1x48x128xf32>
      %add3A_2801 = arith.addf %add3A_2743, %mul3A_2800 : vector<1x48x128xf32>
      %get3A_2802 = arith.constant 6 : index
      %get3A_2803 = arith.constant 32 : index
      %get3A_2804 = memref.load %arg15[%get3A_2802, %get3A_2803] : memref<8x50xf32, #tpu.memory_space<smem>>
      %mul3A_2805 = vector.broadcast %get3A_2804 : f32 to vector<1x48x128xf32>
      %mul3A_2806 = arith.mulf %get3A_2765, %mul3A_2805 : vector<1x48x128xf32>
      %add3A_2807 = arith.addf %add3A_2749, %mul3A_2806 : vector<1x48x128xf32>
      %get3A_2808 = arith.constant 7 : index
      %get3A_2809 = arith.constant 32 : index
      %get3A_2810 = memref.load %arg15[%get3A_2808, %get3A_2809] : memref<8x50xf32, #tpu.memory_space<smem>>
      %mul3A_2811 = vector.broadcast %get3A_2810 : f32 to vector<1x48x128xf32>
      %mul3A_2812 = arith.mulf %get3A_2765, %mul3A_2811 : vector<1x48x128xf32>
      %add3A_2813 = arith.addf %add3A_2755, %mul3A_2812 : vector<1x48x128xf32>
      %add3A_2814 = arith.constant 2 : i32
      %add3A_2815 = arith.addi %mul3A_907, %add3A_2814 : i32
      %add3A_2816 = arith.constant -1 : i32
      %add3A_2817 = arith.addi %add3A_2815, %add3A_2816 : i32
      %get3A_2818 = arith.constant 1 : index
      %get3A_2819 = arith.index_cast %add3A_2817 : i32 to index
      %get3A_2820 = arith.constant 3 : index
      %get3A_2821 = arith.constant 0 : index
      %get3A_2822 = vector.load %arg24[%get3A_2818, %get3A_2819, %get3A_2820, %get3A_2821] : memref<2x52x52x128xf32, #tpu.memory_space<vmem>>, vector<1x1x48x128xf32>
      %get3A_2823 = vector.shape_cast %get3A_2822 : vector<1x1x48x128xf32> to vector<1x48x128xf32>
      %get3A_2824 = arith.constant 0 : index
      %get3A_2825 = arith.constant 33 : index
      %get3A_2826 = memref.load %arg15[%get3A_2824, %get3A_2825] : memref<8x50xf32, #tpu.memory_space<smem>>
      %mul3A_2827 = vector.broadcast %get3A_2826 : f32 to vector<1x48x128xf32>
      %mul3A_2828 = arith.mulf %get3A_2823, %mul3A_2827 : vector<1x48x128xf32>
      %add3A_2829 = arith.addf %add3A_2771, %mul3A_2828 : vector<1x48x128xf32>
      %get3A_2830 = arith.constant 1 : index
      %get3A_2831 = arith.constant 33 : index
      %get3A_2832 = memref.load %arg15[%get3A_2830, %get3A_2831] : memref<8x50xf32, #tpu.memory_space<smem>>
      %mul3A_2833 = vector.broadcast %get3A_2832 : f32 to vector<1x48x128xf32>
      %mul3A_2834 = arith.mulf %get3A_2823, %mul3A_2833 : vector<1x48x128xf32>
      %add3A_2835 = arith.addf %add3A_2777, %mul3A_2834 : vector<1x48x128xf32>
      %get3A_2836 = arith.constant 2 : index
      %get3A_2837 = arith.constant 33 : index
      %get3A_2838 = memref.load %arg15[%get3A_2836, %get3A_2837] : memref<8x50xf32, #tpu.memory_space<smem>>
      %mul3A_2839 = vector.broadcast %get3A_2838 : f32 to vector<1x48x128xf32>
      %mul3A_2840 = arith.mulf %get3A_2823, %mul3A_2839 : vector<1x48x128xf32>
      %add3A_2841 = arith.addf %add3A_2783, %mul3A_2840 : vector<1x48x128xf32>
      %get3A_2842 = arith.constant 3 : index
      %get3A_2843 = arith.constant 33 : index
      %get3A_2844 = memref.load %arg15[%get3A_2842, %get3A_2843] : memref<8x50xf32, #tpu.memory_space<smem>>
      %mul3A_2845 = vector.broadcast %get3A_2844 : f32 to vector<1x48x128xf32>
      %mul3A_2846 = arith.mulf %get3A_2823, %mul3A_2845 : vector<1x48x128xf32>
      %add3A_2847 = arith.addf %add3A_2789, %mul3A_2846 : vector<1x48x128xf32>
      %get3A_2848 = arith.constant 4 : index
      %get3A_2849 = arith.constant 33 : index
      %get3A_2850 = memref.load %arg15[%get3A_2848, %get3A_2849] : memref<8x50xf32, #tpu.memory_space<smem>>
      %mul3A_2851 = vector.broadcast %get3A_2850 : f32 to vector<1x48x128xf32>
      %mul3A_2852 = arith.mulf %get3A_2823, %mul3A_2851 : vector<1x48x128xf32>
      %add3A_2853 = arith.addf %add3A_2795, %mul3A_2852 : vector<1x48x128xf32>
      %get3A_2854 = arith.constant 5 : index
      %get3A_2855 = arith.constant 33 : index
      %get3A_2856 = memref.load %arg15[%get3A_2854, %get3A_2855] : memref<8x50xf32, #tpu.memory_space<smem>>
      %mul3A_2857 = vector.broadcast %get3A_2856 : f32 to vector<1x48x128xf32>
      %mul3A_2858 = arith.mulf %get3A_2823, %mul3A_2857 : vector<1x48x128xf32>
      %add3A_2859 = arith.addf %add3A_2801, %mul3A_2858 : vector<1x48x128xf32>
      %get3A_2860 = arith.constant 6 : index
      %get3A_2861 = arith.constant 33 : index
      %get3A_2862 = memref.load %arg15[%get3A_2860, %get3A_2861] : memref<8x50xf32, #tpu.memory_space<smem>>
      %mul3A_2863 = vector.broadcast %get3A_2862 : f32 to vector<1x48x128xf32>
      %mul3A_2864 = arith.mulf %get3A_2823, %mul3A_2863 : vector<1x48x128xf32>
      %add3A_2865 = arith.addf %add3A_2807, %mul3A_2864 : vector<1x48x128xf32>
      %get3A_2866 = arith.constant 7 : index
      %get3A_2867 = arith.constant 33 : index
      %get3A_2868 = memref.load %arg15[%get3A_2866, %get3A_2867] : memref<8x50xf32, #tpu.memory_space<smem>>
      %mul3A_2869 = vector.broadcast %get3A_2868 : f32 to vector<1x48x128xf32>
      %mul3A_2870 = arith.mulf %get3A_2823, %mul3A_2869 : vector<1x48x128xf32>
      %add3A_2871 = arith.addf %add3A_2813, %mul3A_2870 : vector<1x48x128xf32>
      %add3A_2872 = arith.constant 2 : i32
      %add3A_2873 = arith.addi %mul3A_907, %add3A_2872 : i32
      %add3A_2874 = arith.constant -1 : i32
      %add3A_2875 = arith.addi %add3A_2873, %add3A_2874 : i32
      %get3A_2876 = arith.constant 1 : index
      %get3A_2877 = arith.index_cast %add3A_2875 : i32 to index
      %get3A_2878 = arith.constant 4 : index
      %get3A_2879 = arith.constant 0 : index
      %get3A_2880 = vector.load %arg24[%get3A_2876, %get3A_2877, %get3A_2878, %get3A_2879] : memref<2x52x52x128xf32, #tpu.memory_space<vmem>>, vector<1x1x48x128xf32>
      %get3A_2881 = vector.shape_cast %get3A_2880 : vector<1x1x48x128xf32> to vector<1x48x128xf32>
      %get3A_2882 = arith.constant 0 : index
      %get3A_2883 = arith.constant 34 : index
      %get3A_2884 = memref.load %arg15[%get3A_2882, %get3A_2883] : memref<8x50xf32, #tpu.memory_space<smem>>
      %mul3A_2885 = vector.broadcast %get3A_2884 : f32 to vector<1x48x128xf32>
      %mul3A_2886 = arith.mulf %get3A_2881, %mul3A_2885 : vector<1x48x128xf32>
      %add3A_2887 = arith.addf %add3A_2829, %mul3A_2886 : vector<1x48x128xf32>
      %get3A_2888 = arith.constant 1 : index
      %get3A_2889 = arith.constant 34 : index
      %get3A_2890 = memref.load %arg15[%get3A_2888, %get3A_2889] : memref<8x50xf32, #tpu.memory_space<smem>>
      %mul3A_2891 = vector.broadcast %get3A_2890 : f32 to vector<1x48x128xf32>
      %mul3A_2892 = arith.mulf %get3A_2881, %mul3A_2891 : vector<1x48x128xf32>
      %add3A_2893 = arith.addf %add3A_2835, %mul3A_2892 : vector<1x48x128xf32>
      %get3A_2894 = arith.constant 2 : index
      %get3A_2895 = arith.constant 34 : index
      %get3A_2896 = memref.load %arg15[%get3A_2894, %get3A_2895] : memref<8x50xf32, #tpu.memory_space<smem>>
      %mul3A_2897 = vector.broadcast %get3A_2896 : f32 to vector<1x48x128xf32>
      %mul3A_2898 = arith.mulf %get3A_2881, %mul3A_2897 : vector<1x48x128xf32>
      %add3A_2899 = arith.addf %add3A_2841, %mul3A_2898 : vector<1x48x128xf32>
      %get3A_2900 = arith.constant 3 : index
      %get3A_2901 = arith.constant 34 : index
      %get3A_2902 = memref.load %arg15[%get3A_2900, %get3A_2901] : memref<8x50xf32, #tpu.memory_space<smem>>
      %mul3A_2903 = vector.broadcast %get3A_2902 : f32 to vector<1x48x128xf32>
      %mul3A_2904 = arith.mulf %get3A_2881, %mul3A_2903 : vector<1x48x128xf32>
      %add3A_2905 = arith.addf %add3A_2847, %mul3A_2904 : vector<1x48x128xf32>
      %get3A_2906 = arith.constant 4 : index
      %get3A_2907 = arith.constant 34 : index
      %get3A_2908 = memref.load %arg15[%get3A_2906, %get3A_2907] : memref<8x50xf32, #tpu.memory_space<smem>>
      %mul3A_2909 = vector.broadcast %get3A_2908 : f32 to vector<1x48x128xf32>
      %mul3A_2910 = arith.mulf %get3A_2881, %mul3A_2909 : vector<1x48x128xf32>
      %add3A_2911 = arith.addf %add3A_2853, %mul3A_2910 : vector<1x48x128xf32>
      %get3A_2912 = arith.constant 5 : index
      %get3A_2913 = arith.constant 34 : index
      %get3A_2914 = memref.load %arg15[%get3A_2912, %get3A_2913] : memref<8x50xf32, #tpu.memory_space<smem>>
      %mul3A_2915 = vector.broadcast %get3A_2914 : f32 to vector<1x48x128xf32>
      %mul3A_2916 = arith.mulf %get3A_2881, %mul3A_2915 : vector<1x48x128xf32>
      %add3A_2917 = arith.addf %add3A_2859, %mul3A_2916 : vector<1x48x128xf32>
      %get3A_2918 = arith.constant 6 : index
      %get3A_2919 = arith.constant 34 : index
      %get3A_2920 = memref.load %arg15[%get3A_2918, %get3A_2919] : memref<8x50xf32, #tpu.memory_space<smem>>
      %mul3A_2921 = vector.broadcast %get3A_2920 : f32 to vector<1x48x128xf32>
      %mul3A_2922 = arith.mulf %get3A_2881, %mul3A_2921 : vector<1x48x128xf32>
      %add3A_2923 = arith.addf %add3A_2865, %mul3A_2922 : vector<1x48x128xf32>
      %get3A_2924 = arith.constant 7 : index
      %get3A_2925 = arith.constant 34 : index
      %get3A_2926 = memref.load %arg15[%get3A_2924, %get3A_2925] : memref<8x50xf32, #tpu.memory_space<smem>>
      %mul3A_2927 = vector.broadcast %get3A_2926 : f32 to vector<1x48x128xf32>
      %mul3A_2928 = arith.mulf %get3A_2881, %mul3A_2927 : vector<1x48x128xf32>
      %add3A_2929 = arith.addf %add3A_2871, %mul3A_2928 : vector<1x48x128xf32>
      %add3A_2930 = arith.constant 2 : i32
      %add3A_2931 = arith.addi %mul3A_907, %add3A_2930 : i32
      %add3A_2932 = arith.constant 0 : i32
      %add3A_2933 = arith.addi %add3A_2931, %add3A_2932 : i32
      %get3A_2934 = arith.constant 1 : index
      %get3A_2935 = arith.index_cast %add3A_2933 : i32 to index
      %get3A_2936 = arith.constant 0 : index
      %get3A_2937 = arith.constant 0 : index
      %get3A_2938 = vector.load %arg24[%get3A_2934, %get3A_2935, %get3A_2936, %get3A_2937] : memref<2x52x52x128xf32, #tpu.memory_space<vmem>>, vector<1x1x48x128xf32>
      %get3A_2939 = vector.shape_cast %get3A_2938 : vector<1x1x48x128xf32> to vector<1x48x128xf32>
      %get3A_2940 = arith.constant 0 : index
      %get3A_2941 = arith.constant 35 : index
      %get3A_2942 = memref.load %arg15[%get3A_2940, %get3A_2941] : memref<8x50xf32, #tpu.memory_space<smem>>
      %mul3A_2943 = vector.broadcast %get3A_2942 : f32 to vector<1x48x128xf32>
      %mul3A_2944 = arith.mulf %get3A_2939, %mul3A_2943 : vector<1x48x128xf32>
      %add3A_2945 = arith.addf %add3A_2887, %mul3A_2944 : vector<1x48x128xf32>
      %get3A_2946 = arith.constant 1 : index
      %get3A_2947 = arith.constant 35 : index
      %get3A_2948 = memref.load %arg15[%get3A_2946, %get3A_2947] : memref<8x50xf32, #tpu.memory_space<smem>>
      %mul3A_2949 = vector.broadcast %get3A_2948 : f32 to vector<1x48x128xf32>
      %mul3A_2950 = arith.mulf %get3A_2939, %mul3A_2949 : vector<1x48x128xf32>
      %add3A_2951 = arith.addf %add3A_2893, %mul3A_2950 : vector<1x48x128xf32>
      %get3A_2952 = arith.constant 2 : index
      %get3A_2953 = arith.constant 35 : index
      %get3A_2954 = memref.load %arg15[%get3A_2952, %get3A_2953] : memref<8x50xf32, #tpu.memory_space<smem>>
      %mul3A_2955 = vector.broadcast %get3A_2954 : f32 to vector<1x48x128xf32>
      %mul3A_2956 = arith.mulf %get3A_2939, %mul3A_2955 : vector<1x48x128xf32>
      %add3A_2957 = arith.addf %add3A_2899, %mul3A_2956 : vector<1x48x128xf32>
      %get3A_2958 = arith.constant 3 : index
      %get3A_2959 = arith.constant 35 : index
      %get3A_2960 = memref.load %arg15[%get3A_2958, %get3A_2959] : memref<8x50xf32, #tpu.memory_space<smem>>
      %mul3A_2961 = vector.broadcast %get3A_2960 : f32 to vector<1x48x128xf32>
      %mul3A_2962 = arith.mulf %get3A_2939, %mul3A_2961 : vector<1x48x128xf32>
      %add3A_2963 = arith.addf %add3A_2905, %mul3A_2962 : vector<1x48x128xf32>
      %get3A_2964 = arith.constant 4 : index
      %get3A_2965 = arith.constant 35 : index
      %get3A_2966 = memref.load %arg15[%get3A_2964, %get3A_2965] : memref<8x50xf32, #tpu.memory_space<smem>>
      %mul3A_2967 = vector.broadcast %get3A_2966 : f32 to vector<1x48x128xf32>
      %mul3A_2968 = arith.mulf %get3A_2939, %mul3A_2967 : vector<1x48x128xf32>
      %add3A_2969 = arith.addf %add3A_2911, %mul3A_2968 : vector<1x48x128xf32>
      %get3A_2970 = arith.constant 5 : index
      %get3A_2971 = arith.constant 35 : index
      %get3A_2972 = memref.load %arg15[%get3A_2970, %get3A_2971] : memref<8x50xf32, #tpu.memory_space<smem>>
      %mul3A_2973 = vector.broadcast %get3A_2972 : f32 to vector<1x48x128xf32>
      %mul3A_2974 = arith.mulf %get3A_2939, %mul3A_2973 : vector<1x48x128xf32>
      %add3A_2975 = arith.addf %add3A_2917, %mul3A_2974 : vector<1x48x128xf32>
      %get3A_2976 = arith.constant 6 : index
      %get3A_2977 = arith.constant 35 : index
      %get3A_2978 = memref.load %arg15[%get3A_2976, %get3A_2977] : memref<8x50xf32, #tpu.memory_space<smem>>
      %mul3A_2979 = vector.broadcast %get3A_2978 : f32 to vector<1x48x128xf32>
      %mul3A_2980 = arith.mulf %get3A_2939, %mul3A_2979 : vector<1x48x128xf32>
      %add3A_2981 = arith.addf %add3A_2923, %mul3A_2980 : vector<1x48x128xf32>
      %get3A_2982 = arith.constant 7 : index
      %get3A_2983 = arith.constant 35 : index
      %get3A_2984 = memref.load %arg15[%get3A_2982, %get3A_2983] : memref<8x50xf32, #tpu.memory_space<smem>>
      %mul3A_2985 = vector.broadcast %get3A_2984 : f32 to vector<1x48x128xf32>
      %mul3A_2986 = arith.mulf %get3A_2939, %mul3A_2985 : vector<1x48x128xf32>
      %add3A_2987 = arith.addf %add3A_2929, %mul3A_2986 : vector<1x48x128xf32>
      %add3A_2988 = arith.constant 2 : i32
      %add3A_2989 = arith.addi %mul3A_907, %add3A_2988 : i32
      %add3A_2990 = arith.constant 0 : i32
      %add3A_2991 = arith.addi %add3A_2989, %add3A_2990 : i32
      %get3A_2992 = arith.constant 1 : index
      %get3A_2993 = arith.index_cast %add3A_2991 : i32 to index
      %get3A_2994 = arith.constant 1 : index
      %get3A_2995 = arith.constant 0 : index
      %get3A_2996 = vector.load %arg24[%get3A_2992, %get3A_2993, %get3A_2994, %get3A_2995] : memref<2x52x52x128xf32, #tpu.memory_space<vmem>>, vector<1x1x48x128xf32>
      %get3A_2997 = vector.shape_cast %get3A_2996 : vector<1x1x48x128xf32> to vector<1x48x128xf32>
      %get3A_2998 = arith.constant 0 : index
      %get3A_2999 = arith.constant 36 : index
      %get3A_3000 = memref.load %arg15[%get3A_2998, %get3A_2999] : memref<8x50xf32, #tpu.memory_space<smem>>
      %mul3A_3001 = vector.broadcast %get3A_3000 : f32 to vector<1x48x128xf32>
      %mul3A_3002 = arith.mulf %get3A_2997, %mul3A_3001 : vector<1x48x128xf32>
      %add3A_3003 = arith.addf %add3A_2945, %mul3A_3002 : vector<1x48x128xf32>
      %get3A_3004 = arith.constant 1 : index
      %get3A_3005 = arith.constant 36 : index
      %get3A_3006 = memref.load %arg15[%get3A_3004, %get3A_3005] : memref<8x50xf32, #tpu.memory_space<smem>>
      %mul3A_3007 = vector.broadcast %get3A_3006 : f32 to vector<1x48x128xf32>
      %mul3A_3008 = arith.mulf %get3A_2997, %mul3A_3007 : vector<1x48x128xf32>
      %add3A_3009 = arith.addf %add3A_2951, %mul3A_3008 : vector<1x48x128xf32>
      %get3A_3010 = arith.constant 2 : index
      %get3A_3011 = arith.constant 36 : index
      %get3A_3012 = memref.load %arg15[%get3A_3010, %get3A_3011] : memref<8x50xf32, #tpu.memory_space<smem>>
      %mul3A_3013 = vector.broadcast %get3A_3012 : f32 to vector<1x48x128xf32>
      %mul3A_3014 = arith.mulf %get3A_2997, %mul3A_3013 : vector<1x48x128xf32>
      %add3A_3015 = arith.addf %add3A_2957, %mul3A_3014 : vector<1x48x128xf32>
      %get3A_3016 = arith.constant 3 : index
      %get3A_3017 = arith.constant 36 : index
      %get3A_3018 = memref.load %arg15[%get3A_3016, %get3A_3017] : memref<8x50xf32, #tpu.memory_space<smem>>
      %mul3A_3019 = vector.broadcast %get3A_3018 : f32 to vector<1x48x128xf32>
      %mul3A_3020 = arith.mulf %get3A_2997, %mul3A_3019 : vector<1x48x128xf32>
      %add3A_3021 = arith.addf %add3A_2963, %mul3A_3020 : vector<1x48x128xf32>
      %get3A_3022 = arith.constant 4 : index
      %get3A_3023 = arith.constant 36 : index
      %get3A_3024 = memref.load %arg15[%get3A_3022, %get3A_3023] : memref<8x50xf32, #tpu.memory_space<smem>>
      %mul3A_3025 = vector.broadcast %get3A_3024 : f32 to vector<1x48x128xf32>
      %mul3A_3026 = arith.mulf %get3A_2997, %mul3A_3025 : vector<1x48x128xf32>
      %add3A_3027 = arith.addf %add3A_2969, %mul3A_3026 : vector<1x48x128xf32>
      %get3A_3028 = arith.constant 5 : index
      %get3A_3029 = arith.constant 36 : index
      %get3A_3030 = memref.load %arg15[%get3A_3028, %get3A_3029] : memref<8x50xf32, #tpu.memory_space<smem>>
      %mul3A_3031 = vector.broadcast %get3A_3030 : f32 to vector<1x48x128xf32>
      %mul3A_3032 = arith.mulf %get3A_2997, %mul3A_3031 : vector<1x48x128xf32>
      %add3A_3033 = arith.addf %add3A_2975, %mul3A_3032 : vector<1x48x128xf32>
      %get3A_3034 = arith.constant 6 : index
      %get3A_3035 = arith.constant 36 : index
      %get3A_3036 = memref.load %arg15[%get3A_3034, %get3A_3035] : memref<8x50xf32, #tpu.memory_space<smem>>
      %mul3A_3037 = vector.broadcast %get3A_3036 : f32 to vector<1x48x128xf32>
      %mul3A_3038 = arith.mulf %get3A_2997, %mul3A_3037 : vector<1x48x128xf32>
      %add3A_3039 = arith.addf %add3A_2981, %mul3A_3038 : vector<1x48x128xf32>
      %get3A_3040 = arith.constant 7 : index
      %get3A_3041 = arith.constant 36 : index
      %get3A_3042 = memref.load %arg15[%get3A_3040, %get3A_3041] : memref<8x50xf32, #tpu.memory_space<smem>>
      %mul3A_3043 = vector.broadcast %get3A_3042 : f32 to vector<1x48x128xf32>
      %mul3A_3044 = arith.mulf %get3A_2997, %mul3A_3043 : vector<1x48x128xf32>
      %add3A_3045 = arith.addf %add3A_2987, %mul3A_3044 : vector<1x48x128xf32>
      %add3A_3046 = arith.constant 2 : i32
      %add3A_3047 = arith.addi %mul3A_907, %add3A_3046 : i32
      %add3A_3048 = arith.constant 0 : i32
      %add3A_3049 = arith.addi %add3A_3047, %add3A_3048 : i32
      %get3A_3050 = arith.constant 1 : index
      %get3A_3051 = arith.index_cast %add3A_3049 : i32 to index
      %get3A_3052 = arith.constant 2 : index
      %get3A_3053 = arith.constant 0 : index
      %get3A_3054 = vector.load %arg24[%get3A_3050, %get3A_3051, %get3A_3052, %get3A_3053] : memref<2x52x52x128xf32, #tpu.memory_space<vmem>>, vector<1x1x48x128xf32>
      %get3A_3055 = vector.shape_cast %get3A_3054 : vector<1x1x48x128xf32> to vector<1x48x128xf32>
      %get3A_3056 = arith.constant 0 : index
      %get3A_3057 = arith.constant 37 : index
      %get3A_3058 = memref.load %arg15[%get3A_3056, %get3A_3057] : memref<8x50xf32, #tpu.memory_space<smem>>
      %mul3A_3059 = vector.broadcast %get3A_3058 : f32 to vector<1x48x128xf32>
      %mul3A_3060 = arith.mulf %get3A_3055, %mul3A_3059 : vector<1x48x128xf32>
      %add3A_3061 = arith.addf %add3A_3003, %mul3A_3060 : vector<1x48x128xf32>
      %get3A_3062 = arith.constant 1 : index
      %get3A_3063 = arith.constant 37 : index
      %get3A_3064 = memref.load %arg15[%get3A_3062, %get3A_3063] : memref<8x50xf32, #tpu.memory_space<smem>>
      %mul3A_3065 = vector.broadcast %get3A_3064 : f32 to vector<1x48x128xf32>
      %mul3A_3066 = arith.mulf %get3A_3055, %mul3A_3065 : vector<1x48x128xf32>
      %add3A_3067 = arith.addf %add3A_3009, %mul3A_3066 : vector<1x48x128xf32>
      %get3A_3068 = arith.constant 2 : index
      %get3A_3069 = arith.constant 37 : index
      %get3A_3070 = memref.load %arg15[%get3A_3068, %get3A_3069] : memref<8x50xf32, #tpu.memory_space<smem>>
      %mul3A_3071 = vector.broadcast %get3A_3070 : f32 to vector<1x48x128xf32>
      %mul3A_3072 = arith.mulf %get3A_3055, %mul3A_3071 : vector<1x48x128xf32>
      %add3A_3073 = arith.addf %add3A_3015, %mul3A_3072 : vector<1x48x128xf32>
      %get3A_3074 = arith.constant 3 : index
      %get3A_3075 = arith.constant 37 : index
      %get3A_3076 = memref.load %arg15[%get3A_3074, %get3A_3075] : memref<8x50xf32, #tpu.memory_space<smem>>
      %mul3A_3077 = vector.broadcast %get3A_3076 : f32 to vector<1x48x128xf32>
      %mul3A_3078 = arith.mulf %get3A_3055, %mul3A_3077 : vector<1x48x128xf32>
      %add3A_3079 = arith.addf %add3A_3021, %mul3A_3078 : vector<1x48x128xf32>
      %get3A_3080 = arith.constant 4 : index
      %get3A_3081 = arith.constant 37 : index
      %get3A_3082 = memref.load %arg15[%get3A_3080, %get3A_3081] : memref<8x50xf32, #tpu.memory_space<smem>>
      %mul3A_3083 = vector.broadcast %get3A_3082 : f32 to vector<1x48x128xf32>
      %mul3A_3084 = arith.mulf %get3A_3055, %mul3A_3083 : vector<1x48x128xf32>
      %add3A_3085 = arith.addf %add3A_3027, %mul3A_3084 : vector<1x48x128xf32>
      %get3A_3086 = arith.constant 5 : index
      %get3A_3087 = arith.constant 37 : index
      %get3A_3088 = memref.load %arg15[%get3A_3086, %get3A_3087] : memref<8x50xf32, #tpu.memory_space<smem>>
      %mul3A_3089 = vector.broadcast %get3A_3088 : f32 to vector<1x48x128xf32>
      %mul3A_3090 = arith.mulf %get3A_3055, %mul3A_3089 : vector<1x48x128xf32>
      %add3A_3091 = arith.addf %add3A_3033, %mul3A_3090 : vector<1x48x128xf32>
      %get3A_3092 = arith.constant 6 : index
      %get3A_3093 = arith.constant 37 : index
      %get3A_3094 = memref.load %arg15[%get3A_3092, %get3A_3093] : memref<8x50xf32, #tpu.memory_space<smem>>
      %mul3A_3095 = vector.broadcast %get3A_3094 : f32 to vector<1x48x128xf32>
      %mul3A_3096 = arith.mulf %get3A_3055, %mul3A_3095 : vector<1x48x128xf32>
      %add3A_3097 = arith.addf %add3A_3039, %mul3A_3096 : vector<1x48x128xf32>
      %get3A_3098 = arith.constant 7 : index
      %get3A_3099 = arith.constant 37 : index
      %get3A_3100 = memref.load %arg15[%get3A_3098, %get3A_3099] : memref<8x50xf32, #tpu.memory_space<smem>>
      %mul3A_3101 = vector.broadcast %get3A_3100 : f32 to vector<1x48x128xf32>
      %mul3A_3102 = arith.mulf %get3A_3055, %mul3A_3101 : vector<1x48x128xf32>
      %add3A_3103 = arith.addf %add3A_3045, %mul3A_3102 : vector<1x48x128xf32>
      %add3A_3104 = arith.constant 2 : i32
      %add3A_3105 = arith.addi %mul3A_907, %add3A_3104 : i32
      %add3A_3106 = arith.constant 0 : i32
      %add3A_3107 = arith.addi %add3A_3105, %add3A_3106 : i32
      %get3A_3108 = arith.constant 1 : index
      %get3A_3109 = arith.index_cast %add3A_3107 : i32 to index
      %get3A_3110 = arith.constant 3 : index
      %get3A_3111 = arith.constant 0 : index
      %get3A_3112 = vector.load %arg24[%get3A_3108, %get3A_3109, %get3A_3110, %get3A_3111] : memref<2x52x52x128xf32, #tpu.memory_space<vmem>>, vector<1x1x48x128xf32>
      %get3A_3113 = vector.shape_cast %get3A_3112 : vector<1x1x48x128xf32> to vector<1x48x128xf32>
      %get3A_3114 = arith.constant 0 : index
      %get3A_3115 = arith.constant 38 : index
      %get3A_3116 = memref.load %arg15[%get3A_3114, %get3A_3115] : memref<8x50xf32, #tpu.memory_space<smem>>
      %mul3A_3117 = vector.broadcast %get3A_3116 : f32 to vector<1x48x128xf32>
      %mul3A_3118 = arith.mulf %get3A_3113, %mul3A_3117 : vector<1x48x128xf32>
      %add3A_3119 = arith.addf %add3A_3061, %mul3A_3118 : vector<1x48x128xf32>
      %get3A_3120 = arith.constant 1 : index
      %get3A_3121 = arith.constant 38 : index
      %get3A_3122 = memref.load %arg15[%get3A_3120, %get3A_3121] : memref<8x50xf32, #tpu.memory_space<smem>>
      %mul3A_3123 = vector.broadcast %get3A_3122 : f32 to vector<1x48x128xf32>
      %mul3A_3124 = arith.mulf %get3A_3113, %mul3A_3123 : vector<1x48x128xf32>
      %add3A_3125 = arith.addf %add3A_3067, %mul3A_3124 : vector<1x48x128xf32>
      %get3A_3126 = arith.constant 2 : index
      %get3A_3127 = arith.constant 38 : index
      %get3A_3128 = memref.load %arg15[%get3A_3126, %get3A_3127] : memref<8x50xf32, #tpu.memory_space<smem>>
      %mul3A_3129 = vector.broadcast %get3A_3128 : f32 to vector<1x48x128xf32>
      %mul3A_3130 = arith.mulf %get3A_3113, %mul3A_3129 : vector<1x48x128xf32>
      %add3A_3131 = arith.addf %add3A_3073, %mul3A_3130 : vector<1x48x128xf32>
      %get3A_3132 = arith.constant 3 : index
      %get3A_3133 = arith.constant 38 : index
      %get3A_3134 = memref.load %arg15[%get3A_3132, %get3A_3133] : memref<8x50xf32, #tpu.memory_space<smem>>
      %mul3A_3135 = vector.broadcast %get3A_3134 : f32 to vector<1x48x128xf32>
      %mul3A_3136 = arith.mulf %get3A_3113, %mul3A_3135 : vector<1x48x128xf32>
      %add3A_3137 = arith.addf %add3A_3079, %mul3A_3136 : vector<1x48x128xf32>
      %get3A_3138 = arith.constant 4 : index
      %get3A_3139 = arith.constant 38 : index
      %get3A_3140 = memref.load %arg15[%get3A_3138, %get3A_3139] : memref<8x50xf32, #tpu.memory_space<smem>>
      %mul3A_3141 = vector.broadcast %get3A_3140 : f32 to vector<1x48x128xf32>
      %mul3A_3142 = arith.mulf %get3A_3113, %mul3A_3141 : vector<1x48x128xf32>
      %add3A_3143 = arith.addf %add3A_3085, %mul3A_3142 : vector<1x48x128xf32>
      %get3A_3144 = arith.constant 5 : index
      %get3A_3145 = arith.constant 38 : index
      %get3A_3146 = memref.load %arg15[%get3A_3144, %get3A_3145] : memref<8x50xf32, #tpu.memory_space<smem>>
      %mul3A_3147 = vector.broadcast %get3A_3146 : f32 to vector<1x48x128xf32>
      %mul3A_3148 = arith.mulf %get3A_3113, %mul3A_3147 : vector<1x48x128xf32>
      %add3A_3149 = arith.addf %add3A_3091, %mul3A_3148 : vector<1x48x128xf32>
      %get3A_3150 = arith.constant 6 : index
      %get3A_3151 = arith.constant 38 : index
      %get3A_3152 = memref.load %arg15[%get3A_3150, %get3A_3151] : memref<8x50xf32, #tpu.memory_space<smem>>
      %mul3A_3153 = vector.broadcast %get3A_3152 : f32 to vector<1x48x128xf32>
      %mul3A_3154 = arith.mulf %get3A_3113, %mul3A_3153 : vector<1x48x128xf32>
      %add3A_3155 = arith.addf %add3A_3097, %mul3A_3154 : vector<1x48x128xf32>
      %get3A_3156 = arith.constant 7 : index
      %get3A_3157 = arith.constant 38 : index
      %get3A_3158 = memref.load %arg15[%get3A_3156, %get3A_3157] : memref<8x50xf32, #tpu.memory_space<smem>>
      %mul3A_3159 = vector.broadcast %get3A_3158 : f32 to vector<1x48x128xf32>
      %mul3A_3160 = arith.mulf %get3A_3113, %mul3A_3159 : vector<1x48x128xf32>
      %add3A_3161 = arith.addf %add3A_3103, %mul3A_3160 : vector<1x48x128xf32>
      %add3A_3162 = arith.constant 2 : i32
      %add3A_3163 = arith.addi %mul3A_907, %add3A_3162 : i32
      %add3A_3164 = arith.constant 0 : i32
      %add3A_3165 = arith.addi %add3A_3163, %add3A_3164 : i32
      %get3A_3166 = arith.constant 1 : index
      %get3A_3167 = arith.index_cast %add3A_3165 : i32 to index
      %get3A_3168 = arith.constant 4 : index
      %get3A_3169 = arith.constant 0 : index
      %get3A_3170 = vector.load %arg24[%get3A_3166, %get3A_3167, %get3A_3168, %get3A_3169] : memref<2x52x52x128xf32, #tpu.memory_space<vmem>>, vector<1x1x48x128xf32>
      %get3A_3171 = vector.shape_cast %get3A_3170 : vector<1x1x48x128xf32> to vector<1x48x128xf32>
      %get3A_3172 = arith.constant 0 : index
      %get3A_3173 = arith.constant 39 : index
      %get3A_3174 = memref.load %arg15[%get3A_3172, %get3A_3173] : memref<8x50xf32, #tpu.memory_space<smem>>
      %mul3A_3175 = vector.broadcast %get3A_3174 : f32 to vector<1x48x128xf32>
      %mul3A_3176 = arith.mulf %get3A_3171, %mul3A_3175 : vector<1x48x128xf32>
      %add3A_3177 = arith.addf %add3A_3119, %mul3A_3176 : vector<1x48x128xf32>
      %get3A_3178 = arith.constant 1 : index
      %get3A_3179 = arith.constant 39 : index
      %get3A_3180 = memref.load %arg15[%get3A_3178, %get3A_3179] : memref<8x50xf32, #tpu.memory_space<smem>>
      %mul3A_3181 = vector.broadcast %get3A_3180 : f32 to vector<1x48x128xf32>
      %mul3A_3182 = arith.mulf %get3A_3171, %mul3A_3181 : vector<1x48x128xf32>
      %add3A_3183 = arith.addf %add3A_3125, %mul3A_3182 : vector<1x48x128xf32>
      %get3A_3184 = arith.constant 2 : index
      %get3A_3185 = arith.constant 39 : index
      %get3A_3186 = memref.load %arg15[%get3A_3184, %get3A_3185] : memref<8x50xf32, #tpu.memory_space<smem>>
      %mul3A_3187 = vector.broadcast %get3A_3186 : f32 to vector<1x48x128xf32>
      %mul3A_3188 = arith.mulf %get3A_3171, %mul3A_3187 : vector<1x48x128xf32>
      %add3A_3189 = arith.addf %add3A_3131, %mul3A_3188 : vector<1x48x128xf32>
      %get3A_3190 = arith.constant 3 : index
      %get3A_3191 = arith.constant 39 : index
      %get3A_3192 = memref.load %arg15[%get3A_3190, %get3A_3191] : memref<8x50xf32, #tpu.memory_space<smem>>
      %mul3A_3193 = vector.broadcast %get3A_3192 : f32 to vector<1x48x128xf32>
      %mul3A_3194 = arith.mulf %get3A_3171, %mul3A_3193 : vector<1x48x128xf32>
      %add3A_3195 = arith.addf %add3A_3137, %mul3A_3194 : vector<1x48x128xf32>
      %get3A_3196 = arith.constant 4 : index
      %get3A_3197 = arith.constant 39 : index
      %get3A_3198 = memref.load %arg15[%get3A_3196, %get3A_3197] : memref<8x50xf32, #tpu.memory_space<smem>>
      %mul3A_3199 = vector.broadcast %get3A_3198 : f32 to vector<1x48x128xf32>
      %mul3A_3200 = arith.mulf %get3A_3171, %mul3A_3199 : vector<1x48x128xf32>
      %add3A_3201 = arith.addf %add3A_3143, %mul3A_3200 : vector<1x48x128xf32>
      %get3A_3202 = arith.constant 5 : index
      %get3A_3203 = arith.constant 39 : index
      %get3A_3204 = memref.load %arg15[%get3A_3202, %get3A_3203] : memref<8x50xf32, #tpu.memory_space<smem>>
      %mul3A_3205 = vector.broadcast %get3A_3204 : f32 to vector<1x48x128xf32>
      %mul3A_3206 = arith.mulf %get3A_3171, %mul3A_3205 : vector<1x48x128xf32>
      %add3A_3207 = arith.addf %add3A_3149, %mul3A_3206 : vector<1x48x128xf32>
      %get3A_3208 = arith.constant 6 : index
      %get3A_3209 = arith.constant 39 : index
      %get3A_3210 = memref.load %arg15[%get3A_3208, %get3A_3209] : memref<8x50xf32, #tpu.memory_space<smem>>
      %mul3A_3211 = vector.broadcast %get3A_3210 : f32 to vector<1x48x128xf32>
      %mul3A_3212 = arith.mulf %get3A_3171, %mul3A_3211 : vector<1x48x128xf32>
      %add3A_3213 = arith.addf %add3A_3155, %mul3A_3212 : vector<1x48x128xf32>
      %get3A_3214 = arith.constant 7 : index
      %get3A_3215 = arith.constant 39 : index
      %get3A_3216 = memref.load %arg15[%get3A_3214, %get3A_3215] : memref<8x50xf32, #tpu.memory_space<smem>>
      %mul3A_3217 = vector.broadcast %get3A_3216 : f32 to vector<1x48x128xf32>
      %mul3A_3218 = arith.mulf %get3A_3171, %mul3A_3217 : vector<1x48x128xf32>
      %add3A_3219 = arith.addf %add3A_3161, %mul3A_3218 : vector<1x48x128xf32>
      %add3A_3220 = arith.constant 2 : i32
      %add3A_3221 = arith.addi %mul3A_907, %add3A_3220 : i32
      %add3A_3222 = arith.constant 1 : i32
      %add3A_3223 = arith.addi %add3A_3221, %add3A_3222 : i32
      %get3A_3224 = arith.constant 1 : index
      %get3A_3225 = arith.index_cast %add3A_3223 : i32 to index
      %get3A_3226 = arith.constant 0 : index
      %get3A_3227 = arith.constant 0 : index
      %get3A_3228 = vector.load %arg24[%get3A_3224, %get3A_3225, %get3A_3226, %get3A_3227] : memref<2x52x52x128xf32, #tpu.memory_space<vmem>>, vector<1x1x48x128xf32>
      %get3A_3229 = vector.shape_cast %get3A_3228 : vector<1x1x48x128xf32> to vector<1x48x128xf32>
      %get3A_3230 = arith.constant 0 : index
      %get3A_3231 = arith.constant 40 : index
      %get3A_3232 = memref.load %arg15[%get3A_3230, %get3A_3231] : memref<8x50xf32, #tpu.memory_space<smem>>
      %mul3A_3233 = vector.broadcast %get3A_3232 : f32 to vector<1x48x128xf32>
      %mul3A_3234 = arith.mulf %get3A_3229, %mul3A_3233 : vector<1x48x128xf32>
      %add3A_3235 = arith.addf %add3A_3177, %mul3A_3234 : vector<1x48x128xf32>
      %get3A_3236 = arith.constant 1 : index
      %get3A_3237 = arith.constant 40 : index
      %get3A_3238 = memref.load %arg15[%get3A_3236, %get3A_3237] : memref<8x50xf32, #tpu.memory_space<smem>>
      %mul3A_3239 = vector.broadcast %get3A_3238 : f32 to vector<1x48x128xf32>
      %mul3A_3240 = arith.mulf %get3A_3229, %mul3A_3239 : vector<1x48x128xf32>
      %add3A_3241 = arith.addf %add3A_3183, %mul3A_3240 : vector<1x48x128xf32>
      %get3A_3242 = arith.constant 2 : index
      %get3A_3243 = arith.constant 40 : index
      %get3A_3244 = memref.load %arg15[%get3A_3242, %get3A_3243] : memref<8x50xf32, #tpu.memory_space<smem>>
      %mul3A_3245 = vector.broadcast %get3A_3244 : f32 to vector<1x48x128xf32>
      %mul3A_3246 = arith.mulf %get3A_3229, %mul3A_3245 : vector<1x48x128xf32>
      %add3A_3247 = arith.addf %add3A_3189, %mul3A_3246 : vector<1x48x128xf32>
      %get3A_3248 = arith.constant 3 : index
      %get3A_3249 = arith.constant 40 : index
      %get3A_3250 = memref.load %arg15[%get3A_3248, %get3A_3249] : memref<8x50xf32, #tpu.memory_space<smem>>
      %mul3A_3251 = vector.broadcast %get3A_3250 : f32 to vector<1x48x128xf32>
      %mul3A_3252 = arith.mulf %get3A_3229, %mul3A_3251 : vector<1x48x128xf32>
      %add3A_3253 = arith.addf %add3A_3195, %mul3A_3252 : vector<1x48x128xf32>
      %get3A_3254 = arith.constant 4 : index
      %get3A_3255 = arith.constant 40 : index
      %get3A_3256 = memref.load %arg15[%get3A_3254, %get3A_3255] : memref<8x50xf32, #tpu.memory_space<smem>>
      %mul3A_3257 = vector.broadcast %get3A_3256 : f32 to vector<1x48x128xf32>
      %mul3A_3258 = arith.mulf %get3A_3229, %mul3A_3257 : vector<1x48x128xf32>
      %add3A_3259 = arith.addf %add3A_3201, %mul3A_3258 : vector<1x48x128xf32>
      %get3A_3260 = arith.constant 5 : index
      %get3A_3261 = arith.constant 40 : index
      %get3A_3262 = memref.load %arg15[%get3A_3260, %get3A_3261] : memref<8x50xf32, #tpu.memory_space<smem>>
      %mul3A_3263 = vector.broadcast %get3A_3262 : f32 to vector<1x48x128xf32>
      %mul3A_3264 = arith.mulf %get3A_3229, %mul3A_3263 : vector<1x48x128xf32>
      %add3A_3265 = arith.addf %add3A_3207, %mul3A_3264 : vector<1x48x128xf32>
      %get3A_3266 = arith.constant 6 : index
      %get3A_3267 = arith.constant 40 : index
      %get3A_3268 = memref.load %arg15[%get3A_3266, %get3A_3267] : memref<8x50xf32, #tpu.memory_space<smem>>
      %mul3A_3269 = vector.broadcast %get3A_3268 : f32 to vector<1x48x128xf32>
      %mul3A_3270 = arith.mulf %get3A_3229, %mul3A_3269 : vector<1x48x128xf32>
      %add3A_3271 = arith.addf %add3A_3213, %mul3A_3270 : vector<1x48x128xf32>
      %get3A_3272 = arith.constant 7 : index
      %get3A_3273 = arith.constant 40 : index
      %get3A_3274 = memref.load %arg15[%get3A_3272, %get3A_3273] : memref<8x50xf32, #tpu.memory_space<smem>>
      %mul3A_3275 = vector.broadcast %get3A_3274 : f32 to vector<1x48x128xf32>
      %mul3A_3276 = arith.mulf %get3A_3229, %mul3A_3275 : vector<1x48x128xf32>
      %add3A_3277 = arith.addf %add3A_3219, %mul3A_3276 : vector<1x48x128xf32>
      %add3A_3278 = arith.constant 2 : i32
      %add3A_3279 = arith.addi %mul3A_907, %add3A_3278 : i32
      %add3A_3280 = arith.constant 1 : i32
      %add3A_3281 = arith.addi %add3A_3279, %add3A_3280 : i32
      %get3A_3282 = arith.constant 1 : index
      %get3A_3283 = arith.index_cast %add3A_3281 : i32 to index
      %get3A_3284 = arith.constant 1 : index
      %get3A_3285 = arith.constant 0 : index
      %get3A_3286 = vector.load %arg24[%get3A_3282, %get3A_3283, %get3A_3284, %get3A_3285] : memref<2x52x52x128xf32, #tpu.memory_space<vmem>>, vector<1x1x48x128xf32>
      %get3A_3287 = vector.shape_cast %get3A_3286 : vector<1x1x48x128xf32> to vector<1x48x128xf32>
      %get3A_3288 = arith.constant 0 : index
      %get3A_3289 = arith.constant 41 : index
      %get3A_3290 = memref.load %arg15[%get3A_3288, %get3A_3289] : memref<8x50xf32, #tpu.memory_space<smem>>
      %mul3A_3291 = vector.broadcast %get3A_3290 : f32 to vector<1x48x128xf32>
      %mul3A_3292 = arith.mulf %get3A_3287, %mul3A_3291 : vector<1x48x128xf32>
      %add3A_3293 = arith.addf %add3A_3235, %mul3A_3292 : vector<1x48x128xf32>
      %get3A_3294 = arith.constant 1 : index
      %get3A_3295 = arith.constant 41 : index
      %get3A_3296 = memref.load %arg15[%get3A_3294, %get3A_3295] : memref<8x50xf32, #tpu.memory_space<smem>>
      %mul3A_3297 = vector.broadcast %get3A_3296 : f32 to vector<1x48x128xf32>
      %mul3A_3298 = arith.mulf %get3A_3287, %mul3A_3297 : vector<1x48x128xf32>
      %add3A_3299 = arith.addf %add3A_3241, %mul3A_3298 : vector<1x48x128xf32>
      %get3A_3300 = arith.constant 2 : index
      %get3A_3301 = arith.constant 41 : index
      %get3A_3302 = memref.load %arg15[%get3A_3300, %get3A_3301] : memref<8x50xf32, #tpu.memory_space<smem>>
      %mul3A_3303 = vector.broadcast %get3A_3302 : f32 to vector<1x48x128xf32>
      %mul3A_3304 = arith.mulf %get3A_3287, %mul3A_3303 : vector<1x48x128xf32>
      %add3A_3305 = arith.addf %add3A_3247, %mul3A_3304 : vector<1x48x128xf32>
      %get3A_3306 = arith.constant 3 : index
      %get3A_3307 = arith.constant 41 : index
      %get3A_3308 = memref.load %arg15[%get3A_3306, %get3A_3307] : memref<8x50xf32, #tpu.memory_space<smem>>
      %mul3A_3309 = vector.broadcast %get3A_3308 : f32 to vector<1x48x128xf32>
      %mul3A_3310 = arith.mulf %get3A_3287, %mul3A_3309 : vector<1x48x128xf32>
      %add3A_3311 = arith.addf %add3A_3253, %mul3A_3310 : vector<1x48x128xf32>
      %get3A_3312 = arith.constant 4 : index
      %get3A_3313 = arith.constant 41 : index
      %get3A_3314 = memref.load %arg15[%get3A_3312, %get3A_3313] : memref<8x50xf32, #tpu.memory_space<smem>>
      %mul3A_3315 = vector.broadcast %get3A_3314 : f32 to vector<1x48x128xf32>
      %mul3A_3316 = arith.mulf %get3A_3287, %mul3A_3315 : vector<1x48x128xf32>
      %add3A_3317 = arith.addf %add3A_3259, %mul3A_3316 : vector<1x48x128xf32>
      %get3A_3318 = arith.constant 5 : index
      %get3A_3319 = arith.constant 41 : index
      %get3A_3320 = memref.load %arg15[%get3A_3318, %get3A_3319] : memref<8x50xf32, #tpu.memory_space<smem>>
      %mul3A_3321 = vector.broadcast %get3A_3320 : f32 to vector<1x48x128xf32>
      %mul3A_3322 = arith.mulf %get3A_3287, %mul3A_3321 : vector<1x48x128xf32>
      %add3A_3323 = arith.addf %add3A_3265, %mul3A_3322 : vector<1x48x128xf32>
      %get3A_3324 = arith.constant 6 : index
      %get3A_3325 = arith.constant 41 : index
      %get3A_3326 = memref.load %arg15[%get3A_3324, %get3A_3325] : memref<8x50xf32, #tpu.memory_space<smem>>
      %mul3A_3327 = vector.broadcast %get3A_3326 : f32 to vector<1x48x128xf32>
      %mul3A_3328 = arith.mulf %get3A_3287, %mul3A_3327 : vector<1x48x128xf32>
      %add3A_3329 = arith.addf %add3A_3271, %mul3A_3328 : vector<1x48x128xf32>
      %get3A_3330 = arith.constant 7 : index
      %get3A_3331 = arith.constant 41 : index
      %get3A_3332 = memref.load %arg15[%get3A_3330, %get3A_3331] : memref<8x50xf32, #tpu.memory_space<smem>>
      %mul3A_3333 = vector.broadcast %get3A_3332 : f32 to vector<1x48x128xf32>
      %mul3A_3334 = arith.mulf %get3A_3287, %mul3A_3333 : vector<1x48x128xf32>
      %add3A_3335 = arith.addf %add3A_3277, %mul3A_3334 : vector<1x48x128xf32>
      %add3A_3336 = arith.constant 2 : i32
      %add3A_3337 = arith.addi %mul3A_907, %add3A_3336 : i32
      %add3A_3338 = arith.constant 1 : i32
      %add3A_3339 = arith.addi %add3A_3337, %add3A_3338 : i32
      %get3A_3340 = arith.constant 1 : index
      %get3A_3341 = arith.index_cast %add3A_3339 : i32 to index
      %get3A_3342 = arith.constant 2 : index
      %get3A_3343 = arith.constant 0 : index
      %get3A_3344 = vector.load %arg24[%get3A_3340, %get3A_3341, %get3A_3342, %get3A_3343] : memref<2x52x52x128xf32, #tpu.memory_space<vmem>>, vector<1x1x48x128xf32>
      %get3A_3345 = vector.shape_cast %get3A_3344 : vector<1x1x48x128xf32> to vector<1x48x128xf32>
      %get3A_3346 = arith.constant 0 : index
      %get3A_3347 = arith.constant 42 : index
      %get3A_3348 = memref.load %arg15[%get3A_3346, %get3A_3347] : memref<8x50xf32, #tpu.memory_space<smem>>
      %mul3A_3349 = vector.broadcast %get3A_3348 : f32 to vector<1x48x128xf32>
      %mul3A_3350 = arith.mulf %get3A_3345, %mul3A_3349 : vector<1x48x128xf32>
      %add3A_3351 = arith.addf %add3A_3293, %mul3A_3350 : vector<1x48x128xf32>
      %get3A_3352 = arith.constant 1 : index
      %get3A_3353 = arith.constant 42 : index
      %get3A_3354 = memref.load %arg15[%get3A_3352, %get3A_3353] : memref<8x50xf32, #tpu.memory_space<smem>>
      %mul3A_3355 = vector.broadcast %get3A_3354 : f32 to vector<1x48x128xf32>
      %mul3A_3356 = arith.mulf %get3A_3345, %mul3A_3355 : vector<1x48x128xf32>
      %add3A_3357 = arith.addf %add3A_3299, %mul3A_3356 : vector<1x48x128xf32>
      %get3A_3358 = arith.constant 2 : index
      %get3A_3359 = arith.constant 42 : index
      %get3A_3360 = memref.load %arg15[%get3A_3358, %get3A_3359] : memref<8x50xf32, #tpu.memory_space<smem>>
      %mul3A_3361 = vector.broadcast %get3A_3360 : f32 to vector<1x48x128xf32>
      %mul3A_3362 = arith.mulf %get3A_3345, %mul3A_3361 : vector<1x48x128xf32>
      %add3A_3363 = arith.addf %add3A_3305, %mul3A_3362 : vector<1x48x128xf32>
      %get3A_3364 = arith.constant 3 : index
      %get3A_3365 = arith.constant 42 : index
      %get3A_3366 = memref.load %arg15[%get3A_3364, %get3A_3365] : memref<8x50xf32, #tpu.memory_space<smem>>
      %mul3A_3367 = vector.broadcast %get3A_3366 : f32 to vector<1x48x128xf32>
      %mul3A_3368 = arith.mulf %get3A_3345, %mul3A_3367 : vector<1x48x128xf32>
      %add3A_3369 = arith.addf %add3A_3311, %mul3A_3368 : vector<1x48x128xf32>
      %get3A_3370 = arith.constant 4 : index
      %get3A_3371 = arith.constant 42 : index
      %get3A_3372 = memref.load %arg15[%get3A_3370, %get3A_3371] : memref<8x50xf32, #tpu.memory_space<smem>>
      %mul3A_3373 = vector.broadcast %get3A_3372 : f32 to vector<1x48x128xf32>
      %mul3A_3374 = arith.mulf %get3A_3345, %mul3A_3373 : vector<1x48x128xf32>
      %add3A_3375 = arith.addf %add3A_3317, %mul3A_3374 : vector<1x48x128xf32>
      %get3A_3376 = arith.constant 5 : index
      %get3A_3377 = arith.constant 42 : index
      %get3A_3378 = memref.load %arg15[%get3A_3376, %get3A_3377] : memref<8x50xf32, #tpu.memory_space<smem>>
      %mul3A_3379 = vector.broadcast %get3A_3378 : f32 to vector<1x48x128xf32>
      %mul3A_3380 = arith.mulf %get3A_3345, %mul3A_3379 : vector<1x48x128xf32>
      %add3A_3381 = arith.addf %add3A_3323, %mul3A_3380 : vector<1x48x128xf32>
      %get3A_3382 = arith.constant 6 : index
      %get3A_3383 = arith.constant 42 : index
      %get3A_3384 = memref.load %arg15[%get3A_3382, %get3A_3383] : memref<8x50xf32, #tpu.memory_space<smem>>
      %mul3A_3385 = vector.broadcast %get3A_3384 : f32 to vector<1x48x128xf32>
      %mul3A_3386 = arith.mulf %get3A_3345, %mul3A_3385 : vector<1x48x128xf32>
      %add3A_3387 = arith.addf %add3A_3329, %mul3A_3386 : vector<1x48x128xf32>
      %get3A_3388 = arith.constant 7 : index
      %get3A_3389 = arith.constant 42 : index
      %get3A_3390 = memref.load %arg15[%get3A_3388, %get3A_3389] : memref<8x50xf32, #tpu.memory_space<smem>>
      %mul3A_3391 = vector.broadcast %get3A_3390 : f32 to vector<1x48x128xf32>
      %mul3A_3392 = arith.mulf %get3A_3345, %mul3A_3391 : vector<1x48x128xf32>
      %add3A_3393 = arith.addf %add3A_3335, %mul3A_3392 : vector<1x48x128xf32>
      %add3A_3394 = arith.constant 2 : i32
      %add3A_3395 = arith.addi %mul3A_907, %add3A_3394 : i32
      %add3A_3396 = arith.constant 1 : i32
      %add3A_3397 = arith.addi %add3A_3395, %add3A_3396 : i32
      %get3A_3398 = arith.constant 1 : index
      %get3A_3399 = arith.index_cast %add3A_3397 : i32 to index
      %get3A_3400 = arith.constant 3 : index
      %get3A_3401 = arith.constant 0 : index
      %get3A_3402 = vector.load %arg24[%get3A_3398, %get3A_3399, %get3A_3400, %get3A_3401] : memref<2x52x52x128xf32, #tpu.memory_space<vmem>>, vector<1x1x48x128xf32>
      %get3A_3403 = vector.shape_cast %get3A_3402 : vector<1x1x48x128xf32> to vector<1x48x128xf32>
      %get3A_3404 = arith.constant 0 : index
      %get3A_3405 = arith.constant 43 : index
      %get3A_3406 = memref.load %arg15[%get3A_3404, %get3A_3405] : memref<8x50xf32, #tpu.memory_space<smem>>
      %mul3A_3407 = vector.broadcast %get3A_3406 : f32 to vector<1x48x128xf32>
      %mul3A_3408 = arith.mulf %get3A_3403, %mul3A_3407 : vector<1x48x128xf32>
      %add3A_3409 = arith.addf %add3A_3351, %mul3A_3408 : vector<1x48x128xf32>
      %get3A_3410 = arith.constant 1 : index
      %get3A_3411 = arith.constant 43 : index
      %get3A_3412 = memref.load %arg15[%get3A_3410, %get3A_3411] : memref<8x50xf32, #tpu.memory_space<smem>>
      %mul3A_3413 = vector.broadcast %get3A_3412 : f32 to vector<1x48x128xf32>
      %mul3A_3414 = arith.mulf %get3A_3403, %mul3A_3413 : vector<1x48x128xf32>
      %add3A_3415 = arith.addf %add3A_3357, %mul3A_3414 : vector<1x48x128xf32>
      %get3A_3416 = arith.constant 2 : index
      %get3A_3417 = arith.constant 43 : index
      %get3A_3418 = memref.load %arg15[%get3A_3416, %get3A_3417] : memref<8x50xf32, #tpu.memory_space<smem>>
      %mul3A_3419 = vector.broadcast %get3A_3418 : f32 to vector<1x48x128xf32>
      %mul3A_3420 = arith.mulf %get3A_3403, %mul3A_3419 : vector<1x48x128xf32>
      %add3A_3421 = arith.addf %add3A_3363, %mul3A_3420 : vector<1x48x128xf32>
      %get3A_3422 = arith.constant 3 : index
      %get3A_3423 = arith.constant 43 : index
      %get3A_3424 = memref.load %arg15[%get3A_3422, %get3A_3423] : memref<8x50xf32, #tpu.memory_space<smem>>
      %mul3A_3425 = vector.broadcast %get3A_3424 : f32 to vector<1x48x128xf32>
      %mul3A_3426 = arith.mulf %get3A_3403, %mul3A_3425 : vector<1x48x128xf32>
      %add3A_3427 = arith.addf %add3A_3369, %mul3A_3426 : vector<1x48x128xf32>
      %get3A_3428 = arith.constant 4 : index
      %get3A_3429 = arith.constant 43 : index
      %get3A_3430 = memref.load %arg15[%get3A_3428, %get3A_3429] : memref<8x50xf32, #tpu.memory_space<smem>>
      %mul3A_3431 = vector.broadcast %get3A_3430 : f32 to vector<1x48x128xf32>
      %mul3A_3432 = arith.mulf %get3A_3403, %mul3A_3431 : vector<1x48x128xf32>
      %add3A_3433 = arith.addf %add3A_3375, %mul3A_3432 : vector<1x48x128xf32>
      %get3A_3434 = arith.constant 5 : index
      %get3A_3435 = arith.constant 43 : index
      %get3A_3436 = memref.load %arg15[%get3A_3434, %get3A_3435] : memref<8x50xf32, #tpu.memory_space<smem>>
      %mul3A_3437 = vector.broadcast %get3A_3436 : f32 to vector<1x48x128xf32>
      %mul3A_3438 = arith.mulf %get3A_3403, %mul3A_3437 : vector<1x48x128xf32>
      %add3A_3439 = arith.addf %add3A_3381, %mul3A_3438 : vector<1x48x128xf32>
      %get3A_3440 = arith.constant 6 : index
      %get3A_3441 = arith.constant 43 : index
      %get3A_3442 = memref.load %arg15[%get3A_3440, %get3A_3441] : memref<8x50xf32, #tpu.memory_space<smem>>
      %mul3A_3443 = vector.broadcast %get3A_3442 : f32 to vector<1x48x128xf32>
      %mul3A_3444 = arith.mulf %get3A_3403, %mul3A_3443 : vector<1x48x128xf32>
      %add3A_3445 = arith.addf %add3A_3387, %mul3A_3444 : vector<1x48x128xf32>
      %get3A_3446 = arith.constant 7 : index
      %get3A_3447 = arith.constant 43 : index
      %get3A_3448 = memref.load %arg15[%get3A_3446, %get3A_3447] : memref<8x50xf32, #tpu.memory_space<smem>>
      %mul3A_3449 = vector.broadcast %get3A_3448 : f32 to vector<1x48x128xf32>
      %mul3A_3450 = arith.mulf %get3A_3403, %mul3A_3449 : vector<1x48x128xf32>
      %add3A_3451 = arith.addf %add3A_3393, %mul3A_3450 : vector<1x48x128xf32>
      %add3A_3452 = arith.constant 2 : i32
      %add3A_3453 = arith.addi %mul3A_907, %add3A_3452 : i32
      %add3A_3454 = arith.constant 1 : i32
      %add3A_3455 = arith.addi %add3A_3453, %add3A_3454 : i32
      %get3A_3456 = arith.constant 1 : index
      %get3A_3457 = arith.index_cast %add3A_3455 : i32 to index
      %get3A_3458 = arith.constant 4 : index
      %get3A_3459 = arith.constant 0 : index
      %get3A_3460 = vector.load %arg24[%get3A_3456, %get3A_3457, %get3A_3458, %get3A_3459] : memref<2x52x52x128xf32, #tpu.memory_space<vmem>>, vector<1x1x48x128xf32>
      %get3A_3461 = vector.shape_cast %get3A_3460 : vector<1x1x48x128xf32> to vector<1x48x128xf32>
      %get3A_3462 = arith.constant 0 : index
      %get3A_3463 = arith.constant 44 : index
      %get3A_3464 = memref.load %arg15[%get3A_3462, %get3A_3463] : memref<8x50xf32, #tpu.memory_space<smem>>
      %mul3A_3465 = vector.broadcast %get3A_3464 : f32 to vector<1x48x128xf32>
      %mul3A_3466 = arith.mulf %get3A_3461, %mul3A_3465 : vector<1x48x128xf32>
      %add3A_3467 = arith.addf %add3A_3409, %mul3A_3466 : vector<1x48x128xf32>
      %get3A_3468 = arith.constant 1 : index
      %get3A_3469 = arith.constant 44 : index
      %get3A_3470 = memref.load %arg15[%get3A_3468, %get3A_3469] : memref<8x50xf32, #tpu.memory_space<smem>>
      %mul3A_3471 = vector.broadcast %get3A_3470 : f32 to vector<1x48x128xf32>
      %mul3A_3472 = arith.mulf %get3A_3461, %mul3A_3471 : vector<1x48x128xf32>
      %add3A_3473 = arith.addf %add3A_3415, %mul3A_3472 : vector<1x48x128xf32>
      %get3A_3474 = arith.constant 2 : index
      %get3A_3475 = arith.constant 44 : index
      %get3A_3476 = memref.load %arg15[%get3A_3474, %get3A_3475] : memref<8x50xf32, #tpu.memory_space<smem>>
      %mul3A_3477 = vector.broadcast %get3A_3476 : f32 to vector<1x48x128xf32>
      %mul3A_3478 = arith.mulf %get3A_3461, %mul3A_3477 : vector<1x48x128xf32>
      %add3A_3479 = arith.addf %add3A_3421, %mul3A_3478 : vector<1x48x128xf32>
      %get3A_3480 = arith.constant 3 : index
      %get3A_3481 = arith.constant 44 : index
      %get3A_3482 = memref.load %arg15[%get3A_3480, %get3A_3481] : memref<8x50xf32, #tpu.memory_space<smem>>
      %mul3A_3483 = vector.broadcast %get3A_3482 : f32 to vector<1x48x128xf32>
      %mul3A_3484 = arith.mulf %get3A_3461, %mul3A_3483 : vector<1x48x128xf32>
      %add3A_3485 = arith.addf %add3A_3427, %mul3A_3484 : vector<1x48x128xf32>
      %get3A_3486 = arith.constant 4 : index
      %get3A_3487 = arith.constant 44 : index
      %get3A_3488 = memref.load %arg15[%get3A_3486, %get3A_3487] : memref<8x50xf32, #tpu.memory_space<smem>>
      %mul3A_3489 = vector.broadcast %get3A_3488 : f32 to vector<1x48x128xf32>
      %mul3A_3490 = arith.mulf %get3A_3461, %mul3A_3489 : vector<1x48x128xf32>
      %add3A_3491 = arith.addf %add3A_3433, %mul3A_3490 : vector<1x48x128xf32>
      %get3A_3492 = arith.constant 5 : index
      %get3A_3493 = arith.constant 44 : index
      %get3A_3494 = memref.load %arg15[%get3A_3492, %get3A_3493] : memref<8x50xf32, #tpu.memory_space<smem>>
      %mul3A_3495 = vector.broadcast %get3A_3494 : f32 to vector<1x48x128xf32>
      %mul3A_3496 = arith.mulf %get3A_3461, %mul3A_3495 : vector<1x48x128xf32>
      %add3A_3497 = arith.addf %add3A_3439, %mul3A_3496 : vector<1x48x128xf32>
      %get3A_3498 = arith.constant 6 : index
      %get3A_3499 = arith.constant 44 : index
      %get3A_3500 = memref.load %arg15[%get3A_3498, %get3A_3499] : memref<8x50xf32, #tpu.memory_space<smem>>
      %mul3A_3501 = vector.broadcast %get3A_3500 : f32 to vector<1x48x128xf32>
      %mul3A_3502 = arith.mulf %get3A_3461, %mul3A_3501 : vector<1x48x128xf32>
      %add3A_3503 = arith.addf %add3A_3445, %mul3A_3502 : vector<1x48x128xf32>
      %get3A_3504 = arith.constant 7 : index
      %get3A_3505 = arith.constant 44 : index
      %get3A_3506 = memref.load %arg15[%get3A_3504, %get3A_3505] : memref<8x50xf32, #tpu.memory_space<smem>>
      %mul3A_3507 = vector.broadcast %get3A_3506 : f32 to vector<1x48x128xf32>
      %mul3A_3508 = arith.mulf %get3A_3461, %mul3A_3507 : vector<1x48x128xf32>
      %add3A_3509 = arith.addf %add3A_3451, %mul3A_3508 : vector<1x48x128xf32>
      %add3A_3510 = arith.constant 2 : i32
      %add3A_3511 = arith.addi %mul3A_907, %add3A_3510 : i32
      %add3A_3512 = arith.constant 2 : i32
      %add3A_3513 = arith.addi %add3A_3511, %add3A_3512 : i32
      %get3A_3514 = arith.constant 1 : index
      %get3A_3515 = arith.index_cast %add3A_3513 : i32 to index
      %get3A_3516 = arith.constant 0 : index
      %get3A_3517 = arith.constant 0 : index
      %get3A_3518 = vector.load %arg24[%get3A_3514, %get3A_3515, %get3A_3516, %get3A_3517] : memref<2x52x52x128xf32, #tpu.memory_space<vmem>>, vector<1x1x48x128xf32>
      %get3A_3519 = vector.shape_cast %get3A_3518 : vector<1x1x48x128xf32> to vector<1x48x128xf32>
      %get3A_3520 = arith.constant 0 : index
      %get3A_3521 = arith.constant 45 : index
      %get3A_3522 = memref.load %arg15[%get3A_3520, %get3A_3521] : memref<8x50xf32, #tpu.memory_space<smem>>
      %mul3A_3523 = vector.broadcast %get3A_3522 : f32 to vector<1x48x128xf32>
      %mul3A_3524 = arith.mulf %get3A_3519, %mul3A_3523 : vector<1x48x128xf32>
      %add3A_3525 = arith.addf %add3A_3467, %mul3A_3524 : vector<1x48x128xf32>
      %get3A_3526 = arith.constant 1 : index
      %get3A_3527 = arith.constant 45 : index
      %get3A_3528 = memref.load %arg15[%get3A_3526, %get3A_3527] : memref<8x50xf32, #tpu.memory_space<smem>>
      %mul3A_3529 = vector.broadcast %get3A_3528 : f32 to vector<1x48x128xf32>
      %mul3A_3530 = arith.mulf %get3A_3519, %mul3A_3529 : vector<1x48x128xf32>
      %add3A_3531 = arith.addf %add3A_3473, %mul3A_3530 : vector<1x48x128xf32>
      %get3A_3532 = arith.constant 2 : index
      %get3A_3533 = arith.constant 45 : index
      %get3A_3534 = memref.load %arg15[%get3A_3532, %get3A_3533] : memref<8x50xf32, #tpu.memory_space<smem>>
      %mul3A_3535 = vector.broadcast %get3A_3534 : f32 to vector<1x48x128xf32>
      %mul3A_3536 = arith.mulf %get3A_3519, %mul3A_3535 : vector<1x48x128xf32>
      %add3A_3537 = arith.addf %add3A_3479, %mul3A_3536 : vector<1x48x128xf32>
      %get3A_3538 = arith.constant 3 : index
      %get3A_3539 = arith.constant 45 : index
      %get3A_3540 = memref.load %arg15[%get3A_3538, %get3A_3539] : memref<8x50xf32, #tpu.memory_space<smem>>
      %mul3A_3541 = vector.broadcast %get3A_3540 : f32 to vector<1x48x128xf32>
      %mul3A_3542 = arith.mulf %get3A_3519, %mul3A_3541 : vector<1x48x128xf32>
      %add3A_3543 = arith.addf %add3A_3485, %mul3A_3542 : vector<1x48x128xf32>
      %get3A_3544 = arith.constant 4 : index
      %get3A_3545 = arith.constant 45 : index
      %get3A_3546 = memref.load %arg15[%get3A_3544, %get3A_3545] : memref<8x50xf32, #tpu.memory_space<smem>>
      %mul3A_3547 = vector.broadcast %get3A_3546 : f32 to vector<1x48x128xf32>
      %mul3A_3548 = arith.mulf %get3A_3519, %mul3A_3547 : vector<1x48x128xf32>
      %add3A_3549 = arith.addf %add3A_3491, %mul3A_3548 : vector<1x48x128xf32>
      %get3A_3550 = arith.constant 5 : index
      %get3A_3551 = arith.constant 45 : index
      %get3A_3552 = memref.load %arg15[%get3A_3550, %get3A_3551] : memref<8x50xf32, #tpu.memory_space<smem>>
      %mul3A_3553 = vector.broadcast %get3A_3552 : f32 to vector<1x48x128xf32>
      %mul3A_3554 = arith.mulf %get3A_3519, %mul3A_3553 : vector<1x48x128xf32>
      %add3A_3555 = arith.addf %add3A_3497, %mul3A_3554 : vector<1x48x128xf32>
      %get3A_3556 = arith.constant 6 : index
      %get3A_3557 = arith.constant 45 : index
      %get3A_3558 = memref.load %arg15[%get3A_3556, %get3A_3557] : memref<8x50xf32, #tpu.memory_space<smem>>
      %mul3A_3559 = vector.broadcast %get3A_3558 : f32 to vector<1x48x128xf32>
      %mul3A_3560 = arith.mulf %get3A_3519, %mul3A_3559 : vector<1x48x128xf32>
      %add3A_3561 = arith.addf %add3A_3503, %mul3A_3560 : vector<1x48x128xf32>
      %get3A_3562 = arith.constant 7 : index
      %get3A_3563 = arith.constant 45 : index
      %get3A_3564 = memref.load %arg15[%get3A_3562, %get3A_3563] : memref<8x50xf32, #tpu.memory_space<smem>>
      %mul3A_3565 = vector.broadcast %get3A_3564 : f32 to vector<1x48x128xf32>
      %mul3A_3566 = arith.mulf %get3A_3519, %mul3A_3565 : vector<1x48x128xf32>
      %add3A_3567 = arith.addf %add3A_3509, %mul3A_3566 : vector<1x48x128xf32>
      %add3A_3568 = arith.constant 2 : i32
      %add3A_3569 = arith.addi %mul3A_907, %add3A_3568 : i32
      %add3A_3570 = arith.constant 2 : i32
      %add3A_3571 = arith.addi %add3A_3569, %add3A_3570 : i32
      %get3A_3572 = arith.constant 1 : index
      %get3A_3573 = arith.index_cast %add3A_3571 : i32 to index
      %get3A_3574 = arith.constant 1 : index
      %get3A_3575 = arith.constant 0 : index
      %get3A_3576 = vector.load %arg24[%get3A_3572, %get3A_3573, %get3A_3574, %get3A_3575] : memref<2x52x52x128xf32, #tpu.memory_space<vmem>>, vector<1x1x48x128xf32>
      %get3A_3577 = vector.shape_cast %get3A_3576 : vector<1x1x48x128xf32> to vector<1x48x128xf32>
      %get3A_3578 = arith.constant 0 : index
      %get3A_3579 = arith.constant 46 : index
      %get3A_3580 = memref.load %arg15[%get3A_3578, %get3A_3579] : memref<8x50xf32, #tpu.memory_space<smem>>
      %mul3A_3581 = vector.broadcast %get3A_3580 : f32 to vector<1x48x128xf32>
      %mul3A_3582 = arith.mulf %get3A_3577, %mul3A_3581 : vector<1x48x128xf32>
      %add3A_3583 = arith.addf %add3A_3525, %mul3A_3582 : vector<1x48x128xf32>
      %get3A_3584 = arith.constant 1 : index
      %get3A_3585 = arith.constant 46 : index
      %get3A_3586 = memref.load %arg15[%get3A_3584, %get3A_3585] : memref<8x50xf32, #tpu.memory_space<smem>>
      %mul3A_3587 = vector.broadcast %get3A_3586 : f32 to vector<1x48x128xf32>
      %mul3A_3588 = arith.mulf %get3A_3577, %mul3A_3587 : vector<1x48x128xf32>
      %add3A_3589 = arith.addf %add3A_3531, %mul3A_3588 : vector<1x48x128xf32>
      %get3A_3590 = arith.constant 2 : index
      %get3A_3591 = arith.constant 46 : index
      %get3A_3592 = memref.load %arg15[%get3A_3590, %get3A_3591] : memref<8x50xf32, #tpu.memory_space<smem>>
      %mul3A_3593 = vector.broadcast %get3A_3592 : f32 to vector<1x48x128xf32>
      %mul3A_3594 = arith.mulf %get3A_3577, %mul3A_3593 : vector<1x48x128xf32>
      %add3A_3595 = arith.addf %add3A_3537, %mul3A_3594 : vector<1x48x128xf32>
      %get3A_3596 = arith.constant 3 : index
      %get3A_3597 = arith.constant 46 : index
      %get3A_3598 = memref.load %arg15[%get3A_3596, %get3A_3597] : memref<8x50xf32, #tpu.memory_space<smem>>
      %mul3A_3599 = vector.broadcast %get3A_3598 : f32 to vector<1x48x128xf32>
      %mul3A_3600 = arith.mulf %get3A_3577, %mul3A_3599 : vector<1x48x128xf32>
      %add3A_3601 = arith.addf %add3A_3543, %mul3A_3600 : vector<1x48x128xf32>
      %get3A_3602 = arith.constant 4 : index
      %get3A_3603 = arith.constant 46 : index
      %get3A_3604 = memref.load %arg15[%get3A_3602, %get3A_3603] : memref<8x50xf32, #tpu.memory_space<smem>>
      %mul3A_3605 = vector.broadcast %get3A_3604 : f32 to vector<1x48x128xf32>
      %mul3A_3606 = arith.mulf %get3A_3577, %mul3A_3605 : vector<1x48x128xf32>
      %add3A_3607 = arith.addf %add3A_3549, %mul3A_3606 : vector<1x48x128xf32>
      %get3A_3608 = arith.constant 5 : index
      %get3A_3609 = arith.constant 46 : index
      %get3A_3610 = memref.load %arg15[%get3A_3608, %get3A_3609] : memref<8x50xf32, #tpu.memory_space<smem>>
      %mul3A_3611 = vector.broadcast %get3A_3610 : f32 to vector<1x48x128xf32>
      %mul3A_3612 = arith.mulf %get3A_3577, %mul3A_3611 : vector<1x48x128xf32>
      %add3A_3613 = arith.addf %add3A_3555, %mul3A_3612 : vector<1x48x128xf32>
      %get3A_3614 = arith.constant 6 : index
      %get3A_3615 = arith.constant 46 : index
      %get3A_3616 = memref.load %arg15[%get3A_3614, %get3A_3615] : memref<8x50xf32, #tpu.memory_space<smem>>
      %mul3A_3617 = vector.broadcast %get3A_3616 : f32 to vector<1x48x128xf32>
      %mul3A_3618 = arith.mulf %get3A_3577, %mul3A_3617 : vector<1x48x128xf32>
      %add3A_3619 = arith.addf %add3A_3561, %mul3A_3618 : vector<1x48x128xf32>
      %get3A_3620 = arith.constant 7 : index
      %get3A_3621 = arith.constant 46 : index
      %get3A_3622 = memref.load %arg15[%get3A_3620, %get3A_3621] : memref<8x50xf32, #tpu.memory_space<smem>>
      %mul3A_3623 = vector.broadcast %get3A_3622 : f32 to vector<1x48x128xf32>
      %mul3A_3624 = arith.mulf %get3A_3577, %mul3A_3623 : vector<1x48x128xf32>
      %add3A_3625 = arith.addf %add3A_3567, %mul3A_3624 : vector<1x48x128xf32>
      %add3A_3626 = arith.constant 2 : i32
      %add3A_3627 = arith.addi %mul3A_907, %add3A_3626 : i32
      %add3A_3628 = arith.constant 2 : i32
      %add3A_3629 = arith.addi %add3A_3627, %add3A_3628 : i32
      %get3A_3630 = arith.constant 1 : index
      %get3A_3631 = arith.index_cast %add3A_3629 : i32 to index
      %get3A_3632 = arith.constant 2 : index
      %get3A_3633 = arith.constant 0 : index
      %get3A_3634 = vector.load %arg24[%get3A_3630, %get3A_3631, %get3A_3632, %get3A_3633] : memref<2x52x52x128xf32, #tpu.memory_space<vmem>>, vector<1x1x48x128xf32>
      %get3A_3635 = vector.shape_cast %get3A_3634 : vector<1x1x48x128xf32> to vector<1x48x128xf32>
      %get3A_3636 = arith.constant 0 : index
      %get3A_3637 = arith.constant 47 : index
      %get3A_3638 = memref.load %arg15[%get3A_3636, %get3A_3637] : memref<8x50xf32, #tpu.memory_space<smem>>
      %mul3A_3639 = vector.broadcast %get3A_3638 : f32 to vector<1x48x128xf32>
      %mul3A_3640 = arith.mulf %get3A_3635, %mul3A_3639 : vector<1x48x128xf32>
      %add3A_3641 = arith.addf %add3A_3583, %mul3A_3640 : vector<1x48x128xf32>
      %get3A_3642 = arith.constant 1 : index
      %get3A_3643 = arith.constant 47 : index
      %get3A_3644 = memref.load %arg15[%get3A_3642, %get3A_3643] : memref<8x50xf32, #tpu.memory_space<smem>>
      %mul3A_3645 = vector.broadcast %get3A_3644 : f32 to vector<1x48x128xf32>
      %mul3A_3646 = arith.mulf %get3A_3635, %mul3A_3645 : vector<1x48x128xf32>
      %add3A_3647 = arith.addf %add3A_3589, %mul3A_3646 : vector<1x48x128xf32>
      %get3A_3648 = arith.constant 2 : index
      %get3A_3649 = arith.constant 47 : index
      %get3A_3650 = memref.load %arg15[%get3A_3648, %get3A_3649] : memref<8x50xf32, #tpu.memory_space<smem>>
      %mul3A_3651 = vector.broadcast %get3A_3650 : f32 to vector<1x48x128xf32>
      %mul3A_3652 = arith.mulf %get3A_3635, %mul3A_3651 : vector<1x48x128xf32>
      %add3A_3653 = arith.addf %add3A_3595, %mul3A_3652 : vector<1x48x128xf32>
      %get3A_3654 = arith.constant 3 : index
      %get3A_3655 = arith.constant 47 : index
      %get3A_3656 = memref.load %arg15[%get3A_3654, %get3A_3655] : memref<8x50xf32, #tpu.memory_space<smem>>
      %mul3A_3657 = vector.broadcast %get3A_3656 : f32 to vector<1x48x128xf32>
      %mul3A_3658 = arith.mulf %get3A_3635, %mul3A_3657 : vector<1x48x128xf32>
      %add3A_3659 = arith.addf %add3A_3601, %mul3A_3658 : vector<1x48x128xf32>
      %get3A_3660 = arith.constant 4 : index
      %get3A_3661 = arith.constant 47 : index
      %get3A_3662 = memref.load %arg15[%get3A_3660, %get3A_3661] : memref<8x50xf32, #tpu.memory_space<smem>>
      %mul3A_3663 = vector.broadcast %get3A_3662 : f32 to vector<1x48x128xf32>
      %mul3A_3664 = arith.mulf %get3A_3635, %mul3A_3663 : vector<1x48x128xf32>
      %add3A_3665 = arith.addf %add3A_3607, %mul3A_3664 : vector<1x48x128xf32>
      %get3A_3666 = arith.constant 5 : index
      %get3A_3667 = arith.constant 47 : index
      %get3A_3668 = memref.load %arg15[%get3A_3666, %get3A_3667] : memref<8x50xf32, #tpu.memory_space<smem>>
      %mul3A_3669 = vector.broadcast %get3A_3668 : f32 to vector<1x48x128xf32>
      %mul3A_3670 = arith.mulf %get3A_3635, %mul3A_3669 : vector<1x48x128xf32>
      %add3A_3671 = arith.addf %add3A_3613, %mul3A_3670 : vector<1x48x128xf32>
      %get3A_3672 = arith.constant 6 : index
      %get3A_3673 = arith.constant 47 : index
      %get3A_3674 = memref.load %arg15[%get3A_3672, %get3A_3673] : memref<8x50xf32, #tpu.memory_space<smem>>
      %mul3A_3675 = vector.broadcast %get3A_3674 : f32 to vector<1x48x128xf32>
      %mul3A_3676 = arith.mulf %get3A_3635, %mul3A_3675 : vector<1x48x128xf32>
      %add3A_3677 = arith.addf %add3A_3619, %mul3A_3676 : vector<1x48x128xf32>
      %get3A_3678 = arith.constant 7 : index
      %get3A_3679 = arith.constant 47 : index
      %get3A_3680 = memref.load %arg15[%get3A_3678, %get3A_3679] : memref<8x50xf32, #tpu.memory_space<smem>>
      %mul3A_3681 = vector.broadcast %get3A_3680 : f32 to vector<1x48x128xf32>
      %mul3A_3682 = arith.mulf %get3A_3635, %mul3A_3681 : vector<1x48x128xf32>
      %add3A_3683 = arith.addf %add3A_3625, %mul3A_3682 : vector<1x48x128xf32>
      %add3A_3684 = arith.constant 2 : i32
      %add3A_3685 = arith.addi %mul3A_907, %add3A_3684 : i32
      %add3A_3686 = arith.constant 2 : i32
      %add3A_3687 = arith.addi %add3A_3685, %add3A_3686 : i32
      %get3A_3688 = arith.constant 1 : index
      %get3A_3689 = arith.index_cast %add3A_3687 : i32 to index
      %get3A_3690 = arith.constant 3 : index
      %get3A_3691 = arith.constant 0 : index
      %get3A_3692 = vector.load %arg24[%get3A_3688, %get3A_3689, %get3A_3690, %get3A_3691] : memref<2x52x52x128xf32, #tpu.memory_space<vmem>>, vector<1x1x48x128xf32>
      %get3A_3693 = vector.shape_cast %get3A_3692 : vector<1x1x48x128xf32> to vector<1x48x128xf32>
      %get3A_3694 = arith.constant 0 : index
      %get3A_3695 = arith.constant 48 : index
      %get3A_3696 = memref.load %arg15[%get3A_3694, %get3A_3695] : memref<8x50xf32, #tpu.memory_space<smem>>
      %mul3A_3697 = vector.broadcast %get3A_3696 : f32 to vector<1x48x128xf32>
      %mul3A_3698 = arith.mulf %get3A_3693, %mul3A_3697 : vector<1x48x128xf32>
      %add3A_3699 = arith.addf %add3A_3641, %mul3A_3698 : vector<1x48x128xf32>
      %get3A_3700 = arith.constant 1 : index
      %get3A_3701 = arith.constant 48 : index
      %get3A_3702 = memref.load %arg15[%get3A_3700, %get3A_3701] : memref<8x50xf32, #tpu.memory_space<smem>>
      %mul3A_3703 = vector.broadcast %get3A_3702 : f32 to vector<1x48x128xf32>
      %mul3A_3704 = arith.mulf %get3A_3693, %mul3A_3703 : vector<1x48x128xf32>
      %add3A_3705 = arith.addf %add3A_3647, %mul3A_3704 : vector<1x48x128xf32>
      %get3A_3706 = arith.constant 2 : index
      %get3A_3707 = arith.constant 48 : index
      %get3A_3708 = memref.load %arg15[%get3A_3706, %get3A_3707] : memref<8x50xf32, #tpu.memory_space<smem>>
      %mul3A_3709 = vector.broadcast %get3A_3708 : f32 to vector<1x48x128xf32>
      %mul3A_3710 = arith.mulf %get3A_3693, %mul3A_3709 : vector<1x48x128xf32>
      %add3A_3711 = arith.addf %add3A_3653, %mul3A_3710 : vector<1x48x128xf32>
      %get3A_3712 = arith.constant 3 : index
      %get3A_3713 = arith.constant 48 : index
      %get3A_3714 = memref.load %arg15[%get3A_3712, %get3A_3713] : memref<8x50xf32, #tpu.memory_space<smem>>
      %mul3A_3715 = vector.broadcast %get3A_3714 : f32 to vector<1x48x128xf32>
      %mul3A_3716 = arith.mulf %get3A_3693, %mul3A_3715 : vector<1x48x128xf32>
      %add3A_3717 = arith.addf %add3A_3659, %mul3A_3716 : vector<1x48x128xf32>
      %get3A_3718 = arith.constant 4 : index
      %get3A_3719 = arith.constant 48 : index
      %get3A_3720 = memref.load %arg15[%get3A_3718, %get3A_3719] : memref<8x50xf32, #tpu.memory_space<smem>>
      %mul3A_3721 = vector.broadcast %get3A_3720 : f32 to vector<1x48x128xf32>
      %mul3A_3722 = arith.mulf %get3A_3693, %mul3A_3721 : vector<1x48x128xf32>
      %add3A_3723 = arith.addf %add3A_3665, %mul3A_3722 : vector<1x48x128xf32>
      %get3A_3724 = arith.constant 5 : index
      %get3A_3725 = arith.constant 48 : index
      %get3A_3726 = memref.load %arg15[%get3A_3724, %get3A_3725] : memref<8x50xf32, #tpu.memory_space<smem>>
      %mul3A_3727 = vector.broadcast %get3A_3726 : f32 to vector<1x48x128xf32>
      %mul3A_3728 = arith.mulf %get3A_3693, %mul3A_3727 : vector<1x48x128xf32>
      %add3A_3729 = arith.addf %add3A_3671, %mul3A_3728 : vector<1x48x128xf32>
      %get3A_3730 = arith.constant 6 : index
      %get3A_3731 = arith.constant 48 : index
      %get3A_3732 = memref.load %arg15[%get3A_3730, %get3A_3731] : memref<8x50xf32, #tpu.memory_space<smem>>
      %mul3A_3733 = vector.broadcast %get3A_3732 : f32 to vector<1x48x128xf32>
      %mul3A_3734 = arith.mulf %get3A_3693, %mul3A_3733 : vector<1x48x128xf32>
      %add3A_3735 = arith.addf %add3A_3677, %mul3A_3734 : vector<1x48x128xf32>
      %get3A_3736 = arith.constant 7 : index
      %get3A_3737 = arith.constant 48 : index
      %get3A_3738 = memref.load %arg15[%get3A_3736, %get3A_3737] : memref<8x50xf32, #tpu.memory_space<smem>>
      %mul3A_3739 = vector.broadcast %get3A_3738 : f32 to vector<1x48x128xf32>
      %mul3A_3740 = arith.mulf %get3A_3693, %mul3A_3739 : vector<1x48x128xf32>
      %add3A_3741 = arith.addf %add3A_3683, %mul3A_3740 : vector<1x48x128xf32>
      %add3A_3742 = arith.constant 2 : i32
      %add3A_3743 = arith.addi %mul3A_907, %add3A_3742 : i32
      %add3A_3744 = arith.constant 2 : i32
      %add3A_3745 = arith.addi %add3A_3743, %add3A_3744 : i32
      %get3A_3746 = arith.constant 1 : index
      %get3A_3747 = arith.index_cast %add3A_3745 : i32 to index
      %get3A_3748 = arith.constant 4 : index
      %get3A_3749 = arith.constant 0 : index
      %get3A_3750 = vector.load %arg24[%get3A_3746, %get3A_3747, %get3A_3748, %get3A_3749] : memref<2x52x52x128xf32, #tpu.memory_space<vmem>>, vector<1x1x48x128xf32>
      %get3A_3751 = vector.shape_cast %get3A_3750 : vector<1x1x48x128xf32> to vector<1x48x128xf32>
      %get3A_3752 = arith.constant 0 : index
      %get3A_3753 = arith.constant 49 : index
      %get3A_3754 = memref.load %arg15[%get3A_3752, %get3A_3753] : memref<8x50xf32, #tpu.memory_space<smem>>
      %mul3A_3755 = vector.broadcast %get3A_3754 : f32 to vector<1x48x128xf32>
      %mul3A_3756 = arith.mulf %get3A_3751, %mul3A_3755 : vector<1x48x128xf32>
      %add3A_3757 = arith.addf %add3A_3699, %mul3A_3756 : vector<1x48x128xf32>
      %get3A_3758 = arith.constant 1 : index
      %get3A_3759 = arith.constant 49 : index
      %get3A_3760 = memref.load %arg15[%get3A_3758, %get3A_3759] : memref<8x50xf32, #tpu.memory_space<smem>>
      %mul3A_3761 = vector.broadcast %get3A_3760 : f32 to vector<1x48x128xf32>
      %mul3A_3762 = arith.mulf %get3A_3751, %mul3A_3761 : vector<1x48x128xf32>
      %add3A_3763 = arith.addf %add3A_3705, %mul3A_3762 : vector<1x48x128xf32>
      %get3A_3764 = arith.constant 2 : index
      %get3A_3765 = arith.constant 49 : index
      %get3A_3766 = memref.load %arg15[%get3A_3764, %get3A_3765] : memref<8x50xf32, #tpu.memory_space<smem>>
      %mul3A_3767 = vector.broadcast %get3A_3766 : f32 to vector<1x48x128xf32>
      %mul3A_3768 = arith.mulf %get3A_3751, %mul3A_3767 : vector<1x48x128xf32>
      %add3A_3769 = arith.addf %add3A_3711, %mul3A_3768 : vector<1x48x128xf32>
      %get3A_3770 = arith.constant 3 : index
      %get3A_3771 = arith.constant 49 : index
      %get3A_3772 = memref.load %arg15[%get3A_3770, %get3A_3771] : memref<8x50xf32, #tpu.memory_space<smem>>
      %mul3A_3773 = vector.broadcast %get3A_3772 : f32 to vector<1x48x128xf32>
      %mul3A_3774 = arith.mulf %get3A_3751, %mul3A_3773 : vector<1x48x128xf32>
      %add3A_3775 = arith.addf %add3A_3717, %mul3A_3774 : vector<1x48x128xf32>
      %get3A_3776 = arith.constant 4 : index
      %get3A_3777 = arith.constant 49 : index
      %get3A_3778 = memref.load %arg15[%get3A_3776, %get3A_3777] : memref<8x50xf32, #tpu.memory_space<smem>>
      %mul3A_3779 = vector.broadcast %get3A_3778 : f32 to vector<1x48x128xf32>
      %mul3A_3780 = arith.mulf %get3A_3751, %mul3A_3779 : vector<1x48x128xf32>
      %add3A_3781 = arith.addf %add3A_3723, %mul3A_3780 : vector<1x48x128xf32>
      %get3A_3782 = arith.constant 5 : index
      %get3A_3783 = arith.constant 49 : index
      %get3A_3784 = memref.load %arg15[%get3A_3782, %get3A_3783] : memref<8x50xf32, #tpu.memory_space<smem>>
      %mul3A_3785 = vector.broadcast %get3A_3784 : f32 to vector<1x48x128xf32>
      %mul3A_3786 = arith.mulf %get3A_3751, %mul3A_3785 : vector<1x48x128xf32>
      %add3A_3787 = arith.addf %add3A_3729, %mul3A_3786 : vector<1x48x128xf32>
      %get3A_3788 = arith.constant 6 : index
      %get3A_3789 = arith.constant 49 : index
      %get3A_3790 = memref.load %arg15[%get3A_3788, %get3A_3789] : memref<8x50xf32, #tpu.memory_space<smem>>
      %mul3A_3791 = vector.broadcast %get3A_3790 : f32 to vector<1x48x128xf32>
      %mul3A_3792 = arith.mulf %get3A_3751, %mul3A_3791 : vector<1x48x128xf32>
      %add3A_3793 = arith.addf %add3A_3735, %mul3A_3792 : vector<1x48x128xf32>
      %get3A_3794 = arith.constant 7 : index
      %get3A_3795 = arith.constant 49 : index
      %get3A_3796 = memref.load %arg15[%get3A_3794, %get3A_3795] : memref<8x50xf32, #tpu.memory_space<smem>>
      %mul3A_3797 = vector.broadcast %get3A_3796 : f32 to vector<1x48x128xf32>
      %mul3A_3798 = arith.mulf %get3A_3751, %mul3A_3797 : vector<1x48x128xf32>
      %add3A_3799 = arith.addf %add3A_3741, %mul3A_3798 : vector<1x48x128xf32>
      %get3A_3800 = arith.constant 0 : index
      %get3A_3801 = memref.load %arg16[%get3A_3800] : memref<8xf32, #tpu.memory_space<smem>>
      %add3A_3802 = vector.broadcast %get3A_3801 : f32 to vector<1x48x128xf32>
      %add3A_3803 = arith.addf %add3A_3757, %add3A_3802 : vector<1x48x128xf32>
      %ge3A_3804 = arith.constant 0.000000e+00 : f32
      %ge3A_3805 = vector.broadcast %ge3A_3804 : f32 to vector<1x48x128xf32>
      %ge3A_3806 = arith.cmpf oge, %add3A_3803, %ge3A_3805 : vector<1x48x128xf32>
      %mul3A_3807 = arith.constant 0.00999999977 : f32
      %mul3A_3808 = vector.broadcast %mul3A_3807 : f32 to vector<1x48x128xf32>
      %mul3A_3809 = arith.mulf %mul3A_3808, %add3A_3803 : vector<1x48x128xf32>
      %select_n3A_3810 = arith.select %ge3A_3806, %add3A_3803, %mul3A_3809 : vector<1x48x128xi1>, vector<1x48x128xf32>
      %get3A_3811 = arith.constant 0 : index
      %get3A_3812 = arith.constant 8 : index
      %get3A_3813 = memref.load %arg17[%get3A_3811, %get3A_3812] : memref<1x16xf32, #tpu.memory_space<smem>>
      %mul3A_3814 = vector.broadcast %get3A_3813 : f32 to vector<1x48x128xf32>
      %mul3A_3815 = arith.mulf %mul3A_3814, %select_n3A_3810 : vector<1x48x128xf32>
      %get3A_3816 = arith.constant 1 : index
      %get3A_3817 = memref.load %arg16[%get3A_3816] : memref<8xf32, #tpu.memory_space<smem>>
      %add3A_3818 = vector.broadcast %get3A_3817 : f32 to vector<1x48x128xf32>
      %add3A_3819 = arith.addf %add3A_3763, %add3A_3818 : vector<1x48x128xf32>
      %ge3A_3820 = arith.constant 0.000000e+00 : f32
      %ge3A_3821 = vector.broadcast %ge3A_3820 : f32 to vector<1x48x128xf32>
      %ge3A_3822 = arith.cmpf oge, %add3A_3819, %ge3A_3821 : vector<1x48x128xf32>
      %mul3A_3823 = arith.constant 0.00999999977 : f32
      %mul3A_3824 = vector.broadcast %mul3A_3823 : f32 to vector<1x48x128xf32>
      %mul3A_3825 = arith.mulf %mul3A_3824, %add3A_3819 : vector<1x48x128xf32>
      %select_n3A_3826 = arith.select %ge3A_3822, %add3A_3819, %mul3A_3825 : vector<1x48x128xi1>, vector<1x48x128xf32>
      %get3A_3827 = arith.constant 0 : index
      %get3A_3828 = arith.constant 9 : index
      %get3A_3829 = memref.load %arg17[%get3A_3827, %get3A_3828] : memref<1x16xf32, #tpu.memory_space<smem>>
      %mul3A_3830 = vector.broadcast %get3A_3829 : f32 to vector<1x48x128xf32>
      %mul3A_3831 = arith.mulf %mul3A_3830, %select_n3A_3826 : vector<1x48x128xf32>
      %add3A_3832 = arith.addf %mul3A_3815, %mul3A_3831 : vector<1x48x128xf32>
      %get3A_3833 = arith.constant 2 : index
      %get3A_3834 = memref.load %arg16[%get3A_3833] : memref<8xf32, #tpu.memory_space<smem>>
      %add3A_3835 = vector.broadcast %get3A_3834 : f32 to vector<1x48x128xf32>
      %add3A_3836 = arith.addf %add3A_3769, %add3A_3835 : vector<1x48x128xf32>
      %ge3A_3837 = arith.constant 0.000000e+00 : f32
      %ge3A_3838 = vector.broadcast %ge3A_3837 : f32 to vector<1x48x128xf32>
      %ge3A_3839 = arith.cmpf oge, %add3A_3836, %ge3A_3838 : vector<1x48x128xf32>
      %mul3A_3840 = arith.constant 0.00999999977 : f32
      %mul3A_3841 = vector.broadcast %mul3A_3840 : f32 to vector<1x48x128xf32>
      %mul3A_3842 = arith.mulf %mul3A_3841, %add3A_3836 : vector<1x48x128xf32>
      %select_n3A_3843 = arith.select %ge3A_3839, %add3A_3836, %mul3A_3842 : vector<1x48x128xi1>, vector<1x48x128xf32>
      %get3A_3844 = arith.constant 0 : index
      %get3A_3845 = arith.constant 10 : index
      %get3A_3846 = memref.load %arg17[%get3A_3844, %get3A_3845] : memref<1x16xf32, #tpu.memory_space<smem>>
      %mul3A_3847 = vector.broadcast %get3A_3846 : f32 to vector<1x48x128xf32>
      %mul3A_3848 = arith.mulf %mul3A_3847, %select_n3A_3843 : vector<1x48x128xf32>
      %add3A_3849 = arith.addf %add3A_3832, %mul3A_3848 : vector<1x48x128xf32>
      %get3A_3850 = arith.constant 3 : index
      %get3A_3851 = memref.load %arg16[%get3A_3850] : memref<8xf32, #tpu.memory_space<smem>>
      %add3A_3852 = vector.broadcast %get3A_3851 : f32 to vector<1x48x128xf32>
      %add3A_3853 = arith.addf %add3A_3775, %add3A_3852 : vector<1x48x128xf32>
      %ge3A_3854 = arith.constant 0.000000e+00 : f32
      %ge3A_3855 = vector.broadcast %ge3A_3854 : f32 to vector<1x48x128xf32>
      %ge3A_3856 = arith.cmpf oge, %add3A_3853, %ge3A_3855 : vector<1x48x128xf32>
      %mul3A_3857 = arith.constant 0.00999999977 : f32
      %mul3A_3858 = vector.broadcast %mul3A_3857 : f32 to vector<1x48x128xf32>
      %mul3A_3859 = arith.mulf %mul3A_3858, %add3A_3853 : vector<1x48x128xf32>
      %select_n3A_3860 = arith.select %ge3A_3856, %add3A_3853, %mul3A_3859 : vector<1x48x128xi1>, vector<1x48x128xf32>
      %get3A_3861 = arith.constant 0 : index
      %get3A_3862 = arith.constant 11 : index
      %get3A_3863 = memref.load %arg17[%get3A_3861, %get3A_3862] : memref<1x16xf32, #tpu.memory_space<smem>>
      %mul3A_3864 = vector.broadcast %get3A_3863 : f32 to vector<1x48x128xf32>
      %mul3A_3865 = arith.mulf %mul3A_3864, %select_n3A_3860 : vector<1x48x128xf32>
      %add3A_3866 = arith.addf %add3A_3849, %mul3A_3865 : vector<1x48x128xf32>
      %get3A_3867 = arith.constant 4 : index
      %get3A_3868 = memref.load %arg16[%get3A_3867] : memref<8xf32, #tpu.memory_space<smem>>
      %add3A_3869 = vector.broadcast %get3A_3868 : f32 to vector<1x48x128xf32>
      %add3A_3870 = arith.addf %add3A_3781, %add3A_3869 : vector<1x48x128xf32>
      %ge3A_3871 = arith.constant 0.000000e+00 : f32
      %ge3A_3872 = vector.broadcast %ge3A_3871 : f32 to vector<1x48x128xf32>
      %ge3A_3873 = arith.cmpf oge, %add3A_3870, %ge3A_3872 : vector<1x48x128xf32>
      %mul3A_3874 = arith.constant 0.00999999977 : f32
      %mul3A_3875 = vector.broadcast %mul3A_3874 : f32 to vector<1x48x128xf32>
      %mul3A_3876 = arith.mulf %mul3A_3875, %add3A_3870 : vector<1x48x128xf32>
      %select_n3A_3877 = arith.select %ge3A_3873, %add3A_3870, %mul3A_3876 : vector<1x48x128xi1>, vector<1x48x128xf32>
      %get3A_3878 = arith.constant 0 : index
      %get3A_3879 = arith.constant 12 : index
      %get3A_3880 = memref.load %arg17[%get3A_3878, %get3A_3879] : memref<1x16xf32, #tpu.memory_space<smem>>
      %mul3A_3881 = vector.broadcast %get3A_3880 : f32 to vector<1x48x128xf32>
      %mul3A_3882 = arith.mulf %mul3A_3881, %select_n3A_3877 : vector<1x48x128xf32>
      %add3A_3883 = arith.addf %add3A_3866, %mul3A_3882 : vector<1x48x128xf32>
      %get3A_3884 = arith.constant 5 : index
      %get3A_3885 = memref.load %arg16[%get3A_3884] : memref<8xf32, #tpu.memory_space<smem>>
      %add3A_3886 = vector.broadcast %get3A_3885 : f32 to vector<1x48x128xf32>
      %add3A_3887 = arith.addf %add3A_3787, %add3A_3886 : vector<1x48x128xf32>
      %ge3A_3888 = arith.constant 0.000000e+00 : f32
      %ge3A_3889 = vector.broadcast %ge3A_3888 : f32 to vector<1x48x128xf32>
      %ge3A_3890 = arith.cmpf oge, %add3A_3887, %ge3A_3889 : vector<1x48x128xf32>
      %mul3A_3891 = arith.constant 0.00999999977 : f32
      %mul3A_3892 = vector.broadcast %mul3A_3891 : f32 to vector<1x48x128xf32>
      %mul3A_3893 = arith.mulf %mul3A_3892, %add3A_3887 : vector<1x48x128xf32>
      %select_n3A_3894 = arith.select %ge3A_3890, %add3A_3887, %mul3A_3893 : vector<1x48x128xi1>, vector<1x48x128xf32>
      %get3A_3895 = arith.constant 0 : index
      %get3A_3896 = arith.constant 13 : index
      %get3A_3897 = memref.load %arg17[%get3A_3895, %get3A_3896] : memref<1x16xf32, #tpu.memory_space<smem>>
      %mul3A_3898 = vector.broadcast %get3A_3897 : f32 to vector<1x48x128xf32>
      %mul3A_3899 = arith.mulf %mul3A_3898, %select_n3A_3894 : vector<1x48x128xf32>
      %add3A_3900 = arith.addf %add3A_3883, %mul3A_3899 : vector<1x48x128xf32>
      %get3A_3901 = arith.constant 6 : index
      %get3A_3902 = memref.load %arg16[%get3A_3901] : memref<8xf32, #tpu.memory_space<smem>>
      %add3A_3903 = vector.broadcast %get3A_3902 : f32 to vector<1x48x128xf32>
      %add3A_3904 = arith.addf %add3A_3793, %add3A_3903 : vector<1x48x128xf32>
      %ge3A_3905 = arith.constant 0.000000e+00 : f32
      %ge3A_3906 = vector.broadcast %ge3A_3905 : f32 to vector<1x48x128xf32>
      %ge3A_3907 = arith.cmpf oge, %add3A_3904, %ge3A_3906 : vector<1x48x128xf32>
      %mul3A_3908 = arith.constant 0.00999999977 : f32
      %mul3A_3909 = vector.broadcast %mul3A_3908 : f32 to vector<1x48x128xf32>
      %mul3A_3910 = arith.mulf %mul3A_3909, %add3A_3904 : vector<1x48x128xf32>
      %select_n3A_3911 = arith.select %ge3A_3907, %add3A_3904, %mul3A_3910 : vector<1x48x128xi1>, vector<1x48x128xf32>
      %get3A_3912 = arith.constant 0 : index
      %get3A_3913 = arith.constant 14 : index
      %get3A_3914 = memref.load %arg17[%get3A_3912, %get3A_3913] : memref<1x16xf32, #tpu.memory_space<smem>>
      %mul3A_3915 = vector.broadcast %get3A_3914 : f32 to vector<1x48x128xf32>
      %mul3A_3916 = arith.mulf %mul3A_3915, %select_n3A_3911 : vector<1x48x128xf32>
      %add3A_3917 = arith.addf %add3A_3900, %mul3A_3916 : vector<1x48x128xf32>
      %get3A_3918 = arith.constant 7 : index
      %get3A_3919 = memref.load %arg16[%get3A_3918] : memref<8xf32, #tpu.memory_space<smem>>
      %add3A_3920 = vector.broadcast %get3A_3919 : f32 to vector<1x48x128xf32>
      %add3A_3921 = arith.addf %add3A_3799, %add3A_3920 : vector<1x48x128xf32>
      %ge3A_3922 = arith.constant 0.000000e+00 : f32
      %ge3A_3923 = vector.broadcast %ge3A_3922 : f32 to vector<1x48x128xf32>
      %ge3A_3924 = arith.cmpf oge, %add3A_3921, %ge3A_3923 : vector<1x48x128xf32>
      %mul3A_3925 = arith.constant 0.00999999977 : f32
      %mul3A_3926 = vector.broadcast %mul3A_3925 : f32 to vector<1x48x128xf32>
      %mul3A_3927 = arith.mulf %mul3A_3926, %add3A_3921 : vector<1x48x128xf32>
      %select_n3A_3928 = arith.select %ge3A_3924, %add3A_3921, %mul3A_3927 : vector<1x48x128xi1>, vector<1x48x128xf32>
      %get3A_3929 = arith.constant 0 : index
      %get3A_3930 = arith.constant 15 : index
      %get3A_3931 = memref.load %arg17[%get3A_3929, %get3A_3930] : memref<1x16xf32, #tpu.memory_space<smem>>
      %mul3A_3932 = vector.broadcast %get3A_3931 : f32 to vector<1x48x128xf32>
      %mul3A_3933 = arith.mulf %mul3A_3932, %select_n3A_3928 : vector<1x48x128xf32>
      %add3A_3934 = arith.addf %add3A_3917, %mul3A_3933 : vector<1x48x128xf32>
      %slice3A_3935 = vector.extract_strided_slice %add3A_3934 {offsets = [0, 0, 0], sizes = [1, 48, 64], strides = [1, 1, 1]} : vector<1x48x128xf32> to vector<1x48x64xf32>
      %add3A_3936 = arith.constant 2 : i32
      %add3A_3937 = arith.addi %mul3A_907, %add3A_3936 : i32
      %swap3A_3938 = arith.index_cast %add3A_3937 : i32 to index
      %swap3A_3939 = arith.constant 2 : index
      %swap3A_3940 = arith.constant 0 : index
      %swap3A_3941 = vector.load %arg25[%swap3A_3938, %swap3A_3939, %swap3A_3940] : memref<52x52x64xf32, #tpu.memory_space<vmem>>, vector<1x48x64xf32>
      tpu.vector_store %arg25[%swap3A_3938, %swap3A_3939, %swap3A_3940], %slice3A_3935 {strides = array<i32>} : memref<52x52x64xf32, #tpu.memory_space<vmem>>, vector<1x48x64xf32>,
      %slice3A_3942 = vector.extract_strided_slice %add3A_3934 {offsets = [0, 0, 64], sizes = [1, 48, 64], strides = [1, 1, 1]} : vector<1x48x128xf32> to vector<1x48x64xf32>
      %add3A_3943 = arith.constant 2 : i32
      %add3A_3944 = arith.addi %mul3A_907, %add3A_3943 : i32
      %add3A_3945 = arith.constant 1 : i32
      %add3A_3946 = arith.addi %add3A_3944, %add3A_3945 : i32
      %swap3A_3947 = arith.index_cast %add3A_3946 : i32 to index
      %swap3A_3948 = arith.constant 2 : index
      %swap3A_3949 = arith.constant 0 : index
      %swap3A_3950 = vector.load %arg25[%swap3A_3947, %swap3A_3948, %swap3A_3949] : memref<52x52x64xf32, #tpu.memory_space<vmem>>, vector<1x48x64xf32>
      tpu.vector_store %arg25[%swap3A_3947, %swap3A_3948, %swap3A_3949], %slice3A_3942 {strides = array<i32>} : memref<52x52x64xf32, #tpu.memory_space<vmem>>, vector<1x48x64xf32>,
    }
    %scan3A_385 = arith.constant 24 : i32
    %get3A_386 = arith.constant 1 : index
    %get3A_387 = arith.constant 1 : index
    %get3A_388 = arith.constant 0 : index
    %get3A_389 = vector.load %arg25[%get3A_386, %get3A_387, %get3A_388] : memref<52x52x64xf32, #tpu.memory_space<vmem>>, vector<48x48x64xf32>
    %get3A_390 = arith.constant 1 : index
    %get3A_391 = arith.constant 2 : index
    %get3A_392 = arith.constant 0 : index
    %get3A_393 = vector.load %arg25[%get3A_390, %get3A_391, %get3A_392] : memref<52x52x64xf32, #tpu.memory_space<vmem>>, vector<48x48x64xf32>
    %add3A_394 = arith.addf %get3A_389, %get3A_393 : vector<48x48x64xf32>
    %get3A_395 = arith.constant 1 : index
    %get3A_396 = arith.constant 3 : index
    %get3A_397 = arith.constant 0 : index
    %get3A_398 = vector.load %arg25[%get3A_395, %get3A_396, %get3A_397] : memref<52x52x64xf32, #tpu.memory_space<vmem>>, vector<48x48x64xf32>
    %add3A_399 = arith.addf %add3A_394, %get3A_398 : vector<48x48x64xf32>
    %get3A_400 = arith.constant 2 : index
    %get3A_401 = arith.constant 1 : index
    %get3A_402 = arith.constant 0 : index
    %get3A_403 = vector.load %arg25[%get3A_400, %get3A_401, %get3A_402] : memref<52x52x64xf32, #tpu.memory_space<vmem>>, vector<48x48x64xf32>
    %add3A_404 = arith.addf %add3A_399, %get3A_403 : vector<48x48x64xf32>
    %get3A_405 = arith.constant 2 : index
    %get3A_406 = arith.constant 2 : index
    %get3A_407 = arith.constant 0 : index
    %get3A_408 = vector.load %arg25[%get3A_405, %get3A_406, %get3A_407] : memref<52x52x64xf32, #tpu.memory_space<vmem>>, vector<48x48x64xf32>
    %add3A_409 = arith.addf %add3A_404, %get3A_408 : vector<48x48x64xf32>
    %get3A_410 = arith.constant 2 : index
    %get3A_411 = arith.constant 3 : index
    %get3A_412 = arith.constant 0 : index
    %get3A_413 = vector.load %arg25[%get3A_410, %get3A_411, %get3A_412] : memref<52x52x64xf32, #tpu.memory_space<vmem>>, vector<48x48x64xf32>
    %add3A_414 = arith.addf %add3A_409, %get3A_413 : vector<48x48x64xf32>
    %get3A_415 = arith.constant 3 : index
    %get3A_416 = arith.constant 1 : index
    %get3A_417 = arith.constant 0 : index
    %get3A_418 = vector.load %arg25[%get3A_415, %get3A_416, %get3A_417] : memref<52x52x64xf32, #tpu.memory_space<vmem>>, vector<48x48x64xf32>
    %add3A_419 = arith.addf %add3A_414, %get3A_418 : vector<48x48x64xf32>
    %get3A_420 = arith.constant 3 : index
    %get3A_421 = arith.constant 2 : index
    %get3A_422 = arith.constant 0 : index
    %get3A_423 = vector.load %arg25[%get3A_420, %get3A_421, %get3A_422] : memref<52x52x64xf32, #tpu.memory_space<vmem>>, vector<48x48x64xf32>
    %add3A_424 = arith.addf %add3A_419, %get3A_423 : vector<48x48x64xf32>
    %get3A_425 = arith.constant 3 : index
    %get3A_426 = arith.constant 3 : index
    %get3A_427 = arith.constant 0 : index
    %get3A_428 = vector.load %arg25[%get3A_425, %get3A_426, %get3A_427] : memref<52x52x64xf32, #tpu.memory_space<vmem>>, vector<48x48x64xf32>
    %add3A_429 = arith.addf %add3A_424, %get3A_428 : vector<48x48x64xf32>
    %mul3A_430 = arith.constant 0.111111112 : f32
    %mul3A_431 = vector.broadcast %mul3A_430 : f32 to vector<48x48x64xf32>
    %mul3A_432 = arith.mulf %add3A_429, %mul3A_431 : vector<48x48x64xf32>
    %get3A_433 = arith.constant 0 : index
    %get3A_434 = arith.constant 0 : index
    %get3A_435 = vector.load %arg0[%get3A_433, %get3A_434] : memref<2x64xf32, #tpu.memory_space<vmem>>, vector<1x64xf32>
    %get3A_436 = arith.constant 1 : index
    %get3A_437 = arith.constant 0 : index
    %get3A_438 = vector.load %arg0[%get3A_436, %get3A_437] : memref<2x64xf32, #tpu.memory_space<vmem>>, vector<1x64xf32>
    %get3A_439 = arith.constant 0 : index
    %get3A_440 = memref.load %arg18[%get3A_439] : memref<1xf32, #tpu.memory_space<smem>>
    %get3A_441 = arith.constant 0 : index
    %get3A_442 = arith.constant 0 : index
    %get3A_443 = memref.load %arg7[%get3A_441, %get3A_442] : memref<2x2xf32, #tpu.memory_space<smem>>
    %mul3A_444 = vector.broadcast %get3A_443 : f32 to vector<1x64xf32>
    %mul3A_445 = arith.mulf %mul3A_444, %get3A_435 : vector<1x64xf32>
    %get3A_446 = arith.constant 0 : index
    %get3A_447 = arith.constant 1 : index
    %get3A_448 = memref.load %arg7[%get3A_446, %get3A_447] : memref<2x2xf32, #tpu.memory_space<smem>>
    %mul3A_449 = vector.broadcast %get3A_448 : f32 to vector<1x64xf32>
    %mul3A_450 = arith.mulf %mul3A_449, %get3A_438 : vector<1x64xf32>
    %add3A_451 = arith.addf %mul3A_445, %mul3A_450 : vector<1x64xf32>
    %get3A_452 = arith.constant 0 : index
    %get3A_453 = memref.load %arg8[%get3A_452] : memref<2xf32, #tpu.memory_space<smem>>
    %add3A_454 = vector.broadcast %get3A_453 : f32 to vector<1x64xf32>
    %add3A_455 = arith.addf %add3A_451, %add3A_454 : vector<1x64xf32>
    %ge3A_456 = arith.constant 0.000000e+00 : f32
    %ge3A_457 = vector.broadcast %ge3A_456 : f32 to vector<1x64xf32>
    %ge3A_458 = arith.cmpf oge, %add3A_455, %ge3A_457 : vector<1x64xf32>
    %mul3A_459 = arith.constant 0.00999999977 : f32
    %mul3A_460 = vector.broadcast %mul3A_459 : f32 to vector<1x64xf32>
    %mul3A_461 = arith.mulf %mul3A_460, %add3A_455 : vector<1x64xf32>
    %select_n3A_462 = arith.select %ge3A_458, %add3A_455, %mul3A_461 : vector<1x64xi1>, vector<1x64xf32>
    %get3A_463 = arith.constant 0 : index
    %get3A_464 = arith.constant 0 : index
    %get3A_465 = memref.load %arg17[%get3A_463, %get3A_464] : memref<1x16xf32, #tpu.memory_space<smem>>
    %mul3A_466 = vector.broadcast %get3A_465 : f32 to vector<1x64xf32>
    %mul3A_467 = arith.mulf %mul3A_466, %select_n3A_462 : vector<1x64xf32>
    %add3A_468 = vector.broadcast %get3A_440 : f32 to vector<1x64xf32>
    %add3A_469 = arith.addf %add3A_468, %mul3A_467 : vector<1x64xf32>
    %get3A_470 = arith.constant 1 : index
    %get3A_471 = arith.constant 0 : index
    %get3A_472 = memref.load %arg7[%get3A_470, %get3A_471] : memref<2x2xf32, #tpu.memory_space<smem>>
    %mul3A_473 = vector.broadcast %get3A_472 : f32 to vector<1x64xf32>
    %mul3A_474 = arith.mulf %mul3A_473, %get3A_435 : vector<1x64xf32>
    %get3A_475 = arith.constant 1 : index
    %get3A_476 = arith.constant 1 : index
    %get3A_477 = memref.load %arg7[%get3A_475, %get3A_476] : memref<2x2xf32, #tpu.memory_space<smem>>
    %mul3A_478 = vector.broadcast %get3A_477 : f32 to vector<1x64xf32>
    %mul3A_479 = arith.mulf %mul3A_478, %get3A_438 : vector<1x64xf32>
    %add3A_480 = arith.addf %mul3A_474, %mul3A_479 : vector<1x64xf32>
    %get3A_481 = arith.constant 1 : index
    %get3A_482 = memref.load %arg8[%get3A_481] : memref<2xf32, #tpu.memory_space<smem>>
    %add3A_483 = vector.broadcast %get3A_482 : f32 to vector<1x64xf32>
    %add3A_484 = arith.addf %add3A_480, %add3A_483 : vector<1x64xf32>
    %ge3A_485 = arith.constant 0.000000e+00 : f32
    %ge3A_486 = vector.broadcast %ge3A_485 : f32 to vector<1x64xf32>
    %ge3A_487 = arith.cmpf oge, %add3A_484, %ge3A_486 : vector<1x64xf32>
    %mul3A_488 = arith.constant 0.00999999977 : f32
    %mul3A_489 = vector.broadcast %mul3A_488 : f32 to vector<1x64xf32>
    %mul3A_490 = arith.mulf %mul3A_489, %add3A_484 : vector<1x64xf32>
    %select_n3A_491 = arith.select %ge3A_487, %add3A_484, %mul3A_490 : vector<1x64xi1>, vector<1x64xf32>
    %get3A_492 = arith.constant 0 : index
    %get3A_493 = arith.constant 1 : index
    %get3A_494 = memref.load %arg17[%get3A_492, %get3A_493] : memref<1x16xf32, #tpu.memory_space<smem>>
    %mul3A_495 = vector.broadcast %get3A_494 : f32 to vector<1x64xf32>
    %mul3A_496 = arith.mulf %mul3A_495, %select_n3A_491 : vector<1x64xf32>
    %add3A_497 = arith.addf %add3A_469, %mul3A_496 : vector<1x64xf32>
    %reshape3A = vector.shape_cast %add3A_497 : vector<1x64xf32> to vector<1x1x64xf32>
    %add3A_498 = vector.broadcast %reshape3A : vector<1x1x64xf32> to vector<48x48x64xf32>
    %add3A_499 = arith.addf %mul3A_432, %add3A_498 : vector<48x48x64xf32>
    %get3A_500 = arith.constant 0 : index
    %get3A_501 = arith.constant 0 : index
    %get3A_502 = arith.constant 0 : index
    %get3A_503 = arith.constant 0 : index
    %get3A_504 = vector.load %arg2[%get3A_500, %get3A_501, %get3A_502, %get3A_503] : memref<6x48x48x64xf32, #tpu.memory_space<vmem>>, vector<1x48x48x64xf32>
    %get3A_505 = vector.shape_cast %get3A_504 : vector<1x48x48x64xf32> to vector<48x48x64xf32>
    %get3A_506 = arith.constant 0 : index
    %get3A_507 = arith.constant 0 : index
    %get3A_508 = memref.load %arg9[%get3A_506, %get3A_507] : memref<2x6xf32, #tpu.memory_space<smem>>
    %mul3A_509 = vector.broadcast %get3A_508 : f32 to vector<48x48x64xf32>
    %mul3A_510 = arith.mulf %get3A_505, %mul3A_509 : vector<48x48x64xf32>
    %get3A_511 = arith.constant 1 : index
    %get3A_512 = arith.constant 0 : index
    %get3A_513 = arith.constant 0 : index
    %get3A_514 = arith.constant 0 : index
    %get3A_515 = vector.load %arg2[%get3A_511, %get3A_512, %get3A_513, %get3A_514] : memref<6x48x48x64xf32, #tpu.memory_space<vmem>>, vector<1x48x48x64xf32>
    %get3A_516 = vector.shape_cast %get3A_515 : vector<1x48x48x64xf32> to vector<48x48x64xf32>
    %get3A_517 = arith.constant 0 : index
    %get3A_518 = arith.constant 1 : index
    %get3A_519 = memref.load %arg9[%get3A_517, %get3A_518] : memref<2x6xf32, #tpu.memory_space<smem>>
    %mul3A_520 = vector.broadcast %get3A_519 : f32 to vector<48x48x64xf32>
    %mul3A_521 = arith.mulf %get3A_516, %mul3A_520 : vector<48x48x64xf32>
    %add3A_522 = arith.addf %mul3A_510, %mul3A_521 : vector<48x48x64xf32>
    %get3A_523 = arith.constant 2 : index
    %get3A_524 = arith.constant 0 : index
    %get3A_525 = arith.constant 0 : index
    %get3A_526 = arith.constant 0 : index
    %get3A_527 = vector.load %arg2[%get3A_523, %get3A_524, %get3A_525, %get3A_526] : memref<6x48x48x64xf32, #tpu.memory_space<vmem>>, vector<1x48x48x64xf32>
    %get3A_528 = vector.shape_cast %get3A_527 : vector<1x48x48x64xf32> to vector<48x48x64xf32>
    %get3A_529 = arith.constant 0 : index
    %get3A_530 = arith.constant 2 : index
    %get3A_531 = memref.load %arg9[%get3A_529, %get3A_530] : memref<2x6xf32, #tpu.memory_space<smem>>
    %mul3A_532 = vector.broadcast %get3A_531 : f32 to vector<48x48x64xf32>
    %mul3A_533 = arith.mulf %get3A_528, %mul3A_532 : vector<48x48x64xf32>
    %add3A_534 = arith.addf %add3A_522, %mul3A_533 : vector<48x48x64xf32>
    %get3A_535 = arith.constant 3 : index
    %get3A_536 = arith.constant 0 : index
    %get3A_537 = arith.constant 0 : index
    %get3A_538 = arith.constant 0 : index
    %get3A_539 = vector.load %arg2[%get3A_535, %get3A_536, %get3A_537, %get3A_538] : memref<6x48x48x64xf32, #tpu.memory_space<vmem>>, vector<1x48x48x64xf32>
    %get3A_540 = vector.shape_cast %get3A_539 : vector<1x48x48x64xf32> to vector<48x48x64xf32>
    %get3A_541 = arith.constant 0 : index
    %get3A_542 = arith.constant 3 : index
    %get3A_543 = memref.load %arg9[%get3A_541, %get3A_542] : memref<2x6xf32, #tpu.memory_space<smem>>
    %mul3A_544 = vector.broadcast %get3A_543 : f32 to vector<48x48x64xf32>
    %mul3A_545 = arith.mulf %get3A_540, %mul3A_544 : vector<48x48x64xf32>
    %add3A_546 = arith.addf %add3A_534, %mul3A_545 : vector<48x48x64xf32>
    %get3A_547 = arith.constant 4 : index
    %get3A_548 = arith.constant 0 : index
    %get3A_549 = arith.constant 0 : index
    %get3A_550 = arith.constant 0 : index
    %get3A_551 = vector.load %arg2[%get3A_547, %get3A_548, %get3A_549, %get3A_550] : memref<6x48x48x64xf32, #tpu.memory_space<vmem>>, vector<1x48x48x64xf32>
    %get3A_552 = vector.shape_cast %get3A_551 : vector<1x48x48x64xf32> to vector<48x48x64xf32>
    %get3A_553 = arith.constant 0 : index
    %get3A_554 = arith.constant 4 : index
    %get3A_555 = memref.load %arg9[%get3A_553, %get3A_554] : memref<2x6xf32, #tpu.memory_space<smem>>
    %mul3A_556 = vector.broadcast %get3A_555 : f32 to vector<48x48x64xf32>
    %mul3A_557 = arith.mulf %get3A_552, %mul3A_556 : vector<48x48x64xf32>
    %add3A_558 = arith.addf %add3A_546, %mul3A_557 : vector<48x48x64xf32>
    %get3A_559 = arith.constant 5 : index
    %get3A_560 = arith.constant 0 : index
    %get3A_561 = arith.constant 0 : index
    %get3A_562 = arith.constant 0 : index
    %get3A_563 = vector.load %arg2[%get3A_559, %get3A_560, %get3A_561, %get3A_562] : memref<6x48x48x64xf32, #tpu.memory_space<vmem>>, vector<1x48x48x64xf32>
    %get3A_564 = vector.shape_cast %get3A_563 : vector<1x48x48x64xf32> to vector<48x48x64xf32>
    %get3A_565 = arith.constant 0 : index
    %get3A_566 = arith.constant 5 : index
    %get3A_567 = memref.load %arg9[%get3A_565, %get3A_566] : memref<2x6xf32, #tpu.memory_space<smem>>
    %mul3A_568 = vector.broadcast %get3A_567 : f32 to vector<48x48x64xf32>
    %mul3A_569 = arith.mulf %get3A_564, %mul3A_568 : vector<48x48x64xf32>
    %add3A_570 = arith.addf %add3A_558, %mul3A_569 : vector<48x48x64xf32>
    %get3A_571 = arith.constant 0 : index
    %get3A_572 = arith.constant 2 : index
    %get3A_573 = memref.load %arg17[%get3A_571, %get3A_572] : memref<1x16xf32, #tpu.memory_space<smem>>
    %get3A_574 = arith.constant 0 : index
    %get3A_575 = memref.load %arg10[%get3A_574] : memref<2xf32, #tpu.memory_space<smem>>
    %add3A_576 = vector.broadcast %get3A_575 : f32 to vector<48x48x64xf32>
    %add3A_577 = arith.addf %add3A_570, %add3A_576 : vector<48x48x64xf32>
    %ge3A_578 = arith.constant 0.000000e+00 : f32
    %ge3A_579 = vector.broadcast %ge3A_578 : f32 to vector<48x48x64xf32>
    %ge3A_580 = arith.cmpf oge, %add3A_577, %ge3A_579 : vector<48x48x64xf32>
    %mul3A_581 = arith.constant 0.00999999977 : f32
    %mul3A_582 = vector.broadcast %mul3A_581 : f32 to vector<48x48x64xf32>
    %mul3A_583 = arith.mulf %mul3A_582, %add3A_577 : vector<48x48x64xf32>
    %select_n3A_584 = arith.select %ge3A_580, %add3A_577, %mul3A_583 : vector<48x48x64xi1>, vector<48x48x64xf32>
    %mul3A_585 = vector.broadcast %get3A_573 : f32 to vector<48x48x64xf32>
    %mul3A_586 = arith.mulf %mul3A_585, %select_n3A_584 : vector<48x48x64xf32>
    %add3A_587 = arith.addf %add3A_499, %mul3A_586 : vector<48x48x64xf32>
    %get3A_588 = arith.constant 0 : index
    %get3A_589 = arith.constant 0 : index
    %get3A_590 = arith.constant 0 : index
    %get3A_591 = arith.constant 0 : index
    %get3A_592 = vector.load %arg2[%get3A_588, %get3A_589, %get3A_590, %get3A_591] : memref<6x48x48x64xf32, #tpu.memory_space<vmem>>, vector<1x48x48x64xf32>
    %get3A_593 = vector.shape_cast %get3A_592 : vector<1x48x48x64xf32> to vector<48x48x64xf32>
    %get3A_594 = arith.constant 1 : index
    %get3A_595 = arith.constant 0 : index
    %get3A_596 = memref.load %arg9[%get3A_594, %get3A_595] : memref<2x6xf32, #tpu.memory_space<smem>>
    %mul3A_597 = vector.broadcast %get3A_596 : f32 to vector<48x48x64xf32>
    %mul3A_598 = arith.mulf %get3A_593, %mul3A_597 : vector<48x48x64xf32>
    %get3A_599 = arith.constant 1 : index
    %get3A_600 = arith.constant 0 : index
    %get3A_601 = arith.constant 0 : index
    %get3A_602 = arith.constant 0 : index
    %get3A_603 = vector.load %arg2[%get3A_599, %get3A_600, %get3A_601, %get3A_602] : memref<6x48x48x64xf32, #tpu.memory_space<vmem>>, vector<1x48x48x64xf32>
    %get3A_604 = vector.shape_cast %get3A_603 : vector<1x48x48x64xf32> to vector<48x48x64xf32>
    %get3A_605 = arith.constant 1 : index
    %get3A_606 = arith.constant 1 : index
    %get3A_607 = memref.load %arg9[%get3A_605, %get3A_606] : memref<2x6xf32, #tpu.memory_space<smem>>
    %mul3A_608 = vector.broadcast %get3A_607 : f32 to vector<48x48x64xf32>
    %mul3A_609 = arith.mulf %get3A_604, %mul3A_608 : vector<48x48x64xf32>
    %add3A_610 = arith.addf %mul3A_598, %mul3A_609 : vector<48x48x64xf32>
    %get3A_611 = arith.constant 2 : index
    %get3A_612 = arith.constant 0 : index
    %get3A_613 = arith.constant 0 : index
    %get3A_614 = arith.constant 0 : index
    %get3A_615 = vector.load %arg2[%get3A_611, %get3A_612, %get3A_613, %get3A_614] : memref<6x48x48x64xf32, #tpu.memory_space<vmem>>, vector<1x48x48x64xf32>
    %get3A_616 = vector.shape_cast %get3A_615 : vector<1x48x48x64xf32> to vector<48x48x64xf32>
    %get3A_617 = arith.constant 1 : index
    %get3A_618 = arith.constant 2 : index
    %get3A_619 = memref.load %arg9[%get3A_617, %get3A_618] : memref<2x6xf32, #tpu.memory_space<smem>>
    %mul3A_620 = vector.broadcast %get3A_619 : f32 to vector<48x48x64xf32>
    %mul3A_621 = arith.mulf %get3A_616, %mul3A_620 : vector<48x48x64xf32>
    %add3A_622 = arith.addf %add3A_610, %mul3A_621 : vector<48x48x64xf32>
    %get3A_623 = arith.constant 3 : index
    %get3A_624 = arith.constant 0 : index
    %get3A_625 = arith.constant 0 : index
    %get3A_626 = arith.constant 0 : index
    %get3A_627 = vector.load %arg2[%get3A_623, %get3A_624, %get3A_625, %get3A_626] : memref<6x48x48x64xf32, #tpu.memory_space<vmem>>, vector<1x48x48x64xf32>
    %get3A_628 = vector.shape_cast %get3A_627 : vector<1x48x48x64xf32> to vector<48x48x64xf32>
    %get3A_629 = arith.constant 1 : index
    %get3A_630 = arith.constant 3 : index
    %get3A_631 = memref.load %arg9[%get3A_629, %get3A_630] : memref<2x6xf32, #tpu.memory_space<smem>>
    %mul3A_632 = vector.broadcast %get3A_631 : f32 to vector<48x48x64xf32>
    %mul3A_633 = arith.mulf %get3A_628, %mul3A_632 : vector<48x48x64xf32>
    %add3A_634 = arith.addf %add3A_622, %mul3A_633 : vector<48x48x64xf32>
    %get3A_635 = arith.constant 4 : index
    %get3A_636 = arith.constant 0 : index
    %get3A_637 = arith.constant 0 : index
    %get3A_638 = arith.constant 0 : index
    %get3A_639 = vector.load %arg2[%get3A_635, %get3A_636, %get3A_637, %get3A_638] : memref<6x48x48x64xf32, #tpu.memory_space<vmem>>, vector<1x48x48x64xf32>
    %get3A_640 = vector.shape_cast %get3A_639 : vector<1x48x48x64xf32> to vector<48x48x64xf32>
    %get3A_641 = arith.constant 1 : index
    %get3A_642 = arith.constant 4 : index
    %get3A_643 = memref.load %arg9[%get3A_641, %get3A_642] : memref<2x6xf32, #tpu.memory_space<smem>>
    %mul3A_644 = vector.broadcast %get3A_643 : f32 to vector<48x48x64xf32>
    %mul3A_645 = arith.mulf %get3A_640, %mul3A_644 : vector<48x48x64xf32>
    %add3A_646 = arith.addf %add3A_634, %mul3A_645 : vector<48x48x64xf32>
    %get3A_647 = arith.constant 5 : index
    %get3A_648 = arith.constant 0 : index
    %get3A_649 = arith.constant 0 : index
    %get3A_650 = arith.constant 0 : index
    %get3A_651 = vector.load %arg2[%get3A_647, %get3A_648, %get3A_649, %get3A_650] : memref<6x48x48x64xf32, #tpu.memory_space<vmem>>, vector<1x48x48x64xf32>
    %get3A_652 = vector.shape_cast %get3A_651 : vector<1x48x48x64xf32> to vector<48x48x64xf32>
    %get3A_653 = arith.constant 1 : index
    %get3A_654 = arith.constant 5 : index
    %get3A_655 = memref.load %arg9[%get3A_653, %get3A_654] : memref<2x6xf32, #tpu.memory_space<smem>>
    %mul3A_656 = vector.broadcast %get3A_655 : f32 to vector<48x48x64xf32>
    %mul3A_657 = arith.mulf %get3A_652, %mul3A_656 : vector<48x48x64xf32>
    %add3A_658 = arith.addf %add3A_646, %mul3A_657 : vector<48x48x64xf32>
    %get3A_659 = arith.constant 0 : index
    %get3A_660 = arith.constant 3 : index
    %get3A_661 = memref.load %arg17[%get3A_659, %get3A_660] : memref<1x16xf32, #tpu.memory_space<smem>>
    %get3A_662 = arith.constant 1 : index
    %get3A_663 = memref.load %arg10[%get3A_662] : memref<2xf32, #tpu.memory_space<smem>>
    %add3A_664 = vector.broadcast %get3A_663 : f32 to vector<48x48x64xf32>
    %add3A_665 = arith.addf %add3A_658, %add3A_664 : vector<48x48x64xf32>
    %ge3A_666 = arith.constant 0.000000e+00 : f32
    %ge3A_667 = vector.broadcast %ge3A_666 : f32 to vector<48x48x64xf32>
    %ge3A_668 = arith.cmpf oge, %add3A_665, %ge3A_667 : vector<48x48x64xf32>
    %mul3A_669 = arith.constant 0.00999999977 : f32
    %mul3A_670 = vector.broadcast %mul3A_669 : f32 to vector<48x48x64xf32>
    %mul3A_671 = arith.mulf %mul3A_670, %add3A_665 : vector<48x48x64xf32>
    %select_n3A_672 = arith.select %ge3A_668, %add3A_665, %mul3A_671 : vector<48x48x64xi1>, vector<48x48x64xf32>
    %mul3A_673 = vector.broadcast %get3A_661 : f32 to vector<48x48x64xf32>
    %mul3A_674 = arith.mulf %mul3A_673, %select_n3A_672 : vector<48x48x64xf32>
    %add3A_675 = arith.addf %add3A_587, %mul3A_674 : vector<48x48x64xf32>
    %get3A_676 = arith.constant 0 : index
    %get3A_677 = arith.constant 0 : index
    %get3A_678 = arith.constant 0 : index
    %get3A_679 = arith.constant 0 : index
    %get3A_680 = vector.load %arg3[%get3A_676, %get3A_677, %get3A_678, %get3A_679] : memref<4x48x48x64xf32, #tpu.memory_space<vmem>>, vector<1x48x48x64xf32>
    %get3A_681 = vector.shape_cast %get3A_680 : vector<1x48x48x64xf32> to vector<48x48x64xf32>
    %get3A_682 = arith.constant 0 : index
    %get3A_683 = arith.constant 0 : index
    %get3A_684 = memref.load %arg11[%get3A_682, %get3A_683] : memref<2x4xf32, #tpu.memory_space<smem>>
    %mul3A_685 = vector.broadcast %get3A_684 : f32 to vector<48x48x64xf32>
    %mul3A_686 = arith.mulf %get3A_681, %mul3A_685 : vector<48x48x64xf32>
    %get3A_687 = arith.constant 1 : index
    %get3A_688 = arith.constant 0 : index
    %get3A_689 = arith.constant 0 : index
    %get3A_690 = arith.constant 0 : index
    %get3A_691 = vector.load %arg3[%get3A_687, %get3A_688, %get3A_689, %get3A_690] : memref<4x48x48x64xf32, #tpu.memory_space<vmem>>, vector<1x48x48x64xf32>
    %get3A_692 = vector.shape_cast %get3A_691 : vector<1x48x48x64xf32> to vector<48x48x64xf32>
    %get3A_693 = arith.constant 0 : index
    %get3A_694 = arith.constant 1 : index
    %get3A_695 = memref.load %arg11[%get3A_693, %get3A_694] : memref<2x4xf32, #tpu.memory_space<smem>>
    %mul3A_696 = vector.broadcast %get3A_695 : f32 to vector<48x48x64xf32>
    %mul3A_697 = arith.mulf %get3A_692, %mul3A_696 : vector<48x48x64xf32>
    %add3A_698 = arith.addf %mul3A_686, %mul3A_697 : vector<48x48x64xf32>
    %get3A_699 = arith.constant 2 : index
    %get3A_700 = arith.constant 0 : index
    %get3A_701 = arith.constant 0 : index
    %get3A_702 = arith.constant 0 : index
    %get3A_703 = vector.load %arg3[%get3A_699, %get3A_700, %get3A_701, %get3A_702] : memref<4x48x48x64xf32, #tpu.memory_space<vmem>>, vector<1x48x48x64xf32>
    %get3A_704 = vector.shape_cast %get3A_703 : vector<1x48x48x64xf32> to vector<48x48x64xf32>
    %get3A_705 = arith.constant 0 : index
    %get3A_706 = arith.constant 2 : index
    %get3A_707 = memref.load %arg11[%get3A_705, %get3A_706] : memref<2x4xf32, #tpu.memory_space<smem>>
    %mul3A_708 = vector.broadcast %get3A_707 : f32 to vector<48x48x64xf32>
    %mul3A_709 = arith.mulf %get3A_704, %mul3A_708 : vector<48x48x64xf32>
    %add3A_710 = arith.addf %add3A_698, %mul3A_709 : vector<48x48x64xf32>
    %get3A_711 = arith.constant 3 : index
    %get3A_712 = arith.constant 0 : index
    %get3A_713 = arith.constant 0 : index
    %get3A_714 = arith.constant 0 : index
    %get3A_715 = vector.load %arg3[%get3A_711, %get3A_712, %get3A_713, %get3A_714] : memref<4x48x48x64xf32, #tpu.memory_space<vmem>>, vector<1x48x48x64xf32>
    %get3A_716 = vector.shape_cast %get3A_715 : vector<1x48x48x64xf32> to vector<48x48x64xf32>
    %get3A_717 = arith.constant 0 : index
    %get3A_718 = arith.constant 3 : index
    %get3A_719 = memref.load %arg11[%get3A_717, %get3A_718] : memref<2x4xf32, #tpu.memory_space<smem>>
    %mul3A_720 = vector.broadcast %get3A_719 : f32 to vector<48x48x64xf32>
    %mul3A_721 = arith.mulf %get3A_716, %mul3A_720 : vector<48x48x64xf32>
    %add3A_722 = arith.addf %add3A_710, %mul3A_721 : vector<48x48x64xf32>
    %get3A_723 = arith.constant 0 : index
    %get3A_724 = arith.constant 4 : index
    %get3A_725 = memref.load %arg17[%get3A_723, %get3A_724] : memref<1x16xf32, #tpu.memory_space<smem>>
    %get3A_726 = arith.constant 0 : index
    %get3A_727 = memref.load %arg12[%get3A_726] : memref<2xf32, #tpu.memory_space<smem>>
    %add3A_728 = vector.broadcast %get3A_727 : f32 to vector<48x48x64xf32>
    %add3A_729 = arith.addf %add3A_722, %add3A_728 : vector<48x48x64xf32>
    %ge3A_730 = arith.constant 0.000000e+00 : f32
    %ge3A_731 = vector.broadcast %ge3A_730 : f32 to vector<48x48x64xf32>
    %ge3A_732 = arith.cmpf oge, %add3A_729, %ge3A_731 : vector<48x48x64xf32>
    %mul3A_733 = arith.constant 0.00999999977 : f32
    %mul3A_734 = vector.broadcast %mul3A_733 : f32 to vector<48x48x64xf32>
    %mul3A_735 = arith.mulf %mul3A_734, %add3A_729 : vector<48x48x64xf32>
    %select_n3A_736 = arith.select %ge3A_732, %add3A_729, %mul3A_735 : vector<48x48x64xi1>, vector<48x48x64xf32>
    %mul3A_737 = vector.broadcast %get3A_725 : f32 to vector<48x48x64xf32>
    %mul3A_738 = arith.mulf %mul3A_737, %select_n3A_736 : vector<48x48x64xf32>
    %add3A_739 = arith.addf %add3A_675, %mul3A_738 : vector<48x48x64xf32>
    %get3A_740 = arith.constant 0 : index
    %get3A_741 = arith.constant 0 : index
    %get3A_742 = arith.constant 0 : index
    %get3A_743 = arith.constant 0 : index
    %get3A_744 = vector.load %arg3[%get3A_740, %get3A_741, %get3A_742, %get3A_743] : memref<4x48x48x64xf32, #tpu.memory_space<vmem>>, vector<1x48x48x64xf32>
    %get3A_745 = vector.shape_cast %get3A_744 : vector<1x48x48x64xf32> to vector<48x48x64xf32>
    %get3A_746 = arith.constant 1 : index
    %get3A_747 = arith.constant 0 : index
    %get3A_748 = memref.load %arg11[%get3A_746, %get3A_747] : memref<2x4xf32, #tpu.memory_space<smem>>
    %mul3A_749 = vector.broadcast %get3A_748 : f32 to vector<48x48x64xf32>
    %mul3A_750 = arith.mulf %get3A_745, %mul3A_749 : vector<48x48x64xf32>
    %get3A_751 = arith.constant 1 : index
    %get3A_752 = arith.constant 0 : index
    %get3A_753 = arith.constant 0 : index
    %get3A_754 = arith.constant 0 : index
    %get3A_755 = vector.load %arg3[%get3A_751, %get3A_752, %get3A_753, %get3A_754] : memref<4x48x48x64xf32, #tpu.memory_space<vmem>>, vector<1x48x48x64xf32>
    %get3A_756 = vector.shape_cast %get3A_755 : vector<1x48x48x64xf32> to vector<48x48x64xf32>
    %get3A_757 = arith.constant 1 : index
    %get3A_758 = arith.constant 1 : index
    %get3A_759 = memref.load %arg11[%get3A_757, %get3A_758] : memref<2x4xf32, #tpu.memory_space<smem>>
    %mul3A_760 = vector.broadcast %get3A_759 : f32 to vector<48x48x64xf32>
    %mul3A_761 = arith.mulf %get3A_756, %mul3A_760 : vector<48x48x64xf32>
    %add3A_762 = arith.addf %mul3A_750, %mul3A_761 : vector<48x48x64xf32>
    %get3A_763 = arith.constant 2 : index
    %get3A_764 = arith.constant 0 : index
    %get3A_765 = arith.constant 0 : index
    %get3A_766 = arith.constant 0 : index
    %get3A_767 = vector.load %arg3[%get3A_763, %get3A_764, %get3A_765, %get3A_766] : memref<4x48x48x64xf32, #tpu.memory_space<vmem>>, vector<1x48x48x64xf32>
    %get3A_768 = vector.shape_cast %get3A_767 : vector<1x48x48x64xf32> to vector<48x48x64xf32>
    %get3A_769 = arith.constant 1 : index
    %get3A_770 = arith.constant 2 : index
    %get3A_771 = memref.load %arg11[%get3A_769, %get3A_770] : memref<2x4xf32, #tpu.memory_space<smem>>
    %mul3A_772 = vector.broadcast %get3A_771 : f32 to vector<48x48x64xf32>
    %mul3A_773 = arith.mulf %get3A_768, %mul3A_772 : vector<48x48x64xf32>
    %add3A_774 = arith.addf %add3A_762, %mul3A_773 : vector<48x48x64xf32>
    %get3A_775 = arith.constant 3 : index
    %get3A_776 = arith.constant 0 : index
    %get3A_777 = arith.constant 0 : index
    %get3A_778 = arith.constant 0 : index
    %get3A_779 = vector.load %arg3[%get3A_775, %get3A_776, %get3A_777, %get3A_778] : memref<4x48x48x64xf32, #tpu.memory_space<vmem>>, vector<1x48x48x64xf32>
    %get3A_780 = vector.shape_cast %get3A_779 : vector<1x48x48x64xf32> to vector<48x48x64xf32>
    %get3A_781 = arith.constant 1 : index
    %get3A_782 = arith.constant 3 : index
    %get3A_783 = memref.load %arg11[%get3A_781, %get3A_782] : memref<2x4xf32, #tpu.memory_space<smem>>
    %mul3A_784 = vector.broadcast %get3A_783 : f32 to vector<48x48x64xf32>
    %mul3A_785 = arith.mulf %get3A_780, %mul3A_784 : vector<48x48x64xf32>
    %add3A_786 = arith.addf %add3A_774, %mul3A_785 : vector<48x48x64xf32>
    %get3A_787 = arith.constant 0 : index
    %get3A_788 = arith.constant 5 : index
    %get3A_789 = memref.load %arg17[%get3A_787, %get3A_788] : memref<1x16xf32, #tpu.memory_space<smem>>
    %get3A_790 = arith.constant 1 : index
    %get3A_791 = memref.load %arg12[%get3A_790] : memref<2xf32, #tpu.memory_space<smem>>
    %add3A_792 = vector.broadcast %get3A_791 : f32 to vector<48x48x64xf32>
    %add3A_793 = arith.addf %add3A_786, %add3A_792 : vector<48x48x64xf32>
    %ge3A_794 = arith.constant 0.000000e+00 : f32
    %ge3A_795 = vector.broadcast %ge3A_794 : f32 to vector<48x48x64xf32>
    %ge3A_796 = arith.cmpf oge, %add3A_793, %ge3A_795 : vector<48x48x64xf32>
    %mul3A_797 = arith.constant 0.00999999977 : f32
    %mul3A_798 = vector.broadcast %mul3A_797 : f32 to vector<48x48x64xf32>
    %mul3A_799 = arith.mulf %mul3A_798, %add3A_793 : vector<48x48x64xf32>
    %select_n3A_800 = arith.select %ge3A_796, %add3A_793, %mul3A_799 : vector<48x48x64xi1>, vector<48x48x64xf32>
    %mul3A_801 = vector.broadcast %get3A_789 : f32 to vector<48x48x64xf32>
    %mul3A_802 = arith.mulf %mul3A_801, %select_n3A_800 : vector<48x48x64xf32>
    %add3A_803 = arith.addf %add3A_739, %mul3A_802 : vector<48x48x64xf32>
    %get3A_804 = arith.constant 0 : index
    %get3A_805 = arith.constant 6 : index
    %get3A_806 = memref.load %arg17[%get3A_804, %get3A_805] : memref<1x16xf32, #tpu.memory_space<smem>>
    %get3A_807 = arith.constant 0 : index
    %get3A_808 = arith.constant 2 : index
    %get3A_809 = arith.constant 2 : index
    %get3A_810 = arith.constant 0 : index
    %get3A_811 = vector.load %arg23[%get3A_807, %get3A_808, %get3A_809, %get3A_810] : memref<2x52x52x64xf32, #tpu.memory_space<vmem>>, vector<1x48x48x64xf32>
    %get3A_812 = vector.shape_cast %get3A_811 : vector<1x48x48x64xf32> to vector<48x48x64xf32>
    %mul3A_813 = vector.broadcast %get3A_806 : f32 to vector<48x48x64xf32>
    %mul3A_814 = arith.mulf %mul3A_813, %get3A_812 : vector<48x48x64xf32>
    %add3A_815 = arith.addf %add3A_803, %mul3A_814 : vector<48x48x64xf32>
    %get3A_816 = arith.constant 0 : index
    %get3A_817 = arith.constant 7 : index
    %get3A_818 = memref.load %arg17[%get3A_816, %get3A_817] : memref<1x16xf32, #tpu.memory_space<smem>>
    %get3A_819 = arith.constant 1 : index
    %get3A_820 = arith.constant 2 : index
    %get3A_821 = arith.constant 2 : index
    %get3A_822 = arith.constant 0 : index
    %get3A_823 = vector.load %arg23[%get3A_819, %get3A_820, %get3A_821, %get3A_822] : memref<2x52x52x64xf32, #tpu.memory_space<vmem>>, vector<1x48x48x64xf32>
    %get3A_824 = vector.shape_cast %get3A_823 : vector<1x48x48x64xf32> to vector<48x48x64xf32>
    %mul3A_825 = vector.broadcast %get3A_818 : f32 to vector<48x48x64xf32>
    %mul3A_826 = arith.mulf %mul3A_825, %get3A_824 : vector<48x48x64xf32>
    %add3A_827 = arith.addf %add3A_815, %mul3A_826 : vector<48x48x64xf32>
    %get3A_828 = arith.constant 0 : index
    %get3A_829 = arith.constant 0 : index
    %get3A_830 = arith.constant 0 : index
    %get3A_831 = vector.load %arg5[%get3A_828, %get3A_829, %get3A_830] : memref<48x48x64xi8, #tpu.memory_space<vmem>>, vector<48x48x64xi8>
    %ne3A = arith.constant 0 : i8
    %ne3A_832 = vector.broadcast %ne3A : i8 to vector<48x48x64xi8>
    %ne3A_833 = arith.cmpi ne, %get3A_831, %ne3A_832 : vector<48x48x64xi8>
    %jit3A = arith.constant 0.000000e+00 : f32
    %broadcast_in_dim3A_834 = vector.broadcast %jit3A : f32 to vector<48x48x64xf32>
    %select_n3A_835 = arith.select %ne3A_833, %add3A_827, %broadcast_in_dim3A_834 : vector<48x48x64xi1>, vector<48x48x64xf32>
    %get3A_836 = arith.constant 0 : index
    %get3A_837 = arith.constant 0 : index
    %get3A_838 = arith.constant 0 : index
    %get3A_839 = vector.load %arg6[%get3A_836, %get3A_837, %get3A_838] : memref<48x48x64xi8, #tpu.memory_space<vmem>>, vector<48x48x64xi8>
    %ne3A_840 = arith.constant 0 : i8
    %ne3A_841 = vector.broadcast %ne3A_840 : i8 to vector<48x48x64xi8>
    %ne3A_842 = arith.cmpi ne, %get3A_839, %ne3A_841 : vector<48x48x64xi8>
    %jit3A_843 = arith.constant 0.000000e+00 : f32
    %broadcast_in_dim3A_844 = vector.broadcast %jit3A_843 : f32 to vector<48x48x64xf32>
    %select_n3A_845 = arith.select %ne3A_842, %add3A_827, %broadcast_in_dim3A_844 : vector<48x48x64xi1>, vector<48x48x64xf32>
    %iota3A = tpu.iota {dimensions = array<i32: 2>} : vector<48x48x64xi32>
    %jit3A_846 = arith.constant 32 : i32
    %eq3A = arith.constant 0 : i32
    %eq3A_847 = arith.cmpi eq, %jit3A_846, %eq3A : i32
    %jit3A_848 = arith.constant 1 : i32
    %select_n3A_849 = arith.select %eq3A_847, %jit3A_848, %jit3A_846 : i32
    %rem3A = vector.broadcast %select_n3A_849 : i32 to vector<48x48x64xi32>
    %rem3A_850 = arith.remsi %iota3A, %rem3A : vector<48x48x64xi32>
    %ne3A_851 = arith.constant 0 : i32
    %ne3A_852 = vector.broadcast %ne3A_851 : i32 to vector<48x48x64xi32>
    %ne3A_853 = arith.cmpi ne, %rem3A_850, %ne3A_852 : vector<48x48x64xi32>
    %lt3A = arith.constant 0 : i32
    %lt3A_854 = vector.broadcast %lt3A : i32 to vector<48x48x64xi32>
    %lt3A_855 = arith.cmpi slt, %rem3A_850, %lt3A_854 : vector<48x48x64xi32>
    %lt3A_856 = arith.constant 0 : i32
    %lt3A_857 = arith.cmpi slt, %select_n3A_849, %lt3A_856 : i32
    %ne3A_858 = vector.broadcast %lt3A_857 : i1 to vector<48x48x64xi1>
    %ne3A_859 = vector.broadcast %ne3A_858 : vector<48x48x64xi1> to vector<48x48x64xi1>
    %ne3A_860 = arith.xori %lt3A_855, %ne3A_859 : vector<48x48x64xi1>
    %and3A = arith.andi %ne3A_860, %ne3A_853 : vector<48x48x64xi1>
    %add3A_861 = vector.broadcast %select_n3A_849 : i32 to vector<48x48x64xi32>
    %add3A_862 = arith.addi %rem3A_850, %add3A_861 : vector<48x48x64xi32>
    %select_n3A_863 = arith.select %and3A, %add3A_862, %rem3A_850 : vector<48x48x64xi1>, vector<48x48x64xi32>
    %mul3A_864 = arith.constant 1024 : i32
    %mul3A_865 = vector.broadcast %mul3A_864 : i32 to vector<48x48x64xi32>
    %mul3A_866 = arith.muli %select_n3A_863, %mul3A_865 : vector<48x48x64xi32>
    %get3A_867 = arith.constant 1 : index
    %get3A_868 = arith.constant 0 : index
    %get3A_869 = arith.constant 0 : index
    %get3A_870 = arith.constant 0 : index
    %get3A_871 = vector.load %arg4[%get3A_867, %get3A_868, %get3A_869, %get3A_870] : memref<2x48x48x64xf32, #tpu.memory_space<vmem>>, vector<1x48x48x64xf32>
    %get3A_872 = vector.shape_cast %get3A_871 : vector<1x48x48x64xf32> to vector<48x48x64xf32>
    %convert_element_type3A = arith.fptosi %get3A_872 : vector<48x48x64xf32> to vector<48x48x64xi32>
    %add3A_873 = arith.addi %mul3A_866, %convert_element_type3A : vector<48x48x64xi32>
    %get3A_874 = arith.constant 0 : index
    %get3A_875 = arith.constant 0 : index
    %get3A_876 = arith.constant 0 : index
    %get3A_877 = arith.constant 0 : index
    %get3A_878 = vector.load %arg4[%get3A_874, %get3A_875, %get3A_876, %get3A_877] : memref<2x48x48x64xf32, #tpu.memory_space<vmem>>, vector<1x48x48x64xf32>
    %get3A_879 = vector.shape_cast %get3A_878 : vector<1x48x48x64xf32> to vector<48x48x64xf32>
    %convert_element_type3A_880 = arith.fptosi %get3A_879 : vector<48x48x64xf32> to vector<48x48x64xi32>
    %add3A_881 = arith.addi %mul3A_866, %convert_element_type3A_880 : vector<48x48x64xi32>
    %broadcast_in_dim3A_882 = arith.constant 0.000000e+00 : f32
    %broadcast_in_dim3A_883 = vector.broadcast %broadcast_in_dim3A_882 : f32 to vector<48x48x64xf32>
    %broadcast_in_dim3A_884 = arith.constant 0 : i32
    %broadcast_in_dim3A_885 = vector.broadcast %broadcast_in_dim3A_884 : i32 to vector<48x48x64xi32>
    %concatenate3A = tpu.concatenate %select_n3A_835, %broadcast_in_dim3A_883 in 2 : vector<48x48x64xf32>, vector<48x48x64xf32> -> vector<48x48x128xf32>
    %swap3A_886 = arith.constant 0 : index
    %swap3A_887 = arith.constant 0 : index
    %swap3A_888 = arith.constant 0 : index
    %swap3A_889 = vector.load %arg19[%swap3A_886, %swap3A_887, %swap3A_888] : memref<48x48x128xf32, #tpu.memory_space<vmem>>, vector<48x48x128xf32>
    tpu.vector_store %arg19[%swap3A_886, %swap3A_887, %swap3A_888], %concatenate3A {strides = array<i32>} : memref<48x48x128xf32, #tpu.memory_space<vmem>>, vector<48x48x128xf32>,
    %concatenate3A_890 = tpu.concatenate %select_n3A_845, %broadcast_in_dim3A_883 in 2 : vector<48x48x64xf32>, vector<48x48x64xf32> -> vector<48x48x128xf32>
    %swap3A_891 = arith.constant 0 : index
    %swap3A_892 = arith.constant 0 : index
    %swap3A_893 = arith.constant 0 : index
    %swap3A_894 = vector.load %arg20[%swap3A_891, %swap3A_892, %swap3A_893] : memref<48x48x128xf32, #tpu.memory_space<vmem>>, vector<48x48x128xf32>
    tpu.vector_store %arg20[%swap3A_891, %swap3A_892, %swap3A_893], %concatenate3A_890 {strides = array<i32>} : memref<48x48x128xf32, #tpu.memory_space<vmem>>, vector<48x48x128xf32>,
    %concatenate3A_895 = tpu.concatenate %add3A_873, %broadcast_in_dim3A_885 in 2 : vector<48x48x64xi32>, vector<48x48x64xi32> -> vector<48x48x128xi32>
    %swap3A_896 = arith.constant 0 : index
    %swap3A_897 = arith.constant 0 : index
    %swap3A_898 = arith.constant 0 : index
    %swap3A_899 = vector.load %arg21[%swap3A_896, %swap3A_897, %swap3A_898] : memref<48x48x128xi32, #tpu.memory_space<vmem>>, vector<48x48x128xi32>
    tpu.vector_store %arg21[%swap3A_896, %swap3A_897, %swap3A_898], %concatenate3A_895 {strides = array<i32>} : memref<48x48x128xi32, #tpu.memory_space<vmem>>, vector<48x48x128xi32>,
    %concatenate3A_900 = tpu.concatenate %add3A_881, %broadcast_in_dim3A_885 in 2 : vector<48x48x64xi32>, vector<48x48x64xi32> -> vector<48x48x128xi32>
    %swap3A_901 = arith.constant 0 : index
    %swap3A_902 = arith.constant 0 : index
    %swap3A_903 = arith.constant 0 : index
    %swap3A_904 = vector.load %arg22[%swap3A_901, %swap3A_902, %swap3A_903] : memref<48x48x128xi32, #tpu.memory_space<vmem>>, vector<48x48x128xi32>
    tpu.vector_store %arg22[%swap3A_901, %swap3A_902, %swap3A_903], %concatenate3A_900 {strides = array<i32>} : memref<48x48x128xi32, #tpu.memory_space<vmem>>, vector<48x48x128xi32>,
    return
  }
}

</mosaic_0001>

<sc_bundles>
// kernel: kernel.5.cloned.1.call-start
scs
__scs_entry_jumppad:
0x0: {  	(pc) =	sbr.rel $0x88, $3  }
0x1: {  	(tag) =	ssettag $0x0;
	lr =	simm.s32 $0x1  }
0x2: {  	[smem:$0x3F88] =	sst lr;
	_ =	strace $0xD0000000  }
0x3: {  	_ = 	snop  }
0x4: {  	_ = 	snop  }
0x5: {  	_ = 	snop  }
0x6: {  	_ = 	snop  }
0x7: {  	_ = 	snop  }
__scs_overlays_trampoline_lowered:
0x8: {  	[smem:$0x3F97] =	sst s0  }
0x9: {  	[smem:$0x3F98] =	sst s1  }
0xa: {  	[smem:$0x3F99] =	sst s2  }
0xb: {  	[smem:$0x3F9A] =	sst s3  }
0xc: {  	[smem:$0x3F9B] =	sst s4  }
0xd: {  	[smem:$0x3F9C] =	sst s5  }
0xe: {  	[smem:$0x3F9D] =	sst s6  }
0xf: {  	[smem:$0x3F9E] =	sst s7  }
0x10: {  	[smem:$0x3F9F] =	sst s8  }
0x11: {  	[smem:$0x3FA0] =	sst s9;
	s0 =	simm.s32 @!p0 $0x0  }
0x12: {  	s1 =	sld [smem:$0x3F86];
	s0 =	simm.s32 @p0 $0x1  }
0x13: {  	[smem:$0x3FA1] =	sst s0;
	s0 =	simm.s32 @!p1 $0x0  }
0x14: {  	s2 =	sld [smem:$0x3F85];
	s0 =	simm.s32 @p1 $0x1  }
0x15: {  	[smem:$0x3FA2] =	sst s0;
	s0 =	simm.s32 @!p2 $0x0  }
0x16: {  	s3 =	sld [smem:$0x3FDB];
	s0 =	simm.s32 @p2 $0x1  }
0x17: {  	s4 =	simm.s32 $0x1BF5;
	[smem:$0x3FA4] =	sst s0  }
0x18: {  	s0 =	sld [smem:$0x3F87];
	_ =	swait.ge [sflag:s4], $0x0  }
0x19: {  	s7 =	sld [smem:$0x3F88]  }
0x1a: {  	s8 =	sadd.s32 $0xFFFFE003, lr  }
0x1b: {  	s9 =	sadd.s32 $0xFFFFFEF7, lr;
	s5 =	simm.s32 $0xFFFFFFFF;
	p2 =	slt.u32 s8, $0xFFFFF086  }
0x1c: {  	p1 =	slt.u32 s9, $0xF7A;
	s5 =	simm.s32 @!p2 $0x0  }
0x1d: {  	s5 =	simm.s32 @p1 $0x1;
	p0 =	seq.s32 s7, s2  }
0x1e: {  	s7 =	smul.u32 @!p0 $0xF7A, s2;
	p2 =	seq.s32 @!p0 s5, $0x0  }
0x1f: {  	s9 =	smul.u32 $0xF7A, s1;
	s8 =	simm.s32 @!p0 $0x1BF5;
	p2 =	por !p2, p0  }
0x20: {  	[sflag:s8] =	ssyncset.s32 @!p0 $0xFFFFF086;
	s6 =	sadd.s32 @!p0 s3, s7;
	s7 =	simm.s32 @!p0 $0x108  }
0x21: {  	s3 =	sadd.s32 s3, s9;
	s6 =	sadd.s32 @!p0 $0x88, s6;
	s7 =	simm.s32 @p2 $0x1082  }
0x22: {  	[simem:s7], [sflag:s8] =	dma.local @!p0 [hbm:s6], $0xF7A  }
0x23: {  	s9 =	sor.u32 $0xD0000000, s2;
	s6 =	simm.s32 $0x108;
	_ =	swait.ge @!p0 [sflag:s8], $0x0  }
0x24: {  	s3 =	sadd.s32 $0x88, s3;
	s6 =	simm.s32 @!p1 $0x1082;
	[sflag:s4] =	ssyncset.s32 $0xFFFFF086  }
0x25: {  	[simem:s6], [sflag:s4] =	dma.local [hbm:s3], $0xF7A  }
0x26: {  	[smem:$0x3F88] =	sst s1;
	(tag) =	ssettag s2;
	_ =	strace s9  }
0x27: {  	s1 =	sld [smem:$0x3F98]  }
0x28: {  	s2 =	sld [smem:$0x3F99]  }
0x29: {  	s4 =	sld [smem:$0x3F9B]  }
0x2a: {  	p0 =	seq.s32 s5, $0x0;
	s5 =	sld [smem:$0x3F9C]  }
0x2b: {  	s6 =	sld [smem:$0x3F9D]  }
0x2c: {  	s7 =	sld [smem:$0x3F9E]  }
0x2d: {  	s3 =	simm.s32 $0x108;
	s8 =	sld [smem:$0x3F9F]  }
0x2e: {  	s3 =	simm.s32 @!p0 $0x1082;
	s9 =	sld [smem:$0x3FA0]  }
0x2f: {  	lr =	sadd.s32 s0, s3;
	s0 =	sld [smem:$0x3F97]  }
0x30: {  	s3 =	sld [smem:$0x3F9A]  }
0x31: {  	[smem:$0x3FA3] =	sst s10  }
0x32: {  	s10 =	sld [smem:$0x3FA1];
	_ =	sdelay $0x3  }
0x33: {  	p0 =	seq.s32 s10, $0x1;
	s10 =	sld [smem:$0x3FA3];
	_ =	sdelay $0x3  }
0x34: {  	[smem:$0x3FA3] =	sst s10  }
0x35: {  	s10 =	sld [smem:$0x3FA2];
	_ =	sdelay $0x3  }
0x36: {  	p1 =	seq.s32 s10, $0x1;
	s10 =	sld [smem:$0x3FA3];
	_ =	sdelay $0x3  }
0x37: {  	[smem:$0x3FA3] =	sst s10  }
0x38: {  	s10 =	sld [smem:$0x3FA4]  }
0x39: {  	_ = 	snop;
	(pc) =	sbr.ind lr, $3  }
0x3a: {  	_ = 	snop  }
0x3b: {  	_ = 	snop  }
0x3c: {  	p2 =	seq.s32 s10, $0x1;
	s10 =	sld [smem:$0x3FA3]  }
0x3d: {  	_ =	shalt  }
0x3e: {  	_ =	shalt  }
0x3f: {  	_ =	shalt  }
0x40: {  	_ =	shalt  }
0x41: {  	_ =	shalt  }
0x42: {  	_ =	shalt  }
0x43: {  	_ =	shalt  }
0x44: {  	_ =	shalt  }
0x45: {  	_ =	shalt  }
0x46: {  	_ =	shalt  }
0x47: {  	_ =	shalt  }
0x48: {  	_ =	shalt  }
0x49: {  	_ =	shalt  }
0x4a: {  	_ =	shalt  }
0x4b: {  	_ =	shalt  }
0x4c: {  	_ =	shalt  }
0x4d: {  	_ =	shalt  }
0x4e: {  	_ =	shalt  }
0x4f: {  	_ =	shalt  }
0x50: {  	_ =	shalt  }
0x51: {  	_ =	shalt  }
0x52: {  	_ =	shalt  }
0x53: {  	_ =	shalt  }
0x54: {  	_ =	shalt  }
0x55: {  	_ =	shalt  }
0x56: {  	_ =	shalt  }
0x57: {  	_ =	shalt  }
0x58: {  	_ =	shalt  }
0x59: {  	_ =	shalt  }
0x5a: {  	_ =	shalt  }
0x5b: {  	_ =	shalt  }
0x5c: {  	_ =	shalt  }
0x5d: {  	_ =	shalt  }
0x5e: {  	_ =	shalt  }
0x5f: {  	_ =	shalt  }
0x60: {  	_ =	shalt  }
0x61: {  	_ =	shalt  }
0x62: {  	_ =	shalt  }
0x63: {  	_ =	shalt  }
0x64: {  	_ =	shalt  }
0x65: {  	_ =	shalt  }
0x66: {  	_ =	shalt  }
0x67: {  	_ =	shalt  }
0x68: {  	_ =	shalt  }
0x69: {  	_ =	shalt  }
0x6a: {  	_ =	shalt  }
0x6b: {  	_ =	shalt  }
0x6c: {  	_ =	shalt  }
0x6d: {  	_ =	shalt  }
0x6e: {  	_ =	shalt  }
0x6f: {  	_ =	shalt  }
0x70: {  	_ =	shalt  }
0x71: {  	_ =	shalt  }
0x72: {  	_ =	shalt  }
0x73: {  	_ =	shalt  }
0x74: {  	_ =	shalt  }
0x75: {  	_ =	shalt  }
0x76: {  	_ =	shalt  }
0x77: {  	_ =	shalt  }
0x78: {  	_ =	shalt  }
0x79: {  	_ =	shalt  }
0x7a: {  	_ =	shalt  }
0x7b: {  	_ =	shalt  }
0x7c: {  	_ =	shalt  }
0x7d: {  	_ =	shalt  }
0x7e: {  	_ =	shalt  }
0x7f: {  	_ =	shalt  }
0x80: {  	_ =	shalt  }
0x81: {  	_ =	shalt  }
0x82: {  	_ =	shalt  }
0x83: {  	_ =	shalt  }
0x84: {  	_ =	shalt  }
0x85: {  	_ =	shalt  }
0x86: {  	_ =	shalt  }
0x87: {  	_ =	shalt  }
.Lfunc_end0:
.L_simem_size_0:
called_computation_lowered:
.L_overlay_start_0:
0x88: {  	s2 =	sld [smem:$0x3FD9]  }
0x89: {  	s3 =	sld [smem:$0x3FFE];
	_ =	sdelay $0x1  }
0x8a: {  	s1 =	srdreg.scid  }
0x8b: {  	s0 =	sand.u32 $0x1, s1  }
0x8c: {  	s16 =	sshll.u32 s0, $0xA;
	s2 =	sadd.s32 s3, s2  }
0x8d: {  	s2 =	sadd.s32 s2, s16  }
0x8e: {  	[smem:$0x3FAF] =	sst s2  }
0x8f: {  	_ = 	snop  }
0x90: {  	(tm) =	ssettm $0x1  }
0x91: {  	s17 =	sld [smem:$0x3FFB];
	_ =	sdelay $0x3  }
0x92: {  	_ =	strace s17  }
0x93: {  	s2 =	sld [smem:$0x3FFC];
	_ =	sdelay $0x3  }
0x94: {  	_ =	strace s2  }
0x95: {  	s2 =	sld [smem:$0x3FFD];
	_ =	sdelay $0x3  }
0x96: {  	_ =	strace s2  }
0x97: {  	_ =	strace $0x8FFFFFFF  }
0x98: {  	s18 =	sld [smem:$0x3FDB];
	_ =	sdelay $0x1  }
0x99: {  	s19 =	simm.s32 $_scs_section_size  }
0x9a: {  	s4 =	simm.s32 $_size__tile_overlayer_lowered;
	s5 =	simm.s32 $_tile_overlayer_lowered  }
0x9b: {  	s22 =	simm.s32 $0x1BFF;
	s21 =	sshll.u32 s5, $0x1;
	s2 =	sadd.s32 s19, s18  }
0x9c: {  	s6 =	simm.s32 $0x0;
	s20 =	sshll.u32 s4, $0x1;
	s4 =	sadd.s32 s21, s2  }
0x9d: {  	[timem:s6], [sflag:s22] =	dma.local [hbm:s4], s20  }
0x9e: {  	_ =	swait.ge [sflag:s22], s20  }
0x9f: {  	s3 =	ssub.s32 $0x0, s20;
	[sflag:s22] =	ssyncset.done $0x0  }
0xa0: {  	[sflag:s22] =	ssyncadd.s32 s3;
	_ =	sdelay $0x1  }
0xa1: {  	s23 =	simm.s32 $0x1B8B  }
0xa2: {  	_ =	swait.ge [sflag:s23], $0x1  }
0xa3: {  	[sflag:s23] =	ssyncset.done $0x0  }
0xa4: {  	s25 =	simm.s32 $0x1B8E;
	s24 =	sld [smem:$0x3FFE];
	[sflag:s23] =	ssyncadd.s32 $0xFFFFFFFF  }
0xa5: {  	s26 =	simm.s32 $execute0_lowered;
	[smem:$0x3FD2] =	sst s25  }
0xa6: {  	s4 =	sshll.u32 s26, $0x1;
	_ =	strace $0x80000046;
	[dreg:$0x1] =	wrdreg $0xFFFFFFFF  }
0xa7: {  	s28 =	simm.s32 $_size_execute0_lowered;
	s2 =	sadd.s32 s2, s4;
	[dreg:$0x0] =	wrdreg $0x0  }
0xa8: {  	s4 =	sshll.u32 s28, $0x1;
	[dreg:$0x2] =	wrdreg s2  }
0xa9: {  	[dreg:$0x3] =	wrdreg s4  }
0xaa: {  	[dreg:$0x4] =	wrdreg $0xC0  }
0xab: {  	_ =	task [dreg:s6], $0x5FFFF  }
0xac: {  	[dreg:$0x1] =	wrdreg $0xFFFFFFFF  }
0xad: {  	[dreg:$0x0] =	wrdreg $0x60  }
0xae: {  	[dreg:$0x2] =	wrdreg s24  }
0xaf: {  	[dreg:$0x3] =	wrdreg $0x128000  }
0xb0: {  	[dreg:$0x4] =	wrdreg $0x9  }
0xb1: {  	_ =	task.clear_ibuf [dreg:s6], $0x5FFFF;
	_ =	strace $0x90000046  }
0xb2: {  	s29 =	simm.s32 $0x9;
	_ =	strace $0x80000048  }
0xb3: {  	_ =	swait.ge [sflag:s29], $0x1  }
0xb4: {  	[sflag:s29] =	ssyncadd.s32 $0xFFFFFFFF  }
0xb5: {  	_ =	strace $0x90000048  }
0xb6: {  	_ =	sfence  }
0xb7: {  	s30 =	sld [smem:$0x0];
	_ =	sdelay $0x2  }
0xb8: {  	s31 =	sshll.u32 s1, $0xD;
	s1 =	sshrl.u32 s1, $0x2  }
0xb9: {  	s3 =	sand.u32 $0x4000, s31;
	s1 =	sadd.s32 s1, s30  }
0xba: {  	s0 =	sor.u32 s3, s0;
	s1 =	sshll.u32 s1, $0x11  }
0xbb: {  	s0 =	sor.u32 s1, s0  }
0xbc: {  	s0 =	sadd.s32 $0x8F2B, s0  }
0xbd: {  	[sflag:s0] =	ssyncadd.remote.s32 $0x1  }
0xbe: {  	_ =	sfence.sel $0xFFFF  }
0xbf: {  	[dreg:$0x0] =	wrdreg $0xFFFFFFFF;
	(pc) =	sbr.abs _section_cstart, $3  }
0xc0: {  	[dreg:$0x1] =	wrdreg $0xFFFFFFFF  }
0xc1: {  	_ =	task.clear_ibuf [dreg:s6], $0x2FFFF;
	_ =	strace $0x9FFFFFFF  }
0xc2: {  	(tm) =	ssettm $0x7FFFFFFF  }
0xc3: {  	_ =	shalt  }
tec
execute0_lowered:
.L_overlay_start_1:
0x0: {  	(tag) =	ssettag $0x1  }
0x1: {  	s4 =	rddreg [dreg:$0x0]  }
0x2: {  	s2 =	rddreg [dreg:$0x1];
	s3 =	srdreg.scid  }
0x3: {  	s0 =	rddreg [dreg:$0x2];
	s1 =	stileid.u32;
	s15 =	simm.s32 $0x4800  }
0x4: {  	s16 =	simm.s32 $0x9000;
	s17 =	simm.s32 $0xD800;
	s18 =	simm.s32 $0x12000  }
0x5: {  	s19 =	simm.s32 $0x3;
	s20 =	simm.s32 $0x2;
	s21 =	simm.s32 $0x20  }
0x6: {  	s22 =	simm.s32 $0x1;
	s23 =	simm.s32 $0x0;
	s11 =	sand.u32 $0x1, s3  }
0x7: {  	s3 =	simm.s32 $0x0;
	s8 =	sshll.u32 s1, $0xB;
	s6 =	smul.u32 $0x900, s1  }
0x8: {  	s5 =	sshll.u32 s11, $0xF;
	[smem:$0x7FF] =	sst s3;
	s7 =	ssub.s32 $0x2, s11  }
0x9: {  	s11 =	sshll.u32 s11, $0x5;
	s5 =	sor.u32 s8, s5;
	_ =	strace $0x80000047  }
0xa: {  	s9 =	sadd.s32 s6, s4;
	s31 =	sshrl.u32 s7, $0x1;
	s8 =	sadd.s32 s8, s2  }
0xb: {  	s13 =	sor.u32 $0x9000, s11;
	s14 =	sor.u32 $0xD800, s11;
	s5 =	sshrl.u32 s5, $0x3  }
0xc: {  	s12 =	ssub.s32 s7, s31;
	s6 =	sadd.s32 $0x1FA00, s9;
	s7 =	sadd.s32 $0x16A00, s9  }
0xd: {  	s10 =	sadd.s32 s5, s4;
	s4 =	sadd.s32 $0x4A00, s9;
	s5 =	sadd.s32 $0xDA00, s9  }
0xe: {  	v0 =	vimm.f32 $0.0e+00;
	s9 =	sadd.s32 $0x28A00, s10;
	s10 =	smax.u32 s12, $0x1;
	s12 =	sor.u32 $0x4800, s11  }
.LBB2_1:
0xf: {  	[tilespmem:s3], [sflag:$0x2] =	stream.linear.gather [hbm4b:s4+s3], $0x4800, $0x38;
	[tilespmem:$0x13000] =	vst v63  }
0x10: {  	_ = 	snop  }
0x11: {  	[tilespmem:s15], [sflag:$0x2] =	stream.linear.gather [hbm4b:s5+s3], $0x4800, $0x38;
	[tilespmem:$0x13000] =	vst v63  }
0x12: {  	_ = 	snop  }
0x13: {  	[tilespmem:s16], [sflag:$0x2] =	stream.linear.gather [hbm4b:s6+s3], $0x4800, $0x38;
	[tilespmem:$0x13000] =	vst v63  }
0x14: {  	s24 =	simm.s32 $0x40;
	s25 =	simm.s32 $0x0  }
0x15: {  	[tilespmem:s17], [sflag:$0x2] =	stream.linear.gather [hbm4b:s7+s3], $0x4800, $0x38;
	[tilespmem:$0x13000] =	vst v63  }
.LBB2_2:
0x16: {  	p0 =	sne.s32 s24, $0x1FC0;
	[tilespmem:s25+$0x12000] =	vst v0;
	s25 =	smov.u32 s24;
	s24 =	sadd.s32 $0x40, s24  }
.Ltmp0:
0x17: {  	(pc) =	sbr.rel @p0 .LBB2_2-.Ltmp0, $2  }
0x18: {  	_ =	sdelay $0x2  }
0x19: {  	s25 =	sshra.s32 s25, $0x2  }
0x1a: {  	[tilespmem:s25+$0x12000] =	vst v0  }
0x1b: {  	[spmem:s8] =	stream.linear.scatter [tilespmem:s18], [sflag:$0x3], $0x800, $0x38;
	[tilespmem:$0x13000] =	vst v63  }
0x1c: {  	_ =	swait.ge [sflag:s19], $0x800  }
0x1d: {  	[sflag:s19] =	ssyncset.done $0x0  }
0x1e: {  	[sflag:s19] =	ssyncadd.s32 $0xFFFFF800  }
0x1f: {  	_ =	swait.ge [sflag:s20], $0x4800  }
0x20: {  	[sflag:s20] =	ssyncset.done $0x0  }
0x21: {  	[sflag:s20] =	ssyncadd.s32 $0xFFFFB800  }
0x22: {  	_ =	swait.ge [sflag:s20], $0x4800  }
0x23: {  	[sflag:s20] =	ssyncset.done $0x0  }
0x24: {  	[sflag:s20] =	ssyncadd.s32 $0xFFFFB800  }
0x25: {  	_ =	swait.ge [sflag:s20], $0x4800  }
0x26: {  	[sflag:s20] =	ssyncset.done $0x0  }
0x27: {  	[sflag:s20] =	ssyncadd.s32 $0xFFFFB800  }
0x28: {  	_ =	swait.ge [sflag:s20], $0x4800  }
0x29: {  	[sflag:s20] =	ssyncset.done $0x0  }
0x2a: {  	[sflag:s20] =	ssyncadd.s32 $0xFFFFB800  }
0x2b: {  	s24 =	sadd.s32 $0x0, s12;
	s25 =	sadd.s32 $0x0, s11;
	[bflag:$0x0] =	sbarrier.arrive $0xFFFF  }
0x2c: {  	[spmem:s2] =	stream.indirect.scatter.add.f32 [tilespmem:s24], [sflag:$0x1], $0x1, s25, s21, $0xb8;
	[tilespmem:$0x13000] =	vst v63  }
0x2d: {  	s26 =	sadd.s32 $0x80, s24;
	s28 =	sadd.s32 $0x80, s25  }
0x2e: {  	[spmem:s2] =	stream.indirect.scatter.add.f32 [tilespmem:s26], [sflag:$0x1], $0x1, s28, s21, $0xb8;
	[tilespmem:$0x13000] =	vst v63  }
0x2f: {  	s31 =	sadd.s32 $0x100, s24;
	s29 =	sadd.s32 $0x100, s25  }
0x30: {  	[spmem:s2] =	stream.indirect.scatter.add.f32 [tilespmem:s31], [sflag:$0x1], $0x1, s29, s21, $0xb8;
	[tilespmem:$0x13000] =	vst v63  }
0x31: {  	s30 =	sadd.s32 $0x180, s24;
	s31 =	sadd.s32 $0x180, s25  }
0x32: {  	[spmem:s2] =	stream.indirect.scatter.add.f32 [tilespmem:s30], [sflag:$0x1], $0x1, s31, s21, $0xb8;
	[tilespmem:$0x13000] =	vst v63  }
0x33: {  	s29 =	sadd.s32 $0x200, s24;
	s30 =	sadd.s32 $0x200, s25  }
0x34: {  	[spmem:s2] =	stream.indirect.scatter.add.f32 [tilespmem:s29], [sflag:$0x1], $0x1, s30, s21, $0xb8;
	[tilespmem:$0x13000] =	vst v63  }
0x35: {  	s31 =	sadd.s32 $0x280, s24;
	s29 =	sadd.s32 $0x280, s25  }
0x36: {  	[spmem:s2] =	stream.indirect.scatter.add.f32 [tilespmem:s31], [sflag:$0x1], $0x1, s29, s21, $0xb8;
	[tilespmem:$0x13000] =	vst v63  }
0x37: {  	s30 =	sadd.s32 $0x300, s24;
	s31 =	sadd.s32 $0x300, s25  }
0x38: {  	[spmem:s2] =	stream.indirect.scatter.add.f32 [tilespmem:s30], [sflag:$0x1], $0x1, s31, s21, $0xb8;
	[tilespmem:$0x13000] =	vst v63  }
0x39: {  	s24 =	sadd.s32 $0x380, s24;
	s25 =	sadd.s32 $0x380, s25  }
0x3a: {  	[spmem:s2] =	stream.indirect.scatter.add.f32 [tilespmem:s24], [sflag:$0x1], $0x1, s25, s21, $0xb8;
	[tilespmem:$0x13000] =	vst v63  }
0x3b: {  	_ =	swait.ge [sflag:s22], $0x20  }
0x3c: {  	[sflag:s22] =	ssyncset.done $0x0  }
0x3d: {  	[sflag:s22] =	ssyncadd.s32 $0xFFFFFFE0  }
0x3e: {  	_ =	swait.ge [sflag:s22], $0x20  }
0x3f: {  	[sflag:s22] =	ssyncset.done $0x0  }
0x40: {  	[sflag:s22] =	ssyncadd.s32 $0xFFFFFFE0  }
0x41: {  	_ =	swait.ge [sflag:s22], $0x20  }
0x42: {  	[sflag:s22] =	ssyncset.done $0x0  }
0x43: {  	[sflag:s22] =	ssyncadd.s32 $0xFFFFFFE0  }
0x44: {  	_ =	swait.ge [sflag:s22], $0x20  }
0x45: {  	[sflag:s22] =	ssyncset.done $0x0  }
0x46: {  	[sflag:s22] =	ssyncadd.s32 $0xFFFFFFE0  }
0x47: {  	_ =	swait.ge [sflag:s22], $0x20  }
0x48: {  	[sflag:s22] =	ssyncset.done $0x0  }
0x49: {  	[sflag:s22] =	ssyncadd.s32 $0xFFFFFFE0  }
0x4a: {  	_ =	swait.ge [sflag:s22], $0x20  }
0x4b: {  	[sflag:s22] =	ssyncset.done $0x0  }
0x4c: {  	[sflag:s22] =	ssyncadd.s32 $0xFFFFFFE0  }
0x4d: {  	_ =	swait.ge [sflag:s22], $0x20  }
0x4e: {  	[sflag:s22] =	ssyncset.done $0x0  }
0x4f: {  	[sflag:s22] =	ssyncadd.s32 $0xFFFFFFE0  }
0x50: {  	_ =	swait.ge [sflag:s22], $0x20  }
0x51: {  	s26 =	simm.s32 $0x2000;
	s24 =	simm.s32 $0x400;
	[sflag:s22] =	ssyncset.done $0x0  }
.LBB2_4:
0x52: {  	s28 =	sadd.s32 s24, s12  }
0x53: {  	s29 =	sadd.s32 s24, s11;
	[sflag:s22] =	ssyncadd.s32 $0xFFFFFFE0;
	s24 =	smov.u32 s26  }
0x54: {  	[spmem:s2] =	stream.indirect.scatter.add.f32 [tilespmem:s28], [sflag:$0x1], $0x1, s29, s21, $0xb8;
	[tilespmem:$0x13000] =	vst v63  }
0x55: {  	s25 =	sadd.s32 $0x1000, s26;
	s30 =	sadd.s32 $0x80, s28;
	s31 =	sadd.s32 $0x80, s29  }
0x56: {  	[spmem:s2] =	stream.indirect.scatter.add.f32 [tilespmem:s30], [sflag:$0x1], $0x1, s31, s21, $0xb8;
	[tilespmem:$0x13000] =	vst v63  }
0x57: {  	p0 =	sne.s32 s26, $0x11000;
	s26 =	sadd.s32 $0x100, s28;
	s30 =	sadd.s32 $0x100, s29  }
0x58: {  	[spmem:s2] =	stream.indirect.scatter.add.f32 [tilespmem:s26], [sflag:$0x1], $0x1, s30, s21, $0xb8;
	[tilespmem:$0x13000] =	vst v63  }
0x59: {  	s26 =	sadd.s32 $0x180, s28;
	s30 =	sadd.s32 $0x180, s29  }
0x5a: {  	[spmem:s2] =	stream.indirect.scatter.add.f32 [tilespmem:s26], [sflag:$0x1], $0x1, s30, s21, $0xb8;
	[tilespmem:$0x13000] =	vst v63  }
0x5b: {  	s26 =	sadd.s32 $0x200, s28;
	s30 =	sadd.s32 $0x200, s29  }
0x5c: {  	[spmem:s2] =	stream.indirect.scatter.add.f32 [tilespmem:s26], [sflag:$0x1], $0x1, s30, s21, $0xb8;
	[tilespmem:$0x13000] =	vst v63  }
0x5d: {  	s26 =	sadd.s32 $0x280, s28;
	s30 =	sadd.s32 $0x280, s29  }
0x5e: {  	[spmem:s2] =	stream.indirect.scatter.add.f32 [tilespmem:s26], [sflag:$0x1], $0x1, s30, s21, $0xb8;
	[tilespmem:$0x13000] =	vst v63  }
0x5f: {  	s26 =	sadd.s32 $0x300, s28;
	s30 =	sadd.s32 $0x300, s29  }
0x60: {  	[spmem:s2] =	stream.indirect.scatter.add.f32 [tilespmem:s26], [sflag:$0x1], $0x1, s30, s21, $0xb8;
	[tilespmem:$0x13000] =	vst v63  }
0x61: {  	s26 =	sadd.s32 $0x380, s28;
	s28 =	sadd.s32 $0x380, s29  }
0x62: {  	[spmem:s2] =	stream.indirect.scatter.add.f32 [tilespmem:s26], [sflag:$0x1], $0x1, s28, s21, $0xb8;
	[tilespmem:$0x13000] =	vst v63  }
0x63: {  	_ =	swait.ge [sflag:s22], $0x20  }
0x64: {  	[sflag:s22] =	ssyncset.done $0x0  }
0x65: {  	[sflag:s22] =	ssyncadd.s32 $0xFFFFFFE0  }
0x66: {  	_ =	swait.ge [sflag:s22], $0x20  }
0x67: {  	[sflag:s22] =	ssyncset.done $0x0  }
0x68: {  	[sflag:s22] =	ssyncadd.s32 $0xFFFFFFE0  }
0x69: {  	_ =	swait.ge [sflag:s22], $0x20  }
0x6a: {  	[sflag:s22] =	ssyncset.done $0x0  }
0x6b: {  	[sflag:s22] =	ssyncadd.s32 $0xFFFFFFE0  }
0x6c: {  	_ =	swait.ge [sflag:s22], $0x20  }
0x6d: {  	[sflag:s22] =	ssyncset.done $0x0  }
0x6e: {  	[sflag:s22] =	ssyncadd.s32 $0xFFFFFFE0  }
0x6f: {  	_ =	swait.ge [sflag:s22], $0x20  }
0x70: {  	[sflag:s22] =	ssyncset.done $0x0  }
0x71: {  	[sflag:s22] =	ssyncadd.s32 $0xFFFFFFE0  }
0x72: {  	_ =	swait.ge [sflag:s22], $0x20  }
0x73: {  	[sflag:s22] =	ssyncset.done $0x0  }
0x74: {  	[sflag:s22] =	ssyncadd.s32 $0xFFFFFFE0  }
.Ltmp1:
0x75: {  	_ =	swait.ge [sflag:s22], $0x20;
	(pc) =	sbr.rel @p0 .LBB2_4-.Ltmp1, $4  }
0x76: {  	[sflag:s22] =	ssyncset.done $0x0  }
0x77: {  	[sflag:s22] =	ssyncadd.s32 $0xFFFFFFE0  }
0x78: {  	_ =	swait.ge [sflag:s22], $0x20  }
0x79: {  	s24 =	sshra.s32 s24, $0x2;
	s26 =	smov.u32 s25;
	[sflag:s22] =	ssyncset.done $0x0  }
0x7a: {  	s25 =	sadd.s32 s24, s12;
	s24 =	sadd.s32 s24, s11;
	[sflag:s22] =	ssyncadd.s32 $0xFFFFFFE0  }
0x7b: {  	[spmem:s2] =	stream.indirect.scatter.add.f32 [tilespmem:s25], [sflag:$0x1], $0x1, s24, s21, $0xb8;
	[tilespmem:$0x13000] =	vst v63  }
0x7c: {  	s26 =	sadd.s32 $0x80, s25;
	s28 =	sadd.s32 $0x80, s24  }
0x7d: {  	[spmem:s2] =	stream.indirect.scatter.add.f32 [tilespmem:s26], [sflag:$0x1], $0x1, s28, s21, $0xb8;
	[tilespmem:$0x13000] =	vst v63  }
0x7e: {  	s31 =	sadd.s32 $0x100, s25;
	s29 =	sadd.s32 $0x100, s24  }
0x7f: {  	[spmem:s2] =	stream.indirect.scatter.add.f32 [tilespmem:s31], [sflag:$0x1], $0x1, s29, s21, $0xb8;
	[tilespmem:$0x13000] =	vst v63  }
0x80: {  	s30 =	sadd.s32 $0x180, s25;
	s31 =	sadd.s32 $0x180, s24  }
0x81: {  	[spmem:s2] =	stream.indirect.scatter.add.f32 [tilespmem:s30], [sflag:$0x1], $0x1, s31, s21, $0xb8;
	[tilespmem:$0x13000] =	vst v63  }
0x82: {  	s29 =	sadd.s32 $0x200, s25;
	s30 =	sadd.s32 $0x200, s24  }
0x83: {  	[spmem:s2] =	stream.indirect.scatter.add.f32 [tilespmem:s29], [sflag:$0x1], $0x1, s30, s21, $0xb8;
	[tilespmem:$0x13000] =	vst v63  }
0x84: {  	s31 =	sadd.s32 $0x280, s25;
	s29 =	sadd.s32 $0x280, s24  }
0x85: {  	[spmem:s2] =	stream.indirect.scatter.add.f32 [tilespmem:s31], [sflag:$0x1], $0x1, s29, s21, $0xb8;
	[tilespmem:$0x13000] =	vst v63  }
0x86: {  	s30 =	sadd.s32 $0x300, s25;
	s31 =	sadd.s32 $0x300, s24  }
0x87: {  	[spmem:s2] =	stream.indirect.scatter.add.f32 [tilespmem:s30], [sflag:$0x1], $0x1, s31, s21, $0xb8;
	[tilespmem:$0x13000] =	vst v63  }
0x88: {  	s25 =	sadd.s32 $0x380, s25;
	s24 =	sadd.s32 $0x380, s24  }
0x89: {  	[spmem:s2] =	stream.indirect.scatter.add.f32 [tilespmem:s25], [sflag:$0x1], $0x1, s24, s21, $0xb8;
	[tilespmem:$0x13000] =	vst v63  }
0x8a: {  	_ =	swait.ge [sflag:s22], $0x20  }
0x8b: {  	[sflag:s22] =	ssyncset.done $0x0  }
0x8c: {  	[sflag:s22] =	ssyncadd.s32 $0xFFFFFFE0  }
0x8d: {  	_ =	swait.ge [sflag:s22], $0x20  }
0x8e: {  	[sflag:s22] =	ssyncset.done $0x0  }
0x8f: {  	[sflag:s22] =	ssyncadd.s32 $0xFFFFFFE0  }
0x90: {  	_ =	swait.ge [sflag:s22], $0x20  }
0x91: {  	[sflag:s22] =	ssyncset.done $0x0  }
0x92: {  	[sflag:s22] =	ssyncadd.s32 $0xFFFFFFE0  }
0x93: {  	_ =	swait.ge [sflag:s22], $0x20  }
0x94: {  	[sflag:s22] =	ssyncset.done $0x0  }
0x95: {  	[sflag:s22] =	ssyncadd.s32 $0xFFFFFFE0  }
0x96: {  	_ =	swait.ge [sflag:s22], $0x20  }
0x97: {  	[sflag:s22] =	ssyncset.done $0x0  }
0x98: {  	[sflag:s22] =	ssyncadd.s32 $0xFFFFFFE0  }
0x99: {  	_ =	swait.ge [sflag:s22], $0x20  }
0x9a: {  	[sflag:s22] =	ssyncset.done $0x0  }
0x9b: {  	[sflag:s22] =	ssyncadd.s32 $0xFFFFFFE0  }
0x9c: {  	_ =	swait.ge [sflag:s22], $0x20  }
0x9d: {  	[sflag:s22] =	ssyncset.done $0x0  }
0x9e: {  	[sflag:s22] =	ssyncadd.s32 $0xFFFFFFE0  }
0x9f: {  	_ =	swait.ge [sflag:s22], $0x20  }
0xa0: {  	[sflag:s22] =	ssyncset.done $0x0  }
0xa1: {  	s24 =	sadd.s32 $0x0, s14;
	s25 =	sadd.s32 $0x0, s13;
	[sflag:s22] =	ssyncadd.s32 $0xFFFFFFE0  }
0xa2: {  	[spmem:s2] =	stream.indirect.scatter.add.f32 [tilespmem:s24], [sflag:$0x1], $0x1, s25, s21, $0xb8;
	[tilespmem:$0x13000] =	vst v63  }
0xa3: {  	s29 =	sadd.s32 $0x80, s24;
	s30 =	sadd.s32 $0x80, s25  }
0xa4: {  	[spmem:s2] =	stream.indirect.scatter.add.f32 [tilespmem:s29], [sflag:$0x1], $0x1, s30, s21, $0xb8;
	[tilespmem:$0x13000] =	vst v63  }
0xa5: {  	s31 =	sadd.s32 $0x100, s24;
	s29 =	sadd.s32 $0x100, s25  }
0xa6: {  	[spmem:s2] =	stream.indirect.scatter.add.f32 [tilespmem:s31], [sflag:$0x1], $0x1, s29, s21, $0xb8;
	[tilespmem:$0x13000] =	vst v63  }
0xa7: {  	s30 =	sadd.s32 $0x180, s24;
	s31 =	sadd.s32 $0x180, s25  }
0xa8: {  	[spmem:s2] =	stream.indirect.scatter.add.f32 [tilespmem:s30], [sflag:$0x1], $0x1, s31, s21, $0xb8;
	[tilespmem:$0x13000] =	vst v63  }
0xa9: {  	s29 =	sadd.s32 $0x200, s24;
	s30 =	sadd.s32 $0x200, s25  }
0xaa: {  	[spmem:s2] =	stream.indirect.scatter.add.f32 [tilespmem:s29], [sflag:$0x1], $0x1, s30, s21, $0xb8;
	[tilespmem:$0x13000] =	vst v63  }
0xab: {  	s31 =	sadd.s32 $0x280, s24;
	s29 =	sadd.s32 $0x280, s25  }
0xac: {  	[spmem:s2] =	stream.indirect.scatter.add.f32 [tilespmem:s31], [sflag:$0x1], $0x1, s29, s21, $0xb8;
	[tilespmem:$0x13000] =	vst v63  }
0xad: {  	s30 =	sadd.s32 $0x300, s24;
	s31 =	sadd.s32 $0x300, s25  }
0xae: {  	[spmem:s2] =	stream.indirect.scatter.add.f32 [tilespmem:s30], [sflag:$0x1], $0x1, s31, s21, $0xb8;
	[tilespmem:$0x13000] =	vst v63  }
0xaf: {  	s24 =	sadd.s32 $0x380, s24;
	s25 =	sadd.s32 $0x380, s25  }
0xb0: {  	[spmem:s2] =	stream.indirect.scatter.add.f32 [tilespmem:s24], [sflag:$0x1], $0x1, s25, s21, $0xb8;
	[tilespmem:$0x13000] =	vst v63  }
0xb1: {  	_ =	swait.ge [sflag:s22], $0x20  }
0xb2: {  	[sflag:s22] =	ssyncset.done $0x0  }
0xb3: {  	[sflag:s22] =	ssyncadd.s32 $0xFFFFFFE0  }
0xb4: {  	_ =	swait.ge [sflag:s22], $0x20  }
0xb5: {  	[sflag:s22] =	ssyncset.done $0x0  }
0xb6: {  	[sflag:s22] =	ssyncadd.s32 $0xFFFFFFE0  }
0xb7: {  	_ =	swait.ge [sflag:s22], $0x20  }
0xb8: {  	[sflag:s22] =	ssyncset.done $0x0  }
0xb9: {  	[sflag:s22] =	ssyncadd.s32 $0xFFFFFFE0  }
0xba: {  	_ =	swait.ge [sflag:s22], $0x20  }
0xbb: {  	[sflag:s22] =	ssyncset.done $0x0  }
0xbc: {  	[sflag:s22] =	ssyncadd.s32 $0xFFFFFFE0  }
0xbd: {  	_ =	swait.ge [sflag:s22], $0x20  }
0xbe: {  	[sflag:s22] =	ssyncset.done $0x0  }
0xbf: {  	[sflag:s22] =	ssyncadd.s32 $0xFFFFFFE0  }
0xc0: {  	_ =	swait.ge [sflag:s22], $0x20  }
0xc1: {  	[sflag:s22] =	ssyncset.done $0x0  }
0xc2: {  	[sflag:s22] =	ssyncadd.s32 $0xFFFFFFE0  }
0xc3: {  	_ =	swait.ge [sflag:s22], $0x20  }
0xc4: {  	[sflag:s22] =	ssyncset.done $0x0  }
0xc5: {  	[sflag:s22] =	ssyncadd.s32 $0xFFFFFFE0  }
0xc6: {  	_ =	swait.ge [sflag:s22], $0x20  }
0xc7: {  	s26 =	simm.s32 $0x2000;
	s24 =	simm.s32 $0x400;
	[sflag:s22] =	ssyncset.done $0x0  }
.LBB2_6:
0xc8: {  	s28 =	sadd.s32 s24, s14  }
0xc9: {  	s29 =	sadd.s32 s24, s13;
	[sflag:s22] =	ssyncadd.s32 $0xFFFFFFE0;
	s24 =	smov.u32 s26  }
0xca: {  	[spmem:s2] =	stream.indirect.scatter.add.f32 [tilespmem:s28], [sflag:$0x1], $0x1, s29, s21, $0xb8;
	[tilespmem:$0x13000] =	vst v63  }
0xcb: {  	s25 =	sadd.s32 $0x1000, s26;
	s30 =	sadd.s32 $0x80, s28;
	s31 =	sadd.s32 $0x80, s29  }
0xcc: {  	[spmem:s2] =	stream.indirect.scatter.add.f32 [tilespmem:s30], [sflag:$0x1], $0x1, s31, s21, $0xb8;
	[tilespmem:$0x13000] =	vst v63  }
0xcd: {  	p0 =	sne.s32 s26, $0x11000;
	s26 =	sadd.s32 $0x100, s28;
	s30 =	sadd.s32 $0x100, s29  }
0xce: {  	[spmem:s2] =	stream.indirect.scatter.add.f32 [tilespmem:s26], [sflag:$0x1], $0x1, s30, s21, $0xb8;
	[tilespmem:$0x13000] =	vst v63  }
0xcf: {  	s26 =	sadd.s32 $0x180, s28;
	s30 =	sadd.s32 $0x180, s29  }
0xd0: {  	[spmem:s2] =	stream.indirect.scatter.add.f32 [tilespmem:s26], [sflag:$0x1], $0x1, s30, s21, $0xb8;
	[tilespmem:$0x13000] =	vst v63  }
0xd1: {  	s26 =	sadd.s32 $0x200, s28;
	s30 =	sadd.s32 $0x200, s29  }
0xd2: {  	[spmem:s2] =	stream.indirect.scatter.add.f32 [tilespmem:s26], [sflag:$0x1], $0x1, s30, s21, $0xb8;
	[tilespmem:$0x13000] =	vst v63  }
0xd3: {  	s26 =	sadd.s32 $0x280, s28;
	s30 =	sadd.s32 $0x280, s29  }
0xd4: {  	[spmem:s2] =	stream.indirect.scatter.add.f32 [tilespmem:s26], [sflag:$0x1], $0x1, s30, s21, $0xb8;
	[tilespmem:$0x13000] =	vst v63  }
0xd5: {  	s26 =	sadd.s32 $0x300, s28;
	s30 =	sadd.s32 $0x300, s29  }
0xd6: {  	[spmem:s2] =	stream.indirect.scatter.add.f32 [tilespmem:s26], [sflag:$0x1], $0x1, s30, s21, $0xb8;
	[tilespmem:$0x13000] =	vst v63  }
0xd7: {  	s26 =	sadd.s32 $0x380, s28;
	s28 =	sadd.s32 $0x380, s29  }
0xd8: {  	[spmem:s2] =	stream.indirect.scatter.add.f32 [tilespmem:s26], [sflag:$0x1], $0x1, s28, s21, $0xb8;
	[tilespmem:$0x13000] =	vst v63  }
0xd9: {  	_ =	swait.ge [sflag:s22], $0x20  }
0xda: {  	[sflag:s22] =	ssyncset.done $0x0  }
0xdb: {  	[sflag:s22] =	ssyncadd.s32 $0xFFFFFFE0  }
0xdc: {  	_ =	swait.ge [sflag:s22], $0x20  }
0xdd: {  	[sflag:s22] =	ssyncset.done $0x0  }
0xde: {  	[sflag:s22] =	ssyncadd.s32 $0xFFFFFFE0  }
0xdf: {  	_ =	swait.ge [sflag:s22], $0x20  }
0xe0: {  	[sflag:s22] =	ssyncset.done $0x0  }
0xe1: {  	[sflag:s22] =	ssyncadd.s32 $0xFFFFFFE0  }
0xe2: {  	_ =	swait.ge [sflag:s22], $0x20  }
0xe3: {  	[sflag:s22] =	ssyncset.done $0x0  }
0xe4: {  	[sflag:s22] =	ssyncadd.s32 $0xFFFFFFE0  }
0xe5: {  	_ =	swait.ge [sflag:s22], $0x20  }
0xe6: {  	[sflag:s22] =	ssyncset.done $0x0  }
0xe7: {  	[sflag:s22] =	ssyncadd.s32 $0xFFFFFFE0  }
0xe8: {  	_ =	swait.ge [sflag:s22], $0x20  }
0xe9: {  	[sflag:s22] =	ssyncset.done $0x0  }
0xea: {  	[sflag:s22] =	ssyncadd.s32 $0xFFFFFFE0  }
.Ltmp2:
0xeb: {  	_ =	swait.ge [sflag:s22], $0x20;
	(pc) =	sbr.rel @p0 .LBB2_6-.Ltmp2, $4  }
0xec: {  	[sflag:s22] =	ssyncset.done $0x0  }
0xed: {  	[sflag:s22] =	ssyncadd.s32 $0xFFFFFFE0  }
0xee: {  	_ =	swait.ge [sflag:s22], $0x20  }
0xef: {  	s24 =	sshra.s32 s24, $0x2;
	s26 =	smov.u32 s25;
	[sflag:s22] =	ssyncset.done $0x0  }
0xf0: {  	s25 =	sadd.s32 s24, s14;
	s24 =	sadd.s32 s24, s13;
	[sflag:s22] =	ssyncadd.s32 $0xFFFFFFE0  }
0xf1: {  	[spmem:s2] =	stream.indirect.scatter.add.f32 [tilespmem:s25], [sflag:$0x1], $0x1, s24, s21, $0xb8;
	[tilespmem:$0x13000] =	vst v63  }
0xf2: {  	s26 =	sadd.s32 $0x80, s25;
	s28 =	sadd.s32 $0x80, s24  }
0xf3: {  	[spmem:s2] =	stream.indirect.scatter.add.f32 [tilespmem:s26], [sflag:$0x1], $0x1, s28, s21, $0xb8;
	[tilespmem:$0x13000] =	vst v63  }
0xf4: {  	s29 =	sadd.s32 $0x100, s25;
	s30 =	sadd.s32 $0x100, s24  }
0xf5: {  	[spmem:s2] =	stream.indirect.scatter.add.f32 [tilespmem:s29], [sflag:$0x1], $0x1, s30, s21, $0xb8;
	[tilespmem:$0x13000] =	vst v63  }
0xf6: {  	s31 =	sadd.s32 $0x180, s25;
	s29 =	sadd.s32 $0x180, s24  }
0xf7: {  	[spmem:s2] =	stream.indirect.scatter.add.f32 [tilespmem:s31], [sflag:$0x1], $0x1, s29, s21, $0xb8;
	[tilespmem:$0x13000] =	vst v63  }
0xf8: {  	s30 =	sadd.s32 $0x200, s25;
	s31 =	sadd.s32 $0x200, s24  }
0xf9: {  	[spmem:s2] =	stream.indirect.scatter.add.f32 [tilespmem:s30], [sflag:$0x1], $0x1, s31, s21, $0xb8;
	[tilespmem:$0x13000] =	vst v63  }
0xfa: {  	s29 =	sadd.s32 $0x280, s25;
	s30 =	sadd.s32 $0x280, s24  }
0xfb: {  	[spmem:s2] =	stream.indirect.scatter.add.f32 [tilespmem:s29], [sflag:$0x1], $0x1, s30, s21, $0xb8;
	[tilespmem:$0x13000] =	vst v63  }
0xfc: {  	s31 =	sadd.s32 $0x300, s25;
	s29 =	sadd.s32 $0x300, s24  }
0xfd: {  	[spmem:s2] =	stream.indirect.scatter.add.f32 [tilespmem:s31], [sflag:$0x1], $0x1, s29, s21, $0xb8;
	[tilespmem:$0x13000] =	vst v63  }
0xfe: {  	s25 =	sadd.s32 $0x380, s25;
	s24 =	sadd.s32 $0x380, s24  }
0xff: {  	[spmem:s2] =	stream.indirect.scatter.add.f32 [tilespmem:s25], [sflag:$0x1], $0x1, s24, s21, $0xb8;
	[tilespmem:$0x13000] =	vst v63  }
0x100: {  	_ =	swait.ge [sflag:s22], $0x20  }
0x101: {  	[sflag:s22] =	ssyncset.done $0x0  }
0x102: {  	[sflag:s22] =	ssyncadd.s32 $0xFFFFFFE0  }
0x103: {  	_ =	swait.ge [sflag:s22], $0x20  }
0x104: {  	[sflag:s22] =	ssyncset.done $0x0  }
0x105: {  	[sflag:s22] =	ssyncadd.s32 $0xFFFFFFE0  }
0x106: {  	_ =	swait.ge [sflag:s22], $0x20  }
0x107: {  	[sflag:s22] =	ssyncset.done $0x0  }
0x108: {  	[sflag:s22] =	ssyncadd.s32 $0xFFFFFFE0  }
0x109: {  	_ =	swait.ge [sflag:s22], $0x20  }
0x10a: {  	[sflag:s22] =	ssyncset.done $0x0  }
0x10b: {  	[sflag:s22] =	ssyncadd.s32 $0xFFFFFFE0  }
0x10c: {  	_ =	swait.ge [sflag:s22], $0x20  }
0x10d: {  	[sflag:s22] =	ssyncset.done $0x0  }
0x10e: {  	[sflag:s22] =	ssyncadd.s32 $0xFFFFFFE0  }
0x10f: {  	_ =	swait.ge [sflag:s22], $0x20  }
0x110: {  	[sflag:s22] =	ssyncset.done $0x0  }
0x111: {  	[sflag:s22] =	ssyncadd.s32 $0xFFFFFFE0  }
0x112: {  	_ =	swait.ge [sflag:s22], $0x20  }
0x113: {  	[sflag:s22] =	ssyncset.done $0x0  }
0x114: {  	[sflag:s22] =	ssyncadd.s32 $0xFFFFFFE0  }
0x115: {  	s23 =	sadd.s32 $0x1, s23;
	_ =	swait.ge [sflag:s22], $0x20  }
0x116: {  	p0 =	sne.s32 s23, s10;
	[sflag:s22] =	ssyncset.done $0x0  }
0x117: {  	s30 =	sshll.u32 s1, $0x6;
	s31 =	sshrl.u32 s8, $0x3;
	[sflag:s22] =	ssyncadd.s32 $0xFFFFFFE0  }
.Ltmp3:
0x118: {  	s24 =	sor.u32 $0x1C03, s30;
	[bflag:$0x0] =	sbarrier.arrive $0xFFFF;
	(pc) =	sbr.rel @p0 .LBB2_1-.Ltmp3, $4  }
0x119: {  	[hbm:s9], [sflag:s24] =	dma.local [spmem:s31], $0x100  }
0x11a: {  	_ =	swait.ge [sflag:s19], $0x100  }
0x11b: {  	[sflag:s19] =	ssyncset.done $0x0  }
0x11c: {  	[sflag:s19] =	ssyncadd.s32 $0xFFFFFF00  }
0x11d: {  	_ =	sfence.sel $0x180000  }
0x11e: {  	[bflag:$0x0] =	sbarrier.arrive $0xFFFF  }
0x11f: {  	p0 =	sne.s32 s1, $0x0;
	_ =	strace $0x90000047  }
0x120: {  	s0 =	sadd.s32 @!p0 $0x100000, s0;
	[bflag:$0x2] =	sbarrier.arrive $0xFFFF  }
0x121: {  	[sflag:s0] =	ssyncadd.tile.s32 @!p0 $0x1;
	_ =	shalt  }
.Lfunc_end2:
_tile_overlayer_lowered:
.L_overlay_start_2:
0x122: {  	(tag) =	ssettag $0x2  }
0x123: {  	s0 =	rddreg [dreg:$0x0];
	s2 =	stileid.u32  }
0x124: {  	s1 =	rddreg [dreg:$0x1];
	p0 =	sne.s32 s2, $0x0  }
0x125: {  	s3 =	rddreg [dreg:$0x2];
	[bflag:$0x3] =	sbarrier.arrive $0xFFFF;
	s2 =	simm.s32 @!p0 $0x1C03  }
0x126: {  	[timem:s3], [sflag:s2] =	dma.local @!p0 [hbm:s0], s1  }
0x127: {  	s0 =	simm.s32 @!p0 $0x3  }
0x128: {  	_ =	swait.ge @!p0 [sflag:s0], s1  }
0x129: {  	s1 =	ssub.s32 @!p0 $0x0, s1;
	[sflag:s0] =	ssyncset.done @!p0 $0x0  }
0x12a: {  	[sflag:s0] =	ssyncadd.s32 @!p0 s1  }
0x12b: {  	[bflag:$0x3] =	sbarrier.arrive $0xFFFF  }
0x12c: {  	_ =	shalt  }

</sc_bundles>
